<compile_context>
chip_gen: v7x
topology: tpu7x:2x2x1
jax: 0.10.2.dev20260603
libtpu: 0.0.44.dev20260713+nightly
codegen_flags: <defaults>
</compile_context>

<pallas_src>
import functools

import jax
import jax.numpy as jnp
from jax import lax
from jax.experimental import pallas as pl
from jax.experimental.pallas import tpu as pltpu
from jax.experimental.pallas import tpu_sc as plsc

N = 10000
K = 32
D_IN = 128
D_OUT = 128

BN = 400
R_TC = 8400
R_SC = N - R_TC

SC_NC = 2
SC_NS = 16
SC_NW = SC_NC * SC_NS
CH = 8
NCH_G = R_SC // CH
LANES = 16
HREG = D_IN // LANES


def _head_body(self_ref, neigh_ref, wts_ref, wtn_ref, b_ref, out_ref):
    neigh_mean = jnp.sum(neigh_ref[...], axis=1) * (1.0 / K)
    t = jnp.dot(self_ref[...], wts_ref[...], preferred_element_type=jnp.float32)
    t = t + jnp.dot(neigh_mean, wtn_ref[...], preferred_element_type=jnp.float32)
    t = t + b_ref[...]
    c = jnp.maximum(t, 0.0)
    norm2 = jnp.sum(c * c, axis=1, keepdims=True)
    out_ref[...] = c * jax.lax.rsqrt(jnp.maximum(norm2, 1e-24))


def _tail_body(self_ref, scsum_ref, wts_ref, wtn_ref, b_ref, out_ref):
    neigh_mean = scsum_ref[...] * (1.0 / K)
    t = jnp.dot(self_ref[...], wts_ref[...], preferred_element_type=jnp.float32)
    t = t + jnp.dot(neigh_mean, wtn_ref[...], preferred_element_type=jnp.float32)
    t = t + b_ref[...]
    c = jnp.maximum(t, 0.0)
    norm2 = jnp.sum(c * c, axis=1, keepdims=True)
    out_ref[...] = c * jax.lax.rsqrt(jnp.maximum(norm2, 1e-24))


NJ = -(-NCH_G // SC_NW)
if NJ % 2:
    NJ += 1
NPAIR = NJ // 2


def _sc_body(neigh_hbm, out_hbm, buf, obuf, sem_in0, sem_in1, sem_out):
    ci = lax.axis_index("c")
    si = lax.axis_index("s")
    w = si * SC_NC + ci

    def chunk_of(j):
        return jnp.minimum(w + j * SC_NW, NCH_G - 1)

    def issue_in(j, slot, sem):
        row = R_TC + chunk_of(j) * CH
        pltpu.async_copy(neigh_hbm.at[pl.ds(row, CH)], buf.at[slot], sem)

    def wait_in(slot, sem):
        pltpu.make_async_copy(
            neigh_hbm.at[pl.ds(0, CH)], buf.at[slot], sem
        ).wait()

    issue_in(0, 0, sem_in0)
    issue_in(1, 1, sem_in1)

    def pair(p, carry):
        for b in range(2):
            j = 2 * p + b
            sem = sem_in0 if b == 0 else sem_in1
            wait_in(b, sem)

            def ibody(i, carry):
                accs = [
                    buf[b, i, 0, pl.ds(h * LANES, LANES)] for h in range(HREG)
                ]
                for kidx in range(1, K):
                    for h in range(HREG):
                        accs[h] = accs[h] + buf[b, i, kidx, pl.ds(h * LANES, LANES)]
                for h in range(HREG):
                    obuf[j, i, pl.ds(h * LANES, LANES)] = accs[h]
                return carry

            lax.fori_loop(0, CH, ibody, 0)
            pltpu.async_copy(
                obuf.at[j], out_hbm.at[pl.ds(chunk_of(j) * CH, CH)], sem_out
            )

            @pl.when(p < NPAIR - 1)
            def _():
                issue_in(j + 2, b, sem)
        return carry

    lax.fori_loop(0, NPAIR, pair, 0)

    def drain(j, carry):
        pltpu.make_async_copy(
            obuf.at[0], out_hbm.at[pl.ds(0, CH)], sem_out
        ).wait()
        return carry

    lax.fori_loop(0, NJ, drain, 0)


_sc_neigh_sum = functools.partial(
    pl.kernel,
    out_type=jax.ShapeDtypeStruct((R_SC, D_IN), jnp.float32),
    mesh=plsc.VectorSubcoreMesh(
        core_axis_name="c", subcore_axis_name="s",
        num_cores=SC_NC, num_subcores=SC_NS,
    ),
    scratch_types=[
        pltpu.VMEM((2, CH, K, D_IN), jnp.float32),
        pltpu.VMEM((NJ, CH, D_IN), jnp.float32),
        pltpu.SemaphoreType.DMA,
        pltpu.SemaphoreType.DMA,
        pltpu.SemaphoreType.DMA,
    ],
)(_sc_body)


def kernel(self_embs, neigh_embs, W_self, b_self, W_neigh, b_neigh):
    wts = W_self.T
    wtn = W_neigh.T
    b = (b_self + b_neigh).reshape(1, D_OUT)
    sc_sum = _sc_neigh_sum(neigh_embs)

    head = pl.pallas_call(
        _head_body,
        grid=(R_TC // BN,),
        in_specs=[
            pl.BlockSpec((BN, D_IN), lambda i: (i, 0)),
            pl.BlockSpec((BN, K, D_IN), lambda i: (i, 0, 0)),
            pl.BlockSpec((D_IN, D_OUT), lambda i: (0, 0)),
            pl.BlockSpec((D_IN, D_OUT), lambda i: (0, 0)),
            pl.BlockSpec((1, D_OUT), lambda i: (0, 0)),
        ],
        out_specs=pl.BlockSpec((BN, D_OUT), lambda i: (i, 0)),
        out_shape=jax.ShapeDtypeStruct((R_TC, D_OUT), jnp.float32),
        compiler_params=pltpu.CompilerParams(
            dimension_semantics=("arbitrary",),
        ),
    )(self_embs, neigh_embs, wts, wtn, b)

    nhead = R_TC // BN
    tail = pl.pallas_call(
        _tail_body,
        grid=(R_SC // BN,),
        in_specs=[
            pl.BlockSpec((BN, D_IN), lambda i: (i + nhead, 0)),
            pl.BlockSpec((BN, D_IN), lambda i: (i, 0)),
            pl.BlockSpec((D_IN, D_OUT), lambda i: (0, 0)),
            pl.BlockSpec((D_IN, D_OUT), lambda i: (0, 0)),
            pl.BlockSpec((1, D_OUT), lambda i: (0, 0)),
        ],
        out_specs=pl.BlockSpec((BN, D_OUT), lambda i: (i, 0)),
        out_shape=jax.ShapeDtypeStruct((R_SC, D_OUT), jnp.float32),
        compiler_params=pltpu.CompilerParams(
            dimension_semantics=("arbitrary",),
        ),
    )(self_embs, sc_sum, wts, wtn, b)

    return jnp.concatenate([head, tail], axis=0)

# --- scband reference (transcript-rebuilt; emitter-appended) ---
"""Pipeline reference for scband-graph-sage-85813446574086 (READ-ONLY COPY).

The authoritative reference and input builder live on the scoring server;
editing this copy changes nothing except your own understanding.
"""

import jax, jax.numpy as jnp
import numpy as np

N = 10000
K = 32
D_IN = 128
D_OUT = 128


def setup_inputs(seed: int = 0) -> dict:
    key = jax.random.key(seed)
    k1, k2, k3, k4, k5, k6 = jax.random.split(key, 6)
    self_embs = jax.random.normal(k1, (N, D_IN), dtype=jnp.float32)
    neigh_embs = jax.random.normal(k2, (N, K, D_IN), dtype=jnp.float32)
    # nn.Linear params, torch layout W: [out, in], b: [out]
    bound = 1.0 / np.sqrt(D_IN)
    W_self = jax.random.uniform(k3, (D_OUT, D_IN), dtype=jnp.float32, minval=-bound, maxval=bound)
    b_self = jax.random.uniform(k4, (D_OUT,), dtype=jnp.float32, minval=-bound, maxval=bound)
    W_neigh = jax.random.uniform(k5, (D_OUT, D_IN), dtype=jnp.float32, minval=-bound, maxval=bound)
    b_neigh = jax.random.uniform(k6, (D_OUT,), dtype=jnp.float32, minval=-bound, maxval=bound)
    return {"self_embs": self_embs, "neigh_embs": neigh_embs,
            "W_self": W_self, "b_self": b_self,
            "W_neigh": W_neigh, "b_neigh": b_neigh}


def reference(self_embs, neigh_embs, W_self, b_self, W_neigh, b_neigh):
    # MeanAggregator: mean over neighbor axis
    neigh_agg = jnp.mean(neigh_embs, axis=1)  # [N, D_IN]
    # weight_self / weight_neigh linears
    self_t = self_embs @ W_self.T + b_self    # [N, D_OUT]
    neigh_t = neigh_agg @ W_neigh.T + b_neigh  # [N, D_OUT]
    combined = jax.nn.relu(self_t + neigh_t)
    # dropout p=0.0 -> identity (eval-equivalent)
    # F.normalize(p=2, dim=1), eps=1e-12
    norm = jnp.linalg.norm(combined, ord=2, axis=1, keepdims=True)
    out = combined / jnp.maximum(norm, 1e-12)
    return out

if __name__ == "__main__":
    import jax
    _d = setup_inputs()
    print(jax.jit(kernel)(*tuple(_d.values())))

</pallas_src>

<mosaic_0001>
#map = affine_map<(d0, d1) -> (0, 0, 0)>
#map1 = affine_map<(d0, d1) -> (0, 0)>
module attributes {stable_mosaic.version = 14 : i64} {
  func.func @_sc_body(%arg0: i32, %arg1: i32, %arg2: memref<10000x32x128xf32, #tpu.memory_space<hbm>>, %arg3: memref<1600x128xf32, #tpu.memory_space<hbm>>, %arg4: memref<2x8x32x128xf32, #tpu.memory_space<vmem>>, %arg5: memref<8x8x128xf32, #tpu.memory_space<vmem>>, %arg6: memref<!tpu.dma_semaphore, #tpu.memory_space<semaphore_mem>>, %arg7: memref<!tpu.dma_semaphore, #tpu.memory_space<semaphore_mem>>, %arg8: memref<!tpu.dma_semaphore, #tpu.memory_space<semaphore_mem>>) attributes {dimension_semantics = [#tpu.dimension_semantics<core_parallel>, #tpu.dimension_semantics<subcore_parallel>], iteration_bounds = array<i64: 2, 16>, scalar_prefetch = 0 : i64, scratch_operands = 5 : i64, tpu.core_type = #tpu.core_type<sc_vector_subcore>, window_params = [{transform_indices = #map}, {transform_indices = #map1}]} {
    %mul3A = arith.constant 2 : i32
    %mul3A_0 = arith.muli %arg1, %mul3A : i32
    %add3A = arith.addi %mul3A_0, %arg0 : i32
    %add3A_1 = arith.constant 0 : i32
    %add3A_2 = arith.addi %add3A, %add3A_1 : i32
    %min3A = arith.constant 199 : i32
    %min3A_3 = arith.minsi %add3A_2, %min3A : i32
    %mul3A_4 = arith.constant 8 : i32
    %mul3A_5 = arith.muli %min3A_3, %mul3A_4 : i32
    %add3A_6 = arith.constant 8400 : i32
    %add3A_7 = arith.addi %add3A_6, %mul3A_5 : i32
    %dma_start3A = arith.constant 0 : i32
    %dma_start3A_8 = arith.constant 0 : i32
    %dma_start3A_9 = arith.constant 0 : i32
    %dma_start3A_10 = arith.constant 0 : i32
    %dma_start3A_11 = tpu.memref_slice %arg4[%dma_start3A, %dma_start3A_8, %dma_start3A_9, %dma_start3A_10] : memref<2x8x32x128xf32, #tpu.memory_space<vmem>> -> memref<1x8x32x128xf32, #tpu.memory_space<vmem>>
    %dma_start3A_12 = tpu.memref_squeeze %dma_start3A_11 : memref<1x8x32x128xf32, #tpu.memory_space<vmem>> -> memref<8x32x128xf32, #tpu.memory_space<vmem>>
    %dma_start3A_13 = arith.constant 0 : i32
    %dma_start3A_14 = arith.constant 0 : i32
    %dma_start3A_15 = tpu.memref_slice %arg2[%add3A_7, %dma_start3A_13, %dma_start3A_14] : memref<10000x32x128xf32, #tpu.memory_space<hbm>> -> memref<8x32x128xf32, #tpu.memory_space<hbm>>
    %dma_start3A_16 = arith.constant 0 : i32
    %dma_start3A_17 = arith.constant 0 : i32
    %dma_start3A_18 = arith.constant 0 : i32
    %dma_start3A_19 = tpu.memref_slice %arg4[%dma_start3A, %dma_start3A_16, %dma_start3A_17, %dma_start3A_18] : memref<2x8x32x128xf32, #tpu.memory_space<vmem>> -> memref<1x8x32x128xf32, #tpu.memory_space<vmem>>
    %dma_start3A_20 = tpu.memref_squeeze %dma_start3A_19 : memref<1x8x32x128xf32, #tpu.memory_space<vmem>> -> memref<8x32x128xf32, #tpu.memory_space<vmem>>
    %dma_start3A_21 = arith.constant 0 : i32
    %dma_start3A_22 = arith.constant 0 : i32
    %dma_start3A_23 = tpu.memref_slice %arg2[%add3A_7, %dma_start3A_21, %dma_start3A_22] : memref<10000x32x128xf32, #tpu.memory_space<hbm>> -> memref<8x32x128xf32, #tpu.memory_space<hbm>>
    tpu.enqueue_dma source(%dma_start3A_23 : memref<8x32x128xf32, #tpu.memory_space<hbm>>) target(%dma_start3A_20 : memref<8x32x128xf32, #tpu.memory_space<vmem>>) target_semaphore(%arg6 : memref<!tpu.dma_semaphore, #tpu.memory_space<semaphore_mem>>)
    %add3A_24 = arith.constant 32 : i32
    %add3A_25 = arith.addi %add3A, %add3A_24 : i32
    %min3A_26 = arith.constant 199 : i32
    %min3A_27 = arith.minsi %add3A_25, %min3A_26 : i32
    %mul3A_28 = arith.constant 8 : i32
    %mul3A_29 = arith.muli %min3A_27, %mul3A_28 : i32
    %add3A_30 = arith.constant 8400 : i32
    %add3A_31 = arith.addi %add3A_30, %mul3A_29 : i32
    %dma_start3A_32 = arith.constant 1 : i32
    %dma_start3A_33 = arith.constant 0 : i32
    %dma_start3A_34 = arith.constant 0 : i32
    %dma_start3A_35 = arith.constant 0 : i32
    %dma_start3A_36 = tpu.memref_slice %arg4[%dma_start3A_32, %dma_start3A_33, %dma_start3A_34, %dma_start3A_35] : memref<2x8x32x128xf32, #tpu.memory_space<vmem>> -> memref<1x8x32x128xf32, #tpu.memory_space<vmem>>
    %dma_start3A_37 = tpu.memref_squeeze %dma_start3A_36 : memref<1x8x32x128xf32, #tpu.memory_space<vmem>> -> memref<8x32x128xf32, #tpu.memory_space<vmem>>
    %dma_start3A_38 = arith.constant 0 : i32
    %dma_start3A_39 = arith.constant 0 : i32
    %dma_start3A_40 = tpu.memref_slice %arg2[%add3A_31, %dma_start3A_38, %dma_start3A_39] : memref<10000x32x128xf32, #tpu.memory_space<hbm>> -> memref<8x32x128xf32, #tpu.memory_space<hbm>>
    %dma_start3A_41 = arith.constant 0 : i32
    %dma_start3A_42 = arith.constant 0 : i32
    %dma_start3A_43 = arith.constant 0 : i32
    %dma_start3A_44 = tpu.memref_slice %arg4[%dma_start3A_32, %dma_start3A_41, %dma_start3A_42, %dma_start3A_43] : memref<2x8x32x128xf32, #tpu.memory_space<vmem>> -> memref<1x8x32x128xf32, #tpu.memory_space<vmem>>
    %dma_start3A_45 = tpu.memref_squeeze %dma_start3A_44 : memref<1x8x32x128xf32, #tpu.memory_space<vmem>> -> memref<8x32x128xf32, #tpu.memory_space<vmem>>
    %dma_start3A_46 = arith.constant 0 : i32
    %dma_start3A_47 = arith.constant 0 : i32
    %dma_start3A_48 = tpu.memref_slice %arg2[%add3A_31, %dma_start3A_46, %dma_start3A_47] : memref<10000x32x128xf32, #tpu.memory_space<hbm>> -> memref<8x32x128xf32, #tpu.memory_space<hbm>>
    tpu.enqueue_dma source(%dma_start3A_48 : memref<8x32x128xf32, #tpu.memory_space<hbm>>) target(%dma_start3A_45 : memref<8x32x128xf32, #tpu.memory_space<vmem>>) target_semaphore(%arg7 : memref<!tpu.dma_semaphore, #tpu.memory_space<semaphore_mem>>)
    %scan3A = arith.constant 0 : i32
    %scan3A_49 = arith.constant 0 : i32
    %scan3A_50 = arith.constant 4 : i32
    %scan3A_51 = arith.addi %scan3A_49, %scan3A_50 : i32
    %scan3A_52 = arith.constant 1 : i32
    scf.for %scan3A_60 = %scan3A_49 to %scan3A_51 step %scan3A_52  : i32 {
      %mul3A_61 = arith.constant 2 : i32
      %mul3A_62 = arith.muli %mul3A_61, %scan3A_60 : i32
      %add3A_63 = arith.constant 0 : i32
      %add3A_64 = arith.addi %mul3A_62, %add3A_63 : i32
      %dma_wait3A = arith.constant 0 : i32
      %dma_wait3A_65 = arith.constant 0 : i32
      %dma_wait3A_66 = arith.constant 0 : i32
      %dma_wait3A_67 = arith.constant 0 : i32
      %dma_wait3A_68 = tpu.memref_slice %arg4[%dma_wait3A, %dma_wait3A_65, %dma_wait3A_66, %dma_wait3A_67] : memref<2x8x32x128xf32, #tpu.memory_space<vmem>> -> memref<1x8x32x128xf32, #tpu.memory_space<vmem>>
      %dma_wait3A_69 = tpu.memref_squeeze %dma_wait3A_68 : memref<1x8x32x128xf32, #tpu.memory_space<vmem>> -> memref<8x32x128xf32, #tpu.memory_space<vmem>>
      %dma_wait3A_70 = arith.constant 0 : i32
      %dma_wait3A_71 = arith.constant 0 : i32
      %dma_wait3A_72 = arith.constant 0 : i32
      %dma_wait3A_73 = tpu.memref_slice %arg2[%dma_wait3A_70, %dma_wait3A_71, %dma_wait3A_72] : memref<10000x32x128xf32, #tpu.memory_space<hbm>> -> memref<8x32x128xf32, #tpu.memory_space<hbm>>
      %dma_wait3A_74 = arith.constant 0 : i32
      %dma_wait3A_75 = arith.constant 0 : i32
      %dma_wait3A_76 = arith.constant 0 : i32
      %dma_wait3A_77 = tpu.memref_slice %arg4[%dma_wait3A, %dma_wait3A_74, %dma_wait3A_75, %dma_wait3A_76] : memref<2x8x32x128xf32, #tpu.memory_space<vmem>> -> memref<1x8x32x128xf32, #tpu.memory_space<vmem>>
      %dma_wait3A_78 = tpu.memref_squeeze %dma_wait3A_77 : memref<1x8x32x128xf32, #tpu.memory_space<vmem>> -> memref<8x32x128xf32, #tpu.memory_space<vmem>>
      %dma_wait3A_79 = arith.constant 0 : i32
      %dma_wait3A_80 = arith.constant 0 : i32
      %dma_wait3A_81 = arith.constant 0 : i32
      %dma_wait3A_82 = tpu.memref_slice %arg2[%dma_wait3A_79, %dma_wait3A_80, %dma_wait3A_81] : memref<10000x32x128xf32, #tpu.memory_space<hbm>> -> memref<8x32x128xf32, #tpu.memory_space<hbm>>
      tpu.wait_dma2 semaphore(%arg6 : memref<!tpu.dma_semaphore, #tpu.memory_space<semaphore_mem>>) src(%dma_wait3A_82 : memref<8x32x128xf32, #tpu.memory_space<hbm>>) dst(%dma_wait3A_78 : memref<8x32x128xf32, #tpu.memory_space<vmem>>)
      %scan3A_83 = arith.constant 0 : i32
      %scan3A_84 = arith.constant 0 : i32
      %scan3A_85 = arith.constant 8 : i32
      %scan3A_86 = arith.addi %scan3A_84, %scan3A_85 : i32
      %scan3A_87 = arith.constant 1 : i32
      scf.for %scan3A_163 = %scan3A_84 to %scan3A_86 step %scan3A_87  : i32 {
        %get3A = arith.constant 0 : i32
        %get3A_164 = arith.constant 0 : i32
        %get3A_165 = arith.index_cast %get3A : i32 to index
        %get3A_166 = arith.index_cast %scan3A_163 : i32 to index
        %get3A_167 = arith.index_cast %get3A_164 : i32 to index
        %get3A_168 = arith.constant 0 : index
        %get3A_169 = tpu.vector_load %arg4[%get3A_165, %get3A_166, %get3A_167, %get3A_168] {strides = array<i32>} : memref<2x8x32x128xf32, #tpu.memory_space<vmem>>, vector<1x1x1x16xf32>,
        %get3A_170 = vector.shape_cast %get3A_169 : vector<1x1x1x16xf32> to vector<16xf32>
        %get3A_171 = arith.constant 0 : i32
        %get3A_172 = arith.constant 0 : i32
        %get3A_173 = arith.index_cast %get3A_171 : i32 to index
        %get3A_174 = arith.index_cast %scan3A_163 : i32 to index
        %get3A_175 = arith.index_cast %get3A_172 : i32 to index
        %get3A_176 = arith.constant 16 : index
        %get3A_177 = tpu.vector_load %arg4[%get3A_173, %get3A_174, %get3A_175, %get3A_176] {strides = array<i32>} : memref<2x8x32x128xf32, #tpu.memory_space<vmem>>, vector<1x1x1x16xf32>,
        %get3A_178 = vector.shape_cast %get3A_177 : vector<1x1x1x16xf32> to vector<16xf32>
        %get3A_179 = arith.constant 0 : i32
        %get3A_180 = arith.constant 0 : i32
        %get3A_181 = arith.index_cast %get3A_179 : i32 to index
        %get3A_182 = arith.index_cast %scan3A_163 : i32 to index
        %get3A_183 = arith.index_cast %get3A_180 : i32 to index
        %get3A_184 = arith.constant 32 : index
        %get3A_185 = tpu.vector_load %arg4[%get3A_181, %get3A_182, %get3A_183, %get3A_184] {strides = array<i32>} : memref<2x8x32x128xf32, #tpu.memory_space<vmem>>, vector<1x1x1x16xf32>,
        %get3A_186 = vector.shape_cast %get3A_185 : vector<1x1x1x16xf32> to vector<16xf32>
        %get3A_187 = arith.constant 0 : i32
        %get3A_188 = arith.constant 0 : i32
        %get3A_189 = arith.index_cast %get3A_187 : i32 to index
        %get3A_190 = arith.index_cast %scan3A_163 : i32 to index
        %get3A_191 = arith.index_cast %get3A_188 : i32 to index
        %get3A_192 = arith.constant 48 : index
        %get3A_193 = tpu.vector_load %arg4[%get3A_189, %get3A_190, %get3A_191, %get3A_192] {strides = array<i32>} : memref<2x8x32x128xf32, #tpu.memory_space<vmem>>, vector<1x1x1x16xf32>,
        %get3A_194 = vector.shape_cast %get3A_193 : vector<1x1x1x16xf32> to vector<16xf32>
        %get3A_195 = arith.constant 0 : i32
        %get3A_196 = arith.constant 0 : i32
        %get3A_197 = arith.index_cast %get3A_195 : i32 to index
        %get3A_198 = arith.index_cast %scan3A_163 : i32 to index
        %get3A_199 = arith.index_cast %get3A_196 : i32 to index
        %get3A_200 = arith.constant 64 : index
        %get3A_201 = tpu.vector_load %arg4[%get3A_197, %get3A_198, %get3A_199, %get3A_200] {strides = array<i32>} : memref<2x8x32x128xf32, #tpu.memory_space<vmem>>, vector<1x1x1x16xf32>,
        %get3A_202 = vector.shape_cast %get3A_201 : vector<1x1x1x16xf32> to vector<16xf32>
        %get3A_203 = arith.constant 0 : i32
        %get3A_204 = arith.constant 0 : i32
        %get3A_205 = arith.index_cast %get3A_203 : i32 to index
        %get3A_206 = arith.index_cast %scan3A_163 : i32 to index
        %get3A_207 = arith.index_cast %get3A_204 : i32 to index
        %get3A_208 = arith.constant 80 : index
        %get3A_209 = tpu.vector_load %arg4[%get3A_205, %get3A_206, %get3A_207, %get3A_208] {strides = array<i32>} : memref<2x8x32x128xf32, #tpu.memory_space<vmem>>, vector<1x1x1x16xf32>,
        %get3A_210 = vector.shape_cast %get3A_209 : vector<1x1x1x16xf32> to vector<16xf32>
        %get3A_211 = arith.constant 0 : i32
        %get3A_212 = arith.constant 0 : i32
        %get3A_213 = arith.index_cast %get3A_211 : i32 to index
        %get3A_214 = arith.index_cast %scan3A_163 : i32 to index
        %get3A_215 = arith.index_cast %get3A_212 : i32 to index
        %get3A_216 = arith.constant 96 : index
        %get3A_217 = tpu.vector_load %arg4[%get3A_213, %get3A_214, %get3A_215, %get3A_216] {strides = array<i32>} : memref<2x8x32x128xf32, #tpu.memory_space<vmem>>, vector<1x1x1x16xf32>,
        %get3A_218 = vector.shape_cast %get3A_217 : vector<1x1x1x16xf32> to vector<16xf32>
        %get3A_219 = arith.constant 0 : i32
        %get3A_220 = arith.constant 0 : i32
        %get3A_221 = arith.index_cast %get3A_219 : i32 to index
        %get3A_222 = arith.index_cast %scan3A_163 : i32 to index
        %get3A_223 = arith.index_cast %get3A_220 : i32 to index
        %get3A_224 = arith.constant 112 : index
        %get3A_225 = tpu.vector_load %arg4[%get3A_221, %get3A_222, %get3A_223, %get3A_224] {strides = array<i32>} : memref<2x8x32x128xf32, #tpu.memory_space<vmem>>, vector<1x1x1x16xf32>,
        %get3A_226 = vector.shape_cast %get3A_225 : vector<1x1x1x16xf32> to vector<16xf32>
        %get3A_227 = arith.constant 0 : i32
        %get3A_228 = arith.constant 1 : i32
        %get3A_229 = arith.index_cast %get3A_227 : i32 to index
        %get3A_230 = arith.index_cast %scan3A_163 : i32 to index
        %get3A_231 = arith.index_cast %get3A_228 : i32 to index
        %get3A_232 = arith.constant 0 : index
        %get3A_233 = tpu.vector_load %arg4[%get3A_229, %get3A_230, %get3A_231, %get3A_232] {strides = array<i32>} : memref<2x8x32x128xf32, #tpu.memory_space<vmem>>, vector<1x1x1x16xf32>,
        %get3A_234 = vector.shape_cast %get3A_233 : vector<1x1x1x16xf32> to vector<16xf32>
        %add3A_235 = arith.addf %get3A_170, %get3A_234 : vector<16xf32>
        %get3A_236 = arith.constant 0 : i32
        %get3A_237 = arith.constant 1 : i32
        %get3A_238 = arith.index_cast %get3A_236 : i32 to index
        %get3A_239 = arith.index_cast %scan3A_163 : i32 to index
        %get3A_240 = arith.index_cast %get3A_237 : i32 to index
        %get3A_241 = arith.constant 16 : index
        %get3A_242 = tpu.vector_load %arg4[%get3A_238, %get3A_239, %get3A_240, %get3A_241] {strides = array<i32>} : memref<2x8x32x128xf32, #tpu.memory_space<vmem>>, vector<1x1x1x16xf32>,
        %get3A_243 = vector.shape_cast %get3A_242 : vector<1x1x1x16xf32> to vector<16xf32>
        %add3A_244 = arith.addf %get3A_178, %get3A_243 : vector<16xf32>
        %get3A_245 = arith.constant 0 : i32
        %get3A_246 = arith.constant 1 : i32
        %get3A_247 = arith.index_cast %get3A_245 : i32 to index
        %get3A_248 = arith.index_cast %scan3A_163 : i32 to index
        %get3A_249 = arith.index_cast %get3A_246 : i32 to index
        %get3A_250 = arith.constant 32 : index
        %get3A_251 = tpu.vector_load %arg4[%get3A_247, %get3A_248, %get3A_249, %get3A_250] {strides = array<i32>} : memref<2x8x32x128xf32, #tpu.memory_space<vmem>>, vector<1x1x1x16xf32>,
        %get3A_252 = vector.shape_cast %get3A_251 : vector<1x1x1x16xf32> to vector<16xf32>
        %add3A_253 = arith.addf %get3A_186, %get3A_252 : vector<16xf32>
        %get3A_254 = arith.constant 0 : i32
        %get3A_255 = arith.constant 1 : i32
        %get3A_256 = arith.index_cast %get3A_254 : i32 to index
        %get3A_257 = arith.index_cast %scan3A_163 : i32 to index
        %get3A_258 = arith.index_cast %get3A_255 : i32 to index
        %get3A_259 = arith.constant 48 : index
        %get3A_260 = tpu.vector_load %arg4[%get3A_256, %get3A_257, %get3A_258, %get3A_259] {strides = array<i32>} : memref<2x8x32x128xf32, #tpu.memory_space<vmem>>, vector<1x1x1x16xf32>,
        %get3A_261 = vector.shape_cast %get3A_260 : vector<1x1x1x16xf32> to vector<16xf32>
        %add3A_262 = arith.addf %get3A_194, %get3A_261 : vector<16xf32>
        %get3A_263 = arith.constant 0 : i32
        %get3A_264 = arith.constant 1 : i32
        %get3A_265 = arith.index_cast %get3A_263 : i32 to index
        %get3A_266 = arith.index_cast %scan3A_163 : i32 to index
        %get3A_267 = arith.index_cast %get3A_264 : i32 to index
        %get3A_268 = arith.constant 64 : index
        %get3A_269 = tpu.vector_load %arg4[%get3A_265, %get3A_266, %get3A_267, %get3A_268] {strides = array<i32>} : memref<2x8x32x128xf32, #tpu.memory_space<vmem>>, vector<1x1x1x16xf32>,
        %get3A_270 = vector.shape_cast %get3A_269 : vector<1x1x1x16xf32> to vector<16xf32>
        %add3A_271 = arith.addf %get3A_202, %get3A_270 : vector<16xf32>
        %get3A_272 = arith.constant 0 : i32
        %get3A_273 = arith.constant 1 : i32
        %get3A_274 = arith.index_cast %get3A_272 : i32 to index
        %get3A_275 = arith.index_cast %scan3A_163 : i32 to index
        %get3A_276 = arith.index_cast %get3A_273 : i32 to index
        %get3A_277 = arith.constant 80 : index
        %get3A_278 = tpu.vector_load %arg4[%get3A_274, %get3A_275, %get3A_276, %get3A_277] {strides = array<i32>} : memref<2x8x32x128xf32, #tpu.memory_space<vmem>>, vector<1x1x1x16xf32>,
        %get3A_279 = vector.shape_cast %get3A_278 : vector<1x1x1x16xf32> to vector<16xf32>
        %add3A_280 = arith.addf %get3A_210, %get3A_279 : vector<16xf32>
        %get3A_281 = arith.constant 0 : i32
        %get3A_282 = arith.constant 1 : i32
        %get3A_283 = arith.index_cast %get3A_281 : i32 to index
        %get3A_284 = arith.index_cast %scan3A_163 : i32 to index
        %get3A_285 = arith.index_cast %get3A_282 : i32 to index
        %get3A_286 = arith.constant 96 : index
        %get3A_287 = tpu.vector_load %arg4[%get3A_283, %get3A_284, %get3A_285, %get3A_286] {strides = array<i32>} : memref<2x8x32x128xf32, #tpu.memory_space<vmem>>, vector<1x1x1x16xf32>,
        %get3A_288 = vector.shape_cast %get3A_287 : vector<1x1x1x16xf32> to vector<16xf32>
        %add3A_289 = arith.addf %get3A_218, %get3A_288 : vector<16xf32>
        %get3A_290 = arith.constant 0 : i32
        %get3A_291 = arith.constant 1 : i32
        %get3A_292 = arith.index_cast %get3A_290 : i32 to index
        %get3A_293 = arith.index_cast %scan3A_163 : i32 to index
        %get3A_294 = arith.index_cast %get3A_291 : i32 to index
        %get3A_295 = arith.constant 112 : index
        %get3A_296 = tpu.vector_load %arg4[%get3A_292, %get3A_293, %get3A_294, %get3A_295] {strides = array<i32>} : memref<2x8x32x128xf32, #tpu.memory_space<vmem>>, vector<1x1x1x16xf32>,
        %get3A_297 = vector.shape_cast %get3A_296 : vector<1x1x1x16xf32> to vector<16xf32>
        %add3A_298 = arith.addf %get3A_226, %get3A_297 : vector<16xf32>
        %get3A_299 = arith.constant 0 : i32
        %get3A_300 = arith.constant 2 : i32
        %get3A_301 = arith.index_cast %get3A_299 : i32 to index
        %get3A_302 = arith.index_cast %scan3A_163 : i32 to index
        %get3A_303 = arith.index_cast %get3A_300 : i32 to index
        %get3A_304 = arith.constant 0 : index
        %get3A_305 = tpu.vector_load %arg4[%get3A_301, %get3A_302, %get3A_303, %get3A_304] {strides = array<i32>} : memref<2x8x32x128xf32, #tpu.memory_space<vmem>>, vector<1x1x1x16xf32>,
        %get3A_306 = vector.shape_cast %get3A_305 : vector<1x1x1x16xf32> to vector<16xf32>
        %add3A_307 = arith.addf %add3A_235, %get3A_306 : vector<16xf32>
        %get3A_308 = arith.constant 0 : i32
        %get3A_309 = arith.constant 2 : i32
        %get3A_310 = arith.index_cast %get3A_308 : i32 to index
        %get3A_311 = arith.index_cast %scan3A_163 : i32 to index
        %get3A_312 = arith.index_cast %get3A_309 : i32 to index
        %get3A_313 = arith.constant 16 : index
        %get3A_314 = tpu.vector_load %arg4[%get3A_310, %get3A_311, %get3A_312, %get3A_313] {strides = array<i32>} : memref<2x8x32x128xf32, #tpu.memory_space<vmem>>, vector<1x1x1x16xf32>,
        %get3A_315 = vector.shape_cast %get3A_314 : vector<1x1x1x16xf32> to vector<16xf32>
        %add3A_316 = arith.addf %add3A_244, %get3A_315 : vector<16xf32>
        %get3A_317 = arith.constant 0 : i32
        %get3A_318 = arith.constant 2 : i32
        %get3A_319 = arith.index_cast %get3A_317 : i32 to index
        %get3A_320 = arith.index_cast %scan3A_163 : i32 to index
        %get3A_321 = arith.index_cast %get3A_318 : i32 to index
        %get3A_322 = arith.constant 32 : index
        %get3A_323 = tpu.vector_load %arg4[%get3A_319, %get3A_320, %get3A_321, %get3A_322] {strides = array<i32>} : memref<2x8x32x128xf32, #tpu.memory_space<vmem>>, vector<1x1x1x16xf32>,
        %get3A_324 = vector.shape_cast %get3A_323 : vector<1x1x1x16xf32> to vector<16xf32>
        %add3A_325 = arith.addf %add3A_253, %get3A_324 : vector<16xf32>
        %get3A_326 = arith.constant 0 : i32
        %get3A_327 = arith.constant 2 : i32
        %get3A_328 = arith.index_cast %get3A_326 : i32 to index
        %get3A_329 = arith.index_cast %scan3A_163 : i32 to index
        %get3A_330 = arith.index_cast %get3A_327 : i32 to index
        %get3A_331 = arith.constant 48 : index
        %get3A_332 = tpu.vector_load %arg4[%get3A_328, %get3A_329, %get3A_330, %get3A_331] {strides = array<i32>} : memref<2x8x32x128xf32, #tpu.memory_space<vmem>>, vector<1x1x1x16xf32>,
        %get3A_333 = vector.shape_cast %get3A_332 : vector<1x1x1x16xf32> to vector<16xf32>
        %add3A_334 = arith.addf %add3A_262, %get3A_333 : vector<16xf32>
        %get3A_335 = arith.constant 0 : i32
        %get3A_336 = arith.constant 2 : i32
        %get3A_337 = arith.index_cast %get3A_335 : i32 to index
        %get3A_338 = arith.index_cast %scan3A_163 : i32 to index
        %get3A_339 = arith.index_cast %get3A_336 : i32 to index
        %get3A_340 = arith.constant 64 : index
        %get3A_341 = tpu.vector_load %arg4[%get3A_337, %get3A_338, %get3A_339, %get3A_340] {strides = array<i32>} : memref<2x8x32x128xf32, #tpu.memory_space<vmem>>, vector<1x1x1x16xf32>,
        %get3A_342 = vector.shape_cast %get3A_341 : vector<1x1x1x16xf32> to vector<16xf32>
        %add3A_343 = arith.addf %add3A_271, %get3A_342 : vector<16xf32>
        %get3A_344 = arith.constant 0 : i32
        %get3A_345 = arith.constant 2 : i32
        %get3A_346 = arith.index_cast %get3A_344 : i32 to index
        %get3A_347 = arith.index_cast %scan3A_163 : i32 to index
        %get3A_348 = arith.index_cast %get3A_345 : i32 to index
        %get3A_349 = arith.constant 80 : index
        %get3A_350 = tpu.vector_load %arg4[%get3A_346, %get3A_347, %get3A_348, %get3A_349] {strides = array<i32>} : memref<2x8x32x128xf32, #tpu.memory_space<vmem>>, vector<1x1x1x16xf32>,
        %get3A_351 = vector.shape_cast %get3A_350 : vector<1x1x1x16xf32> to vector<16xf32>
        %add3A_352 = arith.addf %add3A_280, %get3A_351 : vector<16xf32>
        %get3A_353 = arith.constant 0 : i32
        %get3A_354 = arith.constant 2 : i32
        %get3A_355 = arith.index_cast %get3A_353 : i32 to index
        %get3A_356 = arith.index_cast %scan3A_163 : i32 to index
        %get3A_357 = arith.index_cast %get3A_354 : i32 to index
        %get3A_358 = arith.constant 96 : index
        %get3A_359 = tpu.vector_load %arg4[%get3A_355, %get3A_356, %get3A_357, %get3A_358] {strides = array<i32>} : memref<2x8x32x128xf32, #tpu.memory_space<vmem>>, vector<1x1x1x16xf32>,
        %get3A_360 = vector.shape_cast %get3A_359 : vector<1x1x1x16xf32> to vector<16xf32>
        %add3A_361 = arith.addf %add3A_289, %get3A_360 : vector<16xf32>
        %get3A_362 = arith.constant 0 : i32
        %get3A_363 = arith.constant 2 : i32
        %get3A_364 = arith.index_cast %get3A_362 : i32 to index
        %get3A_365 = arith.index_cast %scan3A_163 : i32 to index
        %get3A_366 = arith.index_cast %get3A_363 : i32 to index
        %get3A_367 = arith.constant 112 : index
        %get3A_368 = tpu.vector_load %arg4[%get3A_364, %get3A_365, %get3A_366, %get3A_367] {strides = array<i32>} : memref<2x8x32x128xf32, #tpu.memory_space<vmem>>, vector<1x1x1x16xf32>,
        %get3A_369 = vector.shape_cast %get3A_368 : vector<1x1x1x16xf32> to vector<16xf32>
        %add3A_370 = arith.addf %add3A_298, %get3A_369 : vector<16xf32>
        %get3A_371 = arith.constant 0 : i32
        %get3A_372 = arith.constant 3 : i32
        %get3A_373 = arith.index_cast %get3A_371 : i32 to index
        %get3A_374 = arith.index_cast %scan3A_163 : i32 to index
        %get3A_375 = arith.index_cast %get3A_372 : i32 to index
        %get3A_376 = arith.constant 0 : index
        %get3A_377 = tpu.vector_load %arg4[%get3A_373, %get3A_374, %get3A_375, %get3A_376] {strides = array<i32>} : memref<2x8x32x128xf32, #tpu.memory_space<vmem>>, vector<1x1x1x16xf32>,
        %get3A_378 = vector.shape_cast %get3A_377 : vector<1x1x1x16xf32> to vector<16xf32>
        %add3A_379 = arith.addf %add3A_307, %get3A_378 : vector<16xf32>
        %get3A_380 = arith.constant 0 : i32
        %get3A_381 = arith.constant 3 : i32
        %get3A_382 = arith.index_cast %get3A_380 : i32 to index
        %get3A_383 = arith.index_cast %scan3A_163 : i32 to index
        %get3A_384 = arith.index_cast %get3A_381 : i32 to index
        %get3A_385 = arith.constant 16 : index
        %get3A_386 = tpu.vector_load %arg4[%get3A_382, %get3A_383, %get3A_384, %get3A_385] {strides = array<i32>} : memref<2x8x32x128xf32, #tpu.memory_space<vmem>>, vector<1x1x1x16xf32>,
        %get3A_387 = vector.shape_cast %get3A_386 : vector<1x1x1x16xf32> to vector<16xf32>
        %add3A_388 = arith.addf %add3A_316, %get3A_387 : vector<16xf32>
        %get3A_389 = arith.constant 0 : i32
        %get3A_390 = arith.constant 3 : i32
        %get3A_391 = arith.index_cast %get3A_389 : i32 to index
        %get3A_392 = arith.index_cast %scan3A_163 : i32 to index
        %get3A_393 = arith.index_cast %get3A_390 : i32 to index
        %get3A_394 = arith.constant 32 : index
        %get3A_395 = tpu.vector_load %arg4[%get3A_391, %get3A_392, %get3A_393, %get3A_394] {strides = array<i32>} : memref<2x8x32x128xf32, #tpu.memory_space<vmem>>, vector<1x1x1x16xf32>,
        %get3A_396 = vector.shape_cast %get3A_395 : vector<1x1x1x16xf32> to vector<16xf32>
        %add3A_397 = arith.addf %add3A_325, %get3A_396 : vector<16xf32>
        %get3A_398 = arith.constant 0 : i32
        %get3A_399 = arith.constant 3 : i32
        %get3A_400 = arith.index_cast %get3A_398 : i32 to index
        %get3A_401 = arith.index_cast %scan3A_163 : i32 to index
        %get3A_402 = arith.index_cast %get3A_399 : i32 to index
        %get3A_403 = arith.constant 48 : index
        %get3A_404 = tpu.vector_load %arg4[%get3A_400, %get3A_401, %get3A_402, %get3A_403] {strides = array<i32>} : memref<2x8x32x128xf32, #tpu.memory_space<vmem>>, vector<1x1x1x16xf32>,
        %get3A_405 = vector.shape_cast %get3A_404 : vector<1x1x1x16xf32> to vector<16xf32>
        %add3A_406 = arith.addf %add3A_334, %get3A_405 : vector<16xf32>
        %get3A_407 = arith.constant 0 : i32
        %get3A_408 = arith.constant 3 : i32
        %get3A_409 = arith.index_cast %get3A_407 : i32 to index
        %get3A_410 = arith.index_cast %scan3A_163 : i32 to index
        %get3A_411 = arith.index_cast %get3A_408 : i32 to index
        %get3A_412 = arith.constant 64 : index
        %get3A_413 = tpu.vector_load %arg4[%get3A_409, %get3A_410, %get3A_411, %get3A_412] {strides = array<i32>} : memref<2x8x32x128xf32, #tpu.memory_space<vmem>>, vector<1x1x1x16xf32>,
        %get3A_414 = vector.shape_cast %get3A_413 : vector<1x1x1x16xf32> to vector<16xf32>
        %add3A_415 = arith.addf %add3A_343, %get3A_414 : vector<16xf32>
        %get3A_416 = arith.constant 0 : i32
        %get3A_417 = arith.constant 3 : i32
        %get3A_418 = arith.index_cast %get3A_416 : i32 to index
        %get3A_419 = arith.index_cast %scan3A_163 : i32 to index
        %get3A_420 = arith.index_cast %get3A_417 : i32 to index
        %get3A_421 = arith.constant 80 : index
        %get3A_422 = tpu.vector_load %arg4[%get3A_418, %get3A_419, %get3A_420, %get3A_421] {strides = array<i32>} : memref<2x8x32x128xf32, #tpu.memory_space<vmem>>, vector<1x1x1x16xf32>,
        %get3A_423 = vector.shape_cast %get3A_422 : vector<1x1x1x16xf32> to vector<16xf32>
        %add3A_424 = arith.addf %add3A_352, %get3A_423 : vector<16xf32>
        %get3A_425 = arith.constant 0 : i32
        %get3A_426 = arith.constant 3 : i32
        %get3A_427 = arith.index_cast %get3A_425 : i32 to index
        %get3A_428 = arith.index_cast %scan3A_163 : i32 to index
        %get3A_429 = arith.index_cast %get3A_426 : i32 to index
        %get3A_430 = arith.constant 96 : index
        %get3A_431 = tpu.vector_load %arg4[%get3A_427, %get3A_428, %get3A_429, %get3A_430] {strides = array<i32>} : memref<2x8x32x128xf32, #tpu.memory_space<vmem>>, vector<1x1x1x16xf32>,
        %get3A_432 = vector.shape_cast %get3A_431 : vector<1x1x1x16xf32> to vector<16xf32>
        %add3A_433 = arith.addf %add3A_361, %get3A_432 : vector<16xf32>
        %get3A_434 = arith.constant 0 : i32
        %get3A_435 = arith.constant 3 : i32
        %get3A_436 = arith.index_cast %get3A_434 : i32 to index
        %get3A_437 = arith.index_cast %scan3A_163 : i32 to index
        %get3A_438 = arith.index_cast %get3A_435 : i32 to index
        %get3A_439 = arith.constant 112 : index
        %get3A_440 = tpu.vector_load %arg4[%get3A_436, %get3A_437, %get3A_438, %get3A_439] {strides = array<i32>} : memref<2x8x32x128xf32, #tpu.memory_space<vmem>>, vector<1x1x1x16xf32>,
        %get3A_441 = vector.shape_cast %get3A_440 : vector<1x1x1x16xf32> to vector<16xf32>
        %add3A_442 = arith.addf %add3A_370, %get3A_441 : vector<16xf32>
        %get3A_443 = arith.constant 0 : i32
        %get3A_444 = arith.constant 4 : i32
        %get3A_445 = arith.index_cast %get3A_443 : i32 to index
        %get3A_446 = arith.index_cast %scan3A_163 : i32 to index
        %get3A_447 = arith.index_cast %get3A_444 : i32 to index
        %get3A_448 = arith.constant 0 : index
        %get3A_449 = tpu.vector_load %arg4[%get3A_445, %get3A_446, %get3A_447, %get3A_448] {strides = array<i32>} : memref<2x8x32x128xf32, #tpu.memory_space<vmem>>, vector<1x1x1x16xf32>,
        %get3A_450 = vector.shape_cast %get3A_449 : vector<1x1x1x16xf32> to vector<16xf32>
        %add3A_451 = arith.addf %add3A_379, %get3A_450 : vector<16xf32>
        %get3A_452 = arith.constant 0 : i32
        %get3A_453 = arith.constant 4 : i32
        %get3A_454 = arith.index_cast %get3A_452 : i32 to index
        %get3A_455 = arith.index_cast %scan3A_163 : i32 to index
        %get3A_456 = arith.index_cast %get3A_453 : i32 to index
        %get3A_457 = arith.constant 16 : index
        %get3A_458 = tpu.vector_load %arg4[%get3A_454, %get3A_455, %get3A_456, %get3A_457] {strides = array<i32>} : memref<2x8x32x128xf32, #tpu.memory_space<vmem>>, vector<1x1x1x16xf32>,
        %get3A_459 = vector.shape_cast %get3A_458 : vector<1x1x1x16xf32> to vector<16xf32>
        %add3A_460 = arith.addf %add3A_388, %get3A_459 : vector<16xf32>
        %get3A_461 = arith.constant 0 : i32
        %get3A_462 = arith.constant 4 : i32
        %get3A_463 = arith.index_cast %get3A_461 : i32 to index
        %get3A_464 = arith.index_cast %scan3A_163 : i32 to index
        %get3A_465 = arith.index_cast %get3A_462 : i32 to index
        %get3A_466 = arith.constant 32 : index
        %get3A_467 = tpu.vector_load %arg4[%get3A_463, %get3A_464, %get3A_465, %get3A_466] {strides = array<i32>} : memref<2x8x32x128xf32, #tpu.memory_space<vmem>>, vector<1x1x1x16xf32>,
        %get3A_468 = vector.shape_cast %get3A_467 : vector<1x1x1x16xf32> to vector<16xf32>
        %add3A_469 = arith.addf %add3A_397, %get3A_468 : vector<16xf32>
        %get3A_470 = arith.constant 0 : i32
        %get3A_471 = arith.constant 4 : i32
        %get3A_472 = arith.index_cast %get3A_470 : i32 to index
        %get3A_473 = arith.index_cast %scan3A_163 : i32 to index
        %get3A_474 = arith.index_cast %get3A_471 : i32 to index
        %get3A_475 = arith.constant 48 : index
        %get3A_476 = tpu.vector_load %arg4[%get3A_472, %get3A_473, %get3A_474, %get3A_475] {strides = array<i32>} : memref<2x8x32x128xf32, #tpu.memory_space<vmem>>, vector<1x1x1x16xf32>,
        %get3A_477 = vector.shape_cast %get3A_476 : vector<1x1x1x16xf32> to vector<16xf32>
        %add3A_478 = arith.addf %add3A_406, %get3A_477 : vector<16xf32>
        %get3A_479 = arith.constant 0 : i32
        %get3A_480 = arith.constant 4 : i32
        %get3A_481 = arith.index_cast %get3A_479 : i32 to index
        %get3A_482 = arith.index_cast %scan3A_163 : i32 to index
        %get3A_483 = arith.index_cast %get3A_480 : i32 to index
        %get3A_484 = arith.constant 64 : index
        %get3A_485 = tpu.vector_load %arg4[%get3A_481, %get3A_482, %get3A_483, %get3A_484] {strides = array<i32>} : memref<2x8x32x128xf32, #tpu.memory_space<vmem>>, vector<1x1x1x16xf32>,
        %get3A_486 = vector.shape_cast %get3A_485 : vector<1x1x1x16xf32> to vector<16xf32>
        %add3A_487 = arith.addf %add3A_415, %get3A_486 : vector<16xf32>
        %get3A_488 = arith.constant 0 : i32
        %get3A_489 = arith.constant 4 : i32
        %get3A_490 = arith.index_cast %get3A_488 : i32 to index
        %get3A_491 = arith.index_cast %scan3A_163 : i32 to index
        %get3A_492 = arith.index_cast %get3A_489 : i32 to index
        %get3A_493 = arith.constant 80 : index
        %get3A_494 = tpu.vector_load %arg4[%get3A_490, %get3A_491, %get3A_492, %get3A_493] {strides = array<i32>} : memref<2x8x32x128xf32, #tpu.memory_space<vmem>>, vector<1x1x1x16xf32>,
        %get3A_495 = vector.shape_cast %get3A_494 : vector<1x1x1x16xf32> to vector<16xf32>
        %add3A_496 = arith.addf %add3A_424, %get3A_495 : vector<16xf32>
        %get3A_497 = arith.constant 0 : i32
        %get3A_498 = arith.constant 4 : i32
        %get3A_499 = arith.index_cast %get3A_497 : i32 to index
        %get3A_500 = arith.index_cast %scan3A_163 : i32 to index
        %get3A_501 = arith.index_cast %get3A_498 : i32 to index
        %get3A_502 = arith.constant 96 : index
        %get3A_503 = tpu.vector_load %arg4[%get3A_499, %get3A_500, %get3A_501, %get3A_502] {strides = array<i32>} : memref<2x8x32x128xf32, #tpu.memory_space<vmem>>, vector<1x1x1x16xf32>,
        %get3A_504 = vector.shape_cast %get3A_503 : vector<1x1x1x16xf32> to vector<16xf32>
        %add3A_505 = arith.addf %add3A_433, %get3A_504 : vector<16xf32>
        %get3A_506 = arith.constant 0 : i32
        %get3A_507 = arith.constant 4 : i32
        %get3A_508 = arith.index_cast %get3A_506 : i32 to index
        %get3A_509 = arith.index_cast %scan3A_163 : i32 to index
        %get3A_510 = arith.index_cast %get3A_507 : i32 to index
        %get3A_511 = arith.constant 112 : index
        %get3A_512 = tpu.vector_load %arg4[%get3A_508, %get3A_509, %get3A_510, %get3A_511] {strides = array<i32>} : memref<2x8x32x128xf32, #tpu.memory_space<vmem>>, vector<1x1x1x16xf32>,
        %get3A_513 = vector.shape_cast %get3A_512 : vector<1x1x1x16xf32> to vector<16xf32>
        %add3A_514 = arith.addf %add3A_442, %get3A_513 : vector<16xf32>
        %get3A_515 = arith.constant 0 : i32
        %get3A_516 = arith.constant 5 : i32
        %get3A_517 = arith.index_cast %get3A_515 : i32 to index
        %get3A_518 = arith.index_cast %scan3A_163 : i32 to index
        %get3A_519 = arith.index_cast %get3A_516 : i32 to index
        %get3A_520 = arith.constant 0 : index
        %get3A_521 = tpu.vector_load %arg4[%get3A_517, %get3A_518, %get3A_519, %get3A_520] {strides = array<i32>} : memref<2x8x32x128xf32, #tpu.memory_space<vmem>>, vector<1x1x1x16xf32>,
        %get3A_522 = vector.shape_cast %get3A_521 : vector<1x1x1x16xf32> to vector<16xf32>
        %add3A_523 = arith.addf %add3A_451, %get3A_522 : vector<16xf32>
        %get3A_524 = arith.constant 0 : i32
        %get3A_525 = arith.constant 5 : i32
        %get3A_526 = arith.index_cast %get3A_524 : i32 to index
        %get3A_527 = arith.index_cast %scan3A_163 : i32 to index
        %get3A_528 = arith.index_cast %get3A_525 : i32 to index
        %get3A_529 = arith.constant 16 : index
        %get3A_530 = tpu.vector_load %arg4[%get3A_526, %get3A_527, %get3A_528, %get3A_529] {strides = array<i32>} : memref<2x8x32x128xf32, #tpu.memory_space<vmem>>, vector<1x1x1x16xf32>,
        %get3A_531 = vector.shape_cast %get3A_530 : vector<1x1x1x16xf32> to vector<16xf32>
        %add3A_532 = arith.addf %add3A_460, %get3A_531 : vector<16xf32>
        %get3A_533 = arith.constant 0 : i32
        %get3A_534 = arith.constant 5 : i32
        %get3A_535 = arith.index_cast %get3A_533 : i32 to index
        %get3A_536 = arith.index_cast %scan3A_163 : i32 to index
        %get3A_537 = arith.index_cast %get3A_534 : i32 to index
        %get3A_538 = arith.constant 32 : index
        %get3A_539 = tpu.vector_load %arg4[%get3A_535, %get3A_536, %get3A_537, %get3A_538] {strides = array<i32>} : memref<2x8x32x128xf32, #tpu.memory_space<vmem>>, vector<1x1x1x16xf32>,
        %get3A_540 = vector.shape_cast %get3A_539 : vector<1x1x1x16xf32> to vector<16xf32>
        %add3A_541 = arith.addf %add3A_469, %get3A_540 : vector<16xf32>
        %get3A_542 = arith.constant 0 : i32
        %get3A_543 = arith.constant 5 : i32
        %get3A_544 = arith.index_cast %get3A_542 : i32 to index
        %get3A_545 = arith.index_cast %scan3A_163 : i32 to index
        %get3A_546 = arith.index_cast %get3A_543 : i32 to index
        %get3A_547 = arith.constant 48 : index
        %get3A_548 = tpu.vector_load %arg4[%get3A_544, %get3A_545, %get3A_546, %get3A_547] {strides = array<i32>} : memref<2x8x32x128xf32, #tpu.memory_space<vmem>>, vector<1x1x1x16xf32>,
        %get3A_549 = vector.shape_cast %get3A_548 : vector<1x1x1x16xf32> to vector<16xf32>
        %add3A_550 = arith.addf %add3A_478, %get3A_549 : vector<16xf32>
        %get3A_551 = arith.constant 0 : i32
        %get3A_552 = arith.constant 5 : i32
        %get3A_553 = arith.index_cast %get3A_551 : i32 to index
        %get3A_554 = arith.index_cast %scan3A_163 : i32 to index
        %get3A_555 = arith.index_cast %get3A_552 : i32 to index
        %get3A_556 = arith.constant 64 : index
        %get3A_557 = tpu.vector_load %arg4[%get3A_553, %get3A_554, %get3A_555, %get3A_556] {strides = array<i32>} : memref<2x8x32x128xf32, #tpu.memory_space<vmem>>, vector<1x1x1x16xf32>,
        %get3A_558 = vector.shape_cast %get3A_557 : vector<1x1x1x16xf32> to vector<16xf32>
        %add3A_559 = arith.addf %add3A_487, %get3A_558 : vector<16xf32>
        %get3A_560 = arith.constant 0 : i32
        %get3A_561 = arith.constant 5 : i32
        %get3A_562 = arith.index_cast %get3A_560 : i32 to index
        %get3A_563 = arith.index_cast %scan3A_163 : i32 to index
        %get3A_564 = arith.index_cast %get3A_561 : i32 to index
        %get3A_565 = arith.constant 80 : index
        %get3A_566 = tpu.vector_load %arg4[%get3A_562, %get3A_563, %get3A_564, %get3A_565] {strides = array<i32>} : memref<2x8x32x128xf32, #tpu.memory_space<vmem>>, vector<1x1x1x16xf32>,
        %get3A_567 = vector.shape_cast %get3A_566 : vector<1x1x1x16xf32> to vector<16xf32>
        %add3A_568 = arith.addf %add3A_496, %get3A_567 : vector<16xf32>
        %get3A_569 = arith.constant 0 : i32
        %get3A_570 = arith.constant 5 : i32
        %get3A_571 = arith.index_cast %get3A_569 : i32 to index
        %get3A_572 = arith.index_cast %scan3A_163 : i32 to index
        %get3A_573 = arith.index_cast %get3A_570 : i32 to index
        %get3A_574 = arith.constant 96 : index
        %get3A_575 = tpu.vector_load %arg4[%get3A_571, %get3A_572, %get3A_573, %get3A_574] {strides = array<i32>} : memref<2x8x32x128xf32, #tpu.memory_space<vmem>>, vector<1x1x1x16xf32>,
        %get3A_576 = vector.shape_cast %get3A_575 : vector<1x1x1x16xf32> to vector<16xf32>
        %add3A_577 = arith.addf %add3A_505, %get3A_576 : vector<16xf32>
        %get3A_578 = arith.constant 0 : i32
        %get3A_579 = arith.constant 5 : i32
        %get3A_580 = arith.index_cast %get3A_578 : i32 to index
        %get3A_581 = arith.index_cast %scan3A_163 : i32 to index
        %get3A_582 = arith.index_cast %get3A_579 : i32 to index
        %get3A_583 = arith.constant 112 : index
        %get3A_584 = tpu.vector_load %arg4[%get3A_580, %get3A_581, %get3A_582, %get3A_583] {strides = array<i32>} : memref<2x8x32x128xf32, #tpu.memory_space<vmem>>, vector<1x1x1x16xf32>,
        %get3A_585 = vector.shape_cast %get3A_584 : vector<1x1x1x16xf32> to vector<16xf32>
        %add3A_586 = arith.addf %add3A_514, %get3A_585 : vector<16xf32>
        %get3A_587 = arith.constant 0 : i32
        %get3A_588 = arith.constant 6 : i32
        %get3A_589 = arith.index_cast %get3A_587 : i32 to index
        %get3A_590 = arith.index_cast %scan3A_163 : i32 to index
        %get3A_591 = arith.index_cast %get3A_588 : i32 to index
        %get3A_592 = arith.constant 0 : index
        %get3A_593 = tpu.vector_load %arg4[%get3A_589, %get3A_590, %get3A_591, %get3A_592] {strides = array<i32>} : memref<2x8x32x128xf32, #tpu.memory_space<vmem>>, vector<1x1x1x16xf32>,
        %get3A_594 = vector.shape_cast %get3A_593 : vector<1x1x1x16xf32> to vector<16xf32>
        %add3A_595 = arith.addf %add3A_523, %get3A_594 : vector<16xf32>
        %get3A_596 = arith.constant 0 : i32
        %get3A_597 = arith.constant 6 : i32
        %get3A_598 = arith.index_cast %get3A_596 : i32 to index
        %get3A_599 = arith.index_cast %scan3A_163 : i32 to index
        %get3A_600 = arith.index_cast %get3A_597 : i32 to index
        %get3A_601 = arith.constant 16 : index
        %get3A_602 = tpu.vector_load %arg4[%get3A_598, %get3A_599, %get3A_600, %get3A_601] {strides = array<i32>} : memref<2x8x32x128xf32, #tpu.memory_space<vmem>>, vector<1x1x1x16xf32>,
        %get3A_603 = vector.shape_cast %get3A_602 : vector<1x1x1x16xf32> to vector<16xf32>
        %add3A_604 = arith.addf %add3A_532, %get3A_603 : vector<16xf32>
        %get3A_605 = arith.constant 0 : i32
        %get3A_606 = arith.constant 6 : i32
        %get3A_607 = arith.index_cast %get3A_605 : i32 to index
        %get3A_608 = arith.index_cast %scan3A_163 : i32 to index
        %get3A_609 = arith.index_cast %get3A_606 : i32 to index
        %get3A_610 = arith.constant 32 : index
        %get3A_611 = tpu.vector_load %arg4[%get3A_607, %get3A_608, %get3A_609, %get3A_610] {strides = array<i32>} : memref<2x8x32x128xf32, #tpu.memory_space<vmem>>, vector<1x1x1x16xf32>,
        %get3A_612 = vector.shape_cast %get3A_611 : vector<1x1x1x16xf32> to vector<16xf32>
        %add3A_613 = arith.addf %add3A_541, %get3A_612 : vector<16xf32>
        %get3A_614 = arith.constant 0 : i32
        %get3A_615 = arith.constant 6 : i32
        %get3A_616 = arith.index_cast %get3A_614 : i32 to index
        %get3A_617 = arith.index_cast %scan3A_163 : i32 to index
        %get3A_618 = arith.index_cast %get3A_615 : i32 to index
        %get3A_619 = arith.constant 48 : index
        %get3A_620 = tpu.vector_load %arg4[%get3A_616, %get3A_617, %get3A_618, %get3A_619] {strides = array<i32>} : memref<2x8x32x128xf32, #tpu.memory_space<vmem>>, vector<1x1x1x16xf32>,
        %get3A_621 = vector.shape_cast %get3A_620 : vector<1x1x1x16xf32> to vector<16xf32>
        %add3A_622 = arith.addf %add3A_550, %get3A_621 : vector<16xf32>
        %get3A_623 = arith.constant 0 : i32
        %get3A_624 = arith.constant 6 : i32
        %get3A_625 = arith.index_cast %get3A_623 : i32 to index
        %get3A_626 = arith.index_cast %scan3A_163 : i32 to index
        %get3A_627 = arith.index_cast %get3A_624 : i32 to index
        %get3A_628 = arith.constant 64 : index
        %get3A_629 = tpu.vector_load %arg4[%get3A_625, %get3A_626, %get3A_627, %get3A_628] {strides = array<i32>} : memref<2x8x32x128xf32, #tpu.memory_space<vmem>>, vector<1x1x1x16xf32>,
        %get3A_630 = vector.shape_cast %get3A_629 : vector<1x1x1x16xf32> to vector<16xf32>
        %add3A_631 = arith.addf %add3A_559, %get3A_630 : vector<16xf32>
        %get3A_632 = arith.constant 0 : i32
        %get3A_633 = arith.constant 6 : i32
        %get3A_634 = arith.index_cast %get3A_632 : i32 to index
        %get3A_635 = arith.index_cast %scan3A_163 : i32 to index
        %get3A_636 = arith.index_cast %get3A_633 : i32 to index
        %get3A_637 = arith.constant 80 : index
        %get3A_638 = tpu.vector_load %arg4[%get3A_634, %get3A_635, %get3A_636, %get3A_637] {strides = array<i32>} : memref<2x8x32x128xf32, #tpu.memory_space<vmem>>, vector<1x1x1x16xf32>,
        %get3A_639 = vector.shape_cast %get3A_638 : vector<1x1x1x16xf32> to vector<16xf32>
        %add3A_640 = arith.addf %add3A_568, %get3A_639 : vector<16xf32>
        %get3A_641 = arith.constant 0 : i32
        %get3A_642 = arith.constant 6 : i32
        %get3A_643 = arith.index_cast %get3A_641 : i32 to index
        %get3A_644 = arith.index_cast %scan3A_163 : i32 to index
        %get3A_645 = arith.index_cast %get3A_642 : i32 to index
        %get3A_646 = arith.constant 96 : index
        %get3A_647 = tpu.vector_load %arg4[%get3A_643, %get3A_644, %get3A_645, %get3A_646] {strides = array<i32>} : memref<2x8x32x128xf32, #tpu.memory_space<vmem>>, vector<1x1x1x16xf32>,
        %get3A_648 = vector.shape_cast %get3A_647 : vector<1x1x1x16xf32> to vector<16xf32>
        %add3A_649 = arith.addf %add3A_577, %get3A_648 : vector<16xf32>
        %get3A_650 = arith.constant 0 : i32
        %get3A_651 = arith.constant 6 : i32
        %get3A_652 = arith.index_cast %get3A_650 : i32 to index
        %get3A_653 = arith.index_cast %scan3A_163 : i32 to index
        %get3A_654 = arith.index_cast %get3A_651 : i32 to index
        %get3A_655 = arith.constant 112 : index
        %get3A_656 = tpu.vector_load %arg4[%get3A_652, %get3A_653, %get3A_654, %get3A_655] {strides = array<i32>} : memref<2x8x32x128xf32, #tpu.memory_space<vmem>>, vector<1x1x1x16xf32>,
        %get3A_657 = vector.shape_cast %get3A_656 : vector<1x1x1x16xf32> to vector<16xf32>
        %add3A_658 = arith.addf %add3A_586, %get3A_657 : vector<16xf32>
        %get3A_659 = arith.constant 0 : i32
        %get3A_660 = arith.constant 7 : i32
        %get3A_661 = arith.index_cast %get3A_659 : i32 to index
        %get3A_662 = arith.index_cast %scan3A_163 : i32 to index
        %get3A_663 = arith.index_cast %get3A_660 : i32 to index
        %get3A_664 = arith.constant 0 : index
        %get3A_665 = tpu.vector_load %arg4[%get3A_661, %get3A_662, %get3A_663, %get3A_664] {strides = array<i32>} : memref<2x8x32x128xf32, #tpu.memory_space<vmem>>, vector<1x1x1x16xf32>,
        %get3A_666 = vector.shape_cast %get3A_665 : vector<1x1x1x16xf32> to vector<16xf32>
        %add3A_667 = arith.addf %add3A_595, %get3A_666 : vector<16xf32>
        %get3A_668 = arith.constant 0 : i32
        %get3A_669 = arith.constant 7 : i32
        %get3A_670 = arith.index_cast %get3A_668 : i32 to index
        %get3A_671 = arith.index_cast %scan3A_163 : i32 to index
        %get3A_672 = arith.index_cast %get3A_669 : i32 to index
        %get3A_673 = arith.constant 16 : index
        %get3A_674 = tpu.vector_load %arg4[%get3A_670, %get3A_671, %get3A_672, %get3A_673] {strides = array<i32>} : memref<2x8x32x128xf32, #tpu.memory_space<vmem>>, vector<1x1x1x16xf32>,
        %get3A_675 = vector.shape_cast %get3A_674 : vector<1x1x1x16xf32> to vector<16xf32>
        %add3A_676 = arith.addf %add3A_604, %get3A_675 : vector<16xf32>
        %get3A_677 = arith.constant 0 : i32
        %get3A_678 = arith.constant 7 : i32
        %get3A_679 = arith.index_cast %get3A_677 : i32 to index
        %get3A_680 = arith.index_cast %scan3A_163 : i32 to index
        %get3A_681 = arith.index_cast %get3A_678 : i32 to index
        %get3A_682 = arith.constant 32 : index
        %get3A_683 = tpu.vector_load %arg4[%get3A_679, %get3A_680, %get3A_681, %get3A_682] {strides = array<i32>} : memref<2x8x32x128xf32, #tpu.memory_space<vmem>>, vector<1x1x1x16xf32>,
        %get3A_684 = vector.shape_cast %get3A_683 : vector<1x1x1x16xf32> to vector<16xf32>
        %add3A_685 = arith.addf %add3A_613, %get3A_684 : vector<16xf32>
        %get3A_686 = arith.constant 0 : i32
        %get3A_687 = arith.constant 7 : i32
        %get3A_688 = arith.index_cast %get3A_686 : i32 to index
        %get3A_689 = arith.index_cast %scan3A_163 : i32 to index
        %get3A_690 = arith.index_cast %get3A_687 : i32 to index
        %get3A_691 = arith.constant 48 : index
        %get3A_692 = tpu.vector_load %arg4[%get3A_688, %get3A_689, %get3A_690, %get3A_691] {strides = array<i32>} : memref<2x8x32x128xf32, #tpu.memory_space<vmem>>, vector<1x1x1x16xf32>,
        %get3A_693 = vector.shape_cast %get3A_692 : vector<1x1x1x16xf32> to vector<16xf32>
        %add3A_694 = arith.addf %add3A_622, %get3A_693 : vector<16xf32>
        %get3A_695 = arith.constant 0 : i32
        %get3A_696 = arith.constant 7 : i32
        %get3A_697 = arith.index_cast %get3A_695 : i32 to index
        %get3A_698 = arith.index_cast %scan3A_163 : i32 to index
        %get3A_699 = arith.index_cast %get3A_696 : i32 to index
        %get3A_700 = arith.constant 64 : index
        %get3A_701 = tpu.vector_load %arg4[%get3A_697, %get3A_698, %get3A_699, %get3A_700] {strides = array<i32>} : memref<2x8x32x128xf32, #tpu.memory_space<vmem>>, vector<1x1x1x16xf32>,
        %get3A_702 = vector.shape_cast %get3A_701 : vector<1x1x1x16xf32> to vector<16xf32>
        %add3A_703 = arith.addf %add3A_631, %get3A_702 : vector<16xf32>
        %get3A_704 = arith.constant 0 : i32
        %get3A_705 = arith.constant 7 : i32
        %get3A_706 = arith.index_cast %get3A_704 : i32 to index
        %get3A_707 = arith.index_cast %scan3A_163 : i32 to index
        %get3A_708 = arith.index_cast %get3A_705 : i32 to index
        %get3A_709 = arith.constant 80 : index
        %get3A_710 = tpu.vector_load %arg4[%get3A_706, %get3A_707, %get3A_708, %get3A_709] {strides = array<i32>} : memref<2x8x32x128xf32, #tpu.memory_space<vmem>>, vector<1x1x1x16xf32>,
        %get3A_711 = vector.shape_cast %get3A_710 : vector<1x1x1x16xf32> to vector<16xf32>
        %add3A_712 = arith.addf %add3A_640, %get3A_711 : vector<16xf32>
        %get3A_713 = arith.constant 0 : i32
        %get3A_714 = arith.constant 7 : i32
        %get3A_715 = arith.index_cast %get3A_713 : i32 to index
        %get3A_716 = arith.index_cast %scan3A_163 : i32 to index
        %get3A_717 = arith.index_cast %get3A_714 : i32 to index
        %get3A_718 = arith.constant 96 : index
        %get3A_719 = tpu.vector_load %arg4[%get3A_715, %get3A_716, %get3A_717, %get3A_718] {strides = array<i32>} : memref<2x8x32x128xf32, #tpu.memory_space<vmem>>, vector<1x1x1x16xf32>,
        %get3A_720 = vector.shape_cast %get3A_719 : vector<1x1x1x16xf32> to vector<16xf32>
        %add3A_721 = arith.addf %add3A_649, %get3A_720 : vector<16xf32>
        %get3A_722 = arith.constant 0 : i32
        %get3A_723 = arith.constant 7 : i32
        %get3A_724 = arith.index_cast %get3A_722 : i32 to index
        %get3A_725 = arith.index_cast %scan3A_163 : i32 to index
        %get3A_726 = arith.index_cast %get3A_723 : i32 to index
        %get3A_727 = arith.constant 112 : index
        %get3A_728 = tpu.vector_load %arg4[%get3A_724, %get3A_725, %get3A_726, %get3A_727] {strides = array<i32>} : memref<2x8x32x128xf32, #tpu.memory_space<vmem>>, vector<1x1x1x16xf32>,
        %get3A_729 = vector.shape_cast %get3A_728 : vector<1x1x1x16xf32> to vector<16xf32>
        %add3A_730 = arith.addf %add3A_658, %get3A_729 : vector<16xf32>
        %get3A_731 = arith.constant 0 : i32
        %get3A_732 = arith.constant 8 : i32
        %get3A_733 = arith.index_cast %get3A_731 : i32 to index
        %get3A_734 = arith.index_cast %scan3A_163 : i32 to index
        %get3A_735 = arith.index_cast %get3A_732 : i32 to index
        %get3A_736 = arith.constant 0 : index
        %get3A_737 = tpu.vector_load %arg4[%get3A_733, %get3A_734, %get3A_735, %get3A_736] {strides = array<i32>} : memref<2x8x32x128xf32, #tpu.memory_space<vmem>>, vector<1x1x1x16xf32>,
        %get3A_738 = vector.shape_cast %get3A_737 : vector<1x1x1x16xf32> to vector<16xf32>
        %add3A_739 = arith.addf %add3A_667, %get3A_738 : vector<16xf32>
        %get3A_740 = arith.constant 0 : i32
        %get3A_741 = arith.constant 8 : i32
        %get3A_742 = arith.index_cast %get3A_740 : i32 to index
        %get3A_743 = arith.index_cast %scan3A_163 : i32 to index
        %get3A_744 = arith.index_cast %get3A_741 : i32 to index
        %get3A_745 = arith.constant 16 : index
        %get3A_746 = tpu.vector_load %arg4[%get3A_742, %get3A_743, %get3A_744, %get3A_745] {strides = array<i32>} : memref<2x8x32x128xf32, #tpu.memory_space<vmem>>, vector<1x1x1x16xf32>,
        %get3A_747 = vector.shape_cast %get3A_746 : vector<1x1x1x16xf32> to vector<16xf32>
        %add3A_748 = arith.addf %add3A_676, %get3A_747 : vector<16xf32>
        %get3A_749 = arith.constant 0 : i32
        %get3A_750 = arith.constant 8 : i32
        %get3A_751 = arith.index_cast %get3A_749 : i32 to index
        %get3A_752 = arith.index_cast %scan3A_163 : i32 to index
        %get3A_753 = arith.index_cast %get3A_750 : i32 to index
        %get3A_754 = arith.constant 32 : index
        %get3A_755 = tpu.vector_load %arg4[%get3A_751, %get3A_752, %get3A_753, %get3A_754] {strides = array<i32>} : memref<2x8x32x128xf32, #tpu.memory_space<vmem>>, vector<1x1x1x16xf32>,
        %get3A_756 = vector.shape_cast %get3A_755 : vector<1x1x1x16xf32> to vector<16xf32>
        %add3A_757 = arith.addf %add3A_685, %get3A_756 : vector<16xf32>
        %get3A_758 = arith.constant 0 : i32
        %get3A_759 = arith.constant 8 : i32
        %get3A_760 = arith.index_cast %get3A_758 : i32 to index
        %get3A_761 = arith.index_cast %scan3A_163 : i32 to index
        %get3A_762 = arith.index_cast %get3A_759 : i32 to index
        %get3A_763 = arith.constant 48 : index
        %get3A_764 = tpu.vector_load %arg4[%get3A_760, %get3A_761, %get3A_762, %get3A_763] {strides = array<i32>} : memref<2x8x32x128xf32, #tpu.memory_space<vmem>>, vector<1x1x1x16xf32>,
        %get3A_765 = vector.shape_cast %get3A_764 : vector<1x1x1x16xf32> to vector<16xf32>
        %add3A_766 = arith.addf %add3A_694, %get3A_765 : vector<16xf32>
        %get3A_767 = arith.constant 0 : i32
        %get3A_768 = arith.constant 8 : i32
        %get3A_769 = arith.index_cast %get3A_767 : i32 to index
        %get3A_770 = arith.index_cast %scan3A_163 : i32 to index
        %get3A_771 = arith.index_cast %get3A_768 : i32 to index
        %get3A_772 = arith.constant 64 : index
        %get3A_773 = tpu.vector_load %arg4[%get3A_769, %get3A_770, %get3A_771, %get3A_772] {strides = array<i32>} : memref<2x8x32x128xf32, #tpu.memory_space<vmem>>, vector<1x1x1x16xf32>,
        %get3A_774 = vector.shape_cast %get3A_773 : vector<1x1x1x16xf32> to vector<16xf32>
        %add3A_775 = arith.addf %add3A_703, %get3A_774 : vector<16xf32>
        %get3A_776 = arith.constant 0 : i32
        %get3A_777 = arith.constant 8 : i32
        %get3A_778 = arith.index_cast %get3A_776 : i32 to index
        %get3A_779 = arith.index_cast %scan3A_163 : i32 to index
        %get3A_780 = arith.index_cast %get3A_777 : i32 to index
        %get3A_781 = arith.constant 80 : index
        %get3A_782 = tpu.vector_load %arg4[%get3A_778, %get3A_779, %get3A_780, %get3A_781] {strides = array<i32>} : memref<2x8x32x128xf32, #tpu.memory_space<vmem>>, vector<1x1x1x16xf32>,
        %get3A_783 = vector.shape_cast %get3A_782 : vector<1x1x1x16xf32> to vector<16xf32>
        %add3A_784 = arith.addf %add3A_712, %get3A_783 : vector<16xf32>
        %get3A_785 = arith.constant 0 : i32
        %get3A_786 = arith.constant 8 : i32
        %get3A_787 = arith.index_cast %get3A_785 : i32 to index
        %get3A_788 = arith.index_cast %scan3A_163 : i32 to index
        %get3A_789 = arith.index_cast %get3A_786 : i32 to index
        %get3A_790 = arith.constant 96 : index
        %get3A_791 = tpu.vector_load %arg4[%get3A_787, %get3A_788, %get3A_789, %get3A_790] {strides = array<i32>} : memref<2x8x32x128xf32, #tpu.memory_space<vmem>>, vector<1x1x1x16xf32>,
        %get3A_792 = vector.shape_cast %get3A_791 : vector<1x1x1x16xf32> to vector<16xf32>
        %add3A_793 = arith.addf %add3A_721, %get3A_792 : vector<16xf32>
        %get3A_794 = arith.constant 0 : i32
        %get3A_795 = arith.constant 8 : i32
        %get3A_796 = arith.index_cast %get3A_794 : i32 to index
        %get3A_797 = arith.index_cast %scan3A_163 : i32 to index
        %get3A_798 = arith.index_cast %get3A_795 : i32 to index
        %get3A_799 = arith.constant 112 : index
        %get3A_800 = tpu.vector_load %arg4[%get3A_796, %get3A_797, %get3A_798, %get3A_799] {strides = array<i32>} : memref<2x8x32x128xf32, #tpu.memory_space<vmem>>, vector<1x1x1x16xf32>,
        %get3A_801 = vector.shape_cast %get3A_800 : vector<1x1x1x16xf32> to vector<16xf32>
        %add3A_802 = arith.addf %add3A_730, %get3A_801 : vector<16xf32>
        %get3A_803 = arith.constant 0 : i32
        %get3A_804 = arith.constant 9 : i32
        %get3A_805 = arith.index_cast %get3A_803 : i32 to index
        %get3A_806 = arith.index_cast %scan3A_163 : i32 to index
        %get3A_807 = arith.index_cast %get3A_804 : i32 to index
        %get3A_808 = arith.constant 0 : index
        %get3A_809 = tpu.vector_load %arg4[%get3A_805, %get3A_806, %get3A_807, %get3A_808] {strides = array<i32>} : memref<2x8x32x128xf32, #tpu.memory_space<vmem>>, vector<1x1x1x16xf32>,
        %get3A_810 = vector.shape_cast %get3A_809 : vector<1x1x1x16xf32> to vector<16xf32>
        %add3A_811 = arith.addf %add3A_739, %get3A_810 : vector<16xf32>
        %get3A_812 = arith.constant 0 : i32
        %get3A_813 = arith.constant 9 : i32
        %get3A_814 = arith.index_cast %get3A_812 : i32 to index
        %get3A_815 = arith.index_cast %scan3A_163 : i32 to index
        %get3A_816 = arith.index_cast %get3A_813 : i32 to index
        %get3A_817 = arith.constant 16 : index
        %get3A_818 = tpu.vector_load %arg4[%get3A_814, %get3A_815, %get3A_816, %get3A_817] {strides = array<i32>} : memref<2x8x32x128xf32, #tpu.memory_space<vmem>>, vector<1x1x1x16xf32>,
        %get3A_819 = vector.shape_cast %get3A_818 : vector<1x1x1x16xf32> to vector<16xf32>
        %add3A_820 = arith.addf %add3A_748, %get3A_819 : vector<16xf32>
        %get3A_821 = arith.constant 0 : i32
        %get3A_822 = arith.constant 9 : i32
        %get3A_823 = arith.index_cast %get3A_821 : i32 to index
        %get3A_824 = arith.index_cast %scan3A_163 : i32 to index
        %get3A_825 = arith.index_cast %get3A_822 : i32 to index
        %get3A_826 = arith.constant 32 : index
        %get3A_827 = tpu.vector_load %arg4[%get3A_823, %get3A_824, %get3A_825, %get3A_826] {strides = array<i32>} : memref<2x8x32x128xf32, #tpu.memory_space<vmem>>, vector<1x1x1x16xf32>,
        %get3A_828 = vector.shape_cast %get3A_827 : vector<1x1x1x16xf32> to vector<16xf32>
        %add3A_829 = arith.addf %add3A_757, %get3A_828 : vector<16xf32>
        %get3A_830 = arith.constant 0 : i32
        %get3A_831 = arith.constant 9 : i32
        %get3A_832 = arith.index_cast %get3A_830 : i32 to index
        %get3A_833 = arith.index_cast %scan3A_163 : i32 to index
        %get3A_834 = arith.index_cast %get3A_831 : i32 to index
        %get3A_835 = arith.constant 48 : index
        %get3A_836 = tpu.vector_load %arg4[%get3A_832, %get3A_833, %get3A_834, %get3A_835] {strides = array<i32>} : memref<2x8x32x128xf32, #tpu.memory_space<vmem>>, vector<1x1x1x16xf32>,
        %get3A_837 = vector.shape_cast %get3A_836 : vector<1x1x1x16xf32> to vector<16xf32>
        %add3A_838 = arith.addf %add3A_766, %get3A_837 : vector<16xf32>
        %get3A_839 = arith.constant 0 : i32
        %get3A_840 = arith.constant 9 : i32
        %get3A_841 = arith.index_cast %get3A_839 : i32 to index
        %get3A_842 = arith.index_cast %scan3A_163 : i32 to index
        %get3A_843 = arith.index_cast %get3A_840 : i32 to index
        %get3A_844 = arith.constant 64 : index
        %get3A_845 = tpu.vector_load %arg4[%get3A_841, %get3A_842, %get3A_843, %get3A_844] {strides = array<i32>} : memref<2x8x32x128xf32, #tpu.memory_space<vmem>>, vector<1x1x1x16xf32>,
        %get3A_846 = vector.shape_cast %get3A_845 : vector<1x1x1x16xf32> to vector<16xf32>
        %add3A_847 = arith.addf %add3A_775, %get3A_846 : vector<16xf32>
        %get3A_848 = arith.constant 0 : i32
        %get3A_849 = arith.constant 9 : i32
        %get3A_850 = arith.index_cast %get3A_848 : i32 to index
        %get3A_851 = arith.index_cast %scan3A_163 : i32 to index
        %get3A_852 = arith.index_cast %get3A_849 : i32 to index
        %get3A_853 = arith.constant 80 : index
        %get3A_854 = tpu.vector_load %arg4[%get3A_850, %get3A_851, %get3A_852, %get3A_853] {strides = array<i32>} : memref<2x8x32x128xf32, #tpu.memory_space<vmem>>, vector<1x1x1x16xf32>,
        %get3A_855 = vector.shape_cast %get3A_854 : vector<1x1x1x16xf32> to vector<16xf32>
        %add3A_856 = arith.addf %add3A_784, %get3A_855 : vector<16xf32>
        %get3A_857 = arith.constant 0 : i32
        %get3A_858 = arith.constant 9 : i32
        %get3A_859 = arith.index_cast %get3A_857 : i32 to index
        %get3A_860 = arith.index_cast %scan3A_163 : i32 to index
        %get3A_861 = arith.index_cast %get3A_858 : i32 to index
        %get3A_862 = arith.constant 96 : index
        %get3A_863 = tpu.vector_load %arg4[%get3A_859, %get3A_860, %get3A_861, %get3A_862] {strides = array<i32>} : memref<2x8x32x128xf32, #tpu.memory_space<vmem>>, vector<1x1x1x16xf32>,
        %get3A_864 = vector.shape_cast %get3A_863 : vector<1x1x1x16xf32> to vector<16xf32>
        %add3A_865 = arith.addf %add3A_793, %get3A_864 : vector<16xf32>
        %get3A_866 = arith.constant 0 : i32
        %get3A_867 = arith.constant 9 : i32
        %get3A_868 = arith.index_cast %get3A_866 : i32 to index
        %get3A_869 = arith.index_cast %scan3A_163 : i32 to index
        %get3A_870 = arith.index_cast %get3A_867 : i32 to index
        %get3A_871 = arith.constant 112 : index
        %get3A_872 = tpu.vector_load %arg4[%get3A_868, %get3A_869, %get3A_870, %get3A_871] {strides = array<i32>} : memref<2x8x32x128xf32, #tpu.memory_space<vmem>>, vector<1x1x1x16xf32>,
        %get3A_873 = vector.shape_cast %get3A_872 : vector<1x1x1x16xf32> to vector<16xf32>
        %add3A_874 = arith.addf %add3A_802, %get3A_873 : vector<16xf32>
        %get3A_875 = arith.constant 0 : i32
        %get3A_876 = arith.constant 10 : i32
        %get3A_877 = arith.index_cast %get3A_875 : i32 to index
        %get3A_878 = arith.index_cast %scan3A_163 : i32 to index
        %get3A_879 = arith.index_cast %get3A_876 : i32 to index
        %get3A_880 = arith.constant 0 : index
        %get3A_881 = tpu.vector_load %arg4[%get3A_877, %get3A_878, %get3A_879, %get3A_880] {strides = array<i32>} : memref<2x8x32x128xf32, #tpu.memory_space<vmem>>, vector<1x1x1x16xf32>,
        %get3A_882 = vector.shape_cast %get3A_881 : vector<1x1x1x16xf32> to vector<16xf32>
        %add3A_883 = arith.addf %add3A_811, %get3A_882 : vector<16xf32>
        %get3A_884 = arith.constant 0 : i32
        %get3A_885 = arith.constant 10 : i32
        %get3A_886 = arith.index_cast %get3A_884 : i32 to index
        %get3A_887 = arith.index_cast %scan3A_163 : i32 to index
        %get3A_888 = arith.index_cast %get3A_885 : i32 to index
        %get3A_889 = arith.constant 16 : index
        %get3A_890 = tpu.vector_load %arg4[%get3A_886, %get3A_887, %get3A_888, %get3A_889] {strides = array<i32>} : memref<2x8x32x128xf32, #tpu.memory_space<vmem>>, vector<1x1x1x16xf32>,
        %get3A_891 = vector.shape_cast %get3A_890 : vector<1x1x1x16xf32> to vector<16xf32>
        %add3A_892 = arith.addf %add3A_820, %get3A_891 : vector<16xf32>
        %get3A_893 = arith.constant 0 : i32
        %get3A_894 = arith.constant 10 : i32
        %get3A_895 = arith.index_cast %get3A_893 : i32 to index
        %get3A_896 = arith.index_cast %scan3A_163 : i32 to index
        %get3A_897 = arith.index_cast %get3A_894 : i32 to index
        %get3A_898 = arith.constant 32 : index
        %get3A_899 = tpu.vector_load %arg4[%get3A_895, %get3A_896, %get3A_897, %get3A_898] {strides = array<i32>} : memref<2x8x32x128xf32, #tpu.memory_space<vmem>>, vector<1x1x1x16xf32>,
        %get3A_900 = vector.shape_cast %get3A_899 : vector<1x1x1x16xf32> to vector<16xf32>
        %add3A_901 = arith.addf %add3A_829, %get3A_900 : vector<16xf32>
        %get3A_902 = arith.constant 0 : i32
        %get3A_903 = arith.constant 10 : i32
        %get3A_904 = arith.index_cast %get3A_902 : i32 to index
        %get3A_905 = arith.index_cast %scan3A_163 : i32 to index
        %get3A_906 = arith.index_cast %get3A_903 : i32 to index
        %get3A_907 = arith.constant 48 : index
        %get3A_908 = tpu.vector_load %arg4[%get3A_904, %get3A_905, %get3A_906, %get3A_907] {strides = array<i32>} : memref<2x8x32x128xf32, #tpu.memory_space<vmem>>, vector<1x1x1x16xf32>,
        %get3A_909 = vector.shape_cast %get3A_908 : vector<1x1x1x16xf32> to vector<16xf32>
        %add3A_910 = arith.addf %add3A_838, %get3A_909 : vector<16xf32>
        %get3A_911 = arith.constant 0 : i32
        %get3A_912 = arith.constant 10 : i32
        %get3A_913 = arith.index_cast %get3A_911 : i32 to index
        %get3A_914 = arith.index_cast %scan3A_163 : i32 to index
        %get3A_915 = arith.index_cast %get3A_912 : i32 to index
        %get3A_916 = arith.constant 64 : index
        %get3A_917 = tpu.vector_load %arg4[%get3A_913, %get3A_914, %get3A_915, %get3A_916] {strides = array<i32>} : memref<2x8x32x128xf32, #tpu.memory_space<vmem>>, vector<1x1x1x16xf32>,
        %get3A_918 = vector.shape_cast %get3A_917 : vector<1x1x1x16xf32> to vector<16xf32>
        %add3A_919 = arith.addf %add3A_847, %get3A_918 : vector<16xf32>
        %get3A_920 = arith.constant 0 : i32
        %get3A_921 = arith.constant 10 : i32
        %get3A_922 = arith.index_cast %get3A_920 : i32 to index
        %get3A_923 = arith.index_cast %scan3A_163 : i32 to index
        %get3A_924 = arith.index_cast %get3A_921 : i32 to index
        %get3A_925 = arith.constant 80 : index
        %get3A_926 = tpu.vector_load %arg4[%get3A_922, %get3A_923, %get3A_924, %get3A_925] {strides = array<i32>} : memref<2x8x32x128xf32, #tpu.memory_space<vmem>>, vector<1x1x1x16xf32>,
        %get3A_927 = vector.shape_cast %get3A_926 : vector<1x1x1x16xf32> to vector<16xf32>
        %add3A_928 = arith.addf %add3A_856, %get3A_927 : vector<16xf32>
        %get3A_929 = arith.constant 0 : i32
        %get3A_930 = arith.constant 10 : i32
        %get3A_931 = arith.index_cast %get3A_929 : i32 to index
        %get3A_932 = arith.index_cast %scan3A_163 : i32 to index
        %get3A_933 = arith.index_cast %get3A_930 : i32 to index
        %get3A_934 = arith.constant 96 : index
        %get3A_935 = tpu.vector_load %arg4[%get3A_931, %get3A_932, %get3A_933, %get3A_934] {strides = array<i32>} : memref<2x8x32x128xf32, #tpu.memory_space<vmem>>, vector<1x1x1x16xf32>,
        %get3A_936 = vector.shape_cast %get3A_935 : vector<1x1x1x16xf32> to vector<16xf32>
        %add3A_937 = arith.addf %add3A_865, %get3A_936 : vector<16xf32>
        %get3A_938 = arith.constant 0 : i32
        %get3A_939 = arith.constant 10 : i32
        %get3A_940 = arith.index_cast %get3A_938 : i32 to index
        %get3A_941 = arith.index_cast %scan3A_163 : i32 to index
        %get3A_942 = arith.index_cast %get3A_939 : i32 to index
        %get3A_943 = arith.constant 112 : index
        %get3A_944 = tpu.vector_load %arg4[%get3A_940, %get3A_941, %get3A_942, %get3A_943] {strides = array<i32>} : memref<2x8x32x128xf32, #tpu.memory_space<vmem>>, vector<1x1x1x16xf32>,
        %get3A_945 = vector.shape_cast %get3A_944 : vector<1x1x1x16xf32> to vector<16xf32>
        %add3A_946 = arith.addf %add3A_874, %get3A_945 : vector<16xf32>
        %get3A_947 = arith.constant 0 : i32
        %get3A_948 = arith.constant 11 : i32
        %get3A_949 = arith.index_cast %get3A_947 : i32 to index
        %get3A_950 = arith.index_cast %scan3A_163 : i32 to index
        %get3A_951 = arith.index_cast %get3A_948 : i32 to index
        %get3A_952 = arith.constant 0 : index
        %get3A_953 = tpu.vector_load %arg4[%get3A_949, %get3A_950, %get3A_951, %get3A_952] {strides = array<i32>} : memref<2x8x32x128xf32, #tpu.memory_space<vmem>>, vector<1x1x1x16xf32>,
        %get3A_954 = vector.shape_cast %get3A_953 : vector<1x1x1x16xf32> to vector<16xf32>
        %add3A_955 = arith.addf %add3A_883, %get3A_954 : vector<16xf32>
        %get3A_956 = arith.constant 0 : i32
        %get3A_957 = arith.constant 11 : i32
        %get3A_958 = arith.index_cast %get3A_956 : i32 to index
        %get3A_959 = arith.index_cast %scan3A_163 : i32 to index
        %get3A_960 = arith.index_cast %get3A_957 : i32 to index
        %get3A_961 = arith.constant 16 : index
        %get3A_962 = tpu.vector_load %arg4[%get3A_958, %get3A_959, %get3A_960, %get3A_961] {strides = array<i32>} : memref<2x8x32x128xf32, #tpu.memory_space<vmem>>, vector<1x1x1x16xf32>,
        %get3A_963 = vector.shape_cast %get3A_962 : vector<1x1x1x16xf32> to vector<16xf32>
        %add3A_964 = arith.addf %add3A_892, %get3A_963 : vector<16xf32>
        %get3A_965 = arith.constant 0 : i32
        %get3A_966 = arith.constant 11 : i32
        %get3A_967 = arith.index_cast %get3A_965 : i32 to index
        %get3A_968 = arith.index_cast %scan3A_163 : i32 to index
        %get3A_969 = arith.index_cast %get3A_966 : i32 to index
        %get3A_970 = arith.constant 32 : index
        %get3A_971 = tpu.vector_load %arg4[%get3A_967, %get3A_968, %get3A_969, %get3A_970] {strides = array<i32>} : memref<2x8x32x128xf32, #tpu.memory_space<vmem>>, vector<1x1x1x16xf32>,
        %get3A_972 = vector.shape_cast %get3A_971 : vector<1x1x1x16xf32> to vector<16xf32>
        %add3A_973 = arith.addf %add3A_901, %get3A_972 : vector<16xf32>
        %get3A_974 = arith.constant 0 : i32
        %get3A_975 = arith.constant 11 : i32
        %get3A_976 = arith.index_cast %get3A_974 : i32 to index
        %get3A_977 = arith.index_cast %scan3A_163 : i32 to index
        %get3A_978 = arith.index_cast %get3A_975 : i32 to index
        %get3A_979 = arith.constant 48 : index
        %get3A_980 = tpu.vector_load %arg4[%get3A_976, %get3A_977, %get3A_978, %get3A_979] {strides = array<i32>} : memref<2x8x32x128xf32, #tpu.memory_space<vmem>>, vector<1x1x1x16xf32>,
        %get3A_981 = vector.shape_cast %get3A_980 : vector<1x1x1x16xf32> to vector<16xf32>
        %add3A_982 = arith.addf %add3A_910, %get3A_981 : vector<16xf32>
        %get3A_983 = arith.constant 0 : i32
        %get3A_984 = arith.constant 11 : i32
        %get3A_985 = arith.index_cast %get3A_983 : i32 to index
        %get3A_986 = arith.index_cast %scan3A_163 : i32 to index
        %get3A_987 = arith.index_cast %get3A_984 : i32 to index
        %get3A_988 = arith.constant 64 : index
        %get3A_989 = tpu.vector_load %arg4[%get3A_985, %get3A_986, %get3A_987, %get3A_988] {strides = array<i32>} : memref<2x8x32x128xf32, #tpu.memory_space<vmem>>, vector<1x1x1x16xf32>,
        %get3A_990 = vector.shape_cast %get3A_989 : vector<1x1x1x16xf32> to vector<16xf32>
        %add3A_991 = arith.addf %add3A_919, %get3A_990 : vector<16xf32>
        %get3A_992 = arith.constant 0 : i32
        %get3A_993 = arith.constant 11 : i32
        %get3A_994 = arith.index_cast %get3A_992 : i32 to index
        %get3A_995 = arith.index_cast %scan3A_163 : i32 to index
        %get3A_996 = arith.index_cast %get3A_993 : i32 to index
        %get3A_997 = arith.constant 80 : index
        %get3A_998 = tpu.vector_load %arg4[%get3A_994, %get3A_995, %get3A_996, %get3A_997] {strides = array<i32>} : memref<2x8x32x128xf32, #tpu.memory_space<vmem>>, vector<1x1x1x16xf32>,
        %get3A_999 = vector.shape_cast %get3A_998 : vector<1x1x1x16xf32> to vector<16xf32>
        %add3A_1000 = arith.addf %add3A_928, %get3A_999 : vector<16xf32>
        %get3A_1001 = arith.constant 0 : i32
        %get3A_1002 = arith.constant 11 : i32
        %get3A_1003 = arith.index_cast %get3A_1001 : i32 to index
        %get3A_1004 = arith.index_cast %scan3A_163 : i32 to index
        %get3A_1005 = arith.index_cast %get3A_1002 : i32 to index
        %get3A_1006 = arith.constant 96 : index
        %get3A_1007 = tpu.vector_load %arg4[%get3A_1003, %get3A_1004, %get3A_1005, %get3A_1006] {strides = array<i32>} : memref<2x8x32x128xf32, #tpu.memory_space<vmem>>, vector<1x1x1x16xf32>,
        %get3A_1008 = vector.shape_cast %get3A_1007 : vector<1x1x1x16xf32> to vector<16xf32>
        %add3A_1009 = arith.addf %add3A_937, %get3A_1008 : vector<16xf32>
        %get3A_1010 = arith.constant 0 : i32
        %get3A_1011 = arith.constant 11 : i32
        %get3A_1012 = arith.index_cast %get3A_1010 : i32 to index
        %get3A_1013 = arith.index_cast %scan3A_163 : i32 to index
        %get3A_1014 = arith.index_cast %get3A_1011 : i32 to index
        %get3A_1015 = arith.constant 112 : index
        %get3A_1016 = tpu.vector_load %arg4[%get3A_1012, %get3A_1013, %get3A_1014, %get3A_1015] {strides = array<i32>} : memref<2x8x32x128xf32, #tpu.memory_space<vmem>>, vector<1x1x1x16xf32>,
        %get3A_1017 = vector.shape_cast %get3A_1016 : vector<1x1x1x16xf32> to vector<16xf32>
        %add3A_1018 = arith.addf %add3A_946, %get3A_1017 : vector<16xf32>
        %get3A_1019 = arith.constant 0 : i32
        %get3A_1020 = arith.constant 12 : i32
        %get3A_1021 = arith.index_cast %get3A_1019 : i32 to index
        %get3A_1022 = arith.index_cast %scan3A_163 : i32 to index
        %get3A_1023 = arith.index_cast %get3A_1020 : i32 to index
        %get3A_1024 = arith.constant 0 : index
        %get3A_1025 = tpu.vector_load %arg4[%get3A_1021, %get3A_1022, %get3A_1023, %get3A_1024] {strides = array<i32>} : memref<2x8x32x128xf32, #tpu.memory_space<vmem>>, vector<1x1x1x16xf32>,
        %get3A_1026 = vector.shape_cast %get3A_1025 : vector<1x1x1x16xf32> to vector<16xf32>
        %add3A_1027 = arith.addf %add3A_955, %get3A_1026 : vector<16xf32>
        %get3A_1028 = arith.constant 0 : i32
        %get3A_1029 = arith.constant 12 : i32
        %get3A_1030 = arith.index_cast %get3A_1028 : i32 to index
        %get3A_1031 = arith.index_cast %scan3A_163 : i32 to index
        %get3A_1032 = arith.index_cast %get3A_1029 : i32 to index
        %get3A_1033 = arith.constant 16 : index
        %get3A_1034 = tpu.vector_load %arg4[%get3A_1030, %get3A_1031, %get3A_1032, %get3A_1033] {strides = array<i32>} : memref<2x8x32x128xf32, #tpu.memory_space<vmem>>, vector<1x1x1x16xf32>,
        %get3A_1035 = vector.shape_cast %get3A_1034 : vector<1x1x1x16xf32> to vector<16xf32>
        %add3A_1036 = arith.addf %add3A_964, %get3A_1035 : vector<16xf32>
        %get3A_1037 = arith.constant 0 : i32
        %get3A_1038 = arith.constant 12 : i32
        %get3A_1039 = arith.index_cast %get3A_1037 : i32 to index
        %get3A_1040 = arith.index_cast %scan3A_163 : i32 to index
        %get3A_1041 = arith.index_cast %get3A_1038 : i32 to index
        %get3A_1042 = arith.constant 32 : index
        %get3A_1043 = tpu.vector_load %arg4[%get3A_1039, %get3A_1040, %get3A_1041, %get3A_1042] {strides = array<i32>} : memref<2x8x32x128xf32, #tpu.memory_space<vmem>>, vector<1x1x1x16xf32>,
        %get3A_1044 = vector.shape_cast %get3A_1043 : vector<1x1x1x16xf32> to vector<16xf32>
        %add3A_1045 = arith.addf %add3A_973, %get3A_1044 : vector<16xf32>
        %get3A_1046 = arith.constant 0 : i32
        %get3A_1047 = arith.constant 12 : i32
        %get3A_1048 = arith.index_cast %get3A_1046 : i32 to index
        %get3A_1049 = arith.index_cast %scan3A_163 : i32 to index
        %get3A_1050 = arith.index_cast %get3A_1047 : i32 to index
        %get3A_1051 = arith.constant 48 : index
        %get3A_1052 = tpu.vector_load %arg4[%get3A_1048, %get3A_1049, %get3A_1050, %get3A_1051] {strides = array<i32>} : memref<2x8x32x128xf32, #tpu.memory_space<vmem>>, vector<1x1x1x16xf32>,
        %get3A_1053 = vector.shape_cast %get3A_1052 : vector<1x1x1x16xf32> to vector<16xf32>
        %add3A_1054 = arith.addf %add3A_982, %get3A_1053 : vector<16xf32>
        %get3A_1055 = arith.constant 0 : i32
        %get3A_1056 = arith.constant 12 : i32
        %get3A_1057 = arith.index_cast %get3A_1055 : i32 to index
        %get3A_1058 = arith.index_cast %scan3A_163 : i32 to index
        %get3A_1059 = arith.index_cast %get3A_1056 : i32 to index
        %get3A_1060 = arith.constant 64 : index
        %get3A_1061 = tpu.vector_load %arg4[%get3A_1057, %get3A_1058, %get3A_1059, %get3A_1060] {strides = array<i32>} : memref<2x8x32x128xf32, #tpu.memory_space<vmem>>, vector<1x1x1x16xf32>,
        %get3A_1062 = vector.shape_cast %get3A_1061 : vector<1x1x1x16xf32> to vector<16xf32>
        %add3A_1063 = arith.addf %add3A_991, %get3A_1062 : vector<16xf32>
        %get3A_1064 = arith.constant 0 : i32
        %get3A_1065 = arith.constant 12 : i32
        %get3A_1066 = arith.index_cast %get3A_1064 : i32 to index
        %get3A_1067 = arith.index_cast %scan3A_163 : i32 to index
        %get3A_1068 = arith.index_cast %get3A_1065 : i32 to index
        %get3A_1069 = arith.constant 80 : index
        %get3A_1070 = tpu.vector_load %arg4[%get3A_1066, %get3A_1067, %get3A_1068, %get3A_1069] {strides = array<i32>} : memref<2x8x32x128xf32, #tpu.memory_space<vmem>>, vector<1x1x1x16xf32>,
        %get3A_1071 = vector.shape_cast %get3A_1070 : vector<1x1x1x16xf32> to vector<16xf32>
        %add3A_1072 = arith.addf %add3A_1000, %get3A_1071 : vector<16xf32>
        %get3A_1073 = arith.constant 0 : i32
        %get3A_1074 = arith.constant 12 : i32
        %get3A_1075 = arith.index_cast %get3A_1073 : i32 to index
        %get3A_1076 = arith.index_cast %scan3A_163 : i32 to index
        %get3A_1077 = arith.index_cast %get3A_1074 : i32 to index
        %get3A_1078 = arith.constant 96 : index
        %get3A_1079 = tpu.vector_load %arg4[%get3A_1075, %get3A_1076, %get3A_1077, %get3A_1078] {strides = array<i32>} : memref<2x8x32x128xf32, #tpu.memory_space<vmem>>, vector<1x1x1x16xf32>,
        %get3A_1080 = vector.shape_cast %get3A_1079 : vector<1x1x1x16xf32> to vector<16xf32>
        %add3A_1081 = arith.addf %add3A_1009, %get3A_1080 : vector<16xf32>
        %get3A_1082 = arith.constant 0 : i32
        %get3A_1083 = arith.constant 12 : i32
        %get3A_1084 = arith.index_cast %get3A_1082 : i32 to index
        %get3A_1085 = arith.index_cast %scan3A_163 : i32 to index
        %get3A_1086 = arith.index_cast %get3A_1083 : i32 to index
        %get3A_1087 = arith.constant 112 : index
        %get3A_1088 = tpu.vector_load %arg4[%get3A_1084, %get3A_1085, %get3A_1086, %get3A_1087] {strides = array<i32>} : memref<2x8x32x128xf32, #tpu.memory_space<vmem>>, vector<1x1x1x16xf32>,
        %get3A_1089 = vector.shape_cast %get3A_1088 : vector<1x1x1x16xf32> to vector<16xf32>
        %add3A_1090 = arith.addf %add3A_1018, %get3A_1089 : vector<16xf32>
        %get3A_1091 = arith.constant 0 : i32
        %get3A_1092 = arith.constant 13 : i32
        %get3A_1093 = arith.index_cast %get3A_1091 : i32 to index
        %get3A_1094 = arith.index_cast %scan3A_163 : i32 to index
        %get3A_1095 = arith.index_cast %get3A_1092 : i32 to index
        %get3A_1096 = arith.constant 0 : index
        %get3A_1097 = tpu.vector_load %arg4[%get3A_1093, %get3A_1094, %get3A_1095, %get3A_1096] {strides = array<i32>} : memref<2x8x32x128xf32, #tpu.memory_space<vmem>>, vector<1x1x1x16xf32>,
        %get3A_1098 = vector.shape_cast %get3A_1097 : vector<1x1x1x16xf32> to vector<16xf32>
        %add3A_1099 = arith.addf %add3A_1027, %get3A_1098 : vector<16xf32>
        %get3A_1100 = arith.constant 0 : i32
        %get3A_1101 = arith.constant 13 : i32
        %get3A_1102 = arith.index_cast %get3A_1100 : i32 to index
        %get3A_1103 = arith.index_cast %scan3A_163 : i32 to index
        %get3A_1104 = arith.index_cast %get3A_1101 : i32 to index
        %get3A_1105 = arith.constant 16 : index
        %get3A_1106 = tpu.vector_load %arg4[%get3A_1102, %get3A_1103, %get3A_1104, %get3A_1105] {strides = array<i32>} : memref<2x8x32x128xf32, #tpu.memory_space<vmem>>, vector<1x1x1x16xf32>,
        %get3A_1107 = vector.shape_cast %get3A_1106 : vector<1x1x1x16xf32> to vector<16xf32>
        %add3A_1108 = arith.addf %add3A_1036, %get3A_1107 : vector<16xf32>
        %get3A_1109 = arith.constant 0 : i32
        %get3A_1110 = arith.constant 13 : i32
        %get3A_1111 = arith.index_cast %get3A_1109 : i32 to index
        %get3A_1112 = arith.index_cast %scan3A_163 : i32 to index
        %get3A_1113 = arith.index_cast %get3A_1110 : i32 to index
        %get3A_1114 = arith.constant 32 : index
        %get3A_1115 = tpu.vector_load %arg4[%get3A_1111, %get3A_1112, %get3A_1113, %get3A_1114] {strides = array<i32>} : memref<2x8x32x128xf32, #tpu.memory_space<vmem>>, vector<1x1x1x16xf32>,
        %get3A_1116 = vector.shape_cast %get3A_1115 : vector<1x1x1x16xf32> to vector<16xf32>
        %add3A_1117 = arith.addf %add3A_1045, %get3A_1116 : vector<16xf32>
        %get3A_1118 = arith.constant 0 : i32
        %get3A_1119 = arith.constant 13 : i32
        %get3A_1120 = arith.index_cast %get3A_1118 : i32 to index
        %get3A_1121 = arith.index_cast %scan3A_163 : i32 to index
        %get3A_1122 = arith.index_cast %get3A_1119 : i32 to index
        %get3A_1123 = arith.constant 48 : index
        %get3A_1124 = tpu.vector_load %arg4[%get3A_1120, %get3A_1121, %get3A_1122, %get3A_1123] {strides = array<i32>} : memref<2x8x32x128xf32, #tpu.memory_space<vmem>>, vector<1x1x1x16xf32>,
        %get3A_1125 = vector.shape_cast %get3A_1124 : vector<1x1x1x16xf32> to vector<16xf32>
        %add3A_1126 = arith.addf %add3A_1054, %get3A_1125 : vector<16xf32>
        %get3A_1127 = arith.constant 0 : i32
        %get3A_1128 = arith.constant 13 : i32
        %get3A_1129 = arith.index_cast %get3A_1127 : i32 to index
        %get3A_1130 = arith.index_cast %scan3A_163 : i32 to index
        %get3A_1131 = arith.index_cast %get3A_1128 : i32 to index
        %get3A_1132 = arith.constant 64 : index
        %get3A_1133 = tpu.vector_load %arg4[%get3A_1129, %get3A_1130, %get3A_1131, %get3A_1132] {strides = array<i32>} : memref<2x8x32x128xf32, #tpu.memory_space<vmem>>, vector<1x1x1x16xf32>,
        %get3A_1134 = vector.shape_cast %get3A_1133 : vector<1x1x1x16xf32> to vector<16xf32>
        %add3A_1135 = arith.addf %add3A_1063, %get3A_1134 : vector<16xf32>
        %get3A_1136 = arith.constant 0 : i32
        %get3A_1137 = arith.constant 13 : i32
        %get3A_1138 = arith.index_cast %get3A_1136 : i32 to index
        %get3A_1139 = arith.index_cast %scan3A_163 : i32 to index
        %get3A_1140 = arith.index_cast %get3A_1137 : i32 to index
        %get3A_1141 = arith.constant 80 : index
        %get3A_1142 = tpu.vector_load %arg4[%get3A_1138, %get3A_1139, %get3A_1140, %get3A_1141] {strides = array<i32>} : memref<2x8x32x128xf32, #tpu.memory_space<vmem>>, vector<1x1x1x16xf32>,
        %get3A_1143 = vector.shape_cast %get3A_1142 : vector<1x1x1x16xf32> to vector<16xf32>
        %add3A_1144 = arith.addf %add3A_1072, %get3A_1143 : vector<16xf32>
        %get3A_1145 = arith.constant 0 : i32
        %get3A_1146 = arith.constant 13 : i32
        %get3A_1147 = arith.index_cast %get3A_1145 : i32 to index
        %get3A_1148 = arith.index_cast %scan3A_163 : i32 to index
        %get3A_1149 = arith.index_cast %get3A_1146 : i32 to index
        %get3A_1150 = arith.constant 96 : index
        %get3A_1151 = tpu.vector_load %arg4[%get3A_1147, %get3A_1148, %get3A_1149, %get3A_1150] {strides = array<i32>} : memref<2x8x32x128xf32, #tpu.memory_space<vmem>>, vector<1x1x1x16xf32>,
        %get3A_1152 = vector.shape_cast %get3A_1151 : vector<1x1x1x16xf32> to vector<16xf32>
        %add3A_1153 = arith.addf %add3A_1081, %get3A_1152 : vector<16xf32>
        %get3A_1154 = arith.constant 0 : i32
        %get3A_1155 = arith.constant 13 : i32
        %get3A_1156 = arith.index_cast %get3A_1154 : i32 to index
        %get3A_1157 = arith.index_cast %scan3A_163 : i32 to index
        %get3A_1158 = arith.index_cast %get3A_1155 : i32 to index
        %get3A_1159 = arith.constant 112 : index
        %get3A_1160 = tpu.vector_load %arg4[%get3A_1156, %get3A_1157, %get3A_1158, %get3A_1159] {strides = array<i32>} : memref<2x8x32x128xf32, #tpu.memory_space<vmem>>, vector<1x1x1x16xf32>,
        %get3A_1161 = vector.shape_cast %get3A_1160 : vector<1x1x1x16xf32> to vector<16xf32>
        %add3A_1162 = arith.addf %add3A_1090, %get3A_1161 : vector<16xf32>
        %get3A_1163 = arith.constant 0 : i32
        %get3A_1164 = arith.constant 14 : i32
        %get3A_1165 = arith.index_cast %get3A_1163 : i32 to index
        %get3A_1166 = arith.index_cast %scan3A_163 : i32 to index
        %get3A_1167 = arith.index_cast %get3A_1164 : i32 to index
        %get3A_1168 = arith.constant 0 : index
        %get3A_1169 = tpu.vector_load %arg4[%get3A_1165, %get3A_1166, %get3A_1167, %get3A_1168] {strides = array<i32>} : memref<2x8x32x128xf32, #tpu.memory_space<vmem>>, vector<1x1x1x16xf32>,
        %get3A_1170 = vector.shape_cast %get3A_1169 : vector<1x1x1x16xf32> to vector<16xf32>
        %add3A_1171 = arith.addf %add3A_1099, %get3A_1170 : vector<16xf32>
        %get3A_1172 = arith.constant 0 : i32
        %get3A_1173 = arith.constant 14 : i32
        %get3A_1174 = arith.index_cast %get3A_1172 : i32 to index
        %get3A_1175 = arith.index_cast %scan3A_163 : i32 to index
        %get3A_1176 = arith.index_cast %get3A_1173 : i32 to index
        %get3A_1177 = arith.constant 16 : index
        %get3A_1178 = tpu.vector_load %arg4[%get3A_1174, %get3A_1175, %get3A_1176, %get3A_1177] {strides = array<i32>} : memref<2x8x32x128xf32, #tpu.memory_space<vmem>>, vector<1x1x1x16xf32>,
        %get3A_1179 = vector.shape_cast %get3A_1178 : vector<1x1x1x16xf32> to vector<16xf32>
        %add3A_1180 = arith.addf %add3A_1108, %get3A_1179 : vector<16xf32>
        %get3A_1181 = arith.constant 0 : i32
        %get3A_1182 = arith.constant 14 : i32
        %get3A_1183 = arith.index_cast %get3A_1181 : i32 to index
        %get3A_1184 = arith.index_cast %scan3A_163 : i32 to index
        %get3A_1185 = arith.index_cast %get3A_1182 : i32 to index
        %get3A_1186 = arith.constant 32 : index
        %get3A_1187 = tpu.vector_load %arg4[%get3A_1183, %get3A_1184, %get3A_1185, %get3A_1186] {strides = array<i32>} : memref<2x8x32x128xf32, #tpu.memory_space<vmem>>, vector<1x1x1x16xf32>,
        %get3A_1188 = vector.shape_cast %get3A_1187 : vector<1x1x1x16xf32> to vector<16xf32>
        %add3A_1189 = arith.addf %add3A_1117, %get3A_1188 : vector<16xf32>
        %get3A_1190 = arith.constant 0 : i32
        %get3A_1191 = arith.constant 14 : i32
        %get3A_1192 = arith.index_cast %get3A_1190 : i32 to index
        %get3A_1193 = arith.index_cast %scan3A_163 : i32 to index
        %get3A_1194 = arith.index_cast %get3A_1191 : i32 to index
        %get3A_1195 = arith.constant 48 : index
        %get3A_1196 = tpu.vector_load %arg4[%get3A_1192, %get3A_1193, %get3A_1194, %get3A_1195] {strides = array<i32>} : memref<2x8x32x128xf32, #tpu.memory_space<vmem>>, vector<1x1x1x16xf32>,
        %get3A_1197 = vector.shape_cast %get3A_1196 : vector<1x1x1x16xf32> to vector<16xf32>
        %add3A_1198 = arith.addf %add3A_1126, %get3A_1197 : vector<16xf32>
        %get3A_1199 = arith.constant 0 : i32
        %get3A_1200 = arith.constant 14 : i32
        %get3A_1201 = arith.index_cast %get3A_1199 : i32 to index
        %get3A_1202 = arith.index_cast %scan3A_163 : i32 to index
        %get3A_1203 = arith.index_cast %get3A_1200 : i32 to index
        %get3A_1204 = arith.constant 64 : index
        %get3A_1205 = tpu.vector_load %arg4[%get3A_1201, %get3A_1202, %get3A_1203, %get3A_1204] {strides = array<i32>} : memref<2x8x32x128xf32, #tpu.memory_space<vmem>>, vector<1x1x1x16xf32>,
        %get3A_1206 = vector.shape_cast %get3A_1205 : vector<1x1x1x16xf32> to vector<16xf32>
        %add3A_1207 = arith.addf %add3A_1135, %get3A_1206 : vector<16xf32>
        %get3A_1208 = arith.constant 0 : i32
        %get3A_1209 = arith.constant 14 : i32
        %get3A_1210 = arith.index_cast %get3A_1208 : i32 to index
        %get3A_1211 = arith.index_cast %scan3A_163 : i32 to index
        %get3A_1212 = arith.index_cast %get3A_1209 : i32 to index
        %get3A_1213 = arith.constant 80 : index
        %get3A_1214 = tpu.vector_load %arg4[%get3A_1210, %get3A_1211, %get3A_1212, %get3A_1213] {strides = array<i32>} : memref<2x8x32x128xf32, #tpu.memory_space<vmem>>, vector<1x1x1x16xf32>,
        %get3A_1215 = vector.shape_cast %get3A_1214 : vector<1x1x1x16xf32> to vector<16xf32>
        %add3A_1216 = arith.addf %add3A_1144, %get3A_1215 : vector<16xf32>
        %get3A_1217 = arith.constant 0 : i32
        %get3A_1218 = arith.constant 14 : i32
        %get3A_1219 = arith.index_cast %get3A_1217 : i32 to index
        %get3A_1220 = arith.index_cast %scan3A_163 : i32 to index
        %get3A_1221 = arith.index_cast %get3A_1218 : i32 to index
        %get3A_1222 = arith.constant 96 : index
        %get3A_1223 = tpu.vector_load %arg4[%get3A_1219, %get3A_1220, %get3A_1221, %get3A_1222] {strides = array<i32>} : memref<2x8x32x128xf32, #tpu.memory_space<vmem>>, vector<1x1x1x16xf32>,
        %get3A_1224 = vector.shape_cast %get3A_1223 : vector<1x1x1x16xf32> to vector<16xf32>
        %add3A_1225 = arith.addf %add3A_1153, %get3A_1224 : vector<16xf32>
        %get3A_1226 = arith.constant 0 : i32
        %get3A_1227 = arith.constant 14 : i32
        %get3A_1228 = arith.index_cast %get3A_1226 : i32 to index
        %get3A_1229 = arith.index_cast %scan3A_163 : i32 to index
        %get3A_1230 = arith.index_cast %get3A_1227 : i32 to index
        %get3A_1231 = arith.constant 112 : index
        %get3A_1232 = tpu.vector_load %arg4[%get3A_1228, %get3A_1229, %get3A_1230, %get3A_1231] {strides = array<i32>} : memref<2x8x32x128xf32, #tpu.memory_space<vmem>>, vector<1x1x1x16xf32>,
        %get3A_1233 = vector.shape_cast %get3A_1232 : vector<1x1x1x16xf32> to vector<16xf32>
        %add3A_1234 = arith.addf %add3A_1162, %get3A_1233 : vector<16xf32>
        %get3A_1235 = arith.constant 0 : i32
        %get3A_1236 = arith.constant 15 : i32
        %get3A_1237 = arith.index_cast %get3A_1235 : i32 to index
        %get3A_1238 = arith.index_cast %scan3A_163 : i32 to index
        %get3A_1239 = arith.index_cast %get3A_1236 : i32 to index
        %get3A_1240 = arith.constant 0 : index
        %get3A_1241 = tpu.vector_load %arg4[%get3A_1237, %get3A_1238, %get3A_1239, %get3A_1240] {strides = array<i32>} : memref<2x8x32x128xf32, #tpu.memory_space<vmem>>, vector<1x1x1x16xf32>,
        %get3A_1242 = vector.shape_cast %get3A_1241 : vector<1x1x1x16xf32> to vector<16xf32>
        %add3A_1243 = arith.addf %add3A_1171, %get3A_1242 : vector<16xf32>
        %get3A_1244 = arith.constant 0 : i32
        %get3A_1245 = arith.constant 15 : i32
        %get3A_1246 = arith.index_cast %get3A_1244 : i32 to index
        %get3A_1247 = arith.index_cast %scan3A_163 : i32 to index
        %get3A_1248 = arith.index_cast %get3A_1245 : i32 to index
        %get3A_1249 = arith.constant 16 : index
        %get3A_1250 = tpu.vector_load %arg4[%get3A_1246, %get3A_1247, %get3A_1248, %get3A_1249] {strides = array<i32>} : memref<2x8x32x128xf32, #tpu.memory_space<vmem>>, vector<1x1x1x16xf32>,
        %get3A_1251 = vector.shape_cast %get3A_1250 : vector<1x1x1x16xf32> to vector<16xf32>
        %add3A_1252 = arith.addf %add3A_1180, %get3A_1251 : vector<16xf32>
        %get3A_1253 = arith.constant 0 : i32
        %get3A_1254 = arith.constant 15 : i32
        %get3A_1255 = arith.index_cast %get3A_1253 : i32 to index
        %get3A_1256 = arith.index_cast %scan3A_163 : i32 to index
        %get3A_1257 = arith.index_cast %get3A_1254 : i32 to index
        %get3A_1258 = arith.constant 32 : index
        %get3A_1259 = tpu.vector_load %arg4[%get3A_1255, %get3A_1256, %get3A_1257, %get3A_1258] {strides = array<i32>} : memref<2x8x32x128xf32, #tpu.memory_space<vmem>>, vector<1x1x1x16xf32>,
        %get3A_1260 = vector.shape_cast %get3A_1259 : vector<1x1x1x16xf32> to vector<16xf32>
        %add3A_1261 = arith.addf %add3A_1189, %get3A_1260 : vector<16xf32>
        %get3A_1262 = arith.constant 0 : i32
        %get3A_1263 = arith.constant 15 : i32
        %get3A_1264 = arith.index_cast %get3A_1262 : i32 to index
        %get3A_1265 = arith.index_cast %scan3A_163 : i32 to index
        %get3A_1266 = arith.index_cast %get3A_1263 : i32 to index
        %get3A_1267 = arith.constant 48 : index
        %get3A_1268 = tpu.vector_load %arg4[%get3A_1264, %get3A_1265, %get3A_1266, %get3A_1267] {strides = array<i32>} : memref<2x8x32x128xf32, #tpu.memory_space<vmem>>, vector<1x1x1x16xf32>,
        %get3A_1269 = vector.shape_cast %get3A_1268 : vector<1x1x1x16xf32> to vector<16xf32>
        %add3A_1270 = arith.addf %add3A_1198, %get3A_1269 : vector<16xf32>
        %get3A_1271 = arith.constant 0 : i32
        %get3A_1272 = arith.constant 15 : i32
        %get3A_1273 = arith.index_cast %get3A_1271 : i32 to index
        %get3A_1274 = arith.index_cast %scan3A_163 : i32 to index
        %get3A_1275 = arith.index_cast %get3A_1272 : i32 to index
        %get3A_1276 = arith.constant 64 : index
        %get3A_1277 = tpu.vector_load %arg4[%get3A_1273, %get3A_1274, %get3A_1275, %get3A_1276] {strides = array<i32>} : memref<2x8x32x128xf32, #tpu.memory_space<vmem>>, vector<1x1x1x16xf32>,
        %get3A_1278 = vector.shape_cast %get3A_1277 : vector<1x1x1x16xf32> to vector<16xf32>
        %add3A_1279 = arith.addf %add3A_1207, %get3A_1278 : vector<16xf32>
        %get3A_1280 = arith.constant 0 : i32
        %get3A_1281 = arith.constant 15 : i32
        %get3A_1282 = arith.index_cast %get3A_1280 : i32 to index
        %get3A_1283 = arith.index_cast %scan3A_163 : i32 to index
        %get3A_1284 = arith.index_cast %get3A_1281 : i32 to index
        %get3A_1285 = arith.constant 80 : index
        %get3A_1286 = tpu.vector_load %arg4[%get3A_1282, %get3A_1283, %get3A_1284, %get3A_1285] {strides = array<i32>} : memref<2x8x32x128xf32, #tpu.memory_space<vmem>>, vector<1x1x1x16xf32>,
        %get3A_1287 = vector.shape_cast %get3A_1286 : vector<1x1x1x16xf32> to vector<16xf32>
        %add3A_1288 = arith.addf %add3A_1216, %get3A_1287 : vector<16xf32>
        %get3A_1289 = arith.constant 0 : i32
        %get3A_1290 = arith.constant 15 : i32
        %get3A_1291 = arith.index_cast %get3A_1289 : i32 to index
        %get3A_1292 = arith.index_cast %scan3A_163 : i32 to index
        %get3A_1293 = arith.index_cast %get3A_1290 : i32 to index
        %get3A_1294 = arith.constant 96 : index
        %get3A_1295 = tpu.vector_load %arg4[%get3A_1291, %get3A_1292, %get3A_1293, %get3A_1294] {strides = array<i32>} : memref<2x8x32x128xf32, #tpu.memory_space<vmem>>, vector<1x1x1x16xf32>,
        %get3A_1296 = vector.shape_cast %get3A_1295 : vector<1x1x1x16xf32> to vector<16xf32>
        %add3A_1297 = arith.addf %add3A_1225, %get3A_1296 : vector<16xf32>
        %get3A_1298 = arith.constant 0 : i32
        %get3A_1299 = arith.constant 15 : i32
        %get3A_1300 = arith.index_cast %get3A_1298 : i32 to index
        %get3A_1301 = arith.index_cast %scan3A_163 : i32 to index
        %get3A_1302 = arith.index_cast %get3A_1299 : i32 to index
        %get3A_1303 = arith.constant 112 : index
        %get3A_1304 = tpu.vector_load %arg4[%get3A_1300, %get3A_1301, %get3A_1302, %get3A_1303] {strides = array<i32>} : memref<2x8x32x128xf32, #tpu.memory_space<vmem>>, vector<1x1x1x16xf32>,
        %get3A_1305 = vector.shape_cast %get3A_1304 : vector<1x1x1x16xf32> to vector<16xf32>
        %add3A_1306 = arith.addf %add3A_1234, %get3A_1305 : vector<16xf32>
        %get3A_1307 = arith.constant 0 : i32
        %get3A_1308 = arith.constant 16 : i32
        %get3A_1309 = arith.index_cast %get3A_1307 : i32 to index
        %get3A_1310 = arith.index_cast %scan3A_163 : i32 to index
        %get3A_1311 = arith.index_cast %get3A_1308 : i32 to index
        %get3A_1312 = arith.constant 0 : index
        %get3A_1313 = tpu.vector_load %arg4[%get3A_1309, %get3A_1310, %get3A_1311, %get3A_1312] {strides = array<i32>} : memref<2x8x32x128xf32, #tpu.memory_space<vmem>>, vector<1x1x1x16xf32>,
        %get3A_1314 = vector.shape_cast %get3A_1313 : vector<1x1x1x16xf32> to vector<16xf32>
        %add3A_1315 = arith.addf %add3A_1243, %get3A_1314 : vector<16xf32>
        %get3A_1316 = arith.constant 0 : i32
        %get3A_1317 = arith.constant 16 : i32
        %get3A_1318 = arith.index_cast %get3A_1316 : i32 to index
        %get3A_1319 = arith.index_cast %scan3A_163 : i32 to index
        %get3A_1320 = arith.index_cast %get3A_1317 : i32 to index
        %get3A_1321 = arith.constant 16 : index
        %get3A_1322 = tpu.vector_load %arg4[%get3A_1318, %get3A_1319, %get3A_1320, %get3A_1321] {strides = array<i32>} : memref<2x8x32x128xf32, #tpu.memory_space<vmem>>, vector<1x1x1x16xf32>,
        %get3A_1323 = vector.shape_cast %get3A_1322 : vector<1x1x1x16xf32> to vector<16xf32>
        %add3A_1324 = arith.addf %add3A_1252, %get3A_1323 : vector<16xf32>
        %get3A_1325 = arith.constant 0 : i32
        %get3A_1326 = arith.constant 16 : i32
        %get3A_1327 = arith.index_cast %get3A_1325 : i32 to index
        %get3A_1328 = arith.index_cast %scan3A_163 : i32 to index
        %get3A_1329 = arith.index_cast %get3A_1326 : i32 to index
        %get3A_1330 = arith.constant 32 : index
        %get3A_1331 = tpu.vector_load %arg4[%get3A_1327, %get3A_1328, %get3A_1329, %get3A_1330] {strides = array<i32>} : memref<2x8x32x128xf32, #tpu.memory_space<vmem>>, vector<1x1x1x16xf32>,
        %get3A_1332 = vector.shape_cast %get3A_1331 : vector<1x1x1x16xf32> to vector<16xf32>
        %add3A_1333 = arith.addf %add3A_1261, %get3A_1332 : vector<16xf32>
        %get3A_1334 = arith.constant 0 : i32
        %get3A_1335 = arith.constant 16 : i32
        %get3A_1336 = arith.index_cast %get3A_1334 : i32 to index
        %get3A_1337 = arith.index_cast %scan3A_163 : i32 to index
        %get3A_1338 = arith.index_cast %get3A_1335 : i32 to index
        %get3A_1339 = arith.constant 48 : index
        %get3A_1340 = tpu.vector_load %arg4[%get3A_1336, %get3A_1337, %get3A_1338, %get3A_1339] {strides = array<i32>} : memref<2x8x32x128xf32, #tpu.memory_space<vmem>>, vector<1x1x1x16xf32>,
        %get3A_1341 = vector.shape_cast %get3A_1340 : vector<1x1x1x16xf32> to vector<16xf32>
        %add3A_1342 = arith.addf %add3A_1270, %get3A_1341 : vector<16xf32>
        %get3A_1343 = arith.constant 0 : i32
        %get3A_1344 = arith.constant 16 : i32
        %get3A_1345 = arith.index_cast %get3A_1343 : i32 to index
        %get3A_1346 = arith.index_cast %scan3A_163 : i32 to index
        %get3A_1347 = arith.index_cast %get3A_1344 : i32 to index
        %get3A_1348 = arith.constant 64 : index
        %get3A_1349 = tpu.vector_load %arg4[%get3A_1345, %get3A_1346, %get3A_1347, %get3A_1348] {strides = array<i32>} : memref<2x8x32x128xf32, #tpu.memory_space<vmem>>, vector<1x1x1x16xf32>,
        %get3A_1350 = vector.shape_cast %get3A_1349 : vector<1x1x1x16xf32> to vector<16xf32>
        %add3A_1351 = arith.addf %add3A_1279, %get3A_1350 : vector<16xf32>
        %get3A_1352 = arith.constant 0 : i32
        %get3A_1353 = arith.constant 16 : i32
        %get3A_1354 = arith.index_cast %get3A_1352 : i32 to index
        %get3A_1355 = arith.index_cast %scan3A_163 : i32 to index
        %get3A_1356 = arith.index_cast %get3A_1353 : i32 to index
        %get3A_1357 = arith.constant 80 : index
        %get3A_1358 = tpu.vector_load %arg4[%get3A_1354, %get3A_1355, %get3A_1356, %get3A_1357] {strides = array<i32>} : memref<2x8x32x128xf32, #tpu.memory_space<vmem>>, vector<1x1x1x16xf32>,
        %get3A_1359 = vector.shape_cast %get3A_1358 : vector<1x1x1x16xf32> to vector<16xf32>
        %add3A_1360 = arith.addf %add3A_1288, %get3A_1359 : vector<16xf32>
        %get3A_1361 = arith.constant 0 : i32
        %get3A_1362 = arith.constant 16 : i32
        %get3A_1363 = arith.index_cast %get3A_1361 : i32 to index
        %get3A_1364 = arith.index_cast %scan3A_163 : i32 to index
        %get3A_1365 = arith.index_cast %get3A_1362 : i32 to index
        %get3A_1366 = arith.constant 96 : index
        %get3A_1367 = tpu.vector_load %arg4[%get3A_1363, %get3A_1364, %get3A_1365, %get3A_1366] {strides = array<i32>} : memref<2x8x32x128xf32, #tpu.memory_space<vmem>>, vector<1x1x1x16xf32>,
        %get3A_1368 = vector.shape_cast %get3A_1367 : vector<1x1x1x16xf32> to vector<16xf32>
        %add3A_1369 = arith.addf %add3A_1297, %get3A_1368 : vector<16xf32>
        %get3A_1370 = arith.constant 0 : i32
        %get3A_1371 = arith.constant 16 : i32
        %get3A_1372 = arith.index_cast %get3A_1370 : i32 to index
        %get3A_1373 = arith.index_cast %scan3A_163 : i32 to index
        %get3A_1374 = arith.index_cast %get3A_1371 : i32 to index
        %get3A_1375 = arith.constant 112 : index
        %get3A_1376 = tpu.vector_load %arg4[%get3A_1372, %get3A_1373, %get3A_1374, %get3A_1375] {strides = array<i32>} : memref<2x8x32x128xf32, #tpu.memory_space<vmem>>, vector<1x1x1x16xf32>,
        %get3A_1377 = vector.shape_cast %get3A_1376 : vector<1x1x1x16xf32> to vector<16xf32>
        %add3A_1378 = arith.addf %add3A_1306, %get3A_1377 : vector<16xf32>
        %get3A_1379 = arith.constant 0 : i32
        %get3A_1380 = arith.constant 17 : i32
        %get3A_1381 = arith.index_cast %get3A_1379 : i32 to index
        %get3A_1382 = arith.index_cast %scan3A_163 : i32 to index
        %get3A_1383 = arith.index_cast %get3A_1380 : i32 to index
        %get3A_1384 = arith.constant 0 : index
        %get3A_1385 = tpu.vector_load %arg4[%get3A_1381, %get3A_1382, %get3A_1383, %get3A_1384] {strides = array<i32>} : memref<2x8x32x128xf32, #tpu.memory_space<vmem>>, vector<1x1x1x16xf32>,
        %get3A_1386 = vector.shape_cast %get3A_1385 : vector<1x1x1x16xf32> to vector<16xf32>
        %add3A_1387 = arith.addf %add3A_1315, %get3A_1386 : vector<16xf32>
        %get3A_1388 = arith.constant 0 : i32
        %get3A_1389 = arith.constant 17 : i32
        %get3A_1390 = arith.index_cast %get3A_1388 : i32 to index
        %get3A_1391 = arith.index_cast %scan3A_163 : i32 to index
        %get3A_1392 = arith.index_cast %get3A_1389 : i32 to index
        %get3A_1393 = arith.constant 16 : index
        %get3A_1394 = tpu.vector_load %arg4[%get3A_1390, %get3A_1391, %get3A_1392, %get3A_1393] {strides = array<i32>} : memref<2x8x32x128xf32, #tpu.memory_space<vmem>>, vector<1x1x1x16xf32>,
        %get3A_1395 = vector.shape_cast %get3A_1394 : vector<1x1x1x16xf32> to vector<16xf32>
        %add3A_1396 = arith.addf %add3A_1324, %get3A_1395 : vector<16xf32>
        %get3A_1397 = arith.constant 0 : i32
        %get3A_1398 = arith.constant 17 : i32
        %get3A_1399 = arith.index_cast %get3A_1397 : i32 to index
        %get3A_1400 = arith.index_cast %scan3A_163 : i32 to index
        %get3A_1401 = arith.index_cast %get3A_1398 : i32 to index
        %get3A_1402 = arith.constant 32 : index
        %get3A_1403 = tpu.vector_load %arg4[%get3A_1399, %get3A_1400, %get3A_1401, %get3A_1402] {strides = array<i32>} : memref<2x8x32x128xf32, #tpu.memory_space<vmem>>, vector<1x1x1x16xf32>,
        %get3A_1404 = vector.shape_cast %get3A_1403 : vector<1x1x1x16xf32> to vector<16xf32>
        %add3A_1405 = arith.addf %add3A_1333, %get3A_1404 : vector<16xf32>
        %get3A_1406 = arith.constant 0 : i32
        %get3A_1407 = arith.constant 17 : i32
        %get3A_1408 = arith.index_cast %get3A_1406 : i32 to index
        %get3A_1409 = arith.index_cast %scan3A_163 : i32 to index
        %get3A_1410 = arith.index_cast %get3A_1407 : i32 to index
        %get3A_1411 = arith.constant 48 : index
        %get3A_1412 = tpu.vector_load %arg4[%get3A_1408, %get3A_1409, %get3A_1410, %get3A_1411] {strides = array<i32>} : memref<2x8x32x128xf32, #tpu.memory_space<vmem>>, vector<1x1x1x16xf32>,
        %get3A_1413 = vector.shape_cast %get3A_1412 : vector<1x1x1x16xf32> to vector<16xf32>
        %add3A_1414 = arith.addf %add3A_1342, %get3A_1413 : vector<16xf32>
        %get3A_1415 = arith.constant 0 : i32
        %get3A_1416 = arith.constant 17 : i32
        %get3A_1417 = arith.index_cast %get3A_1415 : i32 to index
        %get3A_1418 = arith.index_cast %scan3A_163 : i32 to index
        %get3A_1419 = arith.index_cast %get3A_1416 : i32 to index
        %get3A_1420 = arith.constant 64 : index
        %get3A_1421 = tpu.vector_load %arg4[%get3A_1417, %get3A_1418, %get3A_1419, %get3A_1420] {strides = array<i32>} : memref<2x8x32x128xf32, #tpu.memory_space<vmem>>, vector<1x1x1x16xf32>,
        %get3A_1422 = vector.shape_cast %get3A_1421 : vector<1x1x1x16xf32> to vector<16xf32>
        %add3A_1423 = arith.addf %add3A_1351, %get3A_1422 : vector<16xf32>
        %get3A_1424 = arith.constant 0 : i32
        %get3A_1425 = arith.constant 17 : i32
        %get3A_1426 = arith.index_cast %get3A_1424 : i32 to index
        %get3A_1427 = arith.index_cast %scan3A_163 : i32 to index
        %get3A_1428 = arith.index_cast %get3A_1425 : i32 to index
        %get3A_1429 = arith.constant 80 : index
        %get3A_1430 = tpu.vector_load %arg4[%get3A_1426, %get3A_1427, %get3A_1428, %get3A_1429] {strides = array<i32>} : memref<2x8x32x128xf32, #tpu.memory_space<vmem>>, vector<1x1x1x16xf32>,
        %get3A_1431 = vector.shape_cast %get3A_1430 : vector<1x1x1x16xf32> to vector<16xf32>
        %add3A_1432 = arith.addf %add3A_1360, %get3A_1431 : vector<16xf32>
        %get3A_1433 = arith.constant 0 : i32
        %get3A_1434 = arith.constant 17 : i32
        %get3A_1435 = arith.index_cast %get3A_1433 : i32 to index
        %get3A_1436 = arith.index_cast %scan3A_163 : i32 to index
        %get3A_1437 = arith.index_cast %get3A_1434 : i32 to index
        %get3A_1438 = arith.constant 96 : index
        %get3A_1439 = tpu.vector_load %arg4[%get3A_1435, %get3A_1436, %get3A_1437, %get3A_1438] {strides = array<i32>} : memref<2x8x32x128xf32, #tpu.memory_space<vmem>>, vector<1x1x1x16xf32>,
        %get3A_1440 = vector.shape_cast %get3A_1439 : vector<1x1x1x16xf32> to vector<16xf32>
        %add3A_1441 = arith.addf %add3A_1369, %get3A_1440 : vector<16xf32>
        %get3A_1442 = arith.constant 0 : i32
        %get3A_1443 = arith.constant 17 : i32
        %get3A_1444 = arith.index_cast %get3A_1442 : i32 to index
        %get3A_1445 = arith.index_cast %scan3A_163 : i32 to index
        %get3A_1446 = arith.index_cast %get3A_1443 : i32 to index
        %get3A_1447 = arith.constant 112 : index
        %get3A_1448 = tpu.vector_load %arg4[%get3A_1444, %get3A_1445, %get3A_1446, %get3A_1447] {strides = array<i32>} : memref<2x8x32x128xf32, #tpu.memory_space<vmem>>, vector<1x1x1x16xf32>,
        %get3A_1449 = vector.shape_cast %get3A_1448 : vector<1x1x1x16xf32> to vector<16xf32>
        %add3A_1450 = arith.addf %add3A_1378, %get3A_1449 : vector<16xf32>
        %get3A_1451 = arith.constant 0 : i32
        %get3A_1452 = arith.constant 18 : i32
        %get3A_1453 = arith.index_cast %get3A_1451 : i32 to index
        %get3A_1454 = arith.index_cast %scan3A_163 : i32 to index
        %get3A_1455 = arith.index_cast %get3A_1452 : i32 to index
        %get3A_1456 = arith.constant 0 : index
        %get3A_1457 = tpu.vector_load %arg4[%get3A_1453, %get3A_1454, %get3A_1455, %get3A_1456] {strides = array<i32>} : memref<2x8x32x128xf32, #tpu.memory_space<vmem>>, vector<1x1x1x16xf32>,
        %get3A_1458 = vector.shape_cast %get3A_1457 : vector<1x1x1x16xf32> to vector<16xf32>
        %add3A_1459 = arith.addf %add3A_1387, %get3A_1458 : vector<16xf32>
        %get3A_1460 = arith.constant 0 : i32
        %get3A_1461 = arith.constant 18 : i32
        %get3A_1462 = arith.index_cast %get3A_1460 : i32 to index
        %get3A_1463 = arith.index_cast %scan3A_163 : i32 to index
        %get3A_1464 = arith.index_cast %get3A_1461 : i32 to index
        %get3A_1465 = arith.constant 16 : index
        %get3A_1466 = tpu.vector_load %arg4[%get3A_1462, %get3A_1463, %get3A_1464, %get3A_1465] {strides = array<i32>} : memref<2x8x32x128xf32, #tpu.memory_space<vmem>>, vector<1x1x1x16xf32>,
        %get3A_1467 = vector.shape_cast %get3A_1466 : vector<1x1x1x16xf32> to vector<16xf32>
        %add3A_1468 = arith.addf %add3A_1396, %get3A_1467 : vector<16xf32>
        %get3A_1469 = arith.constant 0 : i32
        %get3A_1470 = arith.constant 18 : i32
        %get3A_1471 = arith.index_cast %get3A_1469 : i32 to index
        %get3A_1472 = arith.index_cast %scan3A_163 : i32 to index
        %get3A_1473 = arith.index_cast %get3A_1470 : i32 to index
        %get3A_1474 = arith.constant 32 : index
        %get3A_1475 = tpu.vector_load %arg4[%get3A_1471, %get3A_1472, %get3A_1473, %get3A_1474] {strides = array<i32>} : memref<2x8x32x128xf32, #tpu.memory_space<vmem>>, vector<1x1x1x16xf32>,
        %get3A_1476 = vector.shape_cast %get3A_1475 : vector<1x1x1x16xf32> to vector<16xf32>
        %add3A_1477 = arith.addf %add3A_1405, %get3A_1476 : vector<16xf32>
        %get3A_1478 = arith.constant 0 : i32
        %get3A_1479 = arith.constant 18 : i32
        %get3A_1480 = arith.index_cast %get3A_1478 : i32 to index
        %get3A_1481 = arith.index_cast %scan3A_163 : i32 to index
        %get3A_1482 = arith.index_cast %get3A_1479 : i32 to index
        %get3A_1483 = arith.constant 48 : index
        %get3A_1484 = tpu.vector_load %arg4[%get3A_1480, %get3A_1481, %get3A_1482, %get3A_1483] {strides = array<i32>} : memref<2x8x32x128xf32, #tpu.memory_space<vmem>>, vector<1x1x1x16xf32>,
        %get3A_1485 = vector.shape_cast %get3A_1484 : vector<1x1x1x16xf32> to vector<16xf32>
        %add3A_1486 = arith.addf %add3A_1414, %get3A_1485 : vector<16xf32>
        %get3A_1487 = arith.constant 0 : i32
        %get3A_1488 = arith.constant 18 : i32
        %get3A_1489 = arith.index_cast %get3A_1487 : i32 to index
        %get3A_1490 = arith.index_cast %scan3A_163 : i32 to index
        %get3A_1491 = arith.index_cast %get3A_1488 : i32 to index
        %get3A_1492 = arith.constant 64 : index
        %get3A_1493 = tpu.vector_load %arg4[%get3A_1489, %get3A_1490, %get3A_1491, %get3A_1492] {strides = array<i32>} : memref<2x8x32x128xf32, #tpu.memory_space<vmem>>, vector<1x1x1x16xf32>,
        %get3A_1494 = vector.shape_cast %get3A_1493 : vector<1x1x1x16xf32> to vector<16xf32>
        %add3A_1495 = arith.addf %add3A_1423, %get3A_1494 : vector<16xf32>
        %get3A_1496 = arith.constant 0 : i32
        %get3A_1497 = arith.constant 18 : i32
        %get3A_1498 = arith.index_cast %get3A_1496 : i32 to index
        %get3A_1499 = arith.index_cast %scan3A_163 : i32 to index
        %get3A_1500 = arith.index_cast %get3A_1497 : i32 to index
        %get3A_1501 = arith.constant 80 : index
        %get3A_1502 = tpu.vector_load %arg4[%get3A_1498, %get3A_1499, %get3A_1500, %get3A_1501] {strides = array<i32>} : memref<2x8x32x128xf32, #tpu.memory_space<vmem>>, vector<1x1x1x16xf32>,
        %get3A_1503 = vector.shape_cast %get3A_1502 : vector<1x1x1x16xf32> to vector<16xf32>
        %add3A_1504 = arith.addf %add3A_1432, %get3A_1503 : vector<16xf32>
        %get3A_1505 = arith.constant 0 : i32
        %get3A_1506 = arith.constant 18 : i32
        %get3A_1507 = arith.index_cast %get3A_1505 : i32 to index
        %get3A_1508 = arith.index_cast %scan3A_163 : i32 to index
        %get3A_1509 = arith.index_cast %get3A_1506 : i32 to index
        %get3A_1510 = arith.constant 96 : index
        %get3A_1511 = tpu.vector_load %arg4[%get3A_1507, %get3A_1508, %get3A_1509, %get3A_1510] {strides = array<i32>} : memref<2x8x32x128xf32, #tpu.memory_space<vmem>>, vector<1x1x1x16xf32>,
        %get3A_1512 = vector.shape_cast %get3A_1511 : vector<1x1x1x16xf32> to vector<16xf32>
        %add3A_1513 = arith.addf %add3A_1441, %get3A_1512 : vector<16xf32>
        %get3A_1514 = arith.constant 0 : i32
        %get3A_1515 = arith.constant 18 : i32
        %get3A_1516 = arith.index_cast %get3A_1514 : i32 to index
        %get3A_1517 = arith.index_cast %scan3A_163 : i32 to index
        %get3A_1518 = arith.index_cast %get3A_1515 : i32 to index
        %get3A_1519 = arith.constant 112 : index
        %get3A_1520 = tpu.vector_load %arg4[%get3A_1516, %get3A_1517, %get3A_1518, %get3A_1519] {strides = array<i32>} : memref<2x8x32x128xf32, #tpu.memory_space<vmem>>, vector<1x1x1x16xf32>,
        %get3A_1521 = vector.shape_cast %get3A_1520 : vector<1x1x1x16xf32> to vector<16xf32>
        %add3A_1522 = arith.addf %add3A_1450, %get3A_1521 : vector<16xf32>
        %get3A_1523 = arith.constant 0 : i32
        %get3A_1524 = arith.constant 19 : i32
        %get3A_1525 = arith.index_cast %get3A_1523 : i32 to index
        %get3A_1526 = arith.index_cast %scan3A_163 : i32 to index
        %get3A_1527 = arith.index_cast %get3A_1524 : i32 to index
        %get3A_1528 = arith.constant 0 : index
        %get3A_1529 = tpu.vector_load %arg4[%get3A_1525, %get3A_1526, %get3A_1527, %get3A_1528] {strides = array<i32>} : memref<2x8x32x128xf32, #tpu.memory_space<vmem>>, vector<1x1x1x16xf32>,
        %get3A_1530 = vector.shape_cast %get3A_1529 : vector<1x1x1x16xf32> to vector<16xf32>
        %add3A_1531 = arith.addf %add3A_1459, %get3A_1530 : vector<16xf32>
        %get3A_1532 = arith.constant 0 : i32
        %get3A_1533 = arith.constant 19 : i32
        %get3A_1534 = arith.index_cast %get3A_1532 : i32 to index
        %get3A_1535 = arith.index_cast %scan3A_163 : i32 to index
        %get3A_1536 = arith.index_cast %get3A_1533 : i32 to index
        %get3A_1537 = arith.constant 16 : index
        %get3A_1538 = tpu.vector_load %arg4[%get3A_1534, %get3A_1535, %get3A_1536, %get3A_1537] {strides = array<i32>} : memref<2x8x32x128xf32, #tpu.memory_space<vmem>>, vector<1x1x1x16xf32>,
        %get3A_1539 = vector.shape_cast %get3A_1538 : vector<1x1x1x16xf32> to vector<16xf32>
        %add3A_1540 = arith.addf %add3A_1468, %get3A_1539 : vector<16xf32>
        %get3A_1541 = arith.constant 0 : i32
        %get3A_1542 = arith.constant 19 : i32
        %get3A_1543 = arith.index_cast %get3A_1541 : i32 to index
        %get3A_1544 = arith.index_cast %scan3A_163 : i32 to index
        %get3A_1545 = arith.index_cast %get3A_1542 : i32 to index
        %get3A_1546 = arith.constant 32 : index
        %get3A_1547 = tpu.vector_load %arg4[%get3A_1543, %get3A_1544, %get3A_1545, %get3A_1546] {strides = array<i32>} : memref<2x8x32x128xf32, #tpu.memory_space<vmem>>, vector<1x1x1x16xf32>,
        %get3A_1548 = vector.shape_cast %get3A_1547 : vector<1x1x1x16xf32> to vector<16xf32>
        %add3A_1549 = arith.addf %add3A_1477, %get3A_1548 : vector<16xf32>
        %get3A_1550 = arith.constant 0 : i32
        %get3A_1551 = arith.constant 19 : i32
        %get3A_1552 = arith.index_cast %get3A_1550 : i32 to index
        %get3A_1553 = arith.index_cast %scan3A_163 : i32 to index
        %get3A_1554 = arith.index_cast %get3A_1551 : i32 to index
        %get3A_1555 = arith.constant 48 : index
        %get3A_1556 = tpu.vector_load %arg4[%get3A_1552, %get3A_1553, %get3A_1554, %get3A_1555] {strides = array<i32>} : memref<2x8x32x128xf32, #tpu.memory_space<vmem>>, vector<1x1x1x16xf32>,
        %get3A_1557 = vector.shape_cast %get3A_1556 : vector<1x1x1x16xf32> to vector<16xf32>
        %add3A_1558 = arith.addf %add3A_1486, %get3A_1557 : vector<16xf32>
        %get3A_1559 = arith.constant 0 : i32
        %get3A_1560 = arith.constant 19 : i32
        %get3A_1561 = arith.index_cast %get3A_1559 : i32 to index
        %get3A_1562 = arith.index_cast %scan3A_163 : i32 to index
        %get3A_1563 = arith.index_cast %get3A_1560 : i32 to index
        %get3A_1564 = arith.constant 64 : index
        %get3A_1565 = tpu.vector_load %arg4[%get3A_1561, %get3A_1562, %get3A_1563, %get3A_1564] {strides = array<i32>} : memref<2x8x32x128xf32, #tpu.memory_space<vmem>>, vector<1x1x1x16xf32>,
        %get3A_1566 = vector.shape_cast %get3A_1565 : vector<1x1x1x16xf32> to vector<16xf32>
        %add3A_1567 = arith.addf %add3A_1495, %get3A_1566 : vector<16xf32>
        %get3A_1568 = arith.constant 0 : i32
        %get3A_1569 = arith.constant 19 : i32
        %get3A_1570 = arith.index_cast %get3A_1568 : i32 to index
        %get3A_1571 = arith.index_cast %scan3A_163 : i32 to index
        %get3A_1572 = arith.index_cast %get3A_1569 : i32 to index
        %get3A_1573 = arith.constant 80 : index
        %get3A_1574 = tpu.vector_load %arg4[%get3A_1570, %get3A_1571, %get3A_1572, %get3A_1573] {strides = array<i32>} : memref<2x8x32x128xf32, #tpu.memory_space<vmem>>, vector<1x1x1x16xf32>,
        %get3A_1575 = vector.shape_cast %get3A_1574 : vector<1x1x1x16xf32> to vector<16xf32>
        %add3A_1576 = arith.addf %add3A_1504, %get3A_1575 : vector<16xf32>
        %get3A_1577 = arith.constant 0 : i32
        %get3A_1578 = arith.constant 19 : i32
        %get3A_1579 = arith.index_cast %get3A_1577 : i32 to index
        %get3A_1580 = arith.index_cast %scan3A_163 : i32 to index
        %get3A_1581 = arith.index_cast %get3A_1578 : i32 to index
        %get3A_1582 = arith.constant 96 : index
        %get3A_1583 = tpu.vector_load %arg4[%get3A_1579, %get3A_1580, %get3A_1581, %get3A_1582] {strides = array<i32>} : memref<2x8x32x128xf32, #tpu.memory_space<vmem>>, vector<1x1x1x16xf32>,
        %get3A_1584 = vector.shape_cast %get3A_1583 : vector<1x1x1x16xf32> to vector<16xf32>
        %add3A_1585 = arith.addf %add3A_1513, %get3A_1584 : vector<16xf32>
        %get3A_1586 = arith.constant 0 : i32
        %get3A_1587 = arith.constant 19 : i32
        %get3A_1588 = arith.index_cast %get3A_1586 : i32 to index
        %get3A_1589 = arith.index_cast %scan3A_163 : i32 to index
        %get3A_1590 = arith.index_cast %get3A_1587 : i32 to index
        %get3A_1591 = arith.constant 112 : index
        %get3A_1592 = tpu.vector_load %arg4[%get3A_1588, %get3A_1589, %get3A_1590, %get3A_1591] {strides = array<i32>} : memref<2x8x32x128xf32, #tpu.memory_space<vmem>>, vector<1x1x1x16xf32>,
        %get3A_1593 = vector.shape_cast %get3A_1592 : vector<1x1x1x16xf32> to vector<16xf32>
        %add3A_1594 = arith.addf %add3A_1522, %get3A_1593 : vector<16xf32>
        %get3A_1595 = arith.constant 0 : i32
        %get3A_1596 = arith.constant 20 : i32
        %get3A_1597 = arith.index_cast %get3A_1595 : i32 to index
        %get3A_1598 = arith.index_cast %scan3A_163 : i32 to index
        %get3A_1599 = arith.index_cast %get3A_1596 : i32 to index
        %get3A_1600 = arith.constant 0 : index
        %get3A_1601 = tpu.vector_load %arg4[%get3A_1597, %get3A_1598, %get3A_1599, %get3A_1600] {strides = array<i32>} : memref<2x8x32x128xf32, #tpu.memory_space<vmem>>, vector<1x1x1x16xf32>,
        %get3A_1602 = vector.shape_cast %get3A_1601 : vector<1x1x1x16xf32> to vector<16xf32>
        %add3A_1603 = arith.addf %add3A_1531, %get3A_1602 : vector<16xf32>
        %get3A_1604 = arith.constant 0 : i32
        %get3A_1605 = arith.constant 20 : i32
        %get3A_1606 = arith.index_cast %get3A_1604 : i32 to index
        %get3A_1607 = arith.index_cast %scan3A_163 : i32 to index
        %get3A_1608 = arith.index_cast %get3A_1605 : i32 to index
        %get3A_1609 = arith.constant 16 : index
        %get3A_1610 = tpu.vector_load %arg4[%get3A_1606, %get3A_1607, %get3A_1608, %get3A_1609] {strides = array<i32>} : memref<2x8x32x128xf32, #tpu.memory_space<vmem>>, vector<1x1x1x16xf32>,
        %get3A_1611 = vector.shape_cast %get3A_1610 : vector<1x1x1x16xf32> to vector<16xf32>
        %add3A_1612 = arith.addf %add3A_1540, %get3A_1611 : vector<16xf32>
        %get3A_1613 = arith.constant 0 : i32
        %get3A_1614 = arith.constant 20 : i32
        %get3A_1615 = arith.index_cast %get3A_1613 : i32 to index
        %get3A_1616 = arith.index_cast %scan3A_163 : i32 to index
        %get3A_1617 = arith.index_cast %get3A_1614 : i32 to index
        %get3A_1618 = arith.constant 32 : index
        %get3A_1619 = tpu.vector_load %arg4[%get3A_1615, %get3A_1616, %get3A_1617, %get3A_1618] {strides = array<i32>} : memref<2x8x32x128xf32, #tpu.memory_space<vmem>>, vector<1x1x1x16xf32>,
        %get3A_1620 = vector.shape_cast %get3A_1619 : vector<1x1x1x16xf32> to vector<16xf32>
        %add3A_1621 = arith.addf %add3A_1549, %get3A_1620 : vector<16xf32>
        %get3A_1622 = arith.constant 0 : i32
        %get3A_1623 = arith.constant 20 : i32
        %get3A_1624 = arith.index_cast %get3A_1622 : i32 to index
        %get3A_1625 = arith.index_cast %scan3A_163 : i32 to index
        %get3A_1626 = arith.index_cast %get3A_1623 : i32 to index
        %get3A_1627 = arith.constant 48 : index
        %get3A_1628 = tpu.vector_load %arg4[%get3A_1624, %get3A_1625, %get3A_1626, %get3A_1627] {strides = array<i32>} : memref<2x8x32x128xf32, #tpu.memory_space<vmem>>, vector<1x1x1x16xf32>,
        %get3A_1629 = vector.shape_cast %get3A_1628 : vector<1x1x1x16xf32> to vector<16xf32>
        %add3A_1630 = arith.addf %add3A_1558, %get3A_1629 : vector<16xf32>
        %get3A_1631 = arith.constant 0 : i32
        %get3A_1632 = arith.constant 20 : i32
        %get3A_1633 = arith.index_cast %get3A_1631 : i32 to index
        %get3A_1634 = arith.index_cast %scan3A_163 : i32 to index
        %get3A_1635 = arith.index_cast %get3A_1632 : i32 to index
        %get3A_1636 = arith.constant 64 : index
        %get3A_1637 = tpu.vector_load %arg4[%get3A_1633, %get3A_1634, %get3A_1635, %get3A_1636] {strides = array<i32>} : memref<2x8x32x128xf32, #tpu.memory_space<vmem>>, vector<1x1x1x16xf32>,
        %get3A_1638 = vector.shape_cast %get3A_1637 : vector<1x1x1x16xf32> to vector<16xf32>
        %add3A_1639 = arith.addf %add3A_1567, %get3A_1638 : vector<16xf32>
        %get3A_1640 = arith.constant 0 : i32
        %get3A_1641 = arith.constant 20 : i32
        %get3A_1642 = arith.index_cast %get3A_1640 : i32 to index
        %get3A_1643 = arith.index_cast %scan3A_163 : i32 to index
        %get3A_1644 = arith.index_cast %get3A_1641 : i32 to index
        %get3A_1645 = arith.constant 80 : index
        %get3A_1646 = tpu.vector_load %arg4[%get3A_1642, %get3A_1643, %get3A_1644, %get3A_1645] {strides = array<i32>} : memref<2x8x32x128xf32, #tpu.memory_space<vmem>>, vector<1x1x1x16xf32>,
        %get3A_1647 = vector.shape_cast %get3A_1646 : vector<1x1x1x16xf32> to vector<16xf32>
        %add3A_1648 = arith.addf %add3A_1576, %get3A_1647 : vector<16xf32>
        %get3A_1649 = arith.constant 0 : i32
        %get3A_1650 = arith.constant 20 : i32
        %get3A_1651 = arith.index_cast %get3A_1649 : i32 to index
        %get3A_1652 = arith.index_cast %scan3A_163 : i32 to index
        %get3A_1653 = arith.index_cast %get3A_1650 : i32 to index
        %get3A_1654 = arith.constant 96 : index
        %get3A_1655 = tpu.vector_load %arg4[%get3A_1651, %get3A_1652, %get3A_1653, %get3A_1654] {strides = array<i32>} : memref<2x8x32x128xf32, #tpu.memory_space<vmem>>, vector<1x1x1x16xf32>,
        %get3A_1656 = vector.shape_cast %get3A_1655 : vector<1x1x1x16xf32> to vector<16xf32>
        %add3A_1657 = arith.addf %add3A_1585, %get3A_1656 : vector<16xf32>
        %get3A_1658 = arith.constant 0 : i32
        %get3A_1659 = arith.constant 20 : i32
        %get3A_1660 = arith.index_cast %get3A_1658 : i32 to index
        %get3A_1661 = arith.index_cast %scan3A_163 : i32 to index
        %get3A_1662 = arith.index_cast %get3A_1659 : i32 to index
        %get3A_1663 = arith.constant 112 : index
        %get3A_1664 = tpu.vector_load %arg4[%get3A_1660, %get3A_1661, %get3A_1662, %get3A_1663] {strides = array<i32>} : memref<2x8x32x128xf32, #tpu.memory_space<vmem>>, vector<1x1x1x16xf32>,
        %get3A_1665 = vector.shape_cast %get3A_1664 : vector<1x1x1x16xf32> to vector<16xf32>
        %add3A_1666 = arith.addf %add3A_1594, %get3A_1665 : vector<16xf32>
        %get3A_1667 = arith.constant 0 : i32
        %get3A_1668 = arith.constant 21 : i32
        %get3A_1669 = arith.index_cast %get3A_1667 : i32 to index
        %get3A_1670 = arith.index_cast %scan3A_163 : i32 to index
        %get3A_1671 = arith.index_cast %get3A_1668 : i32 to index
        %get3A_1672 = arith.constant 0 : index
        %get3A_1673 = tpu.vector_load %arg4[%get3A_1669, %get3A_1670, %get3A_1671, %get3A_1672] {strides = array<i32>} : memref<2x8x32x128xf32, #tpu.memory_space<vmem>>, vector<1x1x1x16xf32>,
        %get3A_1674 = vector.shape_cast %get3A_1673 : vector<1x1x1x16xf32> to vector<16xf32>
        %add3A_1675 = arith.addf %add3A_1603, %get3A_1674 : vector<16xf32>
        %get3A_1676 = arith.constant 0 : i32
        %get3A_1677 = arith.constant 21 : i32
        %get3A_1678 = arith.index_cast %get3A_1676 : i32 to index
        %get3A_1679 = arith.index_cast %scan3A_163 : i32 to index
        %get3A_1680 = arith.index_cast %get3A_1677 : i32 to index
        %get3A_1681 = arith.constant 16 : index
        %get3A_1682 = tpu.vector_load %arg4[%get3A_1678, %get3A_1679, %get3A_1680, %get3A_1681] {strides = array<i32>} : memref<2x8x32x128xf32, #tpu.memory_space<vmem>>, vector<1x1x1x16xf32>,
        %get3A_1683 = vector.shape_cast %get3A_1682 : vector<1x1x1x16xf32> to vector<16xf32>
        %add3A_1684 = arith.addf %add3A_1612, %get3A_1683 : vector<16xf32>
        %get3A_1685 = arith.constant 0 : i32
        %get3A_1686 = arith.constant 21 : i32
        %get3A_1687 = arith.index_cast %get3A_1685 : i32 to index
        %get3A_1688 = arith.index_cast %scan3A_163 : i32 to index
        %get3A_1689 = arith.index_cast %get3A_1686 : i32 to index
        %get3A_1690 = arith.constant 32 : index
        %get3A_1691 = tpu.vector_load %arg4[%get3A_1687, %get3A_1688, %get3A_1689, %get3A_1690] {strides = array<i32>} : memref<2x8x32x128xf32, #tpu.memory_space<vmem>>, vector<1x1x1x16xf32>,
        %get3A_1692 = vector.shape_cast %get3A_1691 : vector<1x1x1x16xf32> to vector<16xf32>
        %add3A_1693 = arith.addf %add3A_1621, %get3A_1692 : vector<16xf32>
        %get3A_1694 = arith.constant 0 : i32
        %get3A_1695 = arith.constant 21 : i32
        %get3A_1696 = arith.index_cast %get3A_1694 : i32 to index
        %get3A_1697 = arith.index_cast %scan3A_163 : i32 to index
        %get3A_1698 = arith.index_cast %get3A_1695 : i32 to index
        %get3A_1699 = arith.constant 48 : index
        %get3A_1700 = tpu.vector_load %arg4[%get3A_1696, %get3A_1697, %get3A_1698, %get3A_1699] {strides = array<i32>} : memref<2x8x32x128xf32, #tpu.memory_space<vmem>>, vector<1x1x1x16xf32>,
        %get3A_1701 = vector.shape_cast %get3A_1700 : vector<1x1x1x16xf32> to vector<16xf32>
        %add3A_1702 = arith.addf %add3A_1630, %get3A_1701 : vector<16xf32>
        %get3A_1703 = arith.constant 0 : i32
        %get3A_1704 = arith.constant 21 : i32
        %get3A_1705 = arith.index_cast %get3A_1703 : i32 to index
        %get3A_1706 = arith.index_cast %scan3A_163 : i32 to index
        %get3A_1707 = arith.index_cast %get3A_1704 : i32 to index
        %get3A_1708 = arith.constant 64 : index
        %get3A_1709 = tpu.vector_load %arg4[%get3A_1705, %get3A_1706, %get3A_1707, %get3A_1708] {strides = array<i32>} : memref<2x8x32x128xf32, #tpu.memory_space<vmem>>, vector<1x1x1x16xf32>,
        %get3A_1710 = vector.shape_cast %get3A_1709 : vector<1x1x1x16xf32> to vector<16xf32>
        %add3A_1711 = arith.addf %add3A_1639, %get3A_1710 : vector<16xf32>
        %get3A_1712 = arith.constant 0 : i32
        %get3A_1713 = arith.constant 21 : i32
        %get3A_1714 = arith.index_cast %get3A_1712 : i32 to index
        %get3A_1715 = arith.index_cast %scan3A_163 : i32 to index
        %get3A_1716 = arith.index_cast %get3A_1713 : i32 to index
        %get3A_1717 = arith.constant 80 : index
        %get3A_1718 = tpu.vector_load %arg4[%get3A_1714, %get3A_1715, %get3A_1716, %get3A_1717] {strides = array<i32>} : memref<2x8x32x128xf32, #tpu.memory_space<vmem>>, vector<1x1x1x16xf32>,
        %get3A_1719 = vector.shape_cast %get3A_1718 : vector<1x1x1x16xf32> to vector<16xf32>
        %add3A_1720 = arith.addf %add3A_1648, %get3A_1719 : vector<16xf32>
        %get3A_1721 = arith.constant 0 : i32
        %get3A_1722 = arith.constant 21 : i32
        %get3A_1723 = arith.index_cast %get3A_1721 : i32 to index
        %get3A_1724 = arith.index_cast %scan3A_163 : i32 to index
        %get3A_1725 = arith.index_cast %get3A_1722 : i32 to index
        %get3A_1726 = arith.constant 96 : index
        %get3A_1727 = tpu.vector_load %arg4[%get3A_1723, %get3A_1724, %get3A_1725, %get3A_1726] {strides = array<i32>} : memref<2x8x32x128xf32, #tpu.memory_space<vmem>>, vector<1x1x1x16xf32>,
        %get3A_1728 = vector.shape_cast %get3A_1727 : vector<1x1x1x16xf32> to vector<16xf32>
        %add3A_1729 = arith.addf %add3A_1657, %get3A_1728 : vector<16xf32>
        %get3A_1730 = arith.constant 0 : i32
        %get3A_1731 = arith.constant 21 : i32
        %get3A_1732 = arith.index_cast %get3A_1730 : i32 to index
        %get3A_1733 = arith.index_cast %scan3A_163 : i32 to index
        %get3A_1734 = arith.index_cast %get3A_1731 : i32 to index
        %get3A_1735 = arith.constant 112 : index
        %get3A_1736 = tpu.vector_load %arg4[%get3A_1732, %get3A_1733, %get3A_1734, %get3A_1735] {strides = array<i32>} : memref<2x8x32x128xf32, #tpu.memory_space<vmem>>, vector<1x1x1x16xf32>,
        %get3A_1737 = vector.shape_cast %get3A_1736 : vector<1x1x1x16xf32> to vector<16xf32>
        %add3A_1738 = arith.addf %add3A_1666, %get3A_1737 : vector<16xf32>
        %get3A_1739 = arith.constant 0 : i32
        %get3A_1740 = arith.constant 22 : i32
        %get3A_1741 = arith.index_cast %get3A_1739 : i32 to index
        %get3A_1742 = arith.index_cast %scan3A_163 : i32 to index
        %get3A_1743 = arith.index_cast %get3A_1740 : i32 to index
        %get3A_1744 = arith.constant 0 : index
        %get3A_1745 = tpu.vector_load %arg4[%get3A_1741, %get3A_1742, %get3A_1743, %get3A_1744] {strides = array<i32>} : memref<2x8x32x128xf32, #tpu.memory_space<vmem>>, vector<1x1x1x16xf32>,
        %get3A_1746 = vector.shape_cast %get3A_1745 : vector<1x1x1x16xf32> to vector<16xf32>
        %add3A_1747 = arith.addf %add3A_1675, %get3A_1746 : vector<16xf32>
        %get3A_1748 = arith.constant 0 : i32
        %get3A_1749 = arith.constant 22 : i32
        %get3A_1750 = arith.index_cast %get3A_1748 : i32 to index
        %get3A_1751 = arith.index_cast %scan3A_163 : i32 to index
        %get3A_1752 = arith.index_cast %get3A_1749 : i32 to index
        %get3A_1753 = arith.constant 16 : index
        %get3A_1754 = tpu.vector_load %arg4[%get3A_1750, %get3A_1751, %get3A_1752, %get3A_1753] {strides = array<i32>} : memref<2x8x32x128xf32, #tpu.memory_space<vmem>>, vector<1x1x1x16xf32>,
        %get3A_1755 = vector.shape_cast %get3A_1754 : vector<1x1x1x16xf32> to vector<16xf32>
        %add3A_1756 = arith.addf %add3A_1684, %get3A_1755 : vector<16xf32>
        %get3A_1757 = arith.constant 0 : i32
        %get3A_1758 = arith.constant 22 : i32
        %get3A_1759 = arith.index_cast %get3A_1757 : i32 to index
        %get3A_1760 = arith.index_cast %scan3A_163 : i32 to index
        %get3A_1761 = arith.index_cast %get3A_1758 : i32 to index
        %get3A_1762 = arith.constant 32 : index
        %get3A_1763 = tpu.vector_load %arg4[%get3A_1759, %get3A_1760, %get3A_1761, %get3A_1762] {strides = array<i32>} : memref<2x8x32x128xf32, #tpu.memory_space<vmem>>, vector<1x1x1x16xf32>,
        %get3A_1764 = vector.shape_cast %get3A_1763 : vector<1x1x1x16xf32> to vector<16xf32>
        %add3A_1765 = arith.addf %add3A_1693, %get3A_1764 : vector<16xf32>
        %get3A_1766 = arith.constant 0 : i32
        %get3A_1767 = arith.constant 22 : i32
        %get3A_1768 = arith.index_cast %get3A_1766 : i32 to index
        %get3A_1769 = arith.index_cast %scan3A_163 : i32 to index
        %get3A_1770 = arith.index_cast %get3A_1767 : i32 to index
        %get3A_1771 = arith.constant 48 : index
        %get3A_1772 = tpu.vector_load %arg4[%get3A_1768, %get3A_1769, %get3A_1770, %get3A_1771] {strides = array<i32>} : memref<2x8x32x128xf32, #tpu.memory_space<vmem>>, vector<1x1x1x16xf32>,
        %get3A_1773 = vector.shape_cast %get3A_1772 : vector<1x1x1x16xf32> to vector<16xf32>
        %add3A_1774 = arith.addf %add3A_1702, %get3A_1773 : vector<16xf32>
        %get3A_1775 = arith.constant 0 : i32
        %get3A_1776 = arith.constant 22 : i32
        %get3A_1777 = arith.index_cast %get3A_1775 : i32 to index
        %get3A_1778 = arith.index_cast %scan3A_163 : i32 to index
        %get3A_1779 = arith.index_cast %get3A_1776 : i32 to index
        %get3A_1780 = arith.constant 64 : index
        %get3A_1781 = tpu.vector_load %arg4[%get3A_1777, %get3A_1778, %get3A_1779, %get3A_1780] {strides = array<i32>} : memref<2x8x32x128xf32, #tpu.memory_space<vmem>>, vector<1x1x1x16xf32>,
        %get3A_1782 = vector.shape_cast %get3A_1781 : vector<1x1x1x16xf32> to vector<16xf32>
        %add3A_1783 = arith.addf %add3A_1711, %get3A_1782 : vector<16xf32>
        %get3A_1784 = arith.constant 0 : i32
        %get3A_1785 = arith.constant 22 : i32
        %get3A_1786 = arith.index_cast %get3A_1784 : i32 to index
        %get3A_1787 = arith.index_cast %scan3A_163 : i32 to index
        %get3A_1788 = arith.index_cast %get3A_1785 : i32 to index
        %get3A_1789 = arith.constant 80 : index
        %get3A_1790 = tpu.vector_load %arg4[%get3A_1786, %get3A_1787, %get3A_1788, %get3A_1789] {strides = array<i32>} : memref<2x8x32x128xf32, #tpu.memory_space<vmem>>, vector<1x1x1x16xf32>,
        %get3A_1791 = vector.shape_cast %get3A_1790 : vector<1x1x1x16xf32> to vector<16xf32>
        %add3A_1792 = arith.addf %add3A_1720, %get3A_1791 : vector<16xf32>
        %get3A_1793 = arith.constant 0 : i32
        %get3A_1794 = arith.constant 22 : i32
        %get3A_1795 = arith.index_cast %get3A_1793 : i32 to index
        %get3A_1796 = arith.index_cast %scan3A_163 : i32 to index
        %get3A_1797 = arith.index_cast %get3A_1794 : i32 to index
        %get3A_1798 = arith.constant 96 : index
        %get3A_1799 = tpu.vector_load %arg4[%get3A_1795, %get3A_1796, %get3A_1797, %get3A_1798] {strides = array<i32>} : memref<2x8x32x128xf32, #tpu.memory_space<vmem>>, vector<1x1x1x16xf32>,
        %get3A_1800 = vector.shape_cast %get3A_1799 : vector<1x1x1x16xf32> to vector<16xf32>
        %add3A_1801 = arith.addf %add3A_1729, %get3A_1800 : vector<16xf32>
        %get3A_1802 = arith.constant 0 : i32
        %get3A_1803 = arith.constant 22 : i32
        %get3A_1804 = arith.index_cast %get3A_1802 : i32 to index
        %get3A_1805 = arith.index_cast %scan3A_163 : i32 to index
        %get3A_1806 = arith.index_cast %get3A_1803 : i32 to index
        %get3A_1807 = arith.constant 112 : index
        %get3A_1808 = tpu.vector_load %arg4[%get3A_1804, %get3A_1805, %get3A_1806, %get3A_1807] {strides = array<i32>} : memref<2x8x32x128xf32, #tpu.memory_space<vmem>>, vector<1x1x1x16xf32>,
        %get3A_1809 = vector.shape_cast %get3A_1808 : vector<1x1x1x16xf32> to vector<16xf32>
        %add3A_1810 = arith.addf %add3A_1738, %get3A_1809 : vector<16xf32>
        %get3A_1811 = arith.constant 0 : i32
        %get3A_1812 = arith.constant 23 : i32
        %get3A_1813 = arith.index_cast %get3A_1811 : i32 to index
        %get3A_1814 = arith.index_cast %scan3A_163 : i32 to index
        %get3A_1815 = arith.index_cast %get3A_1812 : i32 to index
        %get3A_1816 = arith.constant 0 : index
        %get3A_1817 = tpu.vector_load %arg4[%get3A_1813, %get3A_1814, %get3A_1815, %get3A_1816] {strides = array<i32>} : memref<2x8x32x128xf32, #tpu.memory_space<vmem>>, vector<1x1x1x16xf32>,
        %get3A_1818 = vector.shape_cast %get3A_1817 : vector<1x1x1x16xf32> to vector<16xf32>
        %add3A_1819 = arith.addf %add3A_1747, %get3A_1818 : vector<16xf32>
        %get3A_1820 = arith.constant 0 : i32
        %get3A_1821 = arith.constant 23 : i32
        %get3A_1822 = arith.index_cast %get3A_1820 : i32 to index
        %get3A_1823 = arith.index_cast %scan3A_163 : i32 to index
        %get3A_1824 = arith.index_cast %get3A_1821 : i32 to index
        %get3A_1825 = arith.constant 16 : index
        %get3A_1826 = tpu.vector_load %arg4[%get3A_1822, %get3A_1823, %get3A_1824, %get3A_1825] {strides = array<i32>} : memref<2x8x32x128xf32, #tpu.memory_space<vmem>>, vector<1x1x1x16xf32>,
        %get3A_1827 = vector.shape_cast %get3A_1826 : vector<1x1x1x16xf32> to vector<16xf32>
        %add3A_1828 = arith.addf %add3A_1756, %get3A_1827 : vector<16xf32>
        %get3A_1829 = arith.constant 0 : i32
        %get3A_1830 = arith.constant 23 : i32
        %get3A_1831 = arith.index_cast %get3A_1829 : i32 to index
        %get3A_1832 = arith.index_cast %scan3A_163 : i32 to index
        %get3A_1833 = arith.index_cast %get3A_1830 : i32 to index
        %get3A_1834 = arith.constant 32 : index
        %get3A_1835 = tpu.vector_load %arg4[%get3A_1831, %get3A_1832, %get3A_1833, %get3A_1834] {strides = array<i32>} : memref<2x8x32x128xf32, #tpu.memory_space<vmem>>, vector<1x1x1x16xf32>,
        %get3A_1836 = vector.shape_cast %get3A_1835 : vector<1x1x1x16xf32> to vector<16xf32>
        %add3A_1837 = arith.addf %add3A_1765, %get3A_1836 : vector<16xf32>
        %get3A_1838 = arith.constant 0 : i32
        %get3A_1839 = arith.constant 23 : i32
        %get3A_1840 = arith.index_cast %get3A_1838 : i32 to index
        %get3A_1841 = arith.index_cast %scan3A_163 : i32 to index
        %get3A_1842 = arith.index_cast %get3A_1839 : i32 to index
        %get3A_1843 = arith.constant 48 : index
        %get3A_1844 = tpu.vector_load %arg4[%get3A_1840, %get3A_1841, %get3A_1842, %get3A_1843] {strides = array<i32>} : memref<2x8x32x128xf32, #tpu.memory_space<vmem>>, vector<1x1x1x16xf32>,
        %get3A_1845 = vector.shape_cast %get3A_1844 : vector<1x1x1x16xf32> to vector<16xf32>
        %add3A_1846 = arith.addf %add3A_1774, %get3A_1845 : vector<16xf32>
        %get3A_1847 = arith.constant 0 : i32
        %get3A_1848 = arith.constant 23 : i32
        %get3A_1849 = arith.index_cast %get3A_1847 : i32 to index
        %get3A_1850 = arith.index_cast %scan3A_163 : i32 to index
        %get3A_1851 = arith.index_cast %get3A_1848 : i32 to index
        %get3A_1852 = arith.constant 64 : index
        %get3A_1853 = tpu.vector_load %arg4[%get3A_1849, %get3A_1850, %get3A_1851, %get3A_1852] {strides = array<i32>} : memref<2x8x32x128xf32, #tpu.memory_space<vmem>>, vector<1x1x1x16xf32>,
        %get3A_1854 = vector.shape_cast %get3A_1853 : vector<1x1x1x16xf32> to vector<16xf32>
        %add3A_1855 = arith.addf %add3A_1783, %get3A_1854 : vector<16xf32>
        %get3A_1856 = arith.constant 0 : i32
        %get3A_1857 = arith.constant 23 : i32
        %get3A_1858 = arith.index_cast %get3A_1856 : i32 to index
        %get3A_1859 = arith.index_cast %scan3A_163 : i32 to index
        %get3A_1860 = arith.index_cast %get3A_1857 : i32 to index
        %get3A_1861 = arith.constant 80 : index
        %get3A_1862 = tpu.vector_load %arg4[%get3A_1858, %get3A_1859, %get3A_1860, %get3A_1861] {strides = array<i32>} : memref<2x8x32x128xf32, #tpu.memory_space<vmem>>, vector<1x1x1x16xf32>,
        %get3A_1863 = vector.shape_cast %get3A_1862 : vector<1x1x1x16xf32> to vector<16xf32>
        %add3A_1864 = arith.addf %add3A_1792, %get3A_1863 : vector<16xf32>
        %get3A_1865 = arith.constant 0 : i32
        %get3A_1866 = arith.constant 23 : i32
        %get3A_1867 = arith.index_cast %get3A_1865 : i32 to index
        %get3A_1868 = arith.index_cast %scan3A_163 : i32 to index
        %get3A_1869 = arith.index_cast %get3A_1866 : i32 to index
        %get3A_1870 = arith.constant 96 : index
        %get3A_1871 = tpu.vector_load %arg4[%get3A_1867, %get3A_1868, %get3A_1869, %get3A_1870] {strides = array<i32>} : memref<2x8x32x128xf32, #tpu.memory_space<vmem>>, vector<1x1x1x16xf32>,
        %get3A_1872 = vector.shape_cast %get3A_1871 : vector<1x1x1x16xf32> to vector<16xf32>
        %add3A_1873 = arith.addf %add3A_1801, %get3A_1872 : vector<16xf32>
        %get3A_1874 = arith.constant 0 : i32
        %get3A_1875 = arith.constant 23 : i32
        %get3A_1876 = arith.index_cast %get3A_1874 : i32 to index
        %get3A_1877 = arith.index_cast %scan3A_163 : i32 to index
        %get3A_1878 = arith.index_cast %get3A_1875 : i32 to index
        %get3A_1879 = arith.constant 112 : index
        %get3A_1880 = tpu.vector_load %arg4[%get3A_1876, %get3A_1877, %get3A_1878, %get3A_1879] {strides = array<i32>} : memref<2x8x32x128xf32, #tpu.memory_space<vmem>>, vector<1x1x1x16xf32>,
        %get3A_1881 = vector.shape_cast %get3A_1880 : vector<1x1x1x16xf32> to vector<16xf32>
        %add3A_1882 = arith.addf %add3A_1810, %get3A_1881 : vector<16xf32>
        %get3A_1883 = arith.constant 0 : i32
        %get3A_1884 = arith.constant 24 : i32
        %get3A_1885 = arith.index_cast %get3A_1883 : i32 to index
        %get3A_1886 = arith.index_cast %scan3A_163 : i32 to index
        %get3A_1887 = arith.index_cast %get3A_1884 : i32 to index
        %get3A_1888 = arith.constant 0 : index
        %get3A_1889 = tpu.vector_load %arg4[%get3A_1885, %get3A_1886, %get3A_1887, %get3A_1888] {strides = array<i32>} : memref<2x8x32x128xf32, #tpu.memory_space<vmem>>, vector<1x1x1x16xf32>,
        %get3A_1890 = vector.shape_cast %get3A_1889 : vector<1x1x1x16xf32> to vector<16xf32>
        %add3A_1891 = arith.addf %add3A_1819, %get3A_1890 : vector<16xf32>
        %get3A_1892 = arith.constant 0 : i32
        %get3A_1893 = arith.constant 24 : i32
        %get3A_1894 = arith.index_cast %get3A_1892 : i32 to index
        %get3A_1895 = arith.index_cast %scan3A_163 : i32 to index
        %get3A_1896 = arith.index_cast %get3A_1893 : i32 to index
        %get3A_1897 = arith.constant 16 : index
        %get3A_1898 = tpu.vector_load %arg4[%get3A_1894, %get3A_1895, %get3A_1896, %get3A_1897] {strides = array<i32>} : memref<2x8x32x128xf32, #tpu.memory_space<vmem>>, vector<1x1x1x16xf32>,
        %get3A_1899 = vector.shape_cast %get3A_1898 : vector<1x1x1x16xf32> to vector<16xf32>
        %add3A_1900 = arith.addf %add3A_1828, %get3A_1899 : vector<16xf32>
        %get3A_1901 = arith.constant 0 : i32
        %get3A_1902 = arith.constant 24 : i32
        %get3A_1903 = arith.index_cast %get3A_1901 : i32 to index
        %get3A_1904 = arith.index_cast %scan3A_163 : i32 to index
        %get3A_1905 = arith.index_cast %get3A_1902 : i32 to index
        %get3A_1906 = arith.constant 32 : index
        %get3A_1907 = tpu.vector_load %arg4[%get3A_1903, %get3A_1904, %get3A_1905, %get3A_1906] {strides = array<i32>} : memref<2x8x32x128xf32, #tpu.memory_space<vmem>>, vector<1x1x1x16xf32>,
        %get3A_1908 = vector.shape_cast %get3A_1907 : vector<1x1x1x16xf32> to vector<16xf32>
        %add3A_1909 = arith.addf %add3A_1837, %get3A_1908 : vector<16xf32>
        %get3A_1910 = arith.constant 0 : i32
        %get3A_1911 = arith.constant 24 : i32
        %get3A_1912 = arith.index_cast %get3A_1910 : i32 to index
        %get3A_1913 = arith.index_cast %scan3A_163 : i32 to index
        %get3A_1914 = arith.index_cast %get3A_1911 : i32 to index
        %get3A_1915 = arith.constant 48 : index
        %get3A_1916 = tpu.vector_load %arg4[%get3A_1912, %get3A_1913, %get3A_1914, %get3A_1915] {strides = array<i32>} : memref<2x8x32x128xf32, #tpu.memory_space<vmem>>, vector<1x1x1x16xf32>,
        %get3A_1917 = vector.shape_cast %get3A_1916 : vector<1x1x1x16xf32> to vector<16xf32>
        %add3A_1918 = arith.addf %add3A_1846, %get3A_1917 : vector<16xf32>
        %get3A_1919 = arith.constant 0 : i32
        %get3A_1920 = arith.constant 24 : i32
        %get3A_1921 = arith.index_cast %get3A_1919 : i32 to index
        %get3A_1922 = arith.index_cast %scan3A_163 : i32 to index
        %get3A_1923 = arith.index_cast %get3A_1920 : i32 to index
        %get3A_1924 = arith.constant 64 : index
        %get3A_1925 = tpu.vector_load %arg4[%get3A_1921, %get3A_1922, %get3A_1923, %get3A_1924] {strides = array<i32>} : memref<2x8x32x128xf32, #tpu.memory_space<vmem>>, vector<1x1x1x16xf32>,
        %get3A_1926 = vector.shape_cast %get3A_1925 : vector<1x1x1x16xf32> to vector<16xf32>
        %add3A_1927 = arith.addf %add3A_1855, %get3A_1926 : vector<16xf32>
        %get3A_1928 = arith.constant 0 : i32
        %get3A_1929 = arith.constant 24 : i32
        %get3A_1930 = arith.index_cast %get3A_1928 : i32 to index
        %get3A_1931 = arith.index_cast %scan3A_163 : i32 to index
        %get3A_1932 = arith.index_cast %get3A_1929 : i32 to index
        %get3A_1933 = arith.constant 80 : index
        %get3A_1934 = tpu.vector_load %arg4[%get3A_1930, %get3A_1931, %get3A_1932, %get3A_1933] {strides = array<i32>} : memref<2x8x32x128xf32, #tpu.memory_space<vmem>>, vector<1x1x1x16xf32>,
        %get3A_1935 = vector.shape_cast %get3A_1934 : vector<1x1x1x16xf32> to vector<16xf32>
        %add3A_1936 = arith.addf %add3A_1864, %get3A_1935 : vector<16xf32>
        %get3A_1937 = arith.constant 0 : i32
        %get3A_1938 = arith.constant 24 : i32
        %get3A_1939 = arith.index_cast %get3A_1937 : i32 to index
        %get3A_1940 = arith.index_cast %scan3A_163 : i32 to index
        %get3A_1941 = arith.index_cast %get3A_1938 : i32 to index
        %get3A_1942 = arith.constant 96 : index
        %get3A_1943 = tpu.vector_load %arg4[%get3A_1939, %get3A_1940, %get3A_1941, %get3A_1942] {strides = array<i32>} : memref<2x8x32x128xf32, #tpu.memory_space<vmem>>, vector<1x1x1x16xf32>,
        %get3A_1944 = vector.shape_cast %get3A_1943 : vector<1x1x1x16xf32> to vector<16xf32>
        %add3A_1945 = arith.addf %add3A_1873, %get3A_1944 : vector<16xf32>
        %get3A_1946 = arith.constant 0 : i32
        %get3A_1947 = arith.constant 24 : i32
        %get3A_1948 = arith.index_cast %get3A_1946 : i32 to index
        %get3A_1949 = arith.index_cast %scan3A_163 : i32 to index
        %get3A_1950 = arith.index_cast %get3A_1947 : i32 to index
        %get3A_1951 = arith.constant 112 : index
        %get3A_1952 = tpu.vector_load %arg4[%get3A_1948, %get3A_1949, %get3A_1950, %get3A_1951] {strides = array<i32>} : memref<2x8x32x128xf32, #tpu.memory_space<vmem>>, vector<1x1x1x16xf32>,
        %get3A_1953 = vector.shape_cast %get3A_1952 : vector<1x1x1x16xf32> to vector<16xf32>
        %add3A_1954 = arith.addf %add3A_1882, %get3A_1953 : vector<16xf32>
        %get3A_1955 = arith.constant 0 : i32
        %get3A_1956 = arith.constant 25 : i32
        %get3A_1957 = arith.index_cast %get3A_1955 : i32 to index
        %get3A_1958 = arith.index_cast %scan3A_163 : i32 to index
        %get3A_1959 = arith.index_cast %get3A_1956 : i32 to index
        %get3A_1960 = arith.constant 0 : index
        %get3A_1961 = tpu.vector_load %arg4[%get3A_1957, %get3A_1958, %get3A_1959, %get3A_1960] {strides = array<i32>} : memref<2x8x32x128xf32, #tpu.memory_space<vmem>>, vector<1x1x1x16xf32>,
        %get3A_1962 = vector.shape_cast %get3A_1961 : vector<1x1x1x16xf32> to vector<16xf32>
        %add3A_1963 = arith.addf %add3A_1891, %get3A_1962 : vector<16xf32>
        %get3A_1964 = arith.constant 0 : i32
        %get3A_1965 = arith.constant 25 : i32
        %get3A_1966 = arith.index_cast %get3A_1964 : i32 to index
        %get3A_1967 = arith.index_cast %scan3A_163 : i32 to index
        %get3A_1968 = arith.index_cast %get3A_1965 : i32 to index
        %get3A_1969 = arith.constant 16 : index
        %get3A_1970 = tpu.vector_load %arg4[%get3A_1966, %get3A_1967, %get3A_1968, %get3A_1969] {strides = array<i32>} : memref<2x8x32x128xf32, #tpu.memory_space<vmem>>, vector<1x1x1x16xf32>,
        %get3A_1971 = vector.shape_cast %get3A_1970 : vector<1x1x1x16xf32> to vector<16xf32>
        %add3A_1972 = arith.addf %add3A_1900, %get3A_1971 : vector<16xf32>
        %get3A_1973 = arith.constant 0 : i32
        %get3A_1974 = arith.constant 25 : i32
        %get3A_1975 = arith.index_cast %get3A_1973 : i32 to index
        %get3A_1976 = arith.index_cast %scan3A_163 : i32 to index
        %get3A_1977 = arith.index_cast %get3A_1974 : i32 to index
        %get3A_1978 = arith.constant 32 : index
        %get3A_1979 = tpu.vector_load %arg4[%get3A_1975, %get3A_1976, %get3A_1977, %get3A_1978] {strides = array<i32>} : memref<2x8x32x128xf32, #tpu.memory_space<vmem>>, vector<1x1x1x16xf32>,
        %get3A_1980 = vector.shape_cast %get3A_1979 : vector<1x1x1x16xf32> to vector<16xf32>
        %add3A_1981 = arith.addf %add3A_1909, %get3A_1980 : vector<16xf32>
        %get3A_1982 = arith.constant 0 : i32
        %get3A_1983 = arith.constant 25 : i32
        %get3A_1984 = arith.index_cast %get3A_1982 : i32 to index
        %get3A_1985 = arith.index_cast %scan3A_163 : i32 to index
        %get3A_1986 = arith.index_cast %get3A_1983 : i32 to index
        %get3A_1987 = arith.constant 48 : index
        %get3A_1988 = tpu.vector_load %arg4[%get3A_1984, %get3A_1985, %get3A_1986, %get3A_1987] {strides = array<i32>} : memref<2x8x32x128xf32, #tpu.memory_space<vmem>>, vector<1x1x1x16xf32>,
        %get3A_1989 = vector.shape_cast %get3A_1988 : vector<1x1x1x16xf32> to vector<16xf32>
        %add3A_1990 = arith.addf %add3A_1918, %get3A_1989 : vector<16xf32>
        %get3A_1991 = arith.constant 0 : i32
        %get3A_1992 = arith.constant 25 : i32
        %get3A_1993 = arith.index_cast %get3A_1991 : i32 to index
        %get3A_1994 = arith.index_cast %scan3A_163 : i32 to index
        %get3A_1995 = arith.index_cast %get3A_1992 : i32 to index
        %get3A_1996 = arith.constant 64 : index
        %get3A_1997 = tpu.vector_load %arg4[%get3A_1993, %get3A_1994, %get3A_1995, %get3A_1996] {strides = array<i32>} : memref<2x8x32x128xf32, #tpu.memory_space<vmem>>, vector<1x1x1x16xf32>,
        %get3A_1998 = vector.shape_cast %get3A_1997 : vector<1x1x1x16xf32> to vector<16xf32>
        %add3A_1999 = arith.addf %add3A_1927, %get3A_1998 : vector<16xf32>
        %get3A_2000 = arith.constant 0 : i32
        %get3A_2001 = arith.constant 25 : i32
        %get3A_2002 = arith.index_cast %get3A_2000 : i32 to index
        %get3A_2003 = arith.index_cast %scan3A_163 : i32 to index
        %get3A_2004 = arith.index_cast %get3A_2001 : i32 to index
        %get3A_2005 = arith.constant 80 : index
        %get3A_2006 = tpu.vector_load %arg4[%get3A_2002, %get3A_2003, %get3A_2004, %get3A_2005] {strides = array<i32>} : memref<2x8x32x128xf32, #tpu.memory_space<vmem>>, vector<1x1x1x16xf32>,
        %get3A_2007 = vector.shape_cast %get3A_2006 : vector<1x1x1x16xf32> to vector<16xf32>
        %add3A_2008 = arith.addf %add3A_1936, %get3A_2007 : vector<16xf32>
        %get3A_2009 = arith.constant 0 : i32
        %get3A_2010 = arith.constant 25 : i32
        %get3A_2011 = arith.index_cast %get3A_2009 : i32 to index
        %get3A_2012 = arith.index_cast %scan3A_163 : i32 to index
        %get3A_2013 = arith.index_cast %get3A_2010 : i32 to index
        %get3A_2014 = arith.constant 96 : index
        %get3A_2015 = tpu.vector_load %arg4[%get3A_2011, %get3A_2012, %get3A_2013, %get3A_2014] {strides = array<i32>} : memref<2x8x32x128xf32, #tpu.memory_space<vmem>>, vector<1x1x1x16xf32>,
        %get3A_2016 = vector.shape_cast %get3A_2015 : vector<1x1x1x16xf32> to vector<16xf32>
        %add3A_2017 = arith.addf %add3A_1945, %get3A_2016 : vector<16xf32>
        %get3A_2018 = arith.constant 0 : i32
        %get3A_2019 = arith.constant 25 : i32
        %get3A_2020 = arith.index_cast %get3A_2018 : i32 to index
        %get3A_2021 = arith.index_cast %scan3A_163 : i32 to index
        %get3A_2022 = arith.index_cast %get3A_2019 : i32 to index
        %get3A_2023 = arith.constant 112 : index
        %get3A_2024 = tpu.vector_load %arg4[%get3A_2020, %get3A_2021, %get3A_2022, %get3A_2023] {strides = array<i32>} : memref<2x8x32x128xf32, #tpu.memory_space<vmem>>, vector<1x1x1x16xf32>,
        %get3A_2025 = vector.shape_cast %get3A_2024 : vector<1x1x1x16xf32> to vector<16xf32>
        %add3A_2026 = arith.addf %add3A_1954, %get3A_2025 : vector<16xf32>
        %get3A_2027 = arith.constant 0 : i32
        %get3A_2028 = arith.constant 26 : i32
        %get3A_2029 = arith.index_cast %get3A_2027 : i32 to index
        %get3A_2030 = arith.index_cast %scan3A_163 : i32 to index
        %get3A_2031 = arith.index_cast %get3A_2028 : i32 to index
        %get3A_2032 = arith.constant 0 : index
        %get3A_2033 = tpu.vector_load %arg4[%get3A_2029, %get3A_2030, %get3A_2031, %get3A_2032] {strides = array<i32>} : memref<2x8x32x128xf32, #tpu.memory_space<vmem>>, vector<1x1x1x16xf32>,
        %get3A_2034 = vector.shape_cast %get3A_2033 : vector<1x1x1x16xf32> to vector<16xf32>
        %add3A_2035 = arith.addf %add3A_1963, %get3A_2034 : vector<16xf32>
        %get3A_2036 = arith.constant 0 : i32
        %get3A_2037 = arith.constant 26 : i32
        %get3A_2038 = arith.index_cast %get3A_2036 : i32 to index
        %get3A_2039 = arith.index_cast %scan3A_163 : i32 to index
        %get3A_2040 = arith.index_cast %get3A_2037 : i32 to index
        %get3A_2041 = arith.constant 16 : index
        %get3A_2042 = tpu.vector_load %arg4[%get3A_2038, %get3A_2039, %get3A_2040, %get3A_2041] {strides = array<i32>} : memref<2x8x32x128xf32, #tpu.memory_space<vmem>>, vector<1x1x1x16xf32>,
        %get3A_2043 = vector.shape_cast %get3A_2042 : vector<1x1x1x16xf32> to vector<16xf32>
        %add3A_2044 = arith.addf %add3A_1972, %get3A_2043 : vector<16xf32>
        %get3A_2045 = arith.constant 0 : i32
        %get3A_2046 = arith.constant 26 : i32
        %get3A_2047 = arith.index_cast %get3A_2045 : i32 to index
        %get3A_2048 = arith.index_cast %scan3A_163 : i32 to index
        %get3A_2049 = arith.index_cast %get3A_2046 : i32 to index
        %get3A_2050 = arith.constant 32 : index
        %get3A_2051 = tpu.vector_load %arg4[%get3A_2047, %get3A_2048, %get3A_2049, %get3A_2050] {strides = array<i32>} : memref<2x8x32x128xf32, #tpu.memory_space<vmem>>, vector<1x1x1x16xf32>,
        %get3A_2052 = vector.shape_cast %get3A_2051 : vector<1x1x1x16xf32> to vector<16xf32>
        %add3A_2053 = arith.addf %add3A_1981, %get3A_2052 : vector<16xf32>
        %get3A_2054 = arith.constant 0 : i32
        %get3A_2055 = arith.constant 26 : i32
        %get3A_2056 = arith.index_cast %get3A_2054 : i32 to index
        %get3A_2057 = arith.index_cast %scan3A_163 : i32 to index
        %get3A_2058 = arith.index_cast %get3A_2055 : i32 to index
        %get3A_2059 = arith.constant 48 : index
        %get3A_2060 = tpu.vector_load %arg4[%get3A_2056, %get3A_2057, %get3A_2058, %get3A_2059] {strides = array<i32>} : memref<2x8x32x128xf32, #tpu.memory_space<vmem>>, vector<1x1x1x16xf32>,
        %get3A_2061 = vector.shape_cast %get3A_2060 : vector<1x1x1x16xf32> to vector<16xf32>
        %add3A_2062 = arith.addf %add3A_1990, %get3A_2061 : vector<16xf32>
        %get3A_2063 = arith.constant 0 : i32
        %get3A_2064 = arith.constant 26 : i32
        %get3A_2065 = arith.index_cast %get3A_2063 : i32 to index
        %get3A_2066 = arith.index_cast %scan3A_163 : i32 to index
        %get3A_2067 = arith.index_cast %get3A_2064 : i32 to index
        %get3A_2068 = arith.constant 64 : index
        %get3A_2069 = tpu.vector_load %arg4[%get3A_2065, %get3A_2066, %get3A_2067, %get3A_2068] {strides = array<i32>} : memref<2x8x32x128xf32, #tpu.memory_space<vmem>>, vector<1x1x1x16xf32>,
        %get3A_2070 = vector.shape_cast %get3A_2069 : vector<1x1x1x16xf32> to vector<16xf32>
        %add3A_2071 = arith.addf %add3A_1999, %get3A_2070 : vector<16xf32>
        %get3A_2072 = arith.constant 0 : i32
        %get3A_2073 = arith.constant 26 : i32
        %get3A_2074 = arith.index_cast %get3A_2072 : i32 to index
        %get3A_2075 = arith.index_cast %scan3A_163 : i32 to index
        %get3A_2076 = arith.index_cast %get3A_2073 : i32 to index
        %get3A_2077 = arith.constant 80 : index
        %get3A_2078 = tpu.vector_load %arg4[%get3A_2074, %get3A_2075, %get3A_2076, %get3A_2077] {strides = array<i32>} : memref<2x8x32x128xf32, #tpu.memory_space<vmem>>, vector<1x1x1x16xf32>,
        %get3A_2079 = vector.shape_cast %get3A_2078 : vector<1x1x1x16xf32> to vector<16xf32>
        %add3A_2080 = arith.addf %add3A_2008, %get3A_2079 : vector<16xf32>
        %get3A_2081 = arith.constant 0 : i32
        %get3A_2082 = arith.constant 26 : i32
        %get3A_2083 = arith.index_cast %get3A_2081 : i32 to index
        %get3A_2084 = arith.index_cast %scan3A_163 : i32 to index
        %get3A_2085 = arith.index_cast %get3A_2082 : i32 to index
        %get3A_2086 = arith.constant 96 : index
        %get3A_2087 = tpu.vector_load %arg4[%get3A_2083, %get3A_2084, %get3A_2085, %get3A_2086] {strides = array<i32>} : memref<2x8x32x128xf32, #tpu.memory_space<vmem>>, vector<1x1x1x16xf32>,
        %get3A_2088 = vector.shape_cast %get3A_2087 : vector<1x1x1x16xf32> to vector<16xf32>
        %add3A_2089 = arith.addf %add3A_2017, %get3A_2088 : vector<16xf32>
        %get3A_2090 = arith.constant 0 : i32
        %get3A_2091 = arith.constant 26 : i32
        %get3A_2092 = arith.index_cast %get3A_2090 : i32 to index
        %get3A_2093 = arith.index_cast %scan3A_163 : i32 to index
        %get3A_2094 = arith.index_cast %get3A_2091 : i32 to index
        %get3A_2095 = arith.constant 112 : index
        %get3A_2096 = tpu.vector_load %arg4[%get3A_2092, %get3A_2093, %get3A_2094, %get3A_2095] {strides = array<i32>} : memref<2x8x32x128xf32, #tpu.memory_space<vmem>>, vector<1x1x1x16xf32>,
        %get3A_2097 = vector.shape_cast %get3A_2096 : vector<1x1x1x16xf32> to vector<16xf32>
        %add3A_2098 = arith.addf %add3A_2026, %get3A_2097 : vector<16xf32>
        %get3A_2099 = arith.constant 0 : i32
        %get3A_2100 = arith.constant 27 : i32
        %get3A_2101 = arith.index_cast %get3A_2099 : i32 to index
        %get3A_2102 = arith.index_cast %scan3A_163 : i32 to index
        %get3A_2103 = arith.index_cast %get3A_2100 : i32 to index
        %get3A_2104 = arith.constant 0 : index
        %get3A_2105 = tpu.vector_load %arg4[%get3A_2101, %get3A_2102, %get3A_2103, %get3A_2104] {strides = array<i32>} : memref<2x8x32x128xf32, #tpu.memory_space<vmem>>, vector<1x1x1x16xf32>,
        %get3A_2106 = vector.shape_cast %get3A_2105 : vector<1x1x1x16xf32> to vector<16xf32>
        %add3A_2107 = arith.addf %add3A_2035, %get3A_2106 : vector<16xf32>
        %get3A_2108 = arith.constant 0 : i32
        %get3A_2109 = arith.constant 27 : i32
        %get3A_2110 = arith.index_cast %get3A_2108 : i32 to index
        %get3A_2111 = arith.index_cast %scan3A_163 : i32 to index
        %get3A_2112 = arith.index_cast %get3A_2109 : i32 to index
        %get3A_2113 = arith.constant 16 : index
        %get3A_2114 = tpu.vector_load %arg4[%get3A_2110, %get3A_2111, %get3A_2112, %get3A_2113] {strides = array<i32>} : memref<2x8x32x128xf32, #tpu.memory_space<vmem>>, vector<1x1x1x16xf32>,
        %get3A_2115 = vector.shape_cast %get3A_2114 : vector<1x1x1x16xf32> to vector<16xf32>
        %add3A_2116 = arith.addf %add3A_2044, %get3A_2115 : vector<16xf32>
        %get3A_2117 = arith.constant 0 : i32
        %get3A_2118 = arith.constant 27 : i32
        %get3A_2119 = arith.index_cast %get3A_2117 : i32 to index
        %get3A_2120 = arith.index_cast %scan3A_163 : i32 to index
        %get3A_2121 = arith.index_cast %get3A_2118 : i32 to index
        %get3A_2122 = arith.constant 32 : index
        %get3A_2123 = tpu.vector_load %arg4[%get3A_2119, %get3A_2120, %get3A_2121, %get3A_2122] {strides = array<i32>} : memref<2x8x32x128xf32, #tpu.memory_space<vmem>>, vector<1x1x1x16xf32>,
        %get3A_2124 = vector.shape_cast %get3A_2123 : vector<1x1x1x16xf32> to vector<16xf32>
        %add3A_2125 = arith.addf %add3A_2053, %get3A_2124 : vector<16xf32>
        %get3A_2126 = arith.constant 0 : i32
        %get3A_2127 = arith.constant 27 : i32
        %get3A_2128 = arith.index_cast %get3A_2126 : i32 to index
        %get3A_2129 = arith.index_cast %scan3A_163 : i32 to index
        %get3A_2130 = arith.index_cast %get3A_2127 : i32 to index
        %get3A_2131 = arith.constant 48 : index
        %get3A_2132 = tpu.vector_load %arg4[%get3A_2128, %get3A_2129, %get3A_2130, %get3A_2131] {strides = array<i32>} : memref<2x8x32x128xf32, #tpu.memory_space<vmem>>, vector<1x1x1x16xf32>,
        %get3A_2133 = vector.shape_cast %get3A_2132 : vector<1x1x1x16xf32> to vector<16xf32>
        %add3A_2134 = arith.addf %add3A_2062, %get3A_2133 : vector<16xf32>
        %get3A_2135 = arith.constant 0 : i32
        %get3A_2136 = arith.constant 27 : i32
        %get3A_2137 = arith.index_cast %get3A_2135 : i32 to index
        %get3A_2138 = arith.index_cast %scan3A_163 : i32 to index
        %get3A_2139 = arith.index_cast %get3A_2136 : i32 to index
        %get3A_2140 = arith.constant 64 : index
        %get3A_2141 = tpu.vector_load %arg4[%get3A_2137, %get3A_2138, %get3A_2139, %get3A_2140] {strides = array<i32>} : memref<2x8x32x128xf32, #tpu.memory_space<vmem>>, vector<1x1x1x16xf32>,
        %get3A_2142 = vector.shape_cast %get3A_2141 : vector<1x1x1x16xf32> to vector<16xf32>
        %add3A_2143 = arith.addf %add3A_2071, %get3A_2142 : vector<16xf32>
        %get3A_2144 = arith.constant 0 : i32
        %get3A_2145 = arith.constant 27 : i32
        %get3A_2146 = arith.index_cast %get3A_2144 : i32 to index
        %get3A_2147 = arith.index_cast %scan3A_163 : i32 to index
        %get3A_2148 = arith.index_cast %get3A_2145 : i32 to index
        %get3A_2149 = arith.constant 80 : index
        %get3A_2150 = tpu.vector_load %arg4[%get3A_2146, %get3A_2147, %get3A_2148, %get3A_2149] {strides = array<i32>} : memref<2x8x32x128xf32, #tpu.memory_space<vmem>>, vector<1x1x1x16xf32>,
        %get3A_2151 = vector.shape_cast %get3A_2150 : vector<1x1x1x16xf32> to vector<16xf32>
        %add3A_2152 = arith.addf %add3A_2080, %get3A_2151 : vector<16xf32>
        %get3A_2153 = arith.constant 0 : i32
        %get3A_2154 = arith.constant 27 : i32
        %get3A_2155 = arith.index_cast %get3A_2153 : i32 to index
        %get3A_2156 = arith.index_cast %scan3A_163 : i32 to index
        %get3A_2157 = arith.index_cast %get3A_2154 : i32 to index
        %get3A_2158 = arith.constant 96 : index
        %get3A_2159 = tpu.vector_load %arg4[%get3A_2155, %get3A_2156, %get3A_2157, %get3A_2158] {strides = array<i32>} : memref<2x8x32x128xf32, #tpu.memory_space<vmem>>, vector<1x1x1x16xf32>,
        %get3A_2160 = vector.shape_cast %get3A_2159 : vector<1x1x1x16xf32> to vector<16xf32>
        %add3A_2161 = arith.addf %add3A_2089, %get3A_2160 : vector<16xf32>
        %get3A_2162 = arith.constant 0 : i32
        %get3A_2163 = arith.constant 27 : i32
        %get3A_2164 = arith.index_cast %get3A_2162 : i32 to index
        %get3A_2165 = arith.index_cast %scan3A_163 : i32 to index
        %get3A_2166 = arith.index_cast %get3A_2163 : i32 to index
        %get3A_2167 = arith.constant 112 : index
        %get3A_2168 = tpu.vector_load %arg4[%get3A_2164, %get3A_2165, %get3A_2166, %get3A_2167] {strides = array<i32>} : memref<2x8x32x128xf32, #tpu.memory_space<vmem>>, vector<1x1x1x16xf32>,
        %get3A_2169 = vector.shape_cast %get3A_2168 : vector<1x1x1x16xf32> to vector<16xf32>
        %add3A_2170 = arith.addf %add3A_2098, %get3A_2169 : vector<16xf32>
        %get3A_2171 = arith.constant 0 : i32
        %get3A_2172 = arith.constant 28 : i32
        %get3A_2173 = arith.index_cast %get3A_2171 : i32 to index
        %get3A_2174 = arith.index_cast %scan3A_163 : i32 to index
        %get3A_2175 = arith.index_cast %get3A_2172 : i32 to index
        %get3A_2176 = arith.constant 0 : index
        %get3A_2177 = tpu.vector_load %arg4[%get3A_2173, %get3A_2174, %get3A_2175, %get3A_2176] {strides = array<i32>} : memref<2x8x32x128xf32, #tpu.memory_space<vmem>>, vector<1x1x1x16xf32>,
        %get3A_2178 = vector.shape_cast %get3A_2177 : vector<1x1x1x16xf32> to vector<16xf32>
        %add3A_2179 = arith.addf %add3A_2107, %get3A_2178 : vector<16xf32>
        %get3A_2180 = arith.constant 0 : i32
        %get3A_2181 = arith.constant 28 : i32
        %get3A_2182 = arith.index_cast %get3A_2180 : i32 to index
        %get3A_2183 = arith.index_cast %scan3A_163 : i32 to index
        %get3A_2184 = arith.index_cast %get3A_2181 : i32 to index
        %get3A_2185 = arith.constant 16 : index
        %get3A_2186 = tpu.vector_load %arg4[%get3A_2182, %get3A_2183, %get3A_2184, %get3A_2185] {strides = array<i32>} : memref<2x8x32x128xf32, #tpu.memory_space<vmem>>, vector<1x1x1x16xf32>,
        %get3A_2187 = vector.shape_cast %get3A_2186 : vector<1x1x1x16xf32> to vector<16xf32>
        %add3A_2188 = arith.addf %add3A_2116, %get3A_2187 : vector<16xf32>
        %get3A_2189 = arith.constant 0 : i32
        %get3A_2190 = arith.constant 28 : i32
        %get3A_2191 = arith.index_cast %get3A_2189 : i32 to index
        %get3A_2192 = arith.index_cast %scan3A_163 : i32 to index
        %get3A_2193 = arith.index_cast %get3A_2190 : i32 to index
        %get3A_2194 = arith.constant 32 : index
        %get3A_2195 = tpu.vector_load %arg4[%get3A_2191, %get3A_2192, %get3A_2193, %get3A_2194] {strides = array<i32>} : memref<2x8x32x128xf32, #tpu.memory_space<vmem>>, vector<1x1x1x16xf32>,
        %get3A_2196 = vector.shape_cast %get3A_2195 : vector<1x1x1x16xf32> to vector<16xf32>
        %add3A_2197 = arith.addf %add3A_2125, %get3A_2196 : vector<16xf32>
        %get3A_2198 = arith.constant 0 : i32
        %get3A_2199 = arith.constant 28 : i32
        %get3A_2200 = arith.index_cast %get3A_2198 : i32 to index
        %get3A_2201 = arith.index_cast %scan3A_163 : i32 to index
        %get3A_2202 = arith.index_cast %get3A_2199 : i32 to index
        %get3A_2203 = arith.constant 48 : index
        %get3A_2204 = tpu.vector_load %arg4[%get3A_2200, %get3A_2201, %get3A_2202, %get3A_2203] {strides = array<i32>} : memref<2x8x32x128xf32, #tpu.memory_space<vmem>>, vector<1x1x1x16xf32>,
        %get3A_2205 = vector.shape_cast %get3A_2204 : vector<1x1x1x16xf32> to vector<16xf32>
        %add3A_2206 = arith.addf %add3A_2134, %get3A_2205 : vector<16xf32>
        %get3A_2207 = arith.constant 0 : i32
        %get3A_2208 = arith.constant 28 : i32
        %get3A_2209 = arith.index_cast %get3A_2207 : i32 to index
        %get3A_2210 = arith.index_cast %scan3A_163 : i32 to index
        %get3A_2211 = arith.index_cast %get3A_2208 : i32 to index
        %get3A_2212 = arith.constant 64 : index
        %get3A_2213 = tpu.vector_load %arg4[%get3A_2209, %get3A_2210, %get3A_2211, %get3A_2212] {strides = array<i32>} : memref<2x8x32x128xf32, #tpu.memory_space<vmem>>, vector<1x1x1x16xf32>,
        %get3A_2214 = vector.shape_cast %get3A_2213 : vector<1x1x1x16xf32> to vector<16xf32>
        %add3A_2215 = arith.addf %add3A_2143, %get3A_2214 : vector<16xf32>
        %get3A_2216 = arith.constant 0 : i32
        %get3A_2217 = arith.constant 28 : i32
        %get3A_2218 = arith.index_cast %get3A_2216 : i32 to index
        %get3A_2219 = arith.index_cast %scan3A_163 : i32 to index
        %get3A_2220 = arith.index_cast %get3A_2217 : i32 to index
        %get3A_2221 = arith.constant 80 : index
        %get3A_2222 = tpu.vector_load %arg4[%get3A_2218, %get3A_2219, %get3A_2220, %get3A_2221] {strides = array<i32>} : memref<2x8x32x128xf32, #tpu.memory_space<vmem>>, vector<1x1x1x16xf32>,
        %get3A_2223 = vector.shape_cast %get3A_2222 : vector<1x1x1x16xf32> to vector<16xf32>
        %add3A_2224 = arith.addf %add3A_2152, %get3A_2223 : vector<16xf32>
        %get3A_2225 = arith.constant 0 : i32
        %get3A_2226 = arith.constant 28 : i32
        %get3A_2227 = arith.index_cast %get3A_2225 : i32 to index
        %get3A_2228 = arith.index_cast %scan3A_163 : i32 to index
        %get3A_2229 = arith.index_cast %get3A_2226 : i32 to index
        %get3A_2230 = arith.constant 96 : index
        %get3A_2231 = tpu.vector_load %arg4[%get3A_2227, %get3A_2228, %get3A_2229, %get3A_2230] {strides = array<i32>} : memref<2x8x32x128xf32, #tpu.memory_space<vmem>>, vector<1x1x1x16xf32>,
        %get3A_2232 = vector.shape_cast %get3A_2231 : vector<1x1x1x16xf32> to vector<16xf32>
        %add3A_2233 = arith.addf %add3A_2161, %get3A_2232 : vector<16xf32>
        %get3A_2234 = arith.constant 0 : i32
        %get3A_2235 = arith.constant 28 : i32
        %get3A_2236 = arith.index_cast %get3A_2234 : i32 to index
        %get3A_2237 = arith.index_cast %scan3A_163 : i32 to index
        %get3A_2238 = arith.index_cast %get3A_2235 : i32 to index
        %get3A_2239 = arith.constant 112 : index
        %get3A_2240 = tpu.vector_load %arg4[%get3A_2236, %get3A_2237, %get3A_2238, %get3A_2239] {strides = array<i32>} : memref<2x8x32x128xf32, #tpu.memory_space<vmem>>, vector<1x1x1x16xf32>,
        %get3A_2241 = vector.shape_cast %get3A_2240 : vector<1x1x1x16xf32> to vector<16xf32>
        %add3A_2242 = arith.addf %add3A_2170, %get3A_2241 : vector<16xf32>
        %get3A_2243 = arith.constant 0 : i32
        %get3A_2244 = arith.constant 29 : i32
        %get3A_2245 = arith.index_cast %get3A_2243 : i32 to index
        %get3A_2246 = arith.index_cast %scan3A_163 : i32 to index
        %get3A_2247 = arith.index_cast %get3A_2244 : i32 to index
        %get3A_2248 = arith.constant 0 : index
        %get3A_2249 = tpu.vector_load %arg4[%get3A_2245, %get3A_2246, %get3A_2247, %get3A_2248] {strides = array<i32>} : memref<2x8x32x128xf32, #tpu.memory_space<vmem>>, vector<1x1x1x16xf32>,
        %get3A_2250 = vector.shape_cast %get3A_2249 : vector<1x1x1x16xf32> to vector<16xf32>
        %add3A_2251 = arith.addf %add3A_2179, %get3A_2250 : vector<16xf32>
        %get3A_2252 = arith.constant 0 : i32
        %get3A_2253 = arith.constant 29 : i32
        %get3A_2254 = arith.index_cast %get3A_2252 : i32 to index
        %get3A_2255 = arith.index_cast %scan3A_163 : i32 to index
        %get3A_2256 = arith.index_cast %get3A_2253 : i32 to index
        %get3A_2257 = arith.constant 16 : index
        %get3A_2258 = tpu.vector_load %arg4[%get3A_2254, %get3A_2255, %get3A_2256, %get3A_2257] {strides = array<i32>} : memref<2x8x32x128xf32, #tpu.memory_space<vmem>>, vector<1x1x1x16xf32>,
        %get3A_2259 = vector.shape_cast %get3A_2258 : vector<1x1x1x16xf32> to vector<16xf32>
        %add3A_2260 = arith.addf %add3A_2188, %get3A_2259 : vector<16xf32>
        %get3A_2261 = arith.constant 0 : i32
        %get3A_2262 = arith.constant 29 : i32
        %get3A_2263 = arith.index_cast %get3A_2261 : i32 to index
        %get3A_2264 = arith.index_cast %scan3A_163 : i32 to index
        %get3A_2265 = arith.index_cast %get3A_2262 : i32 to index
        %get3A_2266 = arith.constant 32 : index
        %get3A_2267 = tpu.vector_load %arg4[%get3A_2263, %get3A_2264, %get3A_2265, %get3A_2266] {strides = array<i32>} : memref<2x8x32x128xf32, #tpu.memory_space<vmem>>, vector<1x1x1x16xf32>,
        %get3A_2268 = vector.shape_cast %get3A_2267 : vector<1x1x1x16xf32> to vector<16xf32>
        %add3A_2269 = arith.addf %add3A_2197, %get3A_2268 : vector<16xf32>
        %get3A_2270 = arith.constant 0 : i32
        %get3A_2271 = arith.constant 29 : i32
        %get3A_2272 = arith.index_cast %get3A_2270 : i32 to index
        %get3A_2273 = arith.index_cast %scan3A_163 : i32 to index
        %get3A_2274 = arith.index_cast %get3A_2271 : i32 to index
        %get3A_2275 = arith.constant 48 : index
        %get3A_2276 = tpu.vector_load %arg4[%get3A_2272, %get3A_2273, %get3A_2274, %get3A_2275] {strides = array<i32>} : memref<2x8x32x128xf32, #tpu.memory_space<vmem>>, vector<1x1x1x16xf32>,
        %get3A_2277 = vector.shape_cast %get3A_2276 : vector<1x1x1x16xf32> to vector<16xf32>
        %add3A_2278 = arith.addf %add3A_2206, %get3A_2277 : vector<16xf32>
        %get3A_2279 = arith.constant 0 : i32
        %get3A_2280 = arith.constant 29 : i32
        %get3A_2281 = arith.index_cast %get3A_2279 : i32 to index
        %get3A_2282 = arith.index_cast %scan3A_163 : i32 to index
        %get3A_2283 = arith.index_cast %get3A_2280 : i32 to index
        %get3A_2284 = arith.constant 64 : index
        %get3A_2285 = tpu.vector_load %arg4[%get3A_2281, %get3A_2282, %get3A_2283, %get3A_2284] {strides = array<i32>} : memref<2x8x32x128xf32, #tpu.memory_space<vmem>>, vector<1x1x1x16xf32>,
        %get3A_2286 = vector.shape_cast %get3A_2285 : vector<1x1x1x16xf32> to vector<16xf32>
        %add3A_2287 = arith.addf %add3A_2215, %get3A_2286 : vector<16xf32>
        %get3A_2288 = arith.constant 0 : i32
        %get3A_2289 = arith.constant 29 : i32
        %get3A_2290 = arith.index_cast %get3A_2288 : i32 to index
        %get3A_2291 = arith.index_cast %scan3A_163 : i32 to index
        %get3A_2292 = arith.index_cast %get3A_2289 : i32 to index
        %get3A_2293 = arith.constant 80 : index
        %get3A_2294 = tpu.vector_load %arg4[%get3A_2290, %get3A_2291, %get3A_2292, %get3A_2293] {strides = array<i32>} : memref<2x8x32x128xf32, #tpu.memory_space<vmem>>, vector<1x1x1x16xf32>,
        %get3A_2295 = vector.shape_cast %get3A_2294 : vector<1x1x1x16xf32> to vector<16xf32>
        %add3A_2296 = arith.addf %add3A_2224, %get3A_2295 : vector<16xf32>
        %get3A_2297 = arith.constant 0 : i32
        %get3A_2298 = arith.constant 29 : i32
        %get3A_2299 = arith.index_cast %get3A_2297 : i32 to index
        %get3A_2300 = arith.index_cast %scan3A_163 : i32 to index
        %get3A_2301 = arith.index_cast %get3A_2298 : i32 to index
        %get3A_2302 = arith.constant 96 : index
        %get3A_2303 = tpu.vector_load %arg4[%get3A_2299, %get3A_2300, %get3A_2301, %get3A_2302] {strides = array<i32>} : memref<2x8x32x128xf32, #tpu.memory_space<vmem>>, vector<1x1x1x16xf32>,
        %get3A_2304 = vector.shape_cast %get3A_2303 : vector<1x1x1x16xf32> to vector<16xf32>
        %add3A_2305 = arith.addf %add3A_2233, %get3A_2304 : vector<16xf32>
        %get3A_2306 = arith.constant 0 : i32
        %get3A_2307 = arith.constant 29 : i32
        %get3A_2308 = arith.index_cast %get3A_2306 : i32 to index
        %get3A_2309 = arith.index_cast %scan3A_163 : i32 to index
        %get3A_2310 = arith.index_cast %get3A_2307 : i32 to index
        %get3A_2311 = arith.constant 112 : index
        %get3A_2312 = tpu.vector_load %arg4[%get3A_2308, %get3A_2309, %get3A_2310, %get3A_2311] {strides = array<i32>} : memref<2x8x32x128xf32, #tpu.memory_space<vmem>>, vector<1x1x1x16xf32>,
        %get3A_2313 = vector.shape_cast %get3A_2312 : vector<1x1x1x16xf32> to vector<16xf32>
        %add3A_2314 = arith.addf %add3A_2242, %get3A_2313 : vector<16xf32>
        %get3A_2315 = arith.constant 0 : i32
        %get3A_2316 = arith.constant 30 : i32
        %get3A_2317 = arith.index_cast %get3A_2315 : i32 to index
        %get3A_2318 = arith.index_cast %scan3A_163 : i32 to index
        %get3A_2319 = arith.index_cast %get3A_2316 : i32 to index
        %get3A_2320 = arith.constant 0 : index
        %get3A_2321 = tpu.vector_load %arg4[%get3A_2317, %get3A_2318, %get3A_2319, %get3A_2320] {strides = array<i32>} : memref<2x8x32x128xf32, #tpu.memory_space<vmem>>, vector<1x1x1x16xf32>,
        %get3A_2322 = vector.shape_cast %get3A_2321 : vector<1x1x1x16xf32> to vector<16xf32>
        %add3A_2323 = arith.addf %add3A_2251, %get3A_2322 : vector<16xf32>
        %get3A_2324 = arith.constant 0 : i32
        %get3A_2325 = arith.constant 30 : i32
        %get3A_2326 = arith.index_cast %get3A_2324 : i32 to index
        %get3A_2327 = arith.index_cast %scan3A_163 : i32 to index
        %get3A_2328 = arith.index_cast %get3A_2325 : i32 to index
        %get3A_2329 = arith.constant 16 : index
        %get3A_2330 = tpu.vector_load %arg4[%get3A_2326, %get3A_2327, %get3A_2328, %get3A_2329] {strides = array<i32>} : memref<2x8x32x128xf32, #tpu.memory_space<vmem>>, vector<1x1x1x16xf32>,
        %get3A_2331 = vector.shape_cast %get3A_2330 : vector<1x1x1x16xf32> to vector<16xf32>
        %add3A_2332 = arith.addf %add3A_2260, %get3A_2331 : vector<16xf32>
        %get3A_2333 = arith.constant 0 : i32
        %get3A_2334 = arith.constant 30 : i32
        %get3A_2335 = arith.index_cast %get3A_2333 : i32 to index
        %get3A_2336 = arith.index_cast %scan3A_163 : i32 to index
        %get3A_2337 = arith.index_cast %get3A_2334 : i32 to index
        %get3A_2338 = arith.constant 32 : index
        %get3A_2339 = tpu.vector_load %arg4[%get3A_2335, %get3A_2336, %get3A_2337, %get3A_2338] {strides = array<i32>} : memref<2x8x32x128xf32, #tpu.memory_space<vmem>>, vector<1x1x1x16xf32>,
        %get3A_2340 = vector.shape_cast %get3A_2339 : vector<1x1x1x16xf32> to vector<16xf32>
        %add3A_2341 = arith.addf %add3A_2269, %get3A_2340 : vector<16xf32>
        %get3A_2342 = arith.constant 0 : i32
        %get3A_2343 = arith.constant 30 : i32
        %get3A_2344 = arith.index_cast %get3A_2342 : i32 to index
        %get3A_2345 = arith.index_cast %scan3A_163 : i32 to index
        %get3A_2346 = arith.index_cast %get3A_2343 : i32 to index
        %get3A_2347 = arith.constant 48 : index
        %get3A_2348 = tpu.vector_load %arg4[%get3A_2344, %get3A_2345, %get3A_2346, %get3A_2347] {strides = array<i32>} : memref<2x8x32x128xf32, #tpu.memory_space<vmem>>, vector<1x1x1x16xf32>,
        %get3A_2349 = vector.shape_cast %get3A_2348 : vector<1x1x1x16xf32> to vector<16xf32>
        %add3A_2350 = arith.addf %add3A_2278, %get3A_2349 : vector<16xf32>
        %get3A_2351 = arith.constant 0 : i32
        %get3A_2352 = arith.constant 30 : i32
        %get3A_2353 = arith.index_cast %get3A_2351 : i32 to index
        %get3A_2354 = arith.index_cast %scan3A_163 : i32 to index
        %get3A_2355 = arith.index_cast %get3A_2352 : i32 to index
        %get3A_2356 = arith.constant 64 : index
        %get3A_2357 = tpu.vector_load %arg4[%get3A_2353, %get3A_2354, %get3A_2355, %get3A_2356] {strides = array<i32>} : memref<2x8x32x128xf32, #tpu.memory_space<vmem>>, vector<1x1x1x16xf32>,
        %get3A_2358 = vector.shape_cast %get3A_2357 : vector<1x1x1x16xf32> to vector<16xf32>
        %add3A_2359 = arith.addf %add3A_2287, %get3A_2358 : vector<16xf32>
        %get3A_2360 = arith.constant 0 : i32
        %get3A_2361 = arith.constant 30 : i32
        %get3A_2362 = arith.index_cast %get3A_2360 : i32 to index
        %get3A_2363 = arith.index_cast %scan3A_163 : i32 to index
        %get3A_2364 = arith.index_cast %get3A_2361 : i32 to index
        %get3A_2365 = arith.constant 80 : index
        %get3A_2366 = tpu.vector_load %arg4[%get3A_2362, %get3A_2363, %get3A_2364, %get3A_2365] {strides = array<i32>} : memref<2x8x32x128xf32, #tpu.memory_space<vmem>>, vector<1x1x1x16xf32>,
        %get3A_2367 = vector.shape_cast %get3A_2366 : vector<1x1x1x16xf32> to vector<16xf32>
        %add3A_2368 = arith.addf %add3A_2296, %get3A_2367 : vector<16xf32>
        %get3A_2369 = arith.constant 0 : i32
        %get3A_2370 = arith.constant 30 : i32
        %get3A_2371 = arith.index_cast %get3A_2369 : i32 to index
        %get3A_2372 = arith.index_cast %scan3A_163 : i32 to index
        %get3A_2373 = arith.index_cast %get3A_2370 : i32 to index
        %get3A_2374 = arith.constant 96 : index
        %get3A_2375 = tpu.vector_load %arg4[%get3A_2371, %get3A_2372, %get3A_2373, %get3A_2374] {strides = array<i32>} : memref<2x8x32x128xf32, #tpu.memory_space<vmem>>, vector<1x1x1x16xf32>,
        %get3A_2376 = vector.shape_cast %get3A_2375 : vector<1x1x1x16xf32> to vector<16xf32>
        %add3A_2377 = arith.addf %add3A_2305, %get3A_2376 : vector<16xf32>
        %get3A_2378 = arith.constant 0 : i32
        %get3A_2379 = arith.constant 30 : i32
        %get3A_2380 = arith.index_cast %get3A_2378 : i32 to index
        %get3A_2381 = arith.index_cast %scan3A_163 : i32 to index
        %get3A_2382 = arith.index_cast %get3A_2379 : i32 to index
        %get3A_2383 = arith.constant 112 : index
        %get3A_2384 = tpu.vector_load %arg4[%get3A_2380, %get3A_2381, %get3A_2382, %get3A_2383] {strides = array<i32>} : memref<2x8x32x128xf32, #tpu.memory_space<vmem>>, vector<1x1x1x16xf32>,
        %get3A_2385 = vector.shape_cast %get3A_2384 : vector<1x1x1x16xf32> to vector<16xf32>
        %add3A_2386 = arith.addf %add3A_2314, %get3A_2385 : vector<16xf32>
        %get3A_2387 = arith.constant 0 : i32
        %get3A_2388 = arith.constant 31 : i32
        %get3A_2389 = arith.index_cast %get3A_2387 : i32 to index
        %get3A_2390 = arith.index_cast %scan3A_163 : i32 to index
        %get3A_2391 = arith.index_cast %get3A_2388 : i32 to index
        %get3A_2392 = arith.constant 0 : index
        %get3A_2393 = tpu.vector_load %arg4[%get3A_2389, %get3A_2390, %get3A_2391, %get3A_2392] {strides = array<i32>} : memref<2x8x32x128xf32, #tpu.memory_space<vmem>>, vector<1x1x1x16xf32>,
        %get3A_2394 = vector.shape_cast %get3A_2393 : vector<1x1x1x16xf32> to vector<16xf32>
        %add3A_2395 = arith.addf %add3A_2323, %get3A_2394 : vector<16xf32>
        %get3A_2396 = arith.constant 0 : i32
        %get3A_2397 = arith.constant 31 : i32
        %get3A_2398 = arith.index_cast %get3A_2396 : i32 to index
        %get3A_2399 = arith.index_cast %scan3A_163 : i32 to index
        %get3A_2400 = arith.index_cast %get3A_2397 : i32 to index
        %get3A_2401 = arith.constant 16 : index
        %get3A_2402 = tpu.vector_load %arg4[%get3A_2398, %get3A_2399, %get3A_2400, %get3A_2401] {strides = array<i32>} : memref<2x8x32x128xf32, #tpu.memory_space<vmem>>, vector<1x1x1x16xf32>,
        %get3A_2403 = vector.shape_cast %get3A_2402 : vector<1x1x1x16xf32> to vector<16xf32>
        %add3A_2404 = arith.addf %add3A_2332, %get3A_2403 : vector<16xf32>
        %get3A_2405 = arith.constant 0 : i32
        %get3A_2406 = arith.constant 31 : i32
        %get3A_2407 = arith.index_cast %get3A_2405 : i32 to index
        %get3A_2408 = arith.index_cast %scan3A_163 : i32 to index
        %get3A_2409 = arith.index_cast %get3A_2406 : i32 to index
        %get3A_2410 = arith.constant 32 : index
        %get3A_2411 = tpu.vector_load %arg4[%get3A_2407, %get3A_2408, %get3A_2409, %get3A_2410] {strides = array<i32>} : memref<2x8x32x128xf32, #tpu.memory_space<vmem>>, vector<1x1x1x16xf32>,
        %get3A_2412 = vector.shape_cast %get3A_2411 : vector<1x1x1x16xf32> to vector<16xf32>
        %add3A_2413 = arith.addf %add3A_2341, %get3A_2412 : vector<16xf32>
        %get3A_2414 = arith.constant 0 : i32
        %get3A_2415 = arith.constant 31 : i32
        %get3A_2416 = arith.index_cast %get3A_2414 : i32 to index
        %get3A_2417 = arith.index_cast %scan3A_163 : i32 to index
        %get3A_2418 = arith.index_cast %get3A_2415 : i32 to index
        %get3A_2419 = arith.constant 48 : index
        %get3A_2420 = tpu.vector_load %arg4[%get3A_2416, %get3A_2417, %get3A_2418, %get3A_2419] {strides = array<i32>} : memref<2x8x32x128xf32, #tpu.memory_space<vmem>>, vector<1x1x1x16xf32>,
        %get3A_2421 = vector.shape_cast %get3A_2420 : vector<1x1x1x16xf32> to vector<16xf32>
        %add3A_2422 = arith.addf %add3A_2350, %get3A_2421 : vector<16xf32>
        %get3A_2423 = arith.constant 0 : i32
        %get3A_2424 = arith.constant 31 : i32
        %get3A_2425 = arith.index_cast %get3A_2423 : i32 to index
        %get3A_2426 = arith.index_cast %scan3A_163 : i32 to index
        %get3A_2427 = arith.index_cast %get3A_2424 : i32 to index
        %get3A_2428 = arith.constant 64 : index
        %get3A_2429 = tpu.vector_load %arg4[%get3A_2425, %get3A_2426, %get3A_2427, %get3A_2428] {strides = array<i32>} : memref<2x8x32x128xf32, #tpu.memory_space<vmem>>, vector<1x1x1x16xf32>,
        %get3A_2430 = vector.shape_cast %get3A_2429 : vector<1x1x1x16xf32> to vector<16xf32>
        %add3A_2431 = arith.addf %add3A_2359, %get3A_2430 : vector<16xf32>
        %get3A_2432 = arith.constant 0 : i32
        %get3A_2433 = arith.constant 31 : i32
        %get3A_2434 = arith.index_cast %get3A_2432 : i32 to index
        %get3A_2435 = arith.index_cast %scan3A_163 : i32 to index
        %get3A_2436 = arith.index_cast %get3A_2433 : i32 to index
        %get3A_2437 = arith.constant 80 : index
        %get3A_2438 = tpu.vector_load %arg4[%get3A_2434, %get3A_2435, %get3A_2436, %get3A_2437] {strides = array<i32>} : memref<2x8x32x128xf32, #tpu.memory_space<vmem>>, vector<1x1x1x16xf32>,
        %get3A_2439 = vector.shape_cast %get3A_2438 : vector<1x1x1x16xf32> to vector<16xf32>
        %add3A_2440 = arith.addf %add3A_2368, %get3A_2439 : vector<16xf32>
        %get3A_2441 = arith.constant 0 : i32
        %get3A_2442 = arith.constant 31 : i32
        %get3A_2443 = arith.index_cast %get3A_2441 : i32 to index
        %get3A_2444 = arith.index_cast %scan3A_163 : i32 to index
        %get3A_2445 = arith.index_cast %get3A_2442 : i32 to index
        %get3A_2446 = arith.constant 96 : index
        %get3A_2447 = tpu.vector_load %arg4[%get3A_2443, %get3A_2444, %get3A_2445, %get3A_2446] {strides = array<i32>} : memref<2x8x32x128xf32, #tpu.memory_space<vmem>>, vector<1x1x1x16xf32>,
        %get3A_2448 = vector.shape_cast %get3A_2447 : vector<1x1x1x16xf32> to vector<16xf32>
        %add3A_2449 = arith.addf %add3A_2377, %get3A_2448 : vector<16xf32>
        %get3A_2450 = arith.constant 0 : i32
        %get3A_2451 = arith.constant 31 : i32
        %get3A_2452 = arith.index_cast %get3A_2450 : i32 to index
        %get3A_2453 = arith.index_cast %scan3A_163 : i32 to index
        %get3A_2454 = arith.index_cast %get3A_2451 : i32 to index
        %get3A_2455 = arith.constant 112 : index
        %get3A_2456 = tpu.vector_load %arg4[%get3A_2452, %get3A_2453, %get3A_2454, %get3A_2455] {strides = array<i32>} : memref<2x8x32x128xf32, #tpu.memory_space<vmem>>, vector<1x1x1x16xf32>,
        %get3A_2457 = vector.shape_cast %get3A_2456 : vector<1x1x1x16xf32> to vector<16xf32>
        %add3A_2458 = arith.addf %add3A_2386, %get3A_2457 : vector<16xf32>
        %swap3A = arith.index_cast %add3A_64 : i32 to index
        %swap3A_2459 = arith.index_cast %scan3A_163 : i32 to index
        %swap3A_2460 = arith.constant 0 : index
        %swap3A_2461 = tpu.vector_load %arg5[%swap3A, %swap3A_2459, %swap3A_2460] {strides = array<i32>} : memref<8x8x128xf32, #tpu.memory_space<vmem>>, vector<1x1x16xf32>,
        %swap3A_2462 = vector.shape_cast %swap3A_2461 : vector<1x1x16xf32> to vector<16xf32>
        %swap3A_2463 = vector.shape_cast %add3A_2395 : vector<16xf32> to vector<1x1x16xf32>
        tpu.vector_store %arg5[%swap3A, %swap3A_2459, %swap3A_2460], %swap3A_2463 {strides = array<i32>} : memref<8x8x128xf32, #tpu.memory_space<vmem>>, vector<1x1x16xf32>,
        %swap3A_2464 = arith.index_cast %add3A_64 : i32 to index
        %swap3A_2465 = arith.index_cast %scan3A_163 : i32 to index
        %swap3A_2466 = arith.constant 16 : index
        %swap3A_2467 = tpu.vector_load %arg5[%swap3A_2464, %swap3A_2465, %swap3A_2466] {strides = array<i32>} : memref<8x8x128xf32, #tpu.memory_space<vmem>>, vector<1x1x16xf32>,
        %swap3A_2468 = vector.shape_cast %swap3A_2467 : vector<1x1x16xf32> to vector<16xf32>
        %swap3A_2469 = vector.shape_cast %add3A_2404 : vector<16xf32> to vector<1x1x16xf32>
        tpu.vector_store %arg5[%swap3A_2464, %swap3A_2465, %swap3A_2466], %swap3A_2469 {strides = array<i32>} : memref<8x8x128xf32, #tpu.memory_space<vmem>>, vector<1x1x16xf32>,
        %swap3A_2470 = arith.index_cast %add3A_64 : i32 to index
        %swap3A_2471 = arith.index_cast %scan3A_163 : i32 to index
        %swap3A_2472 = arith.constant 32 : index
        %swap3A_2473 = tpu.vector_load %arg5[%swap3A_2470, %swap3A_2471, %swap3A_2472] {strides = array<i32>} : memref<8x8x128xf32, #tpu.memory_space<vmem>>, vector<1x1x16xf32>,
        %swap3A_2474 = vector.shape_cast %swap3A_2473 : vector<1x1x16xf32> to vector<16xf32>
        %swap3A_2475 = vector.shape_cast %add3A_2413 : vector<16xf32> to vector<1x1x16xf32>
        tpu.vector_store %arg5[%swap3A_2470, %swap3A_2471, %swap3A_2472], %swap3A_2475 {strides = array<i32>} : memref<8x8x128xf32, #tpu.memory_space<vmem>>, vector<1x1x16xf32>,
        %swap3A_2476 = arith.index_cast %add3A_64 : i32 to index
        %swap3A_2477 = arith.index_cast %scan3A_163 : i32 to index
        %swap3A_2478 = arith.constant 48 : index
        %swap3A_2479 = tpu.vector_load %arg5[%swap3A_2476, %swap3A_2477, %swap3A_2478] {strides = array<i32>} : memref<8x8x128xf32, #tpu.memory_space<vmem>>, vector<1x1x16xf32>,
        %swap3A_2480 = vector.shape_cast %swap3A_2479 : vector<1x1x16xf32> to vector<16xf32>
        %swap3A_2481 = vector.shape_cast %add3A_2422 : vector<16xf32> to vector<1x1x16xf32>
        tpu.vector_store %arg5[%swap3A_2476, %swap3A_2477, %swap3A_2478], %swap3A_2481 {strides = array<i32>} : memref<8x8x128xf32, #tpu.memory_space<vmem>>, vector<1x1x16xf32>,
        %swap3A_2482 = arith.index_cast %add3A_64 : i32 to index
        %swap3A_2483 = arith.index_cast %scan3A_163 : i32 to index
        %swap3A_2484 = arith.constant 64 : index
        %swap3A_2485 = tpu.vector_load %arg5[%swap3A_2482, %swap3A_2483, %swap3A_2484] {strides = array<i32>} : memref<8x8x128xf32, #tpu.memory_space<vmem>>, vector<1x1x16xf32>,
        %swap3A_2486 = vector.shape_cast %swap3A_2485 : vector<1x1x16xf32> to vector<16xf32>
        %swap3A_2487 = vector.shape_cast %add3A_2431 : vector<16xf32> to vector<1x1x16xf32>
        tpu.vector_store %arg5[%swap3A_2482, %swap3A_2483, %swap3A_2484], %swap3A_2487 {strides = array<i32>} : memref<8x8x128xf32, #tpu.memory_space<vmem>>, vector<1x1x16xf32>,
        %swap3A_2488 = arith.index_cast %add3A_64 : i32 to index
        %swap3A_2489 = arith.index_cast %scan3A_163 : i32 to index
        %swap3A_2490 = arith.constant 80 : index
        %swap3A_2491 = tpu.vector_load %arg5[%swap3A_2488, %swap3A_2489, %swap3A_2490] {strides = array<i32>} : memref<8x8x128xf32, #tpu.memory_space<vmem>>, vector<1x1x16xf32>,
        %swap3A_2492 = vector.shape_cast %swap3A_2491 : vector<1x1x16xf32> to vector<16xf32>
        %swap3A_2493 = vector.shape_cast %add3A_2440 : vector<16xf32> to vector<1x1x16xf32>
        tpu.vector_store %arg5[%swap3A_2488, %swap3A_2489, %swap3A_2490], %swap3A_2493 {strides = array<i32>} : memref<8x8x128xf32, #tpu.memory_space<vmem>>, vector<1x1x16xf32>,
        %swap3A_2494 = arith.index_cast %add3A_64 : i32 to index
        %swap3A_2495 = arith.index_cast %scan3A_163 : i32 to index
        %swap3A_2496 = arith.constant 96 : index
        %swap3A_2497 = tpu.vector_load %arg5[%swap3A_2494, %swap3A_2495, %swap3A_2496] {strides = array<i32>} : memref<8x8x128xf32, #tpu.memory_space<vmem>>, vector<1x1x16xf32>,
        %swap3A_2498 = vector.shape_cast %swap3A_2497 : vector<1x1x16xf32> to vector<16xf32>
        %swap3A_2499 = vector.shape_cast %add3A_2449 : vector<16xf32> to vector<1x1x16xf32>
        tpu.vector_store %arg5[%swap3A_2494, %swap3A_2495, %swap3A_2496], %swap3A_2499 {strides = array<i32>} : memref<8x8x128xf32, #tpu.memory_space<vmem>>, vector<1x1x16xf32>,
        %swap3A_2500 = arith.index_cast %add3A_64 : i32 to index
        %swap3A_2501 = arith.index_cast %scan3A_163 : i32 to index
        %swap3A_2502 = arith.constant 112 : index
        %swap3A_2503 = tpu.vector_load %arg5[%swap3A_2500, %swap3A_2501, %swap3A_2502] {strides = array<i32>} : memref<8x8x128xf32, #tpu.memory_space<vmem>>, vector<1x1x16xf32>,
        %swap3A_2504 = vector.shape_cast %swap3A_2503 : vector<1x1x16xf32> to vector<16xf32>
        %swap3A_2505 = vector.shape_cast %add3A_2458 : vector<16xf32> to vector<1x1x16xf32>
        tpu.vector_store %arg5[%swap3A_2500, %swap3A_2501, %swap3A_2502], %swap3A_2505 {strides = array<i32>} : memref<8x8x128xf32, #tpu.memory_space<vmem>>, vector<1x1x16xf32>,
      }
      %scan3A_88 = arith.constant 8 : i32
      %mul3A_89 = arith.constant 32 : i32
      %mul3A_90 = arith.muli %add3A_64, %mul3A_89 : i32
      %add3A_91 = arith.addi %add3A, %mul3A_90 : i32
      %min3A_92 = arith.constant 199 : i32
      %min3A_93 = arith.minsi %add3A_91, %min3A_92 : i32
      %mul3A_94 = arith.constant 8 : i32
      %mul3A_95 = arith.muli %min3A_93, %mul3A_94 : i32
      %dma_start3A_96 = arith.constant 0 : i32
      %dma_start3A_97 = arith.constant 0 : i32
      %dma_start3A_98 = tpu.memref_slice %arg5[%add3A_64, %dma_start3A_96, %dma_start3A_97] : memref<8x8x128xf32, #tpu.memory_space<vmem>> -> memref<1x8x128xf32, #tpu.memory_space<vmem>>
      %dma_start3A_99 = tpu.memref_squeeze %dma_start3A_98 : memref<1x8x128xf32, #tpu.memory_space<vmem>> -> memref<8x128xf32, #tpu.memory_space<vmem>>
      %dma_start3A_100 = arith.constant 0 : i32
      %dma_start3A_101 = tpu.memref_slice %arg3[%mul3A_95, %dma_start3A_100] : memref<1600x128xf32, #tpu.memory_space<hbm>> -> memref<8x128xf32, #tpu.memory_space<hbm>>
      %dma_start3A_102 = arith.constant 0 : i32
      %dma_start3A_103 = tpu.memref_slice %arg3[%mul3A_95, %dma_start3A_102] : memref<1600x128xf32, #tpu.memory_space<hbm>> -> memref<8x128xf32, #tpu.memory_space<hbm>>
      %dma_start3A_104 = arith.constant 0 : i32
      %dma_start3A_105 = arith.constant 0 : i32
      %dma_start3A_106 = tpu.memref_slice %arg5[%add3A_64, %dma_start3A_104, %dma_start3A_105] : memref<8x8x128xf32, #tpu.memory_space<vmem>> -> memref<1x8x128xf32, #tpu.memory_space<vmem>>
      %dma_start3A_107 = tpu.memref_squeeze %dma_start3A_106 : memref<1x8x128xf32, #tpu.memory_space<vmem>> -> memref<8x128xf32, #tpu.memory_space<vmem>>
      tpu.enqueue_dma source(%dma_start3A_107 : memref<8x128xf32, #tpu.memory_space<vmem>>) target(%dma_start3A_103 : memref<8x128xf32, #tpu.memory_space<hbm>>) target_semaphore(%arg8 : memref<!tpu.dma_semaphore, #tpu.memory_space<semaphore_mem>>)
      %lt3A = arith.constant 3 : i32
      %lt3A_108 = arith.cmpi slt, %scan3A_60, %lt3A : i32
      %convert_element_type3A = arith.extui %lt3A_108 : i1 to i32
      %cond3A = arith.constant 0 : i32
      %cond3A_109 = arith.cmpi ne, %convert_element_type3A, %cond3A : i32
      scf.if %cond3A_109 {
        %add3A_163 = arith.constant 2 : i32
        %add3A_164 = arith.addi %add3A_64, %add3A_163 : i32
        %mul3A_165 = arith.constant 32 : i32
        %mul3A_166 = arith.muli %add3A_164, %mul3A_165 : i32
        %add3A_167 = arith.addi %add3A, %mul3A_166 : i32
        %min3A_168 = arith.constant 199 : i32
        %min3A_169 = arith.minsi %add3A_167, %min3A_168 : i32
        %mul3A_170 = arith.constant 8 : i32
        %mul3A_171 = arith.muli %min3A_169, %mul3A_170 : i32
        %add3A_172 = arith.constant 8400 : i32
        %add3A_173 = arith.addi %add3A_172, %mul3A_171 : i32
        %dma_start3A_174 = arith.constant 0 : i32
        %dma_start3A_175 = arith.constant 0 : i32
        %dma_start3A_176 = arith.constant 0 : i32
        %dma_start3A_177 = arith.constant 0 : i32
        %dma_start3A_178 = tpu.memref_slice %arg4[%dma_start3A_174, %dma_start3A_175, %dma_start3A_176, %dma_start3A_177] : memref<2x8x32x128xf32, #tpu.memory_space<vmem>> -> memref<1x8x32x128xf32, #tpu.memory_space<vmem>>
        %dma_start3A_179 = tpu.memref_squeeze %dma_start3A_178 : memref<1x8x32x128xf32, #tpu.memory_space<vmem>> -> memref<8x32x128xf32, #tpu.memory_space<vmem>>
        %dma_start3A_180 = arith.constant 0 : i32
        %dma_start3A_181 = arith.constant 0 : i32
        %dma_start3A_182 = tpu.memref_slice %arg2[%add3A_173, %dma_start3A_180, %dma_start3A_181] : memref<10000x32x128xf32, #tpu.memory_space<hbm>> -> memref<8x32x128xf32, #tpu.memory_space<hbm>>
        %dma_start3A_183 = arith.constant 0 : i32
        %dma_start3A_184 = arith.constant 0 : i32
        %dma_start3A_185 = arith.constant 0 : i32
        %dma_start3A_186 = tpu.memref_slice %arg4[%dma_start3A_174, %dma_start3A_183, %dma_start3A_184, %dma_start3A_185] : memref<2x8x32x128xf32, #tpu.memory_space<vmem>> -> memref<1x8x32x128xf32, #tpu.memory_space<vmem>>
        %dma_start3A_187 = tpu.memref_squeeze %dma_start3A_186 : memref<1x8x32x128xf32, #tpu.memory_space<vmem>> -> memref<8x32x128xf32, #tpu.memory_space<vmem>>
        %dma_start3A_188 = arith.constant 0 : i32
        %dma_start3A_189 = arith.constant 0 : i32
        %dma_start3A_190 = tpu.memref_slice %arg2[%add3A_173, %dma_start3A_188, %dma_start3A_189] : memref<10000x32x128xf32, #tpu.memory_space<hbm>> -> memref<8x32x128xf32, #tpu.memory_space<hbm>>
        tpu.enqueue_dma source(%dma_start3A_190 : memref<8x32x128xf32, #tpu.memory_space<hbm>>) target(%dma_start3A_187 : memref<8x32x128xf32, #tpu.memory_space<vmem>>) target_semaphore(%arg6 : memref<!tpu.dma_semaphore, #tpu.memory_space<semaphore_mem>>)
      } else {
      }
      %mul3A_110 = arith.constant 2 : i32
      %mul3A_111 = arith.muli %mul3A_110, %scan3A_60 : i32
      %add3A_112 = arith.constant 1 : i32
      %add3A_113 = arith.addi %mul3A_111, %add3A_112 : i32
      %dma_wait3A_114 = arith.constant 1 : i32
      %dma_wait3A_115 = arith.constant 0 : i32
      %dma_wait3A_116 = arith.constant 0 : i32
      %dma_wait3A_117 = arith.constant 0 : i32
      %dma_wait3A_118 = tpu.memref_slice %arg4[%dma_wait3A_114, %dma_wait3A_115, %dma_wait3A_116, %dma_wait3A_117] : memref<2x8x32x128xf32, #tpu.memory_space<vmem>> -> memref<1x8x32x128xf32, #tpu.memory_space<vmem>>
      %dma_wait3A_119 = tpu.memref_squeeze %dma_wait3A_118 : memref<1x8x32x128xf32, #tpu.memory_space<vmem>> -> memref<8x32x128xf32, #tpu.memory_space<vmem>>
      %dma_wait3A_120 = arith.constant 0 : i32
      %dma_wait3A_121 = arith.constant 0 : i32
      %dma_wait3A_122 = arith.constant 0 : i32
      %dma_wait3A_123 = tpu.memref_slice %arg2[%dma_wait3A_120, %dma_wait3A_121, %dma_wait3A_122] : memref<10000x32x128xf32, #tpu.memory_space<hbm>> -> memref<8x32x128xf32, #tpu.memory_space<hbm>>
      %dma_wait3A_124 = arith.constant 0 : i32
      %dma_wait3A_125 = arith.constant 0 : i32
      %dma_wait3A_126 = arith.constant 0 : i32
      %dma_wait3A_127 = tpu.memref_slice %arg4[%dma_wait3A_114, %dma_wait3A_124, %dma_wait3A_125, %dma_wait3A_126] : memref<2x8x32x128xf32, #tpu.memory_space<vmem>> -> memref<1x8x32x128xf32, #tpu.memory_space<vmem>>
      %dma_wait3A_128 = tpu.memref_squeeze %dma_wait3A_127 : memref<1x8x32x128xf32, #tpu.memory_space<vmem>> -> memref<8x32x128xf32, #tpu.memory_space<vmem>>
      %dma_wait3A_129 = arith.constant 0 : i32
      %dma_wait3A_130 = arith.constant 0 : i32
      %dma_wait3A_131 = arith.constant 0 : i32
      %dma_wait3A_132 = tpu.memref_slice %arg2[%dma_wait3A_129, %dma_wait3A_130, %dma_wait3A_131] : memref<10000x32x128xf32, #tpu.memory_space<hbm>> -> memref<8x32x128xf32, #tpu.memory_space<hbm>>
      tpu.wait_dma2 semaphore(%arg7 : memref<!tpu.dma_semaphore, #tpu.memory_space<semaphore_mem>>) src(%dma_wait3A_132 : memref<8x32x128xf32, #tpu.memory_space<hbm>>) dst(%dma_wait3A_128 : memref<8x32x128xf32, #tpu.memory_space<vmem>>)
      %scan3A_133 = arith.constant 0 : i32
      %scan3A_134 = arith.constant 0 : i32
      %scan3A_135 = arith.constant 8 : i32
      %scan3A_136 = arith.addi %scan3A_134, %scan3A_135 : i32
      %scan3A_137 = arith.constant 1 : i32
      scf.for %scan3A_163 = %scan3A_134 to %scan3A_136 step %scan3A_137  : i32 {
        %get3A = arith.constant 1 : i32
        %get3A_164 = arith.constant 0 : i32
        %get3A_165 = arith.index_cast %get3A : i32 to index
        %get3A_166 = arith.index_cast %scan3A_163 : i32 to index
        %get3A_167 = arith.index_cast %get3A_164 : i32 to index
        %get3A_168 = arith.constant 0 : index
        %get3A_169 = tpu.vector_load %arg4[%get3A_165, %get3A_166, %get3A_167, %get3A_168] {strides = array<i32>} : memref<2x8x32x128xf32, #tpu.memory_space<vmem>>, vector<1x1x1x16xf32>,
        %get3A_170 = vector.shape_cast %get3A_169 : vector<1x1x1x16xf32> to vector<16xf32>
        %get3A_171 = arith.constant 1 : i32
        %get3A_172 = arith.constant 0 : i32
        %get3A_173 = arith.index_cast %get3A_171 : i32 to index
        %get3A_174 = arith.index_cast %scan3A_163 : i32 to index
        %get3A_175 = arith.index_cast %get3A_172 : i32 to index
        %get3A_176 = arith.constant 16 : index
        %get3A_177 = tpu.vector_load %arg4[%get3A_173, %get3A_174, %get3A_175, %get3A_176] {strides = array<i32>} : memref<2x8x32x128xf32, #tpu.memory_space<vmem>>, vector<1x1x1x16xf32>,
        %get3A_178 = vector.shape_cast %get3A_177 : vector<1x1x1x16xf32> to vector<16xf32>
        %get3A_179 = arith.constant 1 : i32
        %get3A_180 = arith.constant 0 : i32
        %get3A_181 = arith.index_cast %get3A_179 : i32 to index
        %get3A_182 = arith.index_cast %scan3A_163 : i32 to index
        %get3A_183 = arith.index_cast %get3A_180 : i32 to index
        %get3A_184 = arith.constant 32 : index
        %get3A_185 = tpu.vector_load %arg4[%get3A_181, %get3A_182, %get3A_183, %get3A_184] {strides = array<i32>} : memref<2x8x32x128xf32, #tpu.memory_space<vmem>>, vector<1x1x1x16xf32>,
        %get3A_186 = vector.shape_cast %get3A_185 : vector<1x1x1x16xf32> to vector<16xf32>
        %get3A_187 = arith.constant 1 : i32
        %get3A_188 = arith.constant 0 : i32
        %get3A_189 = arith.index_cast %get3A_187 : i32 to index
        %get3A_190 = arith.index_cast %scan3A_163 : i32 to index
        %get3A_191 = arith.index_cast %get3A_188 : i32 to index
        %get3A_192 = arith.constant 48 : index
        %get3A_193 = tpu.vector_load %arg4[%get3A_189, %get3A_190, %get3A_191, %get3A_192] {strides = array<i32>} : memref<2x8x32x128xf32, #tpu.memory_space<vmem>>, vector<1x1x1x16xf32>,
        %get3A_194 = vector.shape_cast %get3A_193 : vector<1x1x1x16xf32> to vector<16xf32>
        %get3A_195 = arith.constant 1 : i32
        %get3A_196 = arith.constant 0 : i32
        %get3A_197 = arith.index_cast %get3A_195 : i32 to index
        %get3A_198 = arith.index_cast %scan3A_163 : i32 to index
        %get3A_199 = arith.index_cast %get3A_196 : i32 to index
        %get3A_200 = arith.constant 64 : index
        %get3A_201 = tpu.vector_load %arg4[%get3A_197, %get3A_198, %get3A_199, %get3A_200] {strides = array<i32>} : memref<2x8x32x128xf32, #tpu.memory_space<vmem>>, vector<1x1x1x16xf32>,
        %get3A_202 = vector.shape_cast %get3A_201 : vector<1x1x1x16xf32> to vector<16xf32>
        %get3A_203 = arith.constant 1 : i32
        %get3A_204 = arith.constant 0 : i32
        %get3A_205 = arith.index_cast %get3A_203 : i32 to index
        %get3A_206 = arith.index_cast %scan3A_163 : i32 to index
        %get3A_207 = arith.index_cast %get3A_204 : i32 to index
        %get3A_208 = arith.constant 80 : index
        %get3A_209 = tpu.vector_load %arg4[%get3A_205, %get3A_206, %get3A_207, %get3A_208] {strides = array<i32>} : memref<2x8x32x128xf32, #tpu.memory_space<vmem>>, vector<1x1x1x16xf32>,
        %get3A_210 = vector.shape_cast %get3A_209 : vector<1x1x1x16xf32> to vector<16xf32>
        %get3A_211 = arith.constant 1 : i32
        %get3A_212 = arith.constant 0 : i32
        %get3A_213 = arith.index_cast %get3A_211 : i32 to index
        %get3A_214 = arith.index_cast %scan3A_163 : i32 to index
        %get3A_215 = arith.index_cast %get3A_212 : i32 to index
        %get3A_216 = arith.constant 96 : index
        %get3A_217 = tpu.vector_load %arg4[%get3A_213, %get3A_214, %get3A_215, %get3A_216] {strides = array<i32>} : memref<2x8x32x128xf32, #tpu.memory_space<vmem>>, vector<1x1x1x16xf32>,
        %get3A_218 = vector.shape_cast %get3A_217 : vector<1x1x1x16xf32> to vector<16xf32>
        %get3A_219 = arith.constant 1 : i32
        %get3A_220 = arith.constant 0 : i32
        %get3A_221 = arith.index_cast %get3A_219 : i32 to index
        %get3A_222 = arith.index_cast %scan3A_163 : i32 to index
        %get3A_223 = arith.index_cast %get3A_220 : i32 to index
        %get3A_224 = arith.constant 112 : index
        %get3A_225 = tpu.vector_load %arg4[%get3A_221, %get3A_222, %get3A_223, %get3A_224] {strides = array<i32>} : memref<2x8x32x128xf32, #tpu.memory_space<vmem>>, vector<1x1x1x16xf32>,
        %get3A_226 = vector.shape_cast %get3A_225 : vector<1x1x1x16xf32> to vector<16xf32>
        %get3A_227 = arith.constant 1 : i32
        %get3A_228 = arith.constant 1 : i32
        %get3A_229 = arith.index_cast %get3A_227 : i32 to index
        %get3A_230 = arith.index_cast %scan3A_163 : i32 to index
        %get3A_231 = arith.index_cast %get3A_228 : i32 to index
        %get3A_232 = arith.constant 0 : index
        %get3A_233 = tpu.vector_load %arg4[%get3A_229, %get3A_230, %get3A_231, %get3A_232] {strides = array<i32>} : memref<2x8x32x128xf32, #tpu.memory_space<vmem>>, vector<1x1x1x16xf32>,
        %get3A_234 = vector.shape_cast %get3A_233 : vector<1x1x1x16xf32> to vector<16xf32>
        %add3A_235 = arith.addf %get3A_170, %get3A_234 : vector<16xf32>
        %get3A_236 = arith.constant 1 : i32
        %get3A_237 = arith.constant 1 : i32
        %get3A_238 = arith.index_cast %get3A_236 : i32 to index
        %get3A_239 = arith.index_cast %scan3A_163 : i32 to index
        %get3A_240 = arith.index_cast %get3A_237 : i32 to index
        %get3A_241 = arith.constant 16 : index
        %get3A_242 = tpu.vector_load %arg4[%get3A_238, %get3A_239, %get3A_240, %get3A_241] {strides = array<i32>} : memref<2x8x32x128xf32, #tpu.memory_space<vmem>>, vector<1x1x1x16xf32>,
        %get3A_243 = vector.shape_cast %get3A_242 : vector<1x1x1x16xf32> to vector<16xf32>
        %add3A_244 = arith.addf %get3A_178, %get3A_243 : vector<16xf32>
        %get3A_245 = arith.constant 1 : i32
        %get3A_246 = arith.constant 1 : i32
        %get3A_247 = arith.index_cast %get3A_245 : i32 to index
        %get3A_248 = arith.index_cast %scan3A_163 : i32 to index
        %get3A_249 = arith.index_cast %get3A_246 : i32 to index
        %get3A_250 = arith.constant 32 : index
        %get3A_251 = tpu.vector_load %arg4[%get3A_247, %get3A_248, %get3A_249, %get3A_250] {strides = array<i32>} : memref<2x8x32x128xf32, #tpu.memory_space<vmem>>, vector<1x1x1x16xf32>,
        %get3A_252 = vector.shape_cast %get3A_251 : vector<1x1x1x16xf32> to vector<16xf32>
        %add3A_253 = arith.addf %get3A_186, %get3A_252 : vector<16xf32>
        %get3A_254 = arith.constant 1 : i32
        %get3A_255 = arith.constant 1 : i32
        %get3A_256 = arith.index_cast %get3A_254 : i32 to index
        %get3A_257 = arith.index_cast %scan3A_163 : i32 to index
        %get3A_258 = arith.index_cast %get3A_255 : i32 to index
        %get3A_259 = arith.constant 48 : index
        %get3A_260 = tpu.vector_load %arg4[%get3A_256, %get3A_257, %get3A_258, %get3A_259] {strides = array<i32>} : memref<2x8x32x128xf32, #tpu.memory_space<vmem>>, vector<1x1x1x16xf32>,
        %get3A_261 = vector.shape_cast %get3A_260 : vector<1x1x1x16xf32> to vector<16xf32>
        %add3A_262 = arith.addf %get3A_194, %get3A_261 : vector<16xf32>
        %get3A_263 = arith.constant 1 : i32
        %get3A_264 = arith.constant 1 : i32
        %get3A_265 = arith.index_cast %get3A_263 : i32 to index
        %get3A_266 = arith.index_cast %scan3A_163 : i32 to index
        %get3A_267 = arith.index_cast %get3A_264 : i32 to index
        %get3A_268 = arith.constant 64 : index
        %get3A_269 = tpu.vector_load %arg4[%get3A_265, %get3A_266, %get3A_267, %get3A_268] {strides = array<i32>} : memref<2x8x32x128xf32, #tpu.memory_space<vmem>>, vector<1x1x1x16xf32>,
        %get3A_270 = vector.shape_cast %get3A_269 : vector<1x1x1x16xf32> to vector<16xf32>
        %add3A_271 = arith.addf %get3A_202, %get3A_270 : vector<16xf32>
        %get3A_272 = arith.constant 1 : i32
        %get3A_273 = arith.constant 1 : i32
        %get3A_274 = arith.index_cast %get3A_272 : i32 to index
        %get3A_275 = arith.index_cast %scan3A_163 : i32 to index
        %get3A_276 = arith.index_cast %get3A_273 : i32 to index
        %get3A_277 = arith.constant 80 : index
        %get3A_278 = tpu.vector_load %arg4[%get3A_274, %get3A_275, %get3A_276, %get3A_277] {strides = array<i32>} : memref<2x8x32x128xf32, #tpu.memory_space<vmem>>, vector<1x1x1x16xf32>,
        %get3A_279 = vector.shape_cast %get3A_278 : vector<1x1x1x16xf32> to vector<16xf32>
        %add3A_280 = arith.addf %get3A_210, %get3A_279 : vector<16xf32>
        %get3A_281 = arith.constant 1 : i32
        %get3A_282 = arith.constant 1 : i32
        %get3A_283 = arith.index_cast %get3A_281 : i32 to index
        %get3A_284 = arith.index_cast %scan3A_163 : i32 to index
        %get3A_285 = arith.index_cast %get3A_282 : i32 to index
        %get3A_286 = arith.constant 96 : index
        %get3A_287 = tpu.vector_load %arg4[%get3A_283, %get3A_284, %get3A_285, %get3A_286] {strides = array<i32>} : memref<2x8x32x128xf32, #tpu.memory_space<vmem>>, vector<1x1x1x16xf32>,
        %get3A_288 = vector.shape_cast %get3A_287 : vector<1x1x1x16xf32> to vector<16xf32>
        %add3A_289 = arith.addf %get3A_218, %get3A_288 : vector<16xf32>
        %get3A_290 = arith.constant 1 : i32
        %get3A_291 = arith.constant 1 : i32
        %get3A_292 = arith.index_cast %get3A_290 : i32 to index
        %get3A_293 = arith.index_cast %scan3A_163 : i32 to index
        %get3A_294 = arith.index_cast %get3A_291 : i32 to index
        %get3A_295 = arith.constant 112 : index
        %get3A_296 = tpu.vector_load %arg4[%get3A_292, %get3A_293, %get3A_294, %get3A_295] {strides = array<i32>} : memref<2x8x32x128xf32, #tpu.memory_space<vmem>>, vector<1x1x1x16xf32>,
        %get3A_297 = vector.shape_cast %get3A_296 : vector<1x1x1x16xf32> to vector<16xf32>
        %add3A_298 = arith.addf %get3A_226, %get3A_297 : vector<16xf32>
        %get3A_299 = arith.constant 1 : i32
        %get3A_300 = arith.constant 2 : i32
        %get3A_301 = arith.index_cast %get3A_299 : i32 to index
        %get3A_302 = arith.index_cast %scan3A_163 : i32 to index
        %get3A_303 = arith.index_cast %get3A_300 : i32 to index
        %get3A_304 = arith.constant 0 : index
        %get3A_305 = tpu.vector_load %arg4[%get3A_301, %get3A_302, %get3A_303, %get3A_304] {strides = array<i32>} : memref<2x8x32x128xf32, #tpu.memory_space<vmem>>, vector<1x1x1x16xf32>,
        %get3A_306 = vector.shape_cast %get3A_305 : vector<1x1x1x16xf32> to vector<16xf32>
        %add3A_307 = arith.addf %add3A_235, %get3A_306 : vector<16xf32>
        %get3A_308 = arith.constant 1 : i32
        %get3A_309 = arith.constant 2 : i32
        %get3A_310 = arith.index_cast %get3A_308 : i32 to index
        %get3A_311 = arith.index_cast %scan3A_163 : i32 to index
        %get3A_312 = arith.index_cast %get3A_309 : i32 to index
        %get3A_313 = arith.constant 16 : index
        %get3A_314 = tpu.vector_load %arg4[%get3A_310, %get3A_311, %get3A_312, %get3A_313] {strides = array<i32>} : memref<2x8x32x128xf32, #tpu.memory_space<vmem>>, vector<1x1x1x16xf32>,
        %get3A_315 = vector.shape_cast %get3A_314 : vector<1x1x1x16xf32> to vector<16xf32>
        %add3A_316 = arith.addf %add3A_244, %get3A_315 : vector<16xf32>
        %get3A_317 = arith.constant 1 : i32
        %get3A_318 = arith.constant 2 : i32
        %get3A_319 = arith.index_cast %get3A_317 : i32 to index
        %get3A_320 = arith.index_cast %scan3A_163 : i32 to index
        %get3A_321 = arith.index_cast %get3A_318 : i32 to index
        %get3A_322 = arith.constant 32 : index
        %get3A_323 = tpu.vector_load %arg4[%get3A_319, %get3A_320, %get3A_321, %get3A_322] {strides = array<i32>} : memref<2x8x32x128xf32, #tpu.memory_space<vmem>>, vector<1x1x1x16xf32>,
        %get3A_324 = vector.shape_cast %get3A_323 : vector<1x1x1x16xf32> to vector<16xf32>
        %add3A_325 = arith.addf %add3A_253, %get3A_324 : vector<16xf32>
        %get3A_326 = arith.constant 1 : i32
        %get3A_327 = arith.constant 2 : i32
        %get3A_328 = arith.index_cast %get3A_326 : i32 to index
        %get3A_329 = arith.index_cast %scan3A_163 : i32 to index
        %get3A_330 = arith.index_cast %get3A_327 : i32 to index
        %get3A_331 = arith.constant 48 : index
        %get3A_332 = tpu.vector_load %arg4[%get3A_328, %get3A_329, %get3A_330, %get3A_331] {strides = array<i32>} : memref<2x8x32x128xf32, #tpu.memory_space<vmem>>, vector<1x1x1x16xf32>,
        %get3A_333 = vector.shape_cast %get3A_332 : vector<1x1x1x16xf32> to vector<16xf32>
        %add3A_334 = arith.addf %add3A_262, %get3A_333 : vector<16xf32>
        %get3A_335 = arith.constant 1 : i32
        %get3A_336 = arith.constant 2 : i32
        %get3A_337 = arith.index_cast %get3A_335 : i32 to index
        %get3A_338 = arith.index_cast %scan3A_163 : i32 to index
        %get3A_339 = arith.index_cast %get3A_336 : i32 to index
        %get3A_340 = arith.constant 64 : index
        %get3A_341 = tpu.vector_load %arg4[%get3A_337, %get3A_338, %get3A_339, %get3A_340] {strides = array<i32>} : memref<2x8x32x128xf32, #tpu.memory_space<vmem>>, vector<1x1x1x16xf32>,
        %get3A_342 = vector.shape_cast %get3A_341 : vector<1x1x1x16xf32> to vector<16xf32>
        %add3A_343 = arith.addf %add3A_271, %get3A_342 : vector<16xf32>
        %get3A_344 = arith.constant 1 : i32
        %get3A_345 = arith.constant 2 : i32
        %get3A_346 = arith.index_cast %get3A_344 : i32 to index
        %get3A_347 = arith.index_cast %scan3A_163 : i32 to index
        %get3A_348 = arith.index_cast %get3A_345 : i32 to index
        %get3A_349 = arith.constant 80 : index
        %get3A_350 = tpu.vector_load %arg4[%get3A_346, %get3A_347, %get3A_348, %get3A_349] {strides = array<i32>} : memref<2x8x32x128xf32, #tpu.memory_space<vmem>>, vector<1x1x1x16xf32>,
        %get3A_351 = vector.shape_cast %get3A_350 : vector<1x1x1x16xf32> to vector<16xf32>
        %add3A_352 = arith.addf %add3A_280, %get3A_351 : vector<16xf32>
        %get3A_353 = arith.constant 1 : i32
        %get3A_354 = arith.constant 2 : i32
        %get3A_355 = arith.index_cast %get3A_353 : i32 to index
        %get3A_356 = arith.index_cast %scan3A_163 : i32 to index
        %get3A_357 = arith.index_cast %get3A_354 : i32 to index
        %get3A_358 = arith.constant 96 : index
        %get3A_359 = tpu.vector_load %arg4[%get3A_355, %get3A_356, %get3A_357, %get3A_358] {strides = array<i32>} : memref<2x8x32x128xf32, #tpu.memory_space<vmem>>, vector<1x1x1x16xf32>,
        %get3A_360 = vector.shape_cast %get3A_359 : vector<1x1x1x16xf32> to vector<16xf32>
        %add3A_361 = arith.addf %add3A_289, %get3A_360 : vector<16xf32>
        %get3A_362 = arith.constant 1 : i32
        %get3A_363 = arith.constant 2 : i32
        %get3A_364 = arith.index_cast %get3A_362 : i32 to index
        %get3A_365 = arith.index_cast %scan3A_163 : i32 to index
        %get3A_366 = arith.index_cast %get3A_363 : i32 to index
        %get3A_367 = arith.constant 112 : index
        %get3A_368 = tpu.vector_load %arg4[%get3A_364, %get3A_365, %get3A_366, %get3A_367] {strides = array<i32>} : memref<2x8x32x128xf32, #tpu.memory_space<vmem>>, vector<1x1x1x16xf32>,
        %get3A_369 = vector.shape_cast %get3A_368 : vector<1x1x1x16xf32> to vector<16xf32>
        %add3A_370 = arith.addf %add3A_298, %get3A_369 : vector<16xf32>
        %get3A_371 = arith.constant 1 : i32
        %get3A_372 = arith.constant 3 : i32
        %get3A_373 = arith.index_cast %get3A_371 : i32 to index
        %get3A_374 = arith.index_cast %scan3A_163 : i32 to index
        %get3A_375 = arith.index_cast %get3A_372 : i32 to index
        %get3A_376 = arith.constant 0 : index
        %get3A_377 = tpu.vector_load %arg4[%get3A_373, %get3A_374, %get3A_375, %get3A_376] {strides = array<i32>} : memref<2x8x32x128xf32, #tpu.memory_space<vmem>>, vector<1x1x1x16xf32>,
        %get3A_378 = vector.shape_cast %get3A_377 : vector<1x1x1x16xf32> to vector<16xf32>
        %add3A_379 = arith.addf %add3A_307, %get3A_378 : vector<16xf32>
        %get3A_380 = arith.constant 1 : i32
        %get3A_381 = arith.constant 3 : i32
        %get3A_382 = arith.index_cast %get3A_380 : i32 to index
        %get3A_383 = arith.index_cast %scan3A_163 : i32 to index
        %get3A_384 = arith.index_cast %get3A_381 : i32 to index
        %get3A_385 = arith.constant 16 : index
        %get3A_386 = tpu.vector_load %arg4[%get3A_382, %get3A_383, %get3A_384, %get3A_385] {strides = array<i32>} : memref<2x8x32x128xf32, #tpu.memory_space<vmem>>, vector<1x1x1x16xf32>,
        %get3A_387 = vector.shape_cast %get3A_386 : vector<1x1x1x16xf32> to vector<16xf32>
        %add3A_388 = arith.addf %add3A_316, %get3A_387 : vector<16xf32>
        %get3A_389 = arith.constant 1 : i32
        %get3A_390 = arith.constant 3 : i32
        %get3A_391 = arith.index_cast %get3A_389 : i32 to index
        %get3A_392 = arith.index_cast %scan3A_163 : i32 to index
        %get3A_393 = arith.index_cast %get3A_390 : i32 to index
        %get3A_394 = arith.constant 32 : index
        %get3A_395 = tpu.vector_load %arg4[%get3A_391, %get3A_392, %get3A_393, %get3A_394] {strides = array<i32>} : memref<2x8x32x128xf32, #tpu.memory_space<vmem>>, vector<1x1x1x16xf32>,
        %get3A_396 = vector.shape_cast %get3A_395 : vector<1x1x1x16xf32> to vector<16xf32>
        %add3A_397 = arith.addf %add3A_325, %get3A_396 : vector<16xf32>
        %get3A_398 = arith.constant 1 : i32
        %get3A_399 = arith.constant 3 : i32
        %get3A_400 = arith.index_cast %get3A_398 : i32 to index
        %get3A_401 = arith.index_cast %scan3A_163 : i32 to index
        %get3A_402 = arith.index_cast %get3A_399 : i32 to index
        %get3A_403 = arith.constant 48 : index
        %get3A_404 = tpu.vector_load %arg4[%get3A_400, %get3A_401, %get3A_402, %get3A_403] {strides = array<i32>} : memref<2x8x32x128xf32, #tpu.memory_space<vmem>>, vector<1x1x1x16xf32>,
        %get3A_405 = vector.shape_cast %get3A_404 : vector<1x1x1x16xf32> to vector<16xf32>
        %add3A_406 = arith.addf %add3A_334, %get3A_405 : vector<16xf32>
        %get3A_407 = arith.constant 1 : i32
        %get3A_408 = arith.constant 3 : i32
        %get3A_409 = arith.index_cast %get3A_407 : i32 to index
        %get3A_410 = arith.index_cast %scan3A_163 : i32 to index
        %get3A_411 = arith.index_cast %get3A_408 : i32 to index
        %get3A_412 = arith.constant 64 : index
        %get3A_413 = tpu.vector_load %arg4[%get3A_409, %get3A_410, %get3A_411, %get3A_412] {strides = array<i32>} : memref<2x8x32x128xf32, #tpu.memory_space<vmem>>, vector<1x1x1x16xf32>,
        %get3A_414 = vector.shape_cast %get3A_413 : vector<1x1x1x16xf32> to vector<16xf32>
        %add3A_415 = arith.addf %add3A_343, %get3A_414 : vector<16xf32>
        %get3A_416 = arith.constant 1 : i32
        %get3A_417 = arith.constant 3 : i32
        %get3A_418 = arith.index_cast %get3A_416 : i32 to index
        %get3A_419 = arith.index_cast %scan3A_163 : i32 to index
        %get3A_420 = arith.index_cast %get3A_417 : i32 to index
        %get3A_421 = arith.constant 80 : index
        %get3A_422 = tpu.vector_load %arg4[%get3A_418, %get3A_419, %get3A_420, %get3A_421] {strides = array<i32>} : memref<2x8x32x128xf32, #tpu.memory_space<vmem>>, vector<1x1x1x16xf32>,
        %get3A_423 = vector.shape_cast %get3A_422 : vector<1x1x1x16xf32> to vector<16xf32>
        %add3A_424 = arith.addf %add3A_352, %get3A_423 : vector<16xf32>
        %get3A_425 = arith.constant 1 : i32
        %get3A_426 = arith.constant 3 : i32
        %get3A_427 = arith.index_cast %get3A_425 : i32 to index
        %get3A_428 = arith.index_cast %scan3A_163 : i32 to index
        %get3A_429 = arith.index_cast %get3A_426 : i32 to index
        %get3A_430 = arith.constant 96 : index
        %get3A_431 = tpu.vector_load %arg4[%get3A_427, %get3A_428, %get3A_429, %get3A_430] {strides = array<i32>} : memref<2x8x32x128xf32, #tpu.memory_space<vmem>>, vector<1x1x1x16xf32>,
        %get3A_432 = vector.shape_cast %get3A_431 : vector<1x1x1x16xf32> to vector<16xf32>
        %add3A_433 = arith.addf %add3A_361, %get3A_432 : vector<16xf32>
        %get3A_434 = arith.constant 1 : i32
        %get3A_435 = arith.constant 3 : i32
        %get3A_436 = arith.index_cast %get3A_434 : i32 to index
        %get3A_437 = arith.index_cast %scan3A_163 : i32 to index
        %get3A_438 = arith.index_cast %get3A_435 : i32 to index
        %get3A_439 = arith.constant 112 : index
        %get3A_440 = tpu.vector_load %arg4[%get3A_436, %get3A_437, %get3A_438, %get3A_439] {strides = array<i32>} : memref<2x8x32x128xf32, #tpu.memory_space<vmem>>, vector<1x1x1x16xf32>,
        %get3A_441 = vector.shape_cast %get3A_440 : vector<1x1x1x16xf32> to vector<16xf32>
        %add3A_442 = arith.addf %add3A_370, %get3A_441 : vector<16xf32>
        %get3A_443 = arith.constant 1 : i32
        %get3A_444 = arith.constant 4 : i32
        %get3A_445 = arith.index_cast %get3A_443 : i32 to index
        %get3A_446 = arith.index_cast %scan3A_163 : i32 to index
        %get3A_447 = arith.index_cast %get3A_444 : i32 to index
        %get3A_448 = arith.constant 0 : index
        %get3A_449 = tpu.vector_load %arg4[%get3A_445, %get3A_446, %get3A_447, %get3A_448] {strides = array<i32>} : memref<2x8x32x128xf32, #tpu.memory_space<vmem>>, vector<1x1x1x16xf32>,
        %get3A_450 = vector.shape_cast %get3A_449 : vector<1x1x1x16xf32> to vector<16xf32>
        %add3A_451 = arith.addf %add3A_379, %get3A_450 : vector<16xf32>
        %get3A_452 = arith.constant 1 : i32
        %get3A_453 = arith.constant 4 : i32
        %get3A_454 = arith.index_cast %get3A_452 : i32 to index
        %get3A_455 = arith.index_cast %scan3A_163 : i32 to index
        %get3A_456 = arith.index_cast %get3A_453 : i32 to index
        %get3A_457 = arith.constant 16 : index
        %get3A_458 = tpu.vector_load %arg4[%get3A_454, %get3A_455, %get3A_456, %get3A_457] {strides = array<i32>} : memref<2x8x32x128xf32, #tpu.memory_space<vmem>>, vector<1x1x1x16xf32>,
        %get3A_459 = vector.shape_cast %get3A_458 : vector<1x1x1x16xf32> to vector<16xf32>
        %add3A_460 = arith.addf %add3A_388, %get3A_459 : vector<16xf32>
        %get3A_461 = arith.constant 1 : i32
        %get3A_462 = arith.constant 4 : i32
        %get3A_463 = arith.index_cast %get3A_461 : i32 to index
        %get3A_464 = arith.index_cast %scan3A_163 : i32 to index
        %get3A_465 = arith.index_cast %get3A_462 : i32 to index
        %get3A_466 = arith.constant 32 : index
        %get3A_467 = tpu.vector_load %arg4[%get3A_463, %get3A_464, %get3A_465, %get3A_466] {strides = array<i32>} : memref<2x8x32x128xf32, #tpu.memory_space<vmem>>, vector<1x1x1x16xf32>,
        %get3A_468 = vector.shape_cast %get3A_467 : vector<1x1x1x16xf32> to vector<16xf32>
        %add3A_469 = arith.addf %add3A_397, %get3A_468 : vector<16xf32>
        %get3A_470 = arith.constant 1 : i32
        %get3A_471 = arith.constant 4 : i32
        %get3A_472 = arith.index_cast %get3A_470 : i32 to index
        %get3A_473 = arith.index_cast %scan3A_163 : i32 to index
        %get3A_474 = arith.index_cast %get3A_471 : i32 to index
        %get3A_475 = arith.constant 48 : index
        %get3A_476 = tpu.vector_load %arg4[%get3A_472, %get3A_473, %get3A_474, %get3A_475] {strides = array<i32>} : memref<2x8x32x128xf32, #tpu.memory_space<vmem>>, vector<1x1x1x16xf32>,
        %get3A_477 = vector.shape_cast %get3A_476 : vector<1x1x1x16xf32> to vector<16xf32>
        %add3A_478 = arith.addf %add3A_406, %get3A_477 : vector<16xf32>
        %get3A_479 = arith.constant 1 : i32
        %get3A_480 = arith.constant 4 : i32
        %get3A_481 = arith.index_cast %get3A_479 : i32 to index
        %get3A_482 = arith.index_cast %scan3A_163 : i32 to index
        %get3A_483 = arith.index_cast %get3A_480 : i32 to index
        %get3A_484 = arith.constant 64 : index
        %get3A_485 = tpu.vector_load %arg4[%get3A_481, %get3A_482, %get3A_483, %get3A_484] {strides = array<i32>} : memref<2x8x32x128xf32, #tpu.memory_space<vmem>>, vector<1x1x1x16xf32>,
        %get3A_486 = vector.shape_cast %get3A_485 : vector<1x1x1x16xf32> to vector<16xf32>
        %add3A_487 = arith.addf %add3A_415, %get3A_486 : vector<16xf32>
        %get3A_488 = arith.constant 1 : i32
        %get3A_489 = arith.constant 4 : i32
        %get3A_490 = arith.index_cast %get3A_488 : i32 to index
        %get3A_491 = arith.index_cast %scan3A_163 : i32 to index
        %get3A_492 = arith.index_cast %get3A_489 : i32 to index
        %get3A_493 = arith.constant 80 : index
        %get3A_494 = tpu.vector_load %arg4[%get3A_490, %get3A_491, %get3A_492, %get3A_493] {strides = array<i32>} : memref<2x8x32x128xf32, #tpu.memory_space<vmem>>, vector<1x1x1x16xf32>,
        %get3A_495 = vector.shape_cast %get3A_494 : vector<1x1x1x16xf32> to vector<16xf32>
        %add3A_496 = arith.addf %add3A_424, %get3A_495 : vector<16xf32>
        %get3A_497 = arith.constant 1 : i32
        %get3A_498 = arith.constant 4 : i32
        %get3A_499 = arith.index_cast %get3A_497 : i32 to index
        %get3A_500 = arith.index_cast %scan3A_163 : i32 to index
        %get3A_501 = arith.index_cast %get3A_498 : i32 to index
        %get3A_502 = arith.constant 96 : index
        %get3A_503 = tpu.vector_load %arg4[%get3A_499, %get3A_500, %get3A_501, %get3A_502] {strides = array<i32>} : memref<2x8x32x128xf32, #tpu.memory_space<vmem>>, vector<1x1x1x16xf32>,
        %get3A_504 = vector.shape_cast %get3A_503 : vector<1x1x1x16xf32> to vector<16xf32>
        %add3A_505 = arith.addf %add3A_433, %get3A_504 : vector<16xf32>
        %get3A_506 = arith.constant 1 : i32
        %get3A_507 = arith.constant 4 : i32
        %get3A_508 = arith.index_cast %get3A_506 : i32 to index
        %get3A_509 = arith.index_cast %scan3A_163 : i32 to index
        %get3A_510 = arith.index_cast %get3A_507 : i32 to index
        %get3A_511 = arith.constant 112 : index
        %get3A_512 = tpu.vector_load %arg4[%get3A_508, %get3A_509, %get3A_510, %get3A_511] {strides = array<i32>} : memref<2x8x32x128xf32, #tpu.memory_space<vmem>>, vector<1x1x1x16xf32>,
        %get3A_513 = vector.shape_cast %get3A_512 : vector<1x1x1x16xf32> to vector<16xf32>
        %add3A_514 = arith.addf %add3A_442, %get3A_513 : vector<16xf32>
        %get3A_515 = arith.constant 1 : i32
        %get3A_516 = arith.constant 5 : i32
        %get3A_517 = arith.index_cast %get3A_515 : i32 to index
        %get3A_518 = arith.index_cast %scan3A_163 : i32 to index
        %get3A_519 = arith.index_cast %get3A_516 : i32 to index
        %get3A_520 = arith.constant 0 : index
        %get3A_521 = tpu.vector_load %arg4[%get3A_517, %get3A_518, %get3A_519, %get3A_520] {strides = array<i32>} : memref<2x8x32x128xf32, #tpu.memory_space<vmem>>, vector<1x1x1x16xf32>,
        %get3A_522 = vector.shape_cast %get3A_521 : vector<1x1x1x16xf32> to vector<16xf32>
        %add3A_523 = arith.addf %add3A_451, %get3A_522 : vector<16xf32>
        %get3A_524 = arith.constant 1 : i32
        %get3A_525 = arith.constant 5 : i32
        %get3A_526 = arith.index_cast %get3A_524 : i32 to index
        %get3A_527 = arith.index_cast %scan3A_163 : i32 to index
        %get3A_528 = arith.index_cast %get3A_525 : i32 to index
        %get3A_529 = arith.constant 16 : index
        %get3A_530 = tpu.vector_load %arg4[%get3A_526, %get3A_527, %get3A_528, %get3A_529] {strides = array<i32>} : memref<2x8x32x128xf32, #tpu.memory_space<vmem>>, vector<1x1x1x16xf32>,
        %get3A_531 = vector.shape_cast %get3A_530 : vector<1x1x1x16xf32> to vector<16xf32>
        %add3A_532 = arith.addf %add3A_460, %get3A_531 : vector<16xf32>
        %get3A_533 = arith.constant 1 : i32
        %get3A_534 = arith.constant 5 : i32
        %get3A_535 = arith.index_cast %get3A_533 : i32 to index
        %get3A_536 = arith.index_cast %scan3A_163 : i32 to index
        %get3A_537 = arith.index_cast %get3A_534 : i32 to index
        %get3A_538 = arith.constant 32 : index
        %get3A_539 = tpu.vector_load %arg4[%get3A_535, %get3A_536, %get3A_537, %get3A_538] {strides = array<i32>} : memref<2x8x32x128xf32, #tpu.memory_space<vmem>>, vector<1x1x1x16xf32>,
        %get3A_540 = vector.shape_cast %get3A_539 : vector<1x1x1x16xf32> to vector<16xf32>
        %add3A_541 = arith.addf %add3A_469, %get3A_540 : vector<16xf32>
        %get3A_542 = arith.constant 1 : i32
        %get3A_543 = arith.constant 5 : i32
        %get3A_544 = arith.index_cast %get3A_542 : i32 to index
        %get3A_545 = arith.index_cast %scan3A_163 : i32 to index
        %get3A_546 = arith.index_cast %get3A_543 : i32 to index
        %get3A_547 = arith.constant 48 : index
        %get3A_548 = tpu.vector_load %arg4[%get3A_544, %get3A_545, %get3A_546, %get3A_547] {strides = array<i32>} : memref<2x8x32x128xf32, #tpu.memory_space<vmem>>, vector<1x1x1x16xf32>,
        %get3A_549 = vector.shape_cast %get3A_548 : vector<1x1x1x16xf32> to vector<16xf32>
        %add3A_550 = arith.addf %add3A_478, %get3A_549 : vector<16xf32>
        %get3A_551 = arith.constant 1 : i32
        %get3A_552 = arith.constant 5 : i32
        %get3A_553 = arith.index_cast %get3A_551 : i32 to index
        %get3A_554 = arith.index_cast %scan3A_163 : i32 to index
        %get3A_555 = arith.index_cast %get3A_552 : i32 to index
        %get3A_556 = arith.constant 64 : index
        %get3A_557 = tpu.vector_load %arg4[%get3A_553, %get3A_554, %get3A_555, %get3A_556] {strides = array<i32>} : memref<2x8x32x128xf32, #tpu.memory_space<vmem>>, vector<1x1x1x16xf32>,
        %get3A_558 = vector.shape_cast %get3A_557 : vector<1x1x1x16xf32> to vector<16xf32>
        %add3A_559 = arith.addf %add3A_487, %get3A_558 : vector<16xf32>
        %get3A_560 = arith.constant 1 : i32
        %get3A_561 = arith.constant 5 : i32
        %get3A_562 = arith.index_cast %get3A_560 : i32 to index
        %get3A_563 = arith.index_cast %scan3A_163 : i32 to index
        %get3A_564 = arith.index_cast %get3A_561 : i32 to index
        %get3A_565 = arith.constant 80 : index
        %get3A_566 = tpu.vector_load %arg4[%get3A_562, %get3A_563, %get3A_564, %get3A_565] {strides = array<i32>} : memref<2x8x32x128xf32, #tpu.memory_space<vmem>>, vector<1x1x1x16xf32>,
        %get3A_567 = vector.shape_cast %get3A_566 : vector<1x1x1x16xf32> to vector<16xf32>
        %add3A_568 = arith.addf %add3A_496, %get3A_567 : vector<16xf32>
        %get3A_569 = arith.constant 1 : i32
        %get3A_570 = arith.constant 5 : i32
        %get3A_571 = arith.index_cast %get3A_569 : i32 to index
        %get3A_572 = arith.index_cast %scan3A_163 : i32 to index
        %get3A_573 = arith.index_cast %get3A_570 : i32 to index
        %get3A_574 = arith.constant 96 : index
        %get3A_575 = tpu.vector_load %arg4[%get3A_571, %get3A_572, %get3A_573, %get3A_574] {strides = array<i32>} : memref<2x8x32x128xf32, #tpu.memory_space<vmem>>, vector<1x1x1x16xf32>,
        %get3A_576 = vector.shape_cast %get3A_575 : vector<1x1x1x16xf32> to vector<16xf32>
        %add3A_577 = arith.addf %add3A_505, %get3A_576 : vector<16xf32>
        %get3A_578 = arith.constant 1 : i32
        %get3A_579 = arith.constant 5 : i32
        %get3A_580 = arith.index_cast %get3A_578 : i32 to index
        %get3A_581 = arith.index_cast %scan3A_163 : i32 to index
        %get3A_582 = arith.index_cast %get3A_579 : i32 to index
        %get3A_583 = arith.constant 112 : index
        %get3A_584 = tpu.vector_load %arg4[%get3A_580, %get3A_581, %get3A_582, %get3A_583] {strides = array<i32>} : memref<2x8x32x128xf32, #tpu.memory_space<vmem>>, vector<1x1x1x16xf32>,
        %get3A_585 = vector.shape_cast %get3A_584 : vector<1x1x1x16xf32> to vector<16xf32>
        %add3A_586 = arith.addf %add3A_514, %get3A_585 : vector<16xf32>
        %get3A_587 = arith.constant 1 : i32
        %get3A_588 = arith.constant 6 : i32
        %get3A_589 = arith.index_cast %get3A_587 : i32 to index
        %get3A_590 = arith.index_cast %scan3A_163 : i32 to index
        %get3A_591 = arith.index_cast %get3A_588 : i32 to index
        %get3A_592 = arith.constant 0 : index
        %get3A_593 = tpu.vector_load %arg4[%get3A_589, %get3A_590, %get3A_591, %get3A_592] {strides = array<i32>} : memref<2x8x32x128xf32, #tpu.memory_space<vmem>>, vector<1x1x1x16xf32>,
        %get3A_594 = vector.shape_cast %get3A_593 : vector<1x1x1x16xf32> to vector<16xf32>
        %add3A_595 = arith.addf %add3A_523, %get3A_594 : vector<16xf32>
        %get3A_596 = arith.constant 1 : i32
        %get3A_597 = arith.constant 6 : i32
        %get3A_598 = arith.index_cast %get3A_596 : i32 to index
        %get3A_599 = arith.index_cast %scan3A_163 : i32 to index
        %get3A_600 = arith.index_cast %get3A_597 : i32 to index
        %get3A_601 = arith.constant 16 : index
        %get3A_602 = tpu.vector_load %arg4[%get3A_598, %get3A_599, %get3A_600, %get3A_601] {strides = array<i32>} : memref<2x8x32x128xf32, #tpu.memory_space<vmem>>, vector<1x1x1x16xf32>,
        %get3A_603 = vector.shape_cast %get3A_602 : vector<1x1x1x16xf32> to vector<16xf32>
        %add3A_604 = arith.addf %add3A_532, %get3A_603 : vector<16xf32>
        %get3A_605 = arith.constant 1 : i32
        %get3A_606 = arith.constant 6 : i32
        %get3A_607 = arith.index_cast %get3A_605 : i32 to index
        %get3A_608 = arith.index_cast %scan3A_163 : i32 to index
        %get3A_609 = arith.index_cast %get3A_606 : i32 to index
        %get3A_610 = arith.constant 32 : index
        %get3A_611 = tpu.vector_load %arg4[%get3A_607, %get3A_608, %get3A_609, %get3A_610] {strides = array<i32>} : memref<2x8x32x128xf32, #tpu.memory_space<vmem>>, vector<1x1x1x16xf32>,
        %get3A_612 = vector.shape_cast %get3A_611 : vector<1x1x1x16xf32> to vector<16xf32>
        %add3A_613 = arith.addf %add3A_541, %get3A_612 : vector<16xf32>
        %get3A_614 = arith.constant 1 : i32
        %get3A_615 = arith.constant 6 : i32
        %get3A_616 = arith.index_cast %get3A_614 : i32 to index
        %get3A_617 = arith.index_cast %scan3A_163 : i32 to index
        %get3A_618 = arith.index_cast %get3A_615 : i32 to index
        %get3A_619 = arith.constant 48 : index
        %get3A_620 = tpu.vector_load %arg4[%get3A_616, %get3A_617, %get3A_618, %get3A_619] {strides = array<i32>} : memref<2x8x32x128xf32, #tpu.memory_space<vmem>>, vector<1x1x1x16xf32>,
        %get3A_621 = vector.shape_cast %get3A_620 : vector<1x1x1x16xf32> to vector<16xf32>
        %add3A_622 = arith.addf %add3A_550, %get3A_621 : vector<16xf32>
        %get3A_623 = arith.constant 1 : i32
        %get3A_624 = arith.constant 6 : i32
        %get3A_625 = arith.index_cast %get3A_623 : i32 to index
        %get3A_626 = arith.index_cast %scan3A_163 : i32 to index
        %get3A_627 = arith.index_cast %get3A_624 : i32 to index
        %get3A_628 = arith.constant 64 : index
        %get3A_629 = tpu.vector_load %arg4[%get3A_625, %get3A_626, %get3A_627, %get3A_628] {strides = array<i32>} : memref<2x8x32x128xf32, #tpu.memory_space<vmem>>, vector<1x1x1x16xf32>,
        %get3A_630 = vector.shape_cast %get3A_629 : vector<1x1x1x16xf32> to vector<16xf32>
        %add3A_631 = arith.addf %add3A_559, %get3A_630 : vector<16xf32>
        %get3A_632 = arith.constant 1 : i32
        %get3A_633 = arith.constant 6 : i32
        %get3A_634 = arith.index_cast %get3A_632 : i32 to index
        %get3A_635 = arith.index_cast %scan3A_163 : i32 to index
        %get3A_636 = arith.index_cast %get3A_633 : i32 to index
        %get3A_637 = arith.constant 80 : index
        %get3A_638 = tpu.vector_load %arg4[%get3A_634, %get3A_635, %get3A_636, %get3A_637] {strides = array<i32>} : memref<2x8x32x128xf32, #tpu.memory_space<vmem>>, vector<1x1x1x16xf32>,
        %get3A_639 = vector.shape_cast %get3A_638 : vector<1x1x1x16xf32> to vector<16xf32>
        %add3A_640 = arith.addf %add3A_568, %get3A_639 : vector<16xf32>
        %get3A_641 = arith.constant 1 : i32
        %get3A_642 = arith.constant 6 : i32
        %get3A_643 = arith.index_cast %get3A_641 : i32 to index
        %get3A_644 = arith.index_cast %scan3A_163 : i32 to index
        %get3A_645 = arith.index_cast %get3A_642 : i32 to index
        %get3A_646 = arith.constant 96 : index
        %get3A_647 = tpu.vector_load %arg4[%get3A_643, %get3A_644, %get3A_645, %get3A_646] {strides = array<i32>} : memref<2x8x32x128xf32, #tpu.memory_space<vmem>>, vector<1x1x1x16xf32>,
        %get3A_648 = vector.shape_cast %get3A_647 : vector<1x1x1x16xf32> to vector<16xf32>
        %add3A_649 = arith.addf %add3A_577, %get3A_648 : vector<16xf32>
        %get3A_650 = arith.constant 1 : i32
        %get3A_651 = arith.constant 6 : i32
        %get3A_652 = arith.index_cast %get3A_650 : i32 to index
        %get3A_653 = arith.index_cast %scan3A_163 : i32 to index
        %get3A_654 = arith.index_cast %get3A_651 : i32 to index
        %get3A_655 = arith.constant 112 : index
        %get3A_656 = tpu.vector_load %arg4[%get3A_652, %get3A_653, %get3A_654, %get3A_655] {strides = array<i32>} : memref<2x8x32x128xf32, #tpu.memory_space<vmem>>, vector<1x1x1x16xf32>,
        %get3A_657 = vector.shape_cast %get3A_656 : vector<1x1x1x16xf32> to vector<16xf32>
        %add3A_658 = arith.addf %add3A_586, %get3A_657 : vector<16xf32>
        %get3A_659 = arith.constant 1 : i32
        %get3A_660 = arith.constant 7 : i32
        %get3A_661 = arith.index_cast %get3A_659 : i32 to index
        %get3A_662 = arith.index_cast %scan3A_163 : i32 to index
        %get3A_663 = arith.index_cast %get3A_660 : i32 to index
        %get3A_664 = arith.constant 0 : index
        %get3A_665 = tpu.vector_load %arg4[%get3A_661, %get3A_662, %get3A_663, %get3A_664] {strides = array<i32>} : memref<2x8x32x128xf32, #tpu.memory_space<vmem>>, vector<1x1x1x16xf32>,
        %get3A_666 = vector.shape_cast %get3A_665 : vector<1x1x1x16xf32> to vector<16xf32>
        %add3A_667 = arith.addf %add3A_595, %get3A_666 : vector<16xf32>
        %get3A_668 = arith.constant 1 : i32
        %get3A_669 = arith.constant 7 : i32
        %get3A_670 = arith.index_cast %get3A_668 : i32 to index
        %get3A_671 = arith.index_cast %scan3A_163 : i32 to index
        %get3A_672 = arith.index_cast %get3A_669 : i32 to index
        %get3A_673 = arith.constant 16 : index
        %get3A_674 = tpu.vector_load %arg4[%get3A_670, %get3A_671, %get3A_672, %get3A_673] {strides = array<i32>} : memref<2x8x32x128xf32, #tpu.memory_space<vmem>>, vector<1x1x1x16xf32>,
        %get3A_675 = vector.shape_cast %get3A_674 : vector<1x1x1x16xf32> to vector<16xf32>
        %add3A_676 = arith.addf %add3A_604, %get3A_675 : vector<16xf32>
        %get3A_677 = arith.constant 1 : i32
        %get3A_678 = arith.constant 7 : i32
        %get3A_679 = arith.index_cast %get3A_677 : i32 to index
        %get3A_680 = arith.index_cast %scan3A_163 : i32 to index
        %get3A_681 = arith.index_cast %get3A_678 : i32 to index
        %get3A_682 = arith.constant 32 : index
        %get3A_683 = tpu.vector_load %arg4[%get3A_679, %get3A_680, %get3A_681, %get3A_682] {strides = array<i32>} : memref<2x8x32x128xf32, #tpu.memory_space<vmem>>, vector<1x1x1x16xf32>,
        %get3A_684 = vector.shape_cast %get3A_683 : vector<1x1x1x16xf32> to vector<16xf32>
        %add3A_685 = arith.addf %add3A_613, %get3A_684 : vector<16xf32>
        %get3A_686 = arith.constant 1 : i32
        %get3A_687 = arith.constant 7 : i32
        %get3A_688 = arith.index_cast %get3A_686 : i32 to index
        %get3A_689 = arith.index_cast %scan3A_163 : i32 to index
        %get3A_690 = arith.index_cast %get3A_687 : i32 to index
        %get3A_691 = arith.constant 48 : index
        %get3A_692 = tpu.vector_load %arg4[%get3A_688, %get3A_689, %get3A_690, %get3A_691] {strides = array<i32>} : memref<2x8x32x128xf32, #tpu.memory_space<vmem>>, vector<1x1x1x16xf32>,
        %get3A_693 = vector.shape_cast %get3A_692 : vector<1x1x1x16xf32> to vector<16xf32>
        %add3A_694 = arith.addf %add3A_622, %get3A_693 : vector<16xf32>
        %get3A_695 = arith.constant 1 : i32
        %get3A_696 = arith.constant 7 : i32
        %get3A_697 = arith.index_cast %get3A_695 : i32 to index
        %get3A_698 = arith.index_cast %scan3A_163 : i32 to index
        %get3A_699 = arith.index_cast %get3A_696 : i32 to index
        %get3A_700 = arith.constant 64 : index
        %get3A_701 = tpu.vector_load %arg4[%get3A_697, %get3A_698, %get3A_699, %get3A_700] {strides = array<i32>} : memref<2x8x32x128xf32, #tpu.memory_space<vmem>>, vector<1x1x1x16xf32>,
        %get3A_702 = vector.shape_cast %get3A_701 : vector<1x1x1x16xf32> to vector<16xf32>
        %add3A_703 = arith.addf %add3A_631, %get3A_702 : vector<16xf32>
        %get3A_704 = arith.constant 1 : i32
        %get3A_705 = arith.constant 7 : i32
        %get3A_706 = arith.index_cast %get3A_704 : i32 to index
        %get3A_707 = arith.index_cast %scan3A_163 : i32 to index
        %get3A_708 = arith.index_cast %get3A_705 : i32 to index
        %get3A_709 = arith.constant 80 : index
        %get3A_710 = tpu.vector_load %arg4[%get3A_706, %get3A_707, %get3A_708, %get3A_709] {strides = array<i32>} : memref<2x8x32x128xf32, #tpu.memory_space<vmem>>, vector<1x1x1x16xf32>,
        %get3A_711 = vector.shape_cast %get3A_710 : vector<1x1x1x16xf32> to vector<16xf32>
        %add3A_712 = arith.addf %add3A_640, %get3A_711 : vector<16xf32>
        %get3A_713 = arith.constant 1 : i32
        %get3A_714 = arith.constant 7 : i32
        %get3A_715 = arith.index_cast %get3A_713 : i32 to index
        %get3A_716 = arith.index_cast %scan3A_163 : i32 to index
        %get3A_717 = arith.index_cast %get3A_714 : i32 to index
        %get3A_718 = arith.constant 96 : index
        %get3A_719 = tpu.vector_load %arg4[%get3A_715, %get3A_716, %get3A_717, %get3A_718] {strides = array<i32>} : memref<2x8x32x128xf32, #tpu.memory_space<vmem>>, vector<1x1x1x16xf32>,
        %get3A_720 = vector.shape_cast %get3A_719 : vector<1x1x1x16xf32> to vector<16xf32>
        %add3A_721 = arith.addf %add3A_649, %get3A_720 : vector<16xf32>
        %get3A_722 = arith.constant 1 : i32
        %get3A_723 = arith.constant 7 : i32
        %get3A_724 = arith.index_cast %get3A_722 : i32 to index
        %get3A_725 = arith.index_cast %scan3A_163 : i32 to index
        %get3A_726 = arith.index_cast %get3A_723 : i32 to index
        %get3A_727 = arith.constant 112 : index
        %get3A_728 = tpu.vector_load %arg4[%get3A_724, %get3A_725, %get3A_726, %get3A_727] {strides = array<i32>} : memref<2x8x32x128xf32, #tpu.memory_space<vmem>>, vector<1x1x1x16xf32>,
        %get3A_729 = vector.shape_cast %get3A_728 : vector<1x1x1x16xf32> to vector<16xf32>
        %add3A_730 = arith.addf %add3A_658, %get3A_729 : vector<16xf32>
        %get3A_731 = arith.constant 1 : i32
        %get3A_732 = arith.constant 8 : i32
        %get3A_733 = arith.index_cast %get3A_731 : i32 to index
        %get3A_734 = arith.index_cast %scan3A_163 : i32 to index
        %get3A_735 = arith.index_cast %get3A_732 : i32 to index
        %get3A_736 = arith.constant 0 : index
        %get3A_737 = tpu.vector_load %arg4[%get3A_733, %get3A_734, %get3A_735, %get3A_736] {strides = array<i32>} : memref<2x8x32x128xf32, #tpu.memory_space<vmem>>, vector<1x1x1x16xf32>,
        %get3A_738 = vector.shape_cast %get3A_737 : vector<1x1x1x16xf32> to vector<16xf32>
        %add3A_739 = arith.addf %add3A_667, %get3A_738 : vector<16xf32>
        %get3A_740 = arith.constant 1 : i32
        %get3A_741 = arith.constant 8 : i32
        %get3A_742 = arith.index_cast %get3A_740 : i32 to index
        %get3A_743 = arith.index_cast %scan3A_163 : i32 to index
        %get3A_744 = arith.index_cast %get3A_741 : i32 to index
        %get3A_745 = arith.constant 16 : index
        %get3A_746 = tpu.vector_load %arg4[%get3A_742, %get3A_743, %get3A_744, %get3A_745] {strides = array<i32>} : memref<2x8x32x128xf32, #tpu.memory_space<vmem>>, vector<1x1x1x16xf32>,
        %get3A_747 = vector.shape_cast %get3A_746 : vector<1x1x1x16xf32> to vector<16xf32>
        %add3A_748 = arith.addf %add3A_676, %get3A_747 : vector<16xf32>
        %get3A_749 = arith.constant 1 : i32
        %get3A_750 = arith.constant 8 : i32
        %get3A_751 = arith.index_cast %get3A_749 : i32 to index
        %get3A_752 = arith.index_cast %scan3A_163 : i32 to index
        %get3A_753 = arith.index_cast %get3A_750 : i32 to index
        %get3A_754 = arith.constant 32 : index
        %get3A_755 = tpu.vector_load %arg4[%get3A_751, %get3A_752, %get3A_753, %get3A_754] {strides = array<i32>} : memref<2x8x32x128xf32, #tpu.memory_space<vmem>>, vector<1x1x1x16xf32>,
        %get3A_756 = vector.shape_cast %get3A_755 : vector<1x1x1x16xf32> to vector<16xf32>
        %add3A_757 = arith.addf %add3A_685, %get3A_756 : vector<16xf32>
        %get3A_758 = arith.constant 1 : i32
        %get3A_759 = arith.constant 8 : i32
        %get3A_760 = arith.index_cast %get3A_758 : i32 to index
        %get3A_761 = arith.index_cast %scan3A_163 : i32 to index
        %get3A_762 = arith.index_cast %get3A_759 : i32 to index
        %get3A_763 = arith.constant 48 : index
        %get3A_764 = tpu.vector_load %arg4[%get3A_760, %get3A_761, %get3A_762, %get3A_763] {strides = array<i32>} : memref<2x8x32x128xf32, #tpu.memory_space<vmem>>, vector<1x1x1x16xf32>,
        %get3A_765 = vector.shape_cast %get3A_764 : vector<1x1x1x16xf32> to vector<16xf32>
        %add3A_766 = arith.addf %add3A_694, %get3A_765 : vector<16xf32>
        %get3A_767 = arith.constant 1 : i32
        %get3A_768 = arith.constant 8 : i32
        %get3A_769 = arith.index_cast %get3A_767 : i32 to index
        %get3A_770 = arith.index_cast %scan3A_163 : i32 to index
        %get3A_771 = arith.index_cast %get3A_768 : i32 to index
        %get3A_772 = arith.constant 64 : index
        %get3A_773 = tpu.vector_load %arg4[%get3A_769, %get3A_770, %get3A_771, %get3A_772] {strides = array<i32>} : memref<2x8x32x128xf32, #tpu.memory_space<vmem>>, vector<1x1x1x16xf32>,
        %get3A_774 = vector.shape_cast %get3A_773 : vector<1x1x1x16xf32> to vector<16xf32>
        %add3A_775 = arith.addf %add3A_703, %get3A_774 : vector<16xf32>
        %get3A_776 = arith.constant 1 : i32
        %get3A_777 = arith.constant 8 : i32
        %get3A_778 = arith.index_cast %get3A_776 : i32 to index
        %get3A_779 = arith.index_cast %scan3A_163 : i32 to index
        %get3A_780 = arith.index_cast %get3A_777 : i32 to index
        %get3A_781 = arith.constant 80 : index
        %get3A_782 = tpu.vector_load %arg4[%get3A_778, %get3A_779, %get3A_780, %get3A_781] {strides = array<i32>} : memref<2x8x32x128xf32, #tpu.memory_space<vmem>>, vector<1x1x1x16xf32>,
        %get3A_783 = vector.shape_cast %get3A_782 : vector<1x1x1x16xf32> to vector<16xf32>
        %add3A_784 = arith.addf %add3A_712, %get3A_783 : vector<16xf32>
        %get3A_785 = arith.constant 1 : i32
        %get3A_786 = arith.constant 8 : i32
        %get3A_787 = arith.index_cast %get3A_785 : i32 to index
        %get3A_788 = arith.index_cast %scan3A_163 : i32 to index
        %get3A_789 = arith.index_cast %get3A_786 : i32 to index
        %get3A_790 = arith.constant 96 : index
        %get3A_791 = tpu.vector_load %arg4[%get3A_787, %get3A_788, %get3A_789, %get3A_790] {strides = array<i32>} : memref<2x8x32x128xf32, #tpu.memory_space<vmem>>, vector<1x1x1x16xf32>,
        %get3A_792 = vector.shape_cast %get3A_791 : vector<1x1x1x16xf32> to vector<16xf32>
        %add3A_793 = arith.addf %add3A_721, %get3A_792 : vector<16xf32>
        %get3A_794 = arith.constant 1 : i32
        %get3A_795 = arith.constant 8 : i32
        %get3A_796 = arith.index_cast %get3A_794 : i32 to index
        %get3A_797 = arith.index_cast %scan3A_163 : i32 to index
        %get3A_798 = arith.index_cast %get3A_795 : i32 to index
        %get3A_799 = arith.constant 112 : index
        %get3A_800 = tpu.vector_load %arg4[%get3A_796, %get3A_797, %get3A_798, %get3A_799] {strides = array<i32>} : memref<2x8x32x128xf32, #tpu.memory_space<vmem>>, vector<1x1x1x16xf32>,
        %get3A_801 = vector.shape_cast %get3A_800 : vector<1x1x1x16xf32> to vector<16xf32>
        %add3A_802 = arith.addf %add3A_730, %get3A_801 : vector<16xf32>
        %get3A_803 = arith.constant 1 : i32
        %get3A_804 = arith.constant 9 : i32
        %get3A_805 = arith.index_cast %get3A_803 : i32 to index
        %get3A_806 = arith.index_cast %scan3A_163 : i32 to index
        %get3A_807 = arith.index_cast %get3A_804 : i32 to index
        %get3A_808 = arith.constant 0 : index
        %get3A_809 = tpu.vector_load %arg4[%get3A_805, %get3A_806, %get3A_807, %get3A_808] {strides = array<i32>} : memref<2x8x32x128xf32, #tpu.memory_space<vmem>>, vector<1x1x1x16xf32>,
        %get3A_810 = vector.shape_cast %get3A_809 : vector<1x1x1x16xf32> to vector<16xf32>
        %add3A_811 = arith.addf %add3A_739, %get3A_810 : vector<16xf32>
        %get3A_812 = arith.constant 1 : i32
        %get3A_813 = arith.constant 9 : i32
        %get3A_814 = arith.index_cast %get3A_812 : i32 to index
        %get3A_815 = arith.index_cast %scan3A_163 : i32 to index
        %get3A_816 = arith.index_cast %get3A_813 : i32 to index
        %get3A_817 = arith.constant 16 : index
        %get3A_818 = tpu.vector_load %arg4[%get3A_814, %get3A_815, %get3A_816, %get3A_817] {strides = array<i32>} : memref<2x8x32x128xf32, #tpu.memory_space<vmem>>, vector<1x1x1x16xf32>,
        %get3A_819 = vector.shape_cast %get3A_818 : vector<1x1x1x16xf32> to vector<16xf32>
        %add3A_820 = arith.addf %add3A_748, %get3A_819 : vector<16xf32>
        %get3A_821 = arith.constant 1 : i32
        %get3A_822 = arith.constant 9 : i32
        %get3A_823 = arith.index_cast %get3A_821 : i32 to index
        %get3A_824 = arith.index_cast %scan3A_163 : i32 to index
        %get3A_825 = arith.index_cast %get3A_822 : i32 to index
        %get3A_826 = arith.constant 32 : index
        %get3A_827 = tpu.vector_load %arg4[%get3A_823, %get3A_824, %get3A_825, %get3A_826] {strides = array<i32>} : memref<2x8x32x128xf32, #tpu.memory_space<vmem>>, vector<1x1x1x16xf32>,
        %get3A_828 = vector.shape_cast %get3A_827 : vector<1x1x1x16xf32> to vector<16xf32>
        %add3A_829 = arith.addf %add3A_757, %get3A_828 : vector<16xf32>
        %get3A_830 = arith.constant 1 : i32
        %get3A_831 = arith.constant 9 : i32
        %get3A_832 = arith.index_cast %get3A_830 : i32 to index
        %get3A_833 = arith.index_cast %scan3A_163 : i32 to index
        %get3A_834 = arith.index_cast %get3A_831 : i32 to index
        %get3A_835 = arith.constant 48 : index
        %get3A_836 = tpu.vector_load %arg4[%get3A_832, %get3A_833, %get3A_834, %get3A_835] {strides = array<i32>} : memref<2x8x32x128xf32, #tpu.memory_space<vmem>>, vector<1x1x1x16xf32>,
        %get3A_837 = vector.shape_cast %get3A_836 : vector<1x1x1x16xf32> to vector<16xf32>
        %add3A_838 = arith.addf %add3A_766, %get3A_837 : vector<16xf32>
        %get3A_839 = arith.constant 1 : i32
        %get3A_840 = arith.constant 9 : i32
        %get3A_841 = arith.index_cast %get3A_839 : i32 to index
        %get3A_842 = arith.index_cast %scan3A_163 : i32 to index
        %get3A_843 = arith.index_cast %get3A_840 : i32 to index
        %get3A_844 = arith.constant 64 : index
        %get3A_845 = tpu.vector_load %arg4[%get3A_841, %get3A_842, %get3A_843, %get3A_844] {strides = array<i32>} : memref<2x8x32x128xf32, #tpu.memory_space<vmem>>, vector<1x1x1x16xf32>,
        %get3A_846 = vector.shape_cast %get3A_845 : vector<1x1x1x16xf32> to vector<16xf32>
        %add3A_847 = arith.addf %add3A_775, %get3A_846 : vector<16xf32>
        %get3A_848 = arith.constant 1 : i32
        %get3A_849 = arith.constant 9 : i32
        %get3A_850 = arith.index_cast %get3A_848 : i32 to index
        %get3A_851 = arith.index_cast %scan3A_163 : i32 to index
        %get3A_852 = arith.index_cast %get3A_849 : i32 to index
        %get3A_853 = arith.constant 80 : index
        %get3A_854 = tpu.vector_load %arg4[%get3A_850, %get3A_851, %get3A_852, %get3A_853] {strides = array<i32>} : memref<2x8x32x128xf32, #tpu.memory_space<vmem>>, vector<1x1x1x16xf32>,
        %get3A_855 = vector.shape_cast %get3A_854 : vector<1x1x1x16xf32> to vector<16xf32>
        %add3A_856 = arith.addf %add3A_784, %get3A_855 : vector<16xf32>
        %get3A_857 = arith.constant 1 : i32
        %get3A_858 = arith.constant 9 : i32
        %get3A_859 = arith.index_cast %get3A_857 : i32 to index
        %get3A_860 = arith.index_cast %scan3A_163 : i32 to index
        %get3A_861 = arith.index_cast %get3A_858 : i32 to index
        %get3A_862 = arith.constant 96 : index
        %get3A_863 = tpu.vector_load %arg4[%get3A_859, %get3A_860, %get3A_861, %get3A_862] {strides = array<i32>} : memref<2x8x32x128xf32, #tpu.memory_space<vmem>>, vector<1x1x1x16xf32>,
        %get3A_864 = vector.shape_cast %get3A_863 : vector<1x1x1x16xf32> to vector<16xf32>
        %add3A_865 = arith.addf %add3A_793, %get3A_864 : vector<16xf32>
        %get3A_866 = arith.constant 1 : i32
        %get3A_867 = arith.constant 9 : i32
        %get3A_868 = arith.index_cast %get3A_866 : i32 to index
        %get3A_869 = arith.index_cast %scan3A_163 : i32 to index
        %get3A_870 = arith.index_cast %get3A_867 : i32 to index
        %get3A_871 = arith.constant 112 : index
        %get3A_872 = tpu.vector_load %arg4[%get3A_868, %get3A_869, %get3A_870, %get3A_871] {strides = array<i32>} : memref<2x8x32x128xf32, #tpu.memory_space<vmem>>, vector<1x1x1x16xf32>,
        %get3A_873 = vector.shape_cast %get3A_872 : vector<1x1x1x16xf32> to vector<16xf32>
        %add3A_874 = arith.addf %add3A_802, %get3A_873 : vector<16xf32>
        %get3A_875 = arith.constant 1 : i32
        %get3A_876 = arith.constant 10 : i32
        %get3A_877 = arith.index_cast %get3A_875 : i32 to index
        %get3A_878 = arith.index_cast %scan3A_163 : i32 to index
        %get3A_879 = arith.index_cast %get3A_876 : i32 to index
        %get3A_880 = arith.constant 0 : index
        %get3A_881 = tpu.vector_load %arg4[%get3A_877, %get3A_878, %get3A_879, %get3A_880] {strides = array<i32>} : memref<2x8x32x128xf32, #tpu.memory_space<vmem>>, vector<1x1x1x16xf32>,
        %get3A_882 = vector.shape_cast %get3A_881 : vector<1x1x1x16xf32> to vector<16xf32>
        %add3A_883 = arith.addf %add3A_811, %get3A_882 : vector<16xf32>
        %get3A_884 = arith.constant 1 : i32
        %get3A_885 = arith.constant 10 : i32
        %get3A_886 = arith.index_cast %get3A_884 : i32 to index
        %get3A_887 = arith.index_cast %scan3A_163 : i32 to index
        %get3A_888 = arith.index_cast %get3A_885 : i32 to index
        %get3A_889 = arith.constant 16 : index
        %get3A_890 = tpu.vector_load %arg4[%get3A_886, %get3A_887, %get3A_888, %get3A_889] {strides = array<i32>} : memref<2x8x32x128xf32, #tpu.memory_space<vmem>>, vector<1x1x1x16xf32>,
        %get3A_891 = vector.shape_cast %get3A_890 : vector<1x1x1x16xf32> to vector<16xf32>
        %add3A_892 = arith.addf %add3A_820, %get3A_891 : vector<16xf32>
        %get3A_893 = arith.constant 1 : i32
        %get3A_894 = arith.constant 10 : i32
        %get3A_895 = arith.index_cast %get3A_893 : i32 to index
        %get3A_896 = arith.index_cast %scan3A_163 : i32 to index
        %get3A_897 = arith.index_cast %get3A_894 : i32 to index
        %get3A_898 = arith.constant 32 : index
        %get3A_899 = tpu.vector_load %arg4[%get3A_895, %get3A_896, %get3A_897, %get3A_898] {strides = array<i32>} : memref<2x8x32x128xf32, #tpu.memory_space<vmem>>, vector<1x1x1x16xf32>,
        %get3A_900 = vector.shape_cast %get3A_899 : vector<1x1x1x16xf32> to vector<16xf32>
        %add3A_901 = arith.addf %add3A_829, %get3A_900 : vector<16xf32>
        %get3A_902 = arith.constant 1 : i32
        %get3A_903 = arith.constant 10 : i32
        %get3A_904 = arith.index_cast %get3A_902 : i32 to index
        %get3A_905 = arith.index_cast %scan3A_163 : i32 to index
        %get3A_906 = arith.index_cast %get3A_903 : i32 to index
        %get3A_907 = arith.constant 48 : index
        %get3A_908 = tpu.vector_load %arg4[%get3A_904, %get3A_905, %get3A_906, %get3A_907] {strides = array<i32>} : memref<2x8x32x128xf32, #tpu.memory_space<vmem>>, vector<1x1x1x16xf32>,
        %get3A_909 = vector.shape_cast %get3A_908 : vector<1x1x1x16xf32> to vector<16xf32>
        %add3A_910 = arith.addf %add3A_838, %get3A_909 : vector<16xf32>
        %get3A_911 = arith.constant 1 : i32
        %get3A_912 = arith.constant 10 : i32
        %get3A_913 = arith.index_cast %get3A_911 : i32 to index
        %get3A_914 = arith.index_cast %scan3A_163 : i32 to index
        %get3A_915 = arith.index_cast %get3A_912 : i32 to index
        %get3A_916 = arith.constant 64 : index
        %get3A_917 = tpu.vector_load %arg4[%get3A_913, %get3A_914, %get3A_915, %get3A_916] {strides = array<i32>} : memref<2x8x32x128xf32, #tpu.memory_space<vmem>>, vector<1x1x1x16xf32>,
        %get3A_918 = vector.shape_cast %get3A_917 : vector<1x1x1x16xf32> to vector<16xf32>
        %add3A_919 = arith.addf %add3A_847, %get3A_918 : vector<16xf32>
        %get3A_920 = arith.constant 1 : i32
        %get3A_921 = arith.constant 10 : i32
        %get3A_922 = arith.index_cast %get3A_920 : i32 to index
        %get3A_923 = arith.index_cast %scan3A_163 : i32 to index
        %get3A_924 = arith.index_cast %get3A_921 : i32 to index
        %get3A_925 = arith.constant 80 : index
        %get3A_926 = tpu.vector_load %arg4[%get3A_922, %get3A_923, %get3A_924, %get3A_925] {strides = array<i32>} : memref<2x8x32x128xf32, #tpu.memory_space<vmem>>, vector<1x1x1x16xf32>,
        %get3A_927 = vector.shape_cast %get3A_926 : vector<1x1x1x16xf32> to vector<16xf32>
        %add3A_928 = arith.addf %add3A_856, %get3A_927 : vector<16xf32>
        %get3A_929 = arith.constant 1 : i32
        %get3A_930 = arith.constant 10 : i32
        %get3A_931 = arith.index_cast %get3A_929 : i32 to index
        %get3A_932 = arith.index_cast %scan3A_163 : i32 to index
        %get3A_933 = arith.index_cast %get3A_930 : i32 to index
        %get3A_934 = arith.constant 96 : index
        %get3A_935 = tpu.vector_load %arg4[%get3A_931, %get3A_932, %get3A_933, %get3A_934] {strides = array<i32>} : memref<2x8x32x128xf32, #tpu.memory_space<vmem>>, vector<1x1x1x16xf32>,
        %get3A_936 = vector.shape_cast %get3A_935 : vector<1x1x1x16xf32> to vector<16xf32>
        %add3A_937 = arith.addf %add3A_865, %get3A_936 : vector<16xf32>
        %get3A_938 = arith.constant 1 : i32
        %get3A_939 = arith.constant 10 : i32
        %get3A_940 = arith.index_cast %get3A_938 : i32 to index
        %get3A_941 = arith.index_cast %scan3A_163 : i32 to index
        %get3A_942 = arith.index_cast %get3A_939 : i32 to index
        %get3A_943 = arith.constant 112 : index
        %get3A_944 = tpu.vector_load %arg4[%get3A_940, %get3A_941, %get3A_942, %get3A_943] {strides = array<i32>} : memref<2x8x32x128xf32, #tpu.memory_space<vmem>>, vector<1x1x1x16xf32>,
        %get3A_945 = vector.shape_cast %get3A_944 : vector<1x1x1x16xf32> to vector<16xf32>
        %add3A_946 = arith.addf %add3A_874, %get3A_945 : vector<16xf32>
        %get3A_947 = arith.constant 1 : i32
        %get3A_948 = arith.constant 11 : i32
        %get3A_949 = arith.index_cast %get3A_947 : i32 to index
        %get3A_950 = arith.index_cast %scan3A_163 : i32 to index
        %get3A_951 = arith.index_cast %get3A_948 : i32 to index
        %get3A_952 = arith.constant 0 : index
        %get3A_953 = tpu.vector_load %arg4[%get3A_949, %get3A_950, %get3A_951, %get3A_952] {strides = array<i32>} : memref<2x8x32x128xf32, #tpu.memory_space<vmem>>, vector<1x1x1x16xf32>,
        %get3A_954 = vector.shape_cast %get3A_953 : vector<1x1x1x16xf32> to vector<16xf32>
        %add3A_955 = arith.addf %add3A_883, %get3A_954 : vector<16xf32>
        %get3A_956 = arith.constant 1 : i32
        %get3A_957 = arith.constant 11 : i32
        %get3A_958 = arith.index_cast %get3A_956 : i32 to index
        %get3A_959 = arith.index_cast %scan3A_163 : i32 to index
        %get3A_960 = arith.index_cast %get3A_957 : i32 to index
        %get3A_961 = arith.constant 16 : index
        %get3A_962 = tpu.vector_load %arg4[%get3A_958, %get3A_959, %get3A_960, %get3A_961] {strides = array<i32>} : memref<2x8x32x128xf32, #tpu.memory_space<vmem>>, vector<1x1x1x16xf32>,
        %get3A_963 = vector.shape_cast %get3A_962 : vector<1x1x1x16xf32> to vector<16xf32>
        %add3A_964 = arith.addf %add3A_892, %get3A_963 : vector<16xf32>
        %get3A_965 = arith.constant 1 : i32
        %get3A_966 = arith.constant 11 : i32
        %get3A_967 = arith.index_cast %get3A_965 : i32 to index
        %get3A_968 = arith.index_cast %scan3A_163 : i32 to index
        %get3A_969 = arith.index_cast %get3A_966 : i32 to index
        %get3A_970 = arith.constant 32 : index
        %get3A_971 = tpu.vector_load %arg4[%get3A_967, %get3A_968, %get3A_969, %get3A_970] {strides = array<i32>} : memref<2x8x32x128xf32, #tpu.memory_space<vmem>>, vector<1x1x1x16xf32>,
        %get3A_972 = vector.shape_cast %get3A_971 : vector<1x1x1x16xf32> to vector<16xf32>
        %add3A_973 = arith.addf %add3A_901, %get3A_972 : vector<16xf32>
        %get3A_974 = arith.constant 1 : i32
        %get3A_975 = arith.constant 11 : i32
        %get3A_976 = arith.index_cast %get3A_974 : i32 to index
        %get3A_977 = arith.index_cast %scan3A_163 : i32 to index
        %get3A_978 = arith.index_cast %get3A_975 : i32 to index
        %get3A_979 = arith.constant 48 : index
        %get3A_980 = tpu.vector_load %arg4[%get3A_976, %get3A_977, %get3A_978, %get3A_979] {strides = array<i32>} : memref<2x8x32x128xf32, #tpu.memory_space<vmem>>, vector<1x1x1x16xf32>,
        %get3A_981 = vector.shape_cast %get3A_980 : vector<1x1x1x16xf32> to vector<16xf32>
        %add3A_982 = arith.addf %add3A_910, %get3A_981 : vector<16xf32>
        %get3A_983 = arith.constant 1 : i32
        %get3A_984 = arith.constant 11 : i32
        %get3A_985 = arith.index_cast %get3A_983 : i32 to index
        %get3A_986 = arith.index_cast %scan3A_163 : i32 to index
        %get3A_987 = arith.index_cast %get3A_984 : i32 to index
        %get3A_988 = arith.constant 64 : index
        %get3A_989 = tpu.vector_load %arg4[%get3A_985, %get3A_986, %get3A_987, %get3A_988] {strides = array<i32>} : memref<2x8x32x128xf32, #tpu.memory_space<vmem>>, vector<1x1x1x16xf32>,
        %get3A_990 = vector.shape_cast %get3A_989 : vector<1x1x1x16xf32> to vector<16xf32>
        %add3A_991 = arith.addf %add3A_919, %get3A_990 : vector<16xf32>
        %get3A_992 = arith.constant 1 : i32
        %get3A_993 = arith.constant 11 : i32
        %get3A_994 = arith.index_cast %get3A_992 : i32 to index
        %get3A_995 = arith.index_cast %scan3A_163 : i32 to index
        %get3A_996 = arith.index_cast %get3A_993 : i32 to index
        %get3A_997 = arith.constant 80 : index
        %get3A_998 = tpu.vector_load %arg4[%get3A_994, %get3A_995, %get3A_996, %get3A_997] {strides = array<i32>} : memref<2x8x32x128xf32, #tpu.memory_space<vmem>>, vector<1x1x1x16xf32>,
        %get3A_999 = vector.shape_cast %get3A_998 : vector<1x1x1x16xf32> to vector<16xf32>
        %add3A_1000 = arith.addf %add3A_928, %get3A_999 : vector<16xf32>
        %get3A_1001 = arith.constant 1 : i32
        %get3A_1002 = arith.constant 11 : i32
        %get3A_1003 = arith.index_cast %get3A_1001 : i32 to index
        %get3A_1004 = arith.index_cast %scan3A_163 : i32 to index
        %get3A_1005 = arith.index_cast %get3A_1002 : i32 to index
        %get3A_1006 = arith.constant 96 : index
        %get3A_1007 = tpu.vector_load %arg4[%get3A_1003, %get3A_1004, %get3A_1005, %get3A_1006] {strides = array<i32>} : memref<2x8x32x128xf32, #tpu.memory_space<vmem>>, vector<1x1x1x16xf32>,
        %get3A_1008 = vector.shape_cast %get3A_1007 : vector<1x1x1x16xf32> to vector<16xf32>
        %add3A_1009 = arith.addf %add3A_937, %get3A_1008 : vector<16xf32>
        %get3A_1010 = arith.constant 1 : i32
        %get3A_1011 = arith.constant 11 : i32
        %get3A_1012 = arith.index_cast %get3A_1010 : i32 to index
        %get3A_1013 = arith.index_cast %scan3A_163 : i32 to index
        %get3A_1014 = arith.index_cast %get3A_1011 : i32 to index
        %get3A_1015 = arith.constant 112 : index
        %get3A_1016 = tpu.vector_load %arg4[%get3A_1012, %get3A_1013, %get3A_1014, %get3A_1015] {strides = array<i32>} : memref<2x8x32x128xf32, #tpu.memory_space<vmem>>, vector<1x1x1x16xf32>,
        %get3A_1017 = vector.shape_cast %get3A_1016 : vector<1x1x1x16xf32> to vector<16xf32>
        %add3A_1018 = arith.addf %add3A_946, %get3A_1017 : vector<16xf32>
        %get3A_1019 = arith.constant 1 : i32
        %get3A_1020 = arith.constant 12 : i32
        %get3A_1021 = arith.index_cast %get3A_1019 : i32 to index
        %get3A_1022 = arith.index_cast %scan3A_163 : i32 to index
        %get3A_1023 = arith.index_cast %get3A_1020 : i32 to index
        %get3A_1024 = arith.constant 0 : index
        %get3A_1025 = tpu.vector_load %arg4[%get3A_1021, %get3A_1022, %get3A_1023, %get3A_1024] {strides = array<i32>} : memref<2x8x32x128xf32, #tpu.memory_space<vmem>>, vector<1x1x1x16xf32>,
        %get3A_1026 = vector.shape_cast %get3A_1025 : vector<1x1x1x16xf32> to vector<16xf32>
        %add3A_1027 = arith.addf %add3A_955, %get3A_1026 : vector<16xf32>
        %get3A_1028 = arith.constant 1 : i32
        %get3A_1029 = arith.constant 12 : i32
        %get3A_1030 = arith.index_cast %get3A_1028 : i32 to index
        %get3A_1031 = arith.index_cast %scan3A_163 : i32 to index
        %get3A_1032 = arith.index_cast %get3A_1029 : i32 to index
        %get3A_1033 = arith.constant 16 : index
        %get3A_1034 = tpu.vector_load %arg4[%get3A_1030, %get3A_1031, %get3A_1032, %get3A_1033] {strides = array<i32>} : memref<2x8x32x128xf32, #tpu.memory_space<vmem>>, vector<1x1x1x16xf32>,
        %get3A_1035 = vector.shape_cast %get3A_1034 : vector<1x1x1x16xf32> to vector<16xf32>
        %add3A_1036 = arith.addf %add3A_964, %get3A_1035 : vector<16xf32>
        %get3A_1037 = arith.constant 1 : i32
        %get3A_1038 = arith.constant 12 : i32
        %get3A_1039 = arith.index_cast %get3A_1037 : i32 to index
        %get3A_1040 = arith.index_cast %scan3A_163 : i32 to index
        %get3A_1041 = arith.index_cast %get3A_1038 : i32 to index
        %get3A_1042 = arith.constant 32 : index
        %get3A_1043 = tpu.vector_load %arg4[%get3A_1039, %get3A_1040, %get3A_1041, %get3A_1042] {strides = array<i32>} : memref<2x8x32x128xf32, #tpu.memory_space<vmem>>, vector<1x1x1x16xf32>,
        %get3A_1044 = vector.shape_cast %get3A_1043 : vector<1x1x1x16xf32> to vector<16xf32>
        %add3A_1045 = arith.addf %add3A_973, %get3A_1044 : vector<16xf32>
        %get3A_1046 = arith.constant 1 : i32
        %get3A_1047 = arith.constant 12 : i32
        %get3A_1048 = arith.index_cast %get3A_1046 : i32 to index
        %get3A_1049 = arith.index_cast %scan3A_163 : i32 to index
        %get3A_1050 = arith.index_cast %get3A_1047 : i32 to index
        %get3A_1051 = arith.constant 48 : index
        %get3A_1052 = tpu.vector_load %arg4[%get3A_1048, %get3A_1049, %get3A_1050, %get3A_1051] {strides = array<i32>} : memref<2x8x32x128xf32, #tpu.memory_space<vmem>>, vector<1x1x1x16xf32>,
        %get3A_1053 = vector.shape_cast %get3A_1052 : vector<1x1x1x16xf32> to vector<16xf32>
        %add3A_1054 = arith.addf %add3A_982, %get3A_1053 : vector<16xf32>
        %get3A_1055 = arith.constant 1 : i32
        %get3A_1056 = arith.constant 12 : i32
        %get3A_1057 = arith.index_cast %get3A_1055 : i32 to index
        %get3A_1058 = arith.index_cast %scan3A_163 : i32 to index
        %get3A_1059 = arith.index_cast %get3A_1056 : i32 to index
        %get3A_1060 = arith.constant 64 : index
        %get3A_1061 = tpu.vector_load %arg4[%get3A_1057, %get3A_1058, %get3A_1059, %get3A_1060] {strides = array<i32>} : memref<2x8x32x128xf32, #tpu.memory_space<vmem>>, vector<1x1x1x16xf32>,
        %get3A_1062 = vector.shape_cast %get3A_1061 : vector<1x1x1x16xf32> to vector<16xf32>
        %add3A_1063 = arith.addf %add3A_991, %get3A_1062 : vector<16xf32>
        %get3A_1064 = arith.constant 1 : i32
        %get3A_1065 = arith.constant 12 : i32
        %get3A_1066 = arith.index_cast %get3A_1064 : i32 to index
        %get3A_1067 = arith.index_cast %scan3A_163 : i32 to index
        %get3A_1068 = arith.index_cast %get3A_1065 : i32 to index
        %get3A_1069 = arith.constant 80 : index
        %get3A_1070 = tpu.vector_load %arg4[%get3A_1066, %get3A_1067, %get3A_1068, %get3A_1069] {strides = array<i32>} : memref<2x8x32x128xf32, #tpu.memory_space<vmem>>, vector<1x1x1x16xf32>,
        %get3A_1071 = vector.shape_cast %get3A_1070 : vector<1x1x1x16xf32> to vector<16xf32>
        %add3A_1072 = arith.addf %add3A_1000, %get3A_1071 : vector<16xf32>
        %get3A_1073 = arith.constant 1 : i32
        %get3A_1074 = arith.constant 12 : i32
        %get3A_1075 = arith.index_cast %get3A_1073 : i32 to index
        %get3A_1076 = arith.index_cast %scan3A_163 : i32 to index
        %get3A_1077 = arith.index_cast %get3A_1074 : i32 to index
        %get3A_1078 = arith.constant 96 : index
        %get3A_1079 = tpu.vector_load %arg4[%get3A_1075, %get3A_1076, %get3A_1077, %get3A_1078] {strides = array<i32>} : memref<2x8x32x128xf32, #tpu.memory_space<vmem>>, vector<1x1x1x16xf32>,
        %get3A_1080 = vector.shape_cast %get3A_1079 : vector<1x1x1x16xf32> to vector<16xf32>
        %add3A_1081 = arith.addf %add3A_1009, %get3A_1080 : vector<16xf32>
        %get3A_1082 = arith.constant 1 : i32
        %get3A_1083 = arith.constant 12 : i32
        %get3A_1084 = arith.index_cast %get3A_1082 : i32 to index
        %get3A_1085 = arith.index_cast %scan3A_163 : i32 to index
        %get3A_1086 = arith.index_cast %get3A_1083 : i32 to index
        %get3A_1087 = arith.constant 112 : index
        %get3A_1088 = tpu.vector_load %arg4[%get3A_1084, %get3A_1085, %get3A_1086, %get3A_1087] {strides = array<i32>} : memref<2x8x32x128xf32, #tpu.memory_space<vmem>>, vector<1x1x1x16xf32>,
        %get3A_1089 = vector.shape_cast %get3A_1088 : vector<1x1x1x16xf32> to vector<16xf32>
        %add3A_1090 = arith.addf %add3A_1018, %get3A_1089 : vector<16xf32>
        %get3A_1091 = arith.constant 1 : i32
        %get3A_1092 = arith.constant 13 : i32
        %get3A_1093 = arith.index_cast %get3A_1091 : i32 to index
        %get3A_1094 = arith.index_cast %scan3A_163 : i32 to index
        %get3A_1095 = arith.index_cast %get3A_1092 : i32 to index
        %get3A_1096 = arith.constant 0 : index
        %get3A_1097 = tpu.vector_load %arg4[%get3A_1093, %get3A_1094, %get3A_1095, %get3A_1096] {strides = array<i32>} : memref<2x8x32x128xf32, #tpu.memory_space<vmem>>, vector<1x1x1x16xf32>,
        %get3A_1098 = vector.shape_cast %get3A_1097 : vector<1x1x1x16xf32> to vector<16xf32>
        %add3A_1099 = arith.addf %add3A_1027, %get3A_1098 : vector<16xf32>
        %get3A_1100 = arith.constant 1 : i32
        %get3A_1101 = arith.constant 13 : i32
        %get3A_1102 = arith.index_cast %get3A_1100 : i32 to index
        %get3A_1103 = arith.index_cast %scan3A_163 : i32 to index
        %get3A_1104 = arith.index_cast %get3A_1101 : i32 to index
        %get3A_1105 = arith.constant 16 : index
        %get3A_1106 = tpu.vector_load %arg4[%get3A_1102, %get3A_1103, %get3A_1104, %get3A_1105] {strides = array<i32>} : memref<2x8x32x128xf32, #tpu.memory_space<vmem>>, vector<1x1x1x16xf32>,
        %get3A_1107 = vector.shape_cast %get3A_1106 : vector<1x1x1x16xf32> to vector<16xf32>
        %add3A_1108 = arith.addf %add3A_1036, %get3A_1107 : vector<16xf32>
        %get3A_1109 = arith.constant 1 : i32
        %get3A_1110 = arith.constant 13 : i32
        %get3A_1111 = arith.index_cast %get3A_1109 : i32 to index
        %get3A_1112 = arith.index_cast %scan3A_163 : i32 to index
        %get3A_1113 = arith.index_cast %get3A_1110 : i32 to index
        %get3A_1114 = arith.constant 32 : index
        %get3A_1115 = tpu.vector_load %arg4[%get3A_1111, %get3A_1112, %get3A_1113, %get3A_1114] {strides = array<i32>} : memref<2x8x32x128xf32, #tpu.memory_space<vmem>>, vector<1x1x1x16xf32>,
        %get3A_1116 = vector.shape_cast %get3A_1115 : vector<1x1x1x16xf32> to vector<16xf32>
        %add3A_1117 = arith.addf %add3A_1045, %get3A_1116 : vector<16xf32>
        %get3A_1118 = arith.constant 1 : i32
        %get3A_1119 = arith.constant 13 : i32
        %get3A_1120 = arith.index_cast %get3A_1118 : i32 to index
        %get3A_1121 = arith.index_cast %scan3A_163 : i32 to index
        %get3A_1122 = arith.index_cast %get3A_1119 : i32 to index
        %get3A_1123 = arith.constant 48 : index
        %get3A_1124 = tpu.vector_load %arg4[%get3A_1120, %get3A_1121, %get3A_1122, %get3A_1123] {strides = array<i32>} : memref<2x8x32x128xf32, #tpu.memory_space<vmem>>, vector<1x1x1x16xf32>,
        %get3A_1125 = vector.shape_cast %get3A_1124 : vector<1x1x1x16xf32> to vector<16xf32>
        %add3A_1126 = arith.addf %add3A_1054, %get3A_1125 : vector<16xf32>
        %get3A_1127 = arith.constant 1 : i32
        %get3A_1128 = arith.constant 13 : i32
        %get3A_1129 = arith.index_cast %get3A_1127 : i32 to index
        %get3A_1130 = arith.index_cast %scan3A_163 : i32 to index
        %get3A_1131 = arith.index_cast %get3A_1128 : i32 to index
        %get3A_1132 = arith.constant 64 : index
        %get3A_1133 = tpu.vector_load %arg4[%get3A_1129, %get3A_1130, %get3A_1131, %get3A_1132] {strides = array<i32>} : memref<2x8x32x128xf32, #tpu.memory_space<vmem>>, vector<1x1x1x16xf32>,
        %get3A_1134 = vector.shape_cast %get3A_1133 : vector<1x1x1x16xf32> to vector<16xf32>
        %add3A_1135 = arith.addf %add3A_1063, %get3A_1134 : vector<16xf32>
        %get3A_1136 = arith.constant 1 : i32
        %get3A_1137 = arith.constant 13 : i32
        %get3A_1138 = arith.index_cast %get3A_1136 : i32 to index
        %get3A_1139 = arith.index_cast %scan3A_163 : i32 to index
        %get3A_1140 = arith.index_cast %get3A_1137 : i32 to index
        %get3A_1141 = arith.constant 80 : index
        %get3A_1142 = tpu.vector_load %arg4[%get3A_1138, %get3A_1139, %get3A_1140, %get3A_1141] {strides = array<i32>} : memref<2x8x32x128xf32, #tpu.memory_space<vmem>>, vector<1x1x1x16xf32>,
        %get3A_1143 = vector.shape_cast %get3A_1142 : vector<1x1x1x16xf32> to vector<16xf32>
        %add3A_1144 = arith.addf %add3A_1072, %get3A_1143 : vector<16xf32>
        %get3A_1145 = arith.constant 1 : i32
        %get3A_1146 = arith.constant 13 : i32
        %get3A_1147 = arith.index_cast %get3A_1145 : i32 to index
        %get3A_1148 = arith.index_cast %scan3A_163 : i32 to index
        %get3A_1149 = arith.index_cast %get3A_1146 : i32 to index
        %get3A_1150 = arith.constant 96 : index
        %get3A_1151 = tpu.vector_load %arg4[%get3A_1147, %get3A_1148, %get3A_1149, %get3A_1150] {strides = array<i32>} : memref<2x8x32x128xf32, #tpu.memory_space<vmem>>, vector<1x1x1x16xf32>,
        %get3A_1152 = vector.shape_cast %get3A_1151 : vector<1x1x1x16xf32> to vector<16xf32>
        %add3A_1153 = arith.addf %add3A_1081, %get3A_1152 : vector<16xf32>
        %get3A_1154 = arith.constant 1 : i32
        %get3A_1155 = arith.constant 13 : i32
        %get3A_1156 = arith.index_cast %get3A_1154 : i32 to index
        %get3A_1157 = arith.index_cast %scan3A_163 : i32 to index
        %get3A_1158 = arith.index_cast %get3A_1155 : i32 to index
        %get3A_1159 = arith.constant 112 : index
        %get3A_1160 = tpu.vector_load %arg4[%get3A_1156, %get3A_1157, %get3A_1158, %get3A_1159] {strides = array<i32>} : memref<2x8x32x128xf32, #tpu.memory_space<vmem>>, vector<1x1x1x16xf32>,
        %get3A_1161 = vector.shape_cast %get3A_1160 : vector<1x1x1x16xf32> to vector<16xf32>
        %add3A_1162 = arith.addf %add3A_1090, %get3A_1161 : vector<16xf32>
        %get3A_1163 = arith.constant 1 : i32
        %get3A_1164 = arith.constant 14 : i32
        %get3A_1165 = arith.index_cast %get3A_1163 : i32 to index
        %get3A_1166 = arith.index_cast %scan3A_163 : i32 to index
        %get3A_1167 = arith.index_cast %get3A_1164 : i32 to index
        %get3A_1168 = arith.constant 0 : index
        %get3A_1169 = tpu.vector_load %arg4[%get3A_1165, %get3A_1166, %get3A_1167, %get3A_1168] {strides = array<i32>} : memref<2x8x32x128xf32, #tpu.memory_space<vmem>>, vector<1x1x1x16xf32>,
        %get3A_1170 = vector.shape_cast %get3A_1169 : vector<1x1x1x16xf32> to vector<16xf32>
        %add3A_1171 = arith.addf %add3A_1099, %get3A_1170 : vector<16xf32>
        %get3A_1172 = arith.constant 1 : i32
        %get3A_1173 = arith.constant 14 : i32
        %get3A_1174 = arith.index_cast %get3A_1172 : i32 to index
        %get3A_1175 = arith.index_cast %scan3A_163 : i32 to index
        %get3A_1176 = arith.index_cast %get3A_1173 : i32 to index
        %get3A_1177 = arith.constant 16 : index
        %get3A_1178 = tpu.vector_load %arg4[%get3A_1174, %get3A_1175, %get3A_1176, %get3A_1177] {strides = array<i32>} : memref<2x8x32x128xf32, #tpu.memory_space<vmem>>, vector<1x1x1x16xf32>,
        %get3A_1179 = vector.shape_cast %get3A_1178 : vector<1x1x1x16xf32> to vector<16xf32>
        %add3A_1180 = arith.addf %add3A_1108, %get3A_1179 : vector<16xf32>
        %get3A_1181 = arith.constant 1 : i32
        %get3A_1182 = arith.constant 14 : i32
        %get3A_1183 = arith.index_cast %get3A_1181 : i32 to index
        %get3A_1184 = arith.index_cast %scan3A_163 : i32 to index
        %get3A_1185 = arith.index_cast %get3A_1182 : i32 to index
        %get3A_1186 = arith.constant 32 : index
        %get3A_1187 = tpu.vector_load %arg4[%get3A_1183, %get3A_1184, %get3A_1185, %get3A_1186] {strides = array<i32>} : memref<2x8x32x128xf32, #tpu.memory_space<vmem>>, vector<1x1x1x16xf32>,
        %get3A_1188 = vector.shape_cast %get3A_1187 : vector<1x1x1x16xf32> to vector<16xf32>
        %add3A_1189 = arith.addf %add3A_1117, %get3A_1188 : vector<16xf32>
        %get3A_1190 = arith.constant 1 : i32
        %get3A_1191 = arith.constant 14 : i32
        %get3A_1192 = arith.index_cast %get3A_1190 : i32 to index
        %get3A_1193 = arith.index_cast %scan3A_163 : i32 to index
        %get3A_1194 = arith.index_cast %get3A_1191 : i32 to index
        %get3A_1195 = arith.constant 48 : index
        %get3A_1196 = tpu.vector_load %arg4[%get3A_1192, %get3A_1193, %get3A_1194, %get3A_1195] {strides = array<i32>} : memref<2x8x32x128xf32, #tpu.memory_space<vmem>>, vector<1x1x1x16xf32>,
        %get3A_1197 = vector.shape_cast %get3A_1196 : vector<1x1x1x16xf32> to vector<16xf32>
        %add3A_1198 = arith.addf %add3A_1126, %get3A_1197 : vector<16xf32>
        %get3A_1199 = arith.constant 1 : i32
        %get3A_1200 = arith.constant 14 : i32
        %get3A_1201 = arith.index_cast %get3A_1199 : i32 to index
        %get3A_1202 = arith.index_cast %scan3A_163 : i32 to index
        %get3A_1203 = arith.index_cast %get3A_1200 : i32 to index
        %get3A_1204 = arith.constant 64 : index
        %get3A_1205 = tpu.vector_load %arg4[%get3A_1201, %get3A_1202, %get3A_1203, %get3A_1204] {strides = array<i32>} : memref<2x8x32x128xf32, #tpu.memory_space<vmem>>, vector<1x1x1x16xf32>,
        %get3A_1206 = vector.shape_cast %get3A_1205 : vector<1x1x1x16xf32> to vector<16xf32>
        %add3A_1207 = arith.addf %add3A_1135, %get3A_1206 : vector<16xf32>
        %get3A_1208 = arith.constant 1 : i32
        %get3A_1209 = arith.constant 14 : i32
        %get3A_1210 = arith.index_cast %get3A_1208 : i32 to index
        %get3A_1211 = arith.index_cast %scan3A_163 : i32 to index
        %get3A_1212 = arith.index_cast %get3A_1209 : i32 to index
        %get3A_1213 = arith.constant 80 : index
        %get3A_1214 = tpu.vector_load %arg4[%get3A_1210, %get3A_1211, %get3A_1212, %get3A_1213] {strides = array<i32>} : memref<2x8x32x128xf32, #tpu.memory_space<vmem>>, vector<1x1x1x16xf32>,
        %get3A_1215 = vector.shape_cast %get3A_1214 : vector<1x1x1x16xf32> to vector<16xf32>
        %add3A_1216 = arith.addf %add3A_1144, %get3A_1215 : vector<16xf32>
        %get3A_1217 = arith.constant 1 : i32
        %get3A_1218 = arith.constant 14 : i32
        %get3A_1219 = arith.index_cast %get3A_1217 : i32 to index
        %get3A_1220 = arith.index_cast %scan3A_163 : i32 to index
        %get3A_1221 = arith.index_cast %get3A_1218 : i32 to index
        %get3A_1222 = arith.constant 96 : index
        %get3A_1223 = tpu.vector_load %arg4[%get3A_1219, %get3A_1220, %get3A_1221, %get3A_1222] {strides = array<i32>} : memref<2x8x32x128xf32, #tpu.memory_space<vmem>>, vector<1x1x1x16xf32>,
        %get3A_1224 = vector.shape_cast %get3A_1223 : vector<1x1x1x16xf32> to vector<16xf32>
        %add3A_1225 = arith.addf %add3A_1153, %get3A_1224 : vector<16xf32>
        %get3A_1226 = arith.constant 1 : i32
        %get3A_1227 = arith.constant 14 : i32
        %get3A_1228 = arith.index_cast %get3A_1226 : i32 to index
        %get3A_1229 = arith.index_cast %scan3A_163 : i32 to index
        %get3A_1230 = arith.index_cast %get3A_1227 : i32 to index
        %get3A_1231 = arith.constant 112 : index
        %get3A_1232 = tpu.vector_load %arg4[%get3A_1228, %get3A_1229, %get3A_1230, %get3A_1231] {strides = array<i32>} : memref<2x8x32x128xf32, #tpu.memory_space<vmem>>, vector<1x1x1x16xf32>,
        %get3A_1233 = vector.shape_cast %get3A_1232 : vector<1x1x1x16xf32> to vector<16xf32>
        %add3A_1234 = arith.addf %add3A_1162, %get3A_1233 : vector<16xf32>
        %get3A_1235 = arith.constant 1 : i32
        %get3A_1236 = arith.constant 15 : i32
        %get3A_1237 = arith.index_cast %get3A_1235 : i32 to index
        %get3A_1238 = arith.index_cast %scan3A_163 : i32 to index
        %get3A_1239 = arith.index_cast %get3A_1236 : i32 to index
        %get3A_1240 = arith.constant 0 : index
        %get3A_1241 = tpu.vector_load %arg4[%get3A_1237, %get3A_1238, %get3A_1239, %get3A_1240] {strides = array<i32>} : memref<2x8x32x128xf32, #tpu.memory_space<vmem>>, vector<1x1x1x16xf32>,
        %get3A_1242 = vector.shape_cast %get3A_1241 : vector<1x1x1x16xf32> to vector<16xf32>
        %add3A_1243 = arith.addf %add3A_1171, %get3A_1242 : vector<16xf32>
        %get3A_1244 = arith.constant 1 : i32
        %get3A_1245 = arith.constant 15 : i32
        %get3A_1246 = arith.index_cast %get3A_1244 : i32 to index
        %get3A_1247 = arith.index_cast %scan3A_163 : i32 to index
        %get3A_1248 = arith.index_cast %get3A_1245 : i32 to index
        %get3A_1249 = arith.constant 16 : index
        %get3A_1250 = tpu.vector_load %arg4[%get3A_1246, %get3A_1247, %get3A_1248, %get3A_1249] {strides = array<i32>} : memref<2x8x32x128xf32, #tpu.memory_space<vmem>>, vector<1x1x1x16xf32>,
        %get3A_1251 = vector.shape_cast %get3A_1250 : vector<1x1x1x16xf32> to vector<16xf32>
        %add3A_1252 = arith.addf %add3A_1180, %get3A_1251 : vector<16xf32>
        %get3A_1253 = arith.constant 1 : i32
        %get3A_1254 = arith.constant 15 : i32
        %get3A_1255 = arith.index_cast %get3A_1253 : i32 to index
        %get3A_1256 = arith.index_cast %scan3A_163 : i32 to index
        %get3A_1257 = arith.index_cast %get3A_1254 : i32 to index
        %get3A_1258 = arith.constant 32 : index
        %get3A_1259 = tpu.vector_load %arg4[%get3A_1255, %get3A_1256, %get3A_1257, %get3A_1258] {strides = array<i32>} : memref<2x8x32x128xf32, #tpu.memory_space<vmem>>, vector<1x1x1x16xf32>,
        %get3A_1260 = vector.shape_cast %get3A_1259 : vector<1x1x1x16xf32> to vector<16xf32>
        %add3A_1261 = arith.addf %add3A_1189, %get3A_1260 : vector<16xf32>
        %get3A_1262 = arith.constant 1 : i32
        %get3A_1263 = arith.constant 15 : i32
        %get3A_1264 = arith.index_cast %get3A_1262 : i32 to index
        %get3A_1265 = arith.index_cast %scan3A_163 : i32 to index
        %get3A_1266 = arith.index_cast %get3A_1263 : i32 to index
        %get3A_1267 = arith.constant 48 : index
        %get3A_1268 = tpu.vector_load %arg4[%get3A_1264, %get3A_1265, %get3A_1266, %get3A_1267] {strides = array<i32>} : memref<2x8x32x128xf32, #tpu.memory_space<vmem>>, vector<1x1x1x16xf32>,
        %get3A_1269 = vector.shape_cast %get3A_1268 : vector<1x1x1x16xf32> to vector<16xf32>
        %add3A_1270 = arith.addf %add3A_1198, %get3A_1269 : vector<16xf32>
        %get3A_1271 = arith.constant 1 : i32
        %get3A_1272 = arith.constant 15 : i32
        %get3A_1273 = arith.index_cast %get3A_1271 : i32 to index
        %get3A_1274 = arith.index_cast %scan3A_163 : i32 to index
        %get3A_1275 = arith.index_cast %get3A_1272 : i32 to index
        %get3A_1276 = arith.constant 64 : index
        %get3A_1277 = tpu.vector_load %arg4[%get3A_1273, %get3A_1274, %get3A_1275, %get3A_1276] {strides = array<i32>} : memref<2x8x32x128xf32, #tpu.memory_space<vmem>>, vector<1x1x1x16xf32>,
        %get3A_1278 = vector.shape_cast %get3A_1277 : vector<1x1x1x16xf32> to vector<16xf32>
        %add3A_1279 = arith.addf %add3A_1207, %get3A_1278 : vector<16xf32>
        %get3A_1280 = arith.constant 1 : i32
        %get3A_1281 = arith.constant 15 : i32
        %get3A_1282 = arith.index_cast %get3A_1280 : i32 to index
        %get3A_1283 = arith.index_cast %scan3A_163 : i32 to index
        %get3A_1284 = arith.index_cast %get3A_1281 : i32 to index
        %get3A_1285 = arith.constant 80 : index
        %get3A_1286 = tpu.vector_load %arg4[%get3A_1282, %get3A_1283, %get3A_1284, %get3A_1285] {strides = array<i32>} : memref<2x8x32x128xf32, #tpu.memory_space<vmem>>, vector<1x1x1x16xf32>,
        %get3A_1287 = vector.shape_cast %get3A_1286 : vector<1x1x1x16xf32> to vector<16xf32>
        %add3A_1288 = arith.addf %add3A_1216, %get3A_1287 : vector<16xf32>
        %get3A_1289 = arith.constant 1 : i32
        %get3A_1290 = arith.constant 15 : i32
        %get3A_1291 = arith.index_cast %get3A_1289 : i32 to index
        %get3A_1292 = arith.index_cast %scan3A_163 : i32 to index
        %get3A_1293 = arith.index_cast %get3A_1290 : i32 to index
        %get3A_1294 = arith.constant 96 : index
        %get3A_1295 = tpu.vector_load %arg4[%get3A_1291, %get3A_1292, %get3A_1293, %get3A_1294] {strides = array<i32>} : memref<2x8x32x128xf32, #tpu.memory_space<vmem>>, vector<1x1x1x16xf32>,
        %get3A_1296 = vector.shape_cast %get3A_1295 : vector<1x1x1x16xf32> to vector<16xf32>
        %add3A_1297 = arith.addf %add3A_1225, %get3A_1296 : vector<16xf32>
        %get3A_1298 = arith.constant 1 : i32
        %get3A_1299 = arith.constant 15 : i32
        %get3A_1300 = arith.index_cast %get3A_1298 : i32 to index
        %get3A_1301 = arith.index_cast %scan3A_163 : i32 to index
        %get3A_1302 = arith.index_cast %get3A_1299 : i32 to index
        %get3A_1303 = arith.constant 112 : index
        %get3A_1304 = tpu.vector_load %arg4[%get3A_1300, %get3A_1301, %get3A_1302, %get3A_1303] {strides = array<i32>} : memref<2x8x32x128xf32, #tpu.memory_space<vmem>>, vector<1x1x1x16xf32>,
        %get3A_1305 = vector.shape_cast %get3A_1304 : vector<1x1x1x16xf32> to vector<16xf32>
        %add3A_1306 = arith.addf %add3A_1234, %get3A_1305 : vector<16xf32>
        %get3A_1307 = arith.constant 1 : i32
        %get3A_1308 = arith.constant 16 : i32
        %get3A_1309 = arith.index_cast %get3A_1307 : i32 to index
        %get3A_1310 = arith.index_cast %scan3A_163 : i32 to index
        %get3A_1311 = arith.index_cast %get3A_1308 : i32 to index
        %get3A_1312 = arith.constant 0 : index
        %get3A_1313 = tpu.vector_load %arg4[%get3A_1309, %get3A_1310, %get3A_1311, %get3A_1312] {strides = array<i32>} : memref<2x8x32x128xf32, #tpu.memory_space<vmem>>, vector<1x1x1x16xf32>,
        %get3A_1314 = vector.shape_cast %get3A_1313 : vector<1x1x1x16xf32> to vector<16xf32>
        %add3A_1315 = arith.addf %add3A_1243, %get3A_1314 : vector<16xf32>
        %get3A_1316 = arith.constant 1 : i32
        %get3A_1317 = arith.constant 16 : i32
        %get3A_1318 = arith.index_cast %get3A_1316 : i32 to index
        %get3A_1319 = arith.index_cast %scan3A_163 : i32 to index
        %get3A_1320 = arith.index_cast %get3A_1317 : i32 to index
        %get3A_1321 = arith.constant 16 : index
        %get3A_1322 = tpu.vector_load %arg4[%get3A_1318, %get3A_1319, %get3A_1320, %get3A_1321] {strides = array<i32>} : memref<2x8x32x128xf32, #tpu.memory_space<vmem>>, vector<1x1x1x16xf32>,
        %get3A_1323 = vector.shape_cast %get3A_1322 : vector<1x1x1x16xf32> to vector<16xf32>
        %add3A_1324 = arith.addf %add3A_1252, %get3A_1323 : vector<16xf32>
        %get3A_1325 = arith.constant 1 : i32
        %get3A_1326 = arith.constant 16 : i32
        %get3A_1327 = arith.index_cast %get3A_1325 : i32 to index
        %get3A_1328 = arith.index_cast %scan3A_163 : i32 to index
        %get3A_1329 = arith.index_cast %get3A_1326 : i32 to index
        %get3A_1330 = arith.constant 32 : index
        %get3A_1331 = tpu.vector_load %arg4[%get3A_1327, %get3A_1328, %get3A_1329, %get3A_1330] {strides = array<i32>} : memref<2x8x32x128xf32, #tpu.memory_space<vmem>>, vector<1x1x1x16xf32>,
        %get3A_1332 = vector.shape_cast %get3A_1331 : vector<1x1x1x16xf32> to vector<16xf32>
        %add3A_1333 = arith.addf %add3A_1261, %get3A_1332 : vector<16xf32>
        %get3A_1334 = arith.constant 1 : i32
        %get3A_1335 = arith.constant 16 : i32
        %get3A_1336 = arith.index_cast %get3A_1334 : i32 to index
        %get3A_1337 = arith.index_cast %scan3A_163 : i32 to index
        %get3A_1338 = arith.index_cast %get3A_1335 : i32 to index
        %get3A_1339 = arith.constant 48 : index
        %get3A_1340 = tpu.vector_load %arg4[%get3A_1336, %get3A_1337, %get3A_1338, %get3A_1339] {strides = array<i32>} : memref<2x8x32x128xf32, #tpu.memory_space<vmem>>, vector<1x1x1x16xf32>,
        %get3A_1341 = vector.shape_cast %get3A_1340 : vector<1x1x1x16xf32> to vector<16xf32>
        %add3A_1342 = arith.addf %add3A_1270, %get3A_1341 : vector<16xf32>
        %get3A_1343 = arith.constant 1 : i32
        %get3A_1344 = arith.constant 16 : i32
        %get3A_1345 = arith.index_cast %get3A_1343 : i32 to index
        %get3A_1346 = arith.index_cast %scan3A_163 : i32 to index
        %get3A_1347 = arith.index_cast %get3A_1344 : i32 to index
        %get3A_1348 = arith.constant 64 : index
        %get3A_1349 = tpu.vector_load %arg4[%get3A_1345, %get3A_1346, %get3A_1347, %get3A_1348] {strides = array<i32>} : memref<2x8x32x128xf32, #tpu.memory_space<vmem>>, vector<1x1x1x16xf32>,
        %get3A_1350 = vector.shape_cast %get3A_1349 : vector<1x1x1x16xf32> to vector<16xf32>
        %add3A_1351 = arith.addf %add3A_1279, %get3A_1350 : vector<16xf32>
        %get3A_1352 = arith.constant 1 : i32
        %get3A_1353 = arith.constant 16 : i32
        %get3A_1354 = arith.index_cast %get3A_1352 : i32 to index
        %get3A_1355 = arith.index_cast %scan3A_163 : i32 to index
        %get3A_1356 = arith.index_cast %get3A_1353 : i32 to index
        %get3A_1357 = arith.constant 80 : index
        %get3A_1358 = tpu.vector_load %arg4[%get3A_1354, %get3A_1355, %get3A_1356, %get3A_1357] {strides = array<i32>} : memref<2x8x32x128xf32, #tpu.memory_space<vmem>>, vector<1x1x1x16xf32>,
        %get3A_1359 = vector.shape_cast %get3A_1358 : vector<1x1x1x16xf32> to vector<16xf32>
        %add3A_1360 = arith.addf %add3A_1288, %get3A_1359 : vector<16xf32>
        %get3A_1361 = arith.constant 1 : i32
        %get3A_1362 = arith.constant 16 : i32
        %get3A_1363 = arith.index_cast %get3A_1361 : i32 to index
        %get3A_1364 = arith.index_cast %scan3A_163 : i32 to index
        %get3A_1365 = arith.index_cast %get3A_1362 : i32 to index
        %get3A_1366 = arith.constant 96 : index
        %get3A_1367 = tpu.vector_load %arg4[%get3A_1363, %get3A_1364, %get3A_1365, %get3A_1366] {strides = array<i32>} : memref<2x8x32x128xf32, #tpu.memory_space<vmem>>, vector<1x1x1x16xf32>,
        %get3A_1368 = vector.shape_cast %get3A_1367 : vector<1x1x1x16xf32> to vector<16xf32>
        %add3A_1369 = arith.addf %add3A_1297, %get3A_1368 : vector<16xf32>
        %get3A_1370 = arith.constant 1 : i32
        %get3A_1371 = arith.constant 16 : i32
        %get3A_1372 = arith.index_cast %get3A_1370 : i32 to index
        %get3A_1373 = arith.index_cast %scan3A_163 : i32 to index
        %get3A_1374 = arith.index_cast %get3A_1371 : i32 to index
        %get3A_1375 = arith.constant 112 : index
        %get3A_1376 = tpu.vector_load %arg4[%get3A_1372, %get3A_1373, %get3A_1374, %get3A_1375] {strides = array<i32>} : memref<2x8x32x128xf32, #tpu.memory_space<vmem>>, vector<1x1x1x16xf32>,
        %get3A_1377 = vector.shape_cast %get3A_1376 : vector<1x1x1x16xf32> to vector<16xf32>
        %add3A_1378 = arith.addf %add3A_1306, %get3A_1377 : vector<16xf32>
        %get3A_1379 = arith.constant 1 : i32
        %get3A_1380 = arith.constant 17 : i32
        %get3A_1381 = arith.index_cast %get3A_1379 : i32 to index
        %get3A_1382 = arith.index_cast %scan3A_163 : i32 to index
        %get3A_1383 = arith.index_cast %get3A_1380 : i32 to index
        %get3A_1384 = arith.constant 0 : index
        %get3A_1385 = tpu.vector_load %arg4[%get3A_1381, %get3A_1382, %get3A_1383, %get3A_1384] {strides = array<i32>} : memref<2x8x32x128xf32, #tpu.memory_space<vmem>>, vector<1x1x1x16xf32>,
        %get3A_1386 = vector.shape_cast %get3A_1385 : vector<1x1x1x16xf32> to vector<16xf32>
        %add3A_1387 = arith.addf %add3A_1315, %get3A_1386 : vector<16xf32>
        %get3A_1388 = arith.constant 1 : i32
        %get3A_1389 = arith.constant 17 : i32
        %get3A_1390 = arith.index_cast %get3A_1388 : i32 to index
        %get3A_1391 = arith.index_cast %scan3A_163 : i32 to index
        %get3A_1392 = arith.index_cast %get3A_1389 : i32 to index
        %get3A_1393 = arith.constant 16 : index
        %get3A_1394 = tpu.vector_load %arg4[%get3A_1390, %get3A_1391, %get3A_1392, %get3A_1393] {strides = array<i32>} : memref<2x8x32x128xf32, #tpu.memory_space<vmem>>, vector<1x1x1x16xf32>,
        %get3A_1395 = vector.shape_cast %get3A_1394 : vector<1x1x1x16xf32> to vector<16xf32>
        %add3A_1396 = arith.addf %add3A_1324, %get3A_1395 : vector<16xf32>
        %get3A_1397 = arith.constant 1 : i32
        %get3A_1398 = arith.constant 17 : i32
        %get3A_1399 = arith.index_cast %get3A_1397 : i32 to index
        %get3A_1400 = arith.index_cast %scan3A_163 : i32 to index
        %get3A_1401 = arith.index_cast %get3A_1398 : i32 to index
        %get3A_1402 = arith.constant 32 : index
        %get3A_1403 = tpu.vector_load %arg4[%get3A_1399, %get3A_1400, %get3A_1401, %get3A_1402] {strides = array<i32>} : memref<2x8x32x128xf32, #tpu.memory_space<vmem>>, vector<1x1x1x16xf32>,
        %get3A_1404 = vector.shape_cast %get3A_1403 : vector<1x1x1x16xf32> to vector<16xf32>
        %add3A_1405 = arith.addf %add3A_1333, %get3A_1404 : vector<16xf32>
        %get3A_1406 = arith.constant 1 : i32
        %get3A_1407 = arith.constant 17 : i32
        %get3A_1408 = arith.index_cast %get3A_1406 : i32 to index
        %get3A_1409 = arith.index_cast %scan3A_163 : i32 to index
        %get3A_1410 = arith.index_cast %get3A_1407 : i32 to index
        %get3A_1411 = arith.constant 48 : index
        %get3A_1412 = tpu.vector_load %arg4[%get3A_1408, %get3A_1409, %get3A_1410, %get3A_1411] {strides = array<i32>} : memref<2x8x32x128xf32, #tpu.memory_space<vmem>>, vector<1x1x1x16xf32>,
        %get3A_1413 = vector.shape_cast %get3A_1412 : vector<1x1x1x16xf32> to vector<16xf32>
        %add3A_1414 = arith.addf %add3A_1342, %get3A_1413 : vector<16xf32>
        %get3A_1415 = arith.constant 1 : i32
        %get3A_1416 = arith.constant 17 : i32
        %get3A_1417 = arith.index_cast %get3A_1415 : i32 to index
        %get3A_1418 = arith.index_cast %scan3A_163 : i32 to index
        %get3A_1419 = arith.index_cast %get3A_1416 : i32 to index
        %get3A_1420 = arith.constant 64 : index
        %get3A_1421 = tpu.vector_load %arg4[%get3A_1417, %get3A_1418, %get3A_1419, %get3A_1420] {strides = array<i32>} : memref<2x8x32x128xf32, #tpu.memory_space<vmem>>, vector<1x1x1x16xf32>,
        %get3A_1422 = vector.shape_cast %get3A_1421 : vector<1x1x1x16xf32> to vector<16xf32>
        %add3A_1423 = arith.addf %add3A_1351, %get3A_1422 : vector<16xf32>
        %get3A_1424 = arith.constant 1 : i32
        %get3A_1425 = arith.constant 17 : i32
        %get3A_1426 = arith.index_cast %get3A_1424 : i32 to index
        %get3A_1427 = arith.index_cast %scan3A_163 : i32 to index
        %get3A_1428 = arith.index_cast %get3A_1425 : i32 to index
        %get3A_1429 = arith.constant 80 : index
        %get3A_1430 = tpu.vector_load %arg4[%get3A_1426, %get3A_1427, %get3A_1428, %get3A_1429] {strides = array<i32>} : memref<2x8x32x128xf32, #tpu.memory_space<vmem>>, vector<1x1x1x16xf32>,
        %get3A_1431 = vector.shape_cast %get3A_1430 : vector<1x1x1x16xf32> to vector<16xf32>
        %add3A_1432 = arith.addf %add3A_1360, %get3A_1431 : vector<16xf32>
        %get3A_1433 = arith.constant 1 : i32
        %get3A_1434 = arith.constant 17 : i32
        %get3A_1435 = arith.index_cast %get3A_1433 : i32 to index
        %get3A_1436 = arith.index_cast %scan3A_163 : i32 to index
        %get3A_1437 = arith.index_cast %get3A_1434 : i32 to index
        %get3A_1438 = arith.constant 96 : index
        %get3A_1439 = tpu.vector_load %arg4[%get3A_1435, %get3A_1436, %get3A_1437, %get3A_1438] {strides = array<i32>} : memref<2x8x32x128xf32, #tpu.memory_space<vmem>>, vector<1x1x1x16xf32>,
        %get3A_1440 = vector.shape_cast %get3A_1439 : vector<1x1x1x16xf32> to vector<16xf32>
        %add3A_1441 = arith.addf %add3A_1369, %get3A_1440 : vector<16xf32>
        %get3A_1442 = arith.constant 1 : i32
        %get3A_1443 = arith.constant 17 : i32
        %get3A_1444 = arith.index_cast %get3A_1442 : i32 to index
        %get3A_1445 = arith.index_cast %scan3A_163 : i32 to index
        %get3A_1446 = arith.index_cast %get3A_1443 : i32 to index
        %get3A_1447 = arith.constant 112 : index
        %get3A_1448 = tpu.vector_load %arg4[%get3A_1444, %get3A_1445, %get3A_1446, %get3A_1447] {strides = array<i32>} : memref<2x8x32x128xf32, #tpu.memory_space<vmem>>, vector<1x1x1x16xf32>,
        %get3A_1449 = vector.shape_cast %get3A_1448 : vector<1x1x1x16xf32> to vector<16xf32>
        %add3A_1450 = arith.addf %add3A_1378, %get3A_1449 : vector<16xf32>
        %get3A_1451 = arith.constant 1 : i32
        %get3A_1452 = arith.constant 18 : i32
        %get3A_1453 = arith.index_cast %get3A_1451 : i32 to index
        %get3A_1454 = arith.index_cast %scan3A_163 : i32 to index
        %get3A_1455 = arith.index_cast %get3A_1452 : i32 to index
        %get3A_1456 = arith.constant 0 : index
        %get3A_1457 = tpu.vector_load %arg4[%get3A_1453, %get3A_1454, %get3A_1455, %get3A_1456] {strides = array<i32>} : memref<2x8x32x128xf32, #tpu.memory_space<vmem>>, vector<1x1x1x16xf32>,
        %get3A_1458 = vector.shape_cast %get3A_1457 : vector<1x1x1x16xf32> to vector<16xf32>
        %add3A_1459 = arith.addf %add3A_1387, %get3A_1458 : vector<16xf32>
        %get3A_1460 = arith.constant 1 : i32
        %get3A_1461 = arith.constant 18 : i32
        %get3A_1462 = arith.index_cast %get3A_1460 : i32 to index
        %get3A_1463 = arith.index_cast %scan3A_163 : i32 to index
        %get3A_1464 = arith.index_cast %get3A_1461 : i32 to index
        %get3A_1465 = arith.constant 16 : index
        %get3A_1466 = tpu.vector_load %arg4[%get3A_1462, %get3A_1463, %get3A_1464, %get3A_1465] {strides = array<i32>} : memref<2x8x32x128xf32, #tpu.memory_space<vmem>>, vector<1x1x1x16xf32>,
        %get3A_1467 = vector.shape_cast %get3A_1466 : vector<1x1x1x16xf32> to vector<16xf32>
        %add3A_1468 = arith.addf %add3A_1396, %get3A_1467 : vector<16xf32>
        %get3A_1469 = arith.constant 1 : i32
        %get3A_1470 = arith.constant 18 : i32
        %get3A_1471 = arith.index_cast %get3A_1469 : i32 to index
        %get3A_1472 = arith.index_cast %scan3A_163 : i32 to index
        %get3A_1473 = arith.index_cast %get3A_1470 : i32 to index
        %get3A_1474 = arith.constant 32 : index
        %get3A_1475 = tpu.vector_load %arg4[%get3A_1471, %get3A_1472, %get3A_1473, %get3A_1474] {strides = array<i32>} : memref<2x8x32x128xf32, #tpu.memory_space<vmem>>, vector<1x1x1x16xf32>,
        %get3A_1476 = vector.shape_cast %get3A_1475 : vector<1x1x1x16xf32> to vector<16xf32>
        %add3A_1477 = arith.addf %add3A_1405, %get3A_1476 : vector<16xf32>
        %get3A_1478 = arith.constant 1 : i32
        %get3A_1479 = arith.constant 18 : i32
        %get3A_1480 = arith.index_cast %get3A_1478 : i32 to index
        %get3A_1481 = arith.index_cast %scan3A_163 : i32 to index
        %get3A_1482 = arith.index_cast %get3A_1479 : i32 to index
        %get3A_1483 = arith.constant 48 : index
        %get3A_1484 = tpu.vector_load %arg4[%get3A_1480, %get3A_1481, %get3A_1482, %get3A_1483] {strides = array<i32>} : memref<2x8x32x128xf32, #tpu.memory_space<vmem>>, vector<1x1x1x16xf32>,
        %get3A_1485 = vector.shape_cast %get3A_1484 : vector<1x1x1x16xf32> to vector<16xf32>
        %add3A_1486 = arith.addf %add3A_1414, %get3A_1485 : vector<16xf32>
        %get3A_1487 = arith.constant 1 : i32
        %get3A_1488 = arith.constant 18 : i32
        %get3A_1489 = arith.index_cast %get3A_1487 : i32 to index
        %get3A_1490 = arith.index_cast %scan3A_163 : i32 to index
        %get3A_1491 = arith.index_cast %get3A_1488 : i32 to index
        %get3A_1492 = arith.constant 64 : index
        %get3A_1493 = tpu.vector_load %arg4[%get3A_1489, %get3A_1490, %get3A_1491, %get3A_1492] {strides = array<i32>} : memref<2x8x32x128xf32, #tpu.memory_space<vmem>>, vector<1x1x1x16xf32>,
        %get3A_1494 = vector.shape_cast %get3A_1493 : vector<1x1x1x16xf32> to vector<16xf32>
        %add3A_1495 = arith.addf %add3A_1423, %get3A_1494 : vector<16xf32>
        %get3A_1496 = arith.constant 1 : i32
        %get3A_1497 = arith.constant 18 : i32
        %get3A_1498 = arith.index_cast %get3A_1496 : i32 to index
        %get3A_1499 = arith.index_cast %scan3A_163 : i32 to index
        %get3A_1500 = arith.index_cast %get3A_1497 : i32 to index
        %get3A_1501 = arith.constant 80 : index
        %get3A_1502 = tpu.vector_load %arg4[%get3A_1498, %get3A_1499, %get3A_1500, %get3A_1501] {strides = array<i32>} : memref<2x8x32x128xf32, #tpu.memory_space<vmem>>, vector<1x1x1x16xf32>,
        %get3A_1503 = vector.shape_cast %get3A_1502 : vector<1x1x1x16xf32> to vector<16xf32>
        %add3A_1504 = arith.addf %add3A_1432, %get3A_1503 : vector<16xf32>
        %get3A_1505 = arith.constant 1 : i32
        %get3A_1506 = arith.constant 18 : i32
        %get3A_1507 = arith.index_cast %get3A_1505 : i32 to index
        %get3A_1508 = arith.index_cast %scan3A_163 : i32 to index
        %get3A_1509 = arith.index_cast %get3A_1506 : i32 to index
        %get3A_1510 = arith.constant 96 : index
        %get3A_1511 = tpu.vector_load %arg4[%get3A_1507, %get3A_1508, %get3A_1509, %get3A_1510] {strides = array<i32>} : memref<2x8x32x128xf32, #tpu.memory_space<vmem>>, vector<1x1x1x16xf32>,
        %get3A_1512 = vector.shape_cast %get3A_1511 : vector<1x1x1x16xf32> to vector<16xf32>
        %add3A_1513 = arith.addf %add3A_1441, %get3A_1512 : vector<16xf32>
        %get3A_1514 = arith.constant 1 : i32
        %get3A_1515 = arith.constant 18 : i32
        %get3A_1516 = arith.index_cast %get3A_1514 : i32 to index
        %get3A_1517 = arith.index_cast %scan3A_163 : i32 to index
        %get3A_1518 = arith.index_cast %get3A_1515 : i32 to index
        %get3A_1519 = arith.constant 112 : index
        %get3A_1520 = tpu.vector_load %arg4[%get3A_1516, %get3A_1517, %get3A_1518, %get3A_1519] {strides = array<i32>} : memref<2x8x32x128xf32, #tpu.memory_space<vmem>>, vector<1x1x1x16xf32>,
        %get3A_1521 = vector.shape_cast %get3A_1520 : vector<1x1x1x16xf32> to vector<16xf32>
        %add3A_1522 = arith.addf %add3A_1450, %get3A_1521 : vector<16xf32>
        %get3A_1523 = arith.constant 1 : i32
        %get3A_1524 = arith.constant 19 : i32
        %get3A_1525 = arith.index_cast %get3A_1523 : i32 to index
        %get3A_1526 = arith.index_cast %scan3A_163 : i32 to index
        %get3A_1527 = arith.index_cast %get3A_1524 : i32 to index
        %get3A_1528 = arith.constant 0 : index
        %get3A_1529 = tpu.vector_load %arg4[%get3A_1525, %get3A_1526, %get3A_1527, %get3A_1528] {strides = array<i32>} : memref<2x8x32x128xf32, #tpu.memory_space<vmem>>, vector<1x1x1x16xf32>,
        %get3A_1530 = vector.shape_cast %get3A_1529 : vector<1x1x1x16xf32> to vector<16xf32>
        %add3A_1531 = arith.addf %add3A_1459, %get3A_1530 : vector<16xf32>
        %get3A_1532 = arith.constant 1 : i32
        %get3A_1533 = arith.constant 19 : i32
        %get3A_1534 = arith.index_cast %get3A_1532 : i32 to index
        %get3A_1535 = arith.index_cast %scan3A_163 : i32 to index
        %get3A_1536 = arith.index_cast %get3A_1533 : i32 to index
        %get3A_1537 = arith.constant 16 : index
        %get3A_1538 = tpu.vector_load %arg4[%get3A_1534, %get3A_1535, %get3A_1536, %get3A_1537] {strides = array<i32>} : memref<2x8x32x128xf32, #tpu.memory_space<vmem>>, vector<1x1x1x16xf32>,
        %get3A_1539 = vector.shape_cast %get3A_1538 : vector<1x1x1x16xf32> to vector<16xf32>
        %add3A_1540 = arith.addf %add3A_1468, %get3A_1539 : vector<16xf32>
        %get3A_1541 = arith.constant 1 : i32
        %get3A_1542 = arith.constant 19 : i32
        %get3A_1543 = arith.index_cast %get3A_1541 : i32 to index
        %get3A_1544 = arith.index_cast %scan3A_163 : i32 to index
        %get3A_1545 = arith.index_cast %get3A_1542 : i32 to index
        %get3A_1546 = arith.constant 32 : index
        %get3A_1547 = tpu.vector_load %arg4[%get3A_1543, %get3A_1544, %get3A_1545, %get3A_1546] {strides = array<i32>} : memref<2x8x32x128xf32, #tpu.memory_space<vmem>>, vector<1x1x1x16xf32>,
        %get3A_1548 = vector.shape_cast %get3A_1547 : vector<1x1x1x16xf32> to vector<16xf32>
        %add3A_1549 = arith.addf %add3A_1477, %get3A_1548 : vector<16xf32>
        %get3A_1550 = arith.constant 1 : i32
        %get3A_1551 = arith.constant 19 : i32
        %get3A_1552 = arith.index_cast %get3A_1550 : i32 to index
        %get3A_1553 = arith.index_cast %scan3A_163 : i32 to index
        %get3A_1554 = arith.index_cast %get3A_1551 : i32 to index
        %get3A_1555 = arith.constant 48 : index
        %get3A_1556 = tpu.vector_load %arg4[%get3A_1552, %get3A_1553, %get3A_1554, %get3A_1555] {strides = array<i32>} : memref<2x8x32x128xf32, #tpu.memory_space<vmem>>, vector<1x1x1x16xf32>,
        %get3A_1557 = vector.shape_cast %get3A_1556 : vector<1x1x1x16xf32> to vector<16xf32>
        %add3A_1558 = arith.addf %add3A_1486, %get3A_1557 : vector<16xf32>
        %get3A_1559 = arith.constant 1 : i32
        %get3A_1560 = arith.constant 19 : i32
        %get3A_1561 = arith.index_cast %get3A_1559 : i32 to index
        %get3A_1562 = arith.index_cast %scan3A_163 : i32 to index
        %get3A_1563 = arith.index_cast %get3A_1560 : i32 to index
        %get3A_1564 = arith.constant 64 : index
        %get3A_1565 = tpu.vector_load %arg4[%get3A_1561, %get3A_1562, %get3A_1563, %get3A_1564] {strides = array<i32>} : memref<2x8x32x128xf32, #tpu.memory_space<vmem>>, vector<1x1x1x16xf32>,
        %get3A_1566 = vector.shape_cast %get3A_1565 : vector<1x1x1x16xf32> to vector<16xf32>
        %add3A_1567 = arith.addf %add3A_1495, %get3A_1566 : vector<16xf32>
        %get3A_1568 = arith.constant 1 : i32
        %get3A_1569 = arith.constant 19 : i32
        %get3A_1570 = arith.index_cast %get3A_1568 : i32 to index
        %get3A_1571 = arith.index_cast %scan3A_163 : i32 to index
        %get3A_1572 = arith.index_cast %get3A_1569 : i32 to index
        %get3A_1573 = arith.constant 80 : index
        %get3A_1574 = tpu.vector_load %arg4[%get3A_1570, %get3A_1571, %get3A_1572, %get3A_1573] {strides = array<i32>} : memref<2x8x32x128xf32, #tpu.memory_space<vmem>>, vector<1x1x1x16xf32>,
        %get3A_1575 = vector.shape_cast %get3A_1574 : vector<1x1x1x16xf32> to vector<16xf32>
        %add3A_1576 = arith.addf %add3A_1504, %get3A_1575 : vector<16xf32>
        %get3A_1577 = arith.constant 1 : i32
        %get3A_1578 = arith.constant 19 : i32
        %get3A_1579 = arith.index_cast %get3A_1577 : i32 to index
        %get3A_1580 = arith.index_cast %scan3A_163 : i32 to index
        %get3A_1581 = arith.index_cast %get3A_1578 : i32 to index
        %get3A_1582 = arith.constant 96 : index
        %get3A_1583 = tpu.vector_load %arg4[%get3A_1579, %get3A_1580, %get3A_1581, %get3A_1582] {strides = array<i32>} : memref<2x8x32x128xf32, #tpu.memory_space<vmem>>, vector<1x1x1x16xf32>,
        %get3A_1584 = vector.shape_cast %get3A_1583 : vector<1x1x1x16xf32> to vector<16xf32>
        %add3A_1585 = arith.addf %add3A_1513, %get3A_1584 : vector<16xf32>
        %get3A_1586 = arith.constant 1 : i32
        %get3A_1587 = arith.constant 19 : i32
        %get3A_1588 = arith.index_cast %get3A_1586 : i32 to index
        %get3A_1589 = arith.index_cast %scan3A_163 : i32 to index
        %get3A_1590 = arith.index_cast %get3A_1587 : i32 to index
        %get3A_1591 = arith.constant 112 : index
        %get3A_1592 = tpu.vector_load %arg4[%get3A_1588, %get3A_1589, %get3A_1590, %get3A_1591] {strides = array<i32>} : memref<2x8x32x128xf32, #tpu.memory_space<vmem>>, vector<1x1x1x16xf32>,
        %get3A_1593 = vector.shape_cast %get3A_1592 : vector<1x1x1x16xf32> to vector<16xf32>
        %add3A_1594 = arith.addf %add3A_1522, %get3A_1593 : vector<16xf32>
        %get3A_1595 = arith.constant 1 : i32
        %get3A_1596 = arith.constant 20 : i32
        %get3A_1597 = arith.index_cast %get3A_1595 : i32 to index
        %get3A_1598 = arith.index_cast %scan3A_163 : i32 to index
        %get3A_1599 = arith.index_cast %get3A_1596 : i32 to index
        %get3A_1600 = arith.constant 0 : index
        %get3A_1601 = tpu.vector_load %arg4[%get3A_1597, %get3A_1598, %get3A_1599, %get3A_1600] {strides = array<i32>} : memref<2x8x32x128xf32, #tpu.memory_space<vmem>>, vector<1x1x1x16xf32>,
        %get3A_1602 = vector.shape_cast %get3A_1601 : vector<1x1x1x16xf32> to vector<16xf32>
        %add3A_1603 = arith.addf %add3A_1531, %get3A_1602 : vector<16xf32>
        %get3A_1604 = arith.constant 1 : i32
        %get3A_1605 = arith.constant 20 : i32
        %get3A_1606 = arith.index_cast %get3A_1604 : i32 to index
        %get3A_1607 = arith.index_cast %scan3A_163 : i32 to index
        %get3A_1608 = arith.index_cast %get3A_1605 : i32 to index
        %get3A_1609 = arith.constant 16 : index
        %get3A_1610 = tpu.vector_load %arg4[%get3A_1606, %get3A_1607, %get3A_1608, %get3A_1609] {strides = array<i32>} : memref<2x8x32x128xf32, #tpu.memory_space<vmem>>, vector<1x1x1x16xf32>,
        %get3A_1611 = vector.shape_cast %get3A_1610 : vector<1x1x1x16xf32> to vector<16xf32>
        %add3A_1612 = arith.addf %add3A_1540, %get3A_1611 : vector<16xf32>
        %get3A_1613 = arith.constant 1 : i32
        %get3A_1614 = arith.constant 20 : i32
        %get3A_1615 = arith.index_cast %get3A_1613 : i32 to index
        %get3A_1616 = arith.index_cast %scan3A_163 : i32 to index
        %get3A_1617 = arith.index_cast %get3A_1614 : i32 to index
        %get3A_1618 = arith.constant 32 : index
        %get3A_1619 = tpu.vector_load %arg4[%get3A_1615, %get3A_1616, %get3A_1617, %get3A_1618] {strides = array<i32>} : memref<2x8x32x128xf32, #tpu.memory_space<vmem>>, vector<1x1x1x16xf32>,
        %get3A_1620 = vector.shape_cast %get3A_1619 : vector<1x1x1x16xf32> to vector<16xf32>
        %add3A_1621 = arith.addf %add3A_1549, %get3A_1620 : vector<16xf32>
        %get3A_1622 = arith.constant 1 : i32
        %get3A_1623 = arith.constant 20 : i32
        %get3A_1624 = arith.index_cast %get3A_1622 : i32 to index
        %get3A_1625 = arith.index_cast %scan3A_163 : i32 to index
        %get3A_1626 = arith.index_cast %get3A_1623 : i32 to index
        %get3A_1627 = arith.constant 48 : index
        %get3A_1628 = tpu.vector_load %arg4[%get3A_1624, %get3A_1625, %get3A_1626, %get3A_1627] {strides = array<i32>} : memref<2x8x32x128xf32, #tpu.memory_space<vmem>>, vector<1x1x1x16xf32>,
        %get3A_1629 = vector.shape_cast %get3A_1628 : vector<1x1x1x16xf32> to vector<16xf32>
        %add3A_1630 = arith.addf %add3A_1558, %get3A_1629 : vector<16xf32>
        %get3A_1631 = arith.constant 1 : i32
        %get3A_1632 = arith.constant 20 : i32
        %get3A_1633 = arith.index_cast %get3A_1631 : i32 to index
        %get3A_1634 = arith.index_cast %scan3A_163 : i32 to index
        %get3A_1635 = arith.index_cast %get3A_1632 : i32 to index
        %get3A_1636 = arith.constant 64 : index
        %get3A_1637 = tpu.vector_load %arg4[%get3A_1633, %get3A_1634, %get3A_1635, %get3A_1636] {strides = array<i32>} : memref<2x8x32x128xf32, #tpu.memory_space<vmem>>, vector<1x1x1x16xf32>,
        %get3A_1638 = vector.shape_cast %get3A_1637 : vector<1x1x1x16xf32> to vector<16xf32>
        %add3A_1639 = arith.addf %add3A_1567, %get3A_1638 : vector<16xf32>
        %get3A_1640 = arith.constant 1 : i32
        %get3A_1641 = arith.constant 20 : i32
        %get3A_1642 = arith.index_cast %get3A_1640 : i32 to index
        %get3A_1643 = arith.index_cast %scan3A_163 : i32 to index
        %get3A_1644 = arith.index_cast %get3A_1641 : i32 to index
        %get3A_1645 = arith.constant 80 : index
        %get3A_1646 = tpu.vector_load %arg4[%get3A_1642, %get3A_1643, %get3A_1644, %get3A_1645] {strides = array<i32>} : memref<2x8x32x128xf32, #tpu.memory_space<vmem>>, vector<1x1x1x16xf32>,
        %get3A_1647 = vector.shape_cast %get3A_1646 : vector<1x1x1x16xf32> to vector<16xf32>
        %add3A_1648 = arith.addf %add3A_1576, %get3A_1647 : vector<16xf32>
        %get3A_1649 = arith.constant 1 : i32
        %get3A_1650 = arith.constant 20 : i32
        %get3A_1651 = arith.index_cast %get3A_1649 : i32 to index
        %get3A_1652 = arith.index_cast %scan3A_163 : i32 to index
        %get3A_1653 = arith.index_cast %get3A_1650 : i32 to index
        %get3A_1654 = arith.constant 96 : index
        %get3A_1655 = tpu.vector_load %arg4[%get3A_1651, %get3A_1652, %get3A_1653, %get3A_1654] {strides = array<i32>} : memref<2x8x32x128xf32, #tpu.memory_space<vmem>>, vector<1x1x1x16xf32>,
        %get3A_1656 = vector.shape_cast %get3A_1655 : vector<1x1x1x16xf32> to vector<16xf32>
        %add3A_1657 = arith.addf %add3A_1585, %get3A_1656 : vector<16xf32>
        %get3A_1658 = arith.constant 1 : i32
        %get3A_1659 = arith.constant 20 : i32
        %get3A_1660 = arith.index_cast %get3A_1658 : i32 to index
        %get3A_1661 = arith.index_cast %scan3A_163 : i32 to index
        %get3A_1662 = arith.index_cast %get3A_1659 : i32 to index
        %get3A_1663 = arith.constant 112 : index
        %get3A_1664 = tpu.vector_load %arg4[%get3A_1660, %get3A_1661, %get3A_1662, %get3A_1663] {strides = array<i32>} : memref<2x8x32x128xf32, #tpu.memory_space<vmem>>, vector<1x1x1x16xf32>,
        %get3A_1665 = vector.shape_cast %get3A_1664 : vector<1x1x1x16xf32> to vector<16xf32>
        %add3A_1666 = arith.addf %add3A_1594, %get3A_1665 : vector<16xf32>
        %get3A_1667 = arith.constant 1 : i32
        %get3A_1668 = arith.constant 21 : i32
        %get3A_1669 = arith.index_cast %get3A_1667 : i32 to index
        %get3A_1670 = arith.index_cast %scan3A_163 : i32 to index
        %get3A_1671 = arith.index_cast %get3A_1668 : i32 to index
        %get3A_1672 = arith.constant 0 : index
        %get3A_1673 = tpu.vector_load %arg4[%get3A_1669, %get3A_1670, %get3A_1671, %get3A_1672] {strides = array<i32>} : memref<2x8x32x128xf32, #tpu.memory_space<vmem>>, vector<1x1x1x16xf32>,
        %get3A_1674 = vector.shape_cast %get3A_1673 : vector<1x1x1x16xf32> to vector<16xf32>
        %add3A_1675 = arith.addf %add3A_1603, %get3A_1674 : vector<16xf32>
        %get3A_1676 = arith.constant 1 : i32
        %get3A_1677 = arith.constant 21 : i32
        %get3A_1678 = arith.index_cast %get3A_1676 : i32 to index
        %get3A_1679 = arith.index_cast %scan3A_163 : i32 to index
        %get3A_1680 = arith.index_cast %get3A_1677 : i32 to index
        %get3A_1681 = arith.constant 16 : index
        %get3A_1682 = tpu.vector_load %arg4[%get3A_1678, %get3A_1679, %get3A_1680, %get3A_1681] {strides = array<i32>} : memref<2x8x32x128xf32, #tpu.memory_space<vmem>>, vector<1x1x1x16xf32>,
        %get3A_1683 = vector.shape_cast %get3A_1682 : vector<1x1x1x16xf32> to vector<16xf32>
        %add3A_1684 = arith.addf %add3A_1612, %get3A_1683 : vector<16xf32>
        %get3A_1685 = arith.constant 1 : i32
        %get3A_1686 = arith.constant 21 : i32
        %get3A_1687 = arith.index_cast %get3A_1685 : i32 to index
        %get3A_1688 = arith.index_cast %scan3A_163 : i32 to index
        %get3A_1689 = arith.index_cast %get3A_1686 : i32 to index
        %get3A_1690 = arith.constant 32 : index
        %get3A_1691 = tpu.vector_load %arg4[%get3A_1687, %get3A_1688, %get3A_1689, %get3A_1690] {strides = array<i32>} : memref<2x8x32x128xf32, #tpu.memory_space<vmem>>, vector<1x1x1x16xf32>,
        %get3A_1692 = vector.shape_cast %get3A_1691 : vector<1x1x1x16xf32> to vector<16xf32>
        %add3A_1693 = arith.addf %add3A_1621, %get3A_1692 : vector<16xf32>
        %get3A_1694 = arith.constant 1 : i32
        %get3A_1695 = arith.constant 21 : i32
        %get3A_1696 = arith.index_cast %get3A_1694 : i32 to index
        %get3A_1697 = arith.index_cast %scan3A_163 : i32 to index
        %get3A_1698 = arith.index_cast %get3A_1695 : i32 to index
        %get3A_1699 = arith.constant 48 : index
        %get3A_1700 = tpu.vector_load %arg4[%get3A_1696, %get3A_1697, %get3A_1698, %get3A_1699] {strides = array<i32>} : memref<2x8x32x128xf32, #tpu.memory_space<vmem>>, vector<1x1x1x16xf32>,
        %get3A_1701 = vector.shape_cast %get3A_1700 : vector<1x1x1x16xf32> to vector<16xf32>
        %add3A_1702 = arith.addf %add3A_1630, %get3A_1701 : vector<16xf32>
        %get3A_1703 = arith.constant 1 : i32
        %get3A_1704 = arith.constant 21 : i32
        %get3A_1705 = arith.index_cast %get3A_1703 : i32 to index
        %get3A_1706 = arith.index_cast %scan3A_163 : i32 to index
        %get3A_1707 = arith.index_cast %get3A_1704 : i32 to index
        %get3A_1708 = arith.constant 64 : index
        %get3A_1709 = tpu.vector_load %arg4[%get3A_1705, %get3A_1706, %get3A_1707, %get3A_1708] {strides = array<i32>} : memref<2x8x32x128xf32, #tpu.memory_space<vmem>>, vector<1x1x1x16xf32>,
        %get3A_1710 = vector.shape_cast %get3A_1709 : vector<1x1x1x16xf32> to vector<16xf32>
        %add3A_1711 = arith.addf %add3A_1639, %get3A_1710 : vector<16xf32>
        %get3A_1712 = arith.constant 1 : i32
        %get3A_1713 = arith.constant 21 : i32
        %get3A_1714 = arith.index_cast %get3A_1712 : i32 to index
        %get3A_1715 = arith.index_cast %scan3A_163 : i32 to index
        %get3A_1716 = arith.index_cast %get3A_1713 : i32 to index
        %get3A_1717 = arith.constant 80 : index
        %get3A_1718 = tpu.vector_load %arg4[%get3A_1714, %get3A_1715, %get3A_1716, %get3A_1717] {strides = array<i32>} : memref<2x8x32x128xf32, #tpu.memory_space<vmem>>, vector<1x1x1x16xf32>,
        %get3A_1719 = vector.shape_cast %get3A_1718 : vector<1x1x1x16xf32> to vector<16xf32>
        %add3A_1720 = arith.addf %add3A_1648, %get3A_1719 : vector<16xf32>
        %get3A_1721 = arith.constant 1 : i32
        %get3A_1722 = arith.constant 21 : i32
        %get3A_1723 = arith.index_cast %get3A_1721 : i32 to index
        %get3A_1724 = arith.index_cast %scan3A_163 : i32 to index
        %get3A_1725 = arith.index_cast %get3A_1722 : i32 to index
        %get3A_1726 = arith.constant 96 : index
        %get3A_1727 = tpu.vector_load %arg4[%get3A_1723, %get3A_1724, %get3A_1725, %get3A_1726] {strides = array<i32>} : memref<2x8x32x128xf32, #tpu.memory_space<vmem>>, vector<1x1x1x16xf32>,
        %get3A_1728 = vector.shape_cast %get3A_1727 : vector<1x1x1x16xf32> to vector<16xf32>
        %add3A_1729 = arith.addf %add3A_1657, %get3A_1728 : vector<16xf32>
        %get3A_1730 = arith.constant 1 : i32
        %get3A_1731 = arith.constant 21 : i32
        %get3A_1732 = arith.index_cast %get3A_1730 : i32 to index
        %get3A_1733 = arith.index_cast %scan3A_163 : i32 to index
        %get3A_1734 = arith.index_cast %get3A_1731 : i32 to index
        %get3A_1735 = arith.constant 112 : index
        %get3A_1736 = tpu.vector_load %arg4[%get3A_1732, %get3A_1733, %get3A_1734, %get3A_1735] {strides = array<i32>} : memref<2x8x32x128xf32, #tpu.memory_space<vmem>>, vector<1x1x1x16xf32>,
        %get3A_1737 = vector.shape_cast %get3A_1736 : vector<1x1x1x16xf32> to vector<16xf32>
        %add3A_1738 = arith.addf %add3A_1666, %get3A_1737 : vector<16xf32>
        %get3A_1739 = arith.constant 1 : i32
        %get3A_1740 = arith.constant 22 : i32
        %get3A_1741 = arith.index_cast %get3A_1739 : i32 to index
        %get3A_1742 = arith.index_cast %scan3A_163 : i32 to index
        %get3A_1743 = arith.index_cast %get3A_1740 : i32 to index
        %get3A_1744 = arith.constant 0 : index
        %get3A_1745 = tpu.vector_load %arg4[%get3A_1741, %get3A_1742, %get3A_1743, %get3A_1744] {strides = array<i32>} : memref<2x8x32x128xf32, #tpu.memory_space<vmem>>, vector<1x1x1x16xf32>,
        %get3A_1746 = vector.shape_cast %get3A_1745 : vector<1x1x1x16xf32> to vector<16xf32>
        %add3A_1747 = arith.addf %add3A_1675, %get3A_1746 : vector<16xf32>
        %get3A_1748 = arith.constant 1 : i32
        %get3A_1749 = arith.constant 22 : i32
        %get3A_1750 = arith.index_cast %get3A_1748 : i32 to index
        %get3A_1751 = arith.index_cast %scan3A_163 : i32 to index
        %get3A_1752 = arith.index_cast %get3A_1749 : i32 to index
        %get3A_1753 = arith.constant 16 : index
        %get3A_1754 = tpu.vector_load %arg4[%get3A_1750, %get3A_1751, %get3A_1752, %get3A_1753] {strides = array<i32>} : memref<2x8x32x128xf32, #tpu.memory_space<vmem>>, vector<1x1x1x16xf32>,
        %get3A_1755 = vector.shape_cast %get3A_1754 : vector<1x1x1x16xf32> to vector<16xf32>
        %add3A_1756 = arith.addf %add3A_1684, %get3A_1755 : vector<16xf32>
        %get3A_1757 = arith.constant 1 : i32
        %get3A_1758 = arith.constant 22 : i32
        %get3A_1759 = arith.index_cast %get3A_1757 : i32 to index
        %get3A_1760 = arith.index_cast %scan3A_163 : i32 to index
        %get3A_1761 = arith.index_cast %get3A_1758 : i32 to index
        %get3A_1762 = arith.constant 32 : index
        %get3A_1763 = tpu.vector_load %arg4[%get3A_1759, %get3A_1760, %get3A_1761, %get3A_1762] {strides = array<i32>} : memref<2x8x32x128xf32, #tpu.memory_space<vmem>>, vector<1x1x1x16xf32>,
        %get3A_1764 = vector.shape_cast %get3A_1763 : vector<1x1x1x16xf32> to vector<16xf32>
        %add3A_1765 = arith.addf %add3A_1693, %get3A_1764 : vector<16xf32>
        %get3A_1766 = arith.constant 1 : i32
        %get3A_1767 = arith.constant 22 : i32
        %get3A_1768 = arith.index_cast %get3A_1766 : i32 to index
        %get3A_1769 = arith.index_cast %scan3A_163 : i32 to index
        %get3A_1770 = arith.index_cast %get3A_1767 : i32 to index
        %get3A_1771 = arith.constant 48 : index
        %get3A_1772 = tpu.vector_load %arg4[%get3A_1768, %get3A_1769, %get3A_1770, %get3A_1771] {strides = array<i32>} : memref<2x8x32x128xf32, #tpu.memory_space<vmem>>, vector<1x1x1x16xf32>,
        %get3A_1773 = vector.shape_cast %get3A_1772 : vector<1x1x1x16xf32> to vector<16xf32>
        %add3A_1774 = arith.addf %add3A_1702, %get3A_1773 : vector<16xf32>
        %get3A_1775 = arith.constant 1 : i32
        %get3A_1776 = arith.constant 22 : i32
        %get3A_1777 = arith.index_cast %get3A_1775 : i32 to index
        %get3A_1778 = arith.index_cast %scan3A_163 : i32 to index
        %get3A_1779 = arith.index_cast %get3A_1776 : i32 to index
        %get3A_1780 = arith.constant 64 : index
        %get3A_1781 = tpu.vector_load %arg4[%get3A_1777, %get3A_1778, %get3A_1779, %get3A_1780] {strides = array<i32>} : memref<2x8x32x128xf32, #tpu.memory_space<vmem>>, vector<1x1x1x16xf32>,
        %get3A_1782 = vector.shape_cast %get3A_1781 : vector<1x1x1x16xf32> to vector<16xf32>
        %add3A_1783 = arith.addf %add3A_1711, %get3A_1782 : vector<16xf32>
        %get3A_1784 = arith.constant 1 : i32
        %get3A_1785 = arith.constant 22 : i32
        %get3A_1786 = arith.index_cast %get3A_1784 : i32 to index
        %get3A_1787 = arith.index_cast %scan3A_163 : i32 to index
        %get3A_1788 = arith.index_cast %get3A_1785 : i32 to index
        %get3A_1789 = arith.constant 80 : index
        %get3A_1790 = tpu.vector_load %arg4[%get3A_1786, %get3A_1787, %get3A_1788, %get3A_1789] {strides = array<i32>} : memref<2x8x32x128xf32, #tpu.memory_space<vmem>>, vector<1x1x1x16xf32>,
        %get3A_1791 = vector.shape_cast %get3A_1790 : vector<1x1x1x16xf32> to vector<16xf32>
        %add3A_1792 = arith.addf %add3A_1720, %get3A_1791 : vector<16xf32>
        %get3A_1793 = arith.constant 1 : i32
        %get3A_1794 = arith.constant 22 : i32
        %get3A_1795 = arith.index_cast %get3A_1793 : i32 to index
        %get3A_1796 = arith.index_cast %scan3A_163 : i32 to index
        %get3A_1797 = arith.index_cast %get3A_1794 : i32 to index
        %get3A_1798 = arith.constant 96 : index
        %get3A_1799 = tpu.vector_load %arg4[%get3A_1795, %get3A_1796, %get3A_1797, %get3A_1798] {strides = array<i32>} : memref<2x8x32x128xf32, #tpu.memory_space<vmem>>, vector<1x1x1x16xf32>,
        %get3A_1800 = vector.shape_cast %get3A_1799 : vector<1x1x1x16xf32> to vector<16xf32>
        %add3A_1801 = arith.addf %add3A_1729, %get3A_1800 : vector<16xf32>
        %get3A_1802 = arith.constant 1 : i32
        %get3A_1803 = arith.constant 22 : i32
        %get3A_1804 = arith.index_cast %get3A_1802 : i32 to index
        %get3A_1805 = arith.index_cast %scan3A_163 : i32 to index
        %get3A_1806 = arith.index_cast %get3A_1803 : i32 to index
        %get3A_1807 = arith.constant 112 : index
        %get3A_1808 = tpu.vector_load %arg4[%get3A_1804, %get3A_1805, %get3A_1806, %get3A_1807] {strides = array<i32>} : memref<2x8x32x128xf32, #tpu.memory_space<vmem>>, vector<1x1x1x16xf32>,
        %get3A_1809 = vector.shape_cast %get3A_1808 : vector<1x1x1x16xf32> to vector<16xf32>
        %add3A_1810 = arith.addf %add3A_1738, %get3A_1809 : vector<16xf32>
        %get3A_1811 = arith.constant 1 : i32
        %get3A_1812 = arith.constant 23 : i32
        %get3A_1813 = arith.index_cast %get3A_1811 : i32 to index
        %get3A_1814 = arith.index_cast %scan3A_163 : i32 to index
        %get3A_1815 = arith.index_cast %get3A_1812 : i32 to index
        %get3A_1816 = arith.constant 0 : index
        %get3A_1817 = tpu.vector_load %arg4[%get3A_1813, %get3A_1814, %get3A_1815, %get3A_1816] {strides = array<i32>} : memref<2x8x32x128xf32, #tpu.memory_space<vmem>>, vector<1x1x1x16xf32>,
        %get3A_1818 = vector.shape_cast %get3A_1817 : vector<1x1x1x16xf32> to vector<16xf32>
        %add3A_1819 = arith.addf %add3A_1747, %get3A_1818 : vector<16xf32>
        %get3A_1820 = arith.constant 1 : i32
        %get3A_1821 = arith.constant 23 : i32
        %get3A_1822 = arith.index_cast %get3A_1820 : i32 to index
        %get3A_1823 = arith.index_cast %scan3A_163 : i32 to index
        %get3A_1824 = arith.index_cast %get3A_1821 : i32 to index
        %get3A_1825 = arith.constant 16 : index
        %get3A_1826 = tpu.vector_load %arg4[%get3A_1822, %get3A_1823, %get3A_1824, %get3A_1825] {strides = array<i32>} : memref<2x8x32x128xf32, #tpu.memory_space<vmem>>, vector<1x1x1x16xf32>,
        %get3A_1827 = vector.shape_cast %get3A_1826 : vector<1x1x1x16xf32> to vector<16xf32>
        %add3A_1828 = arith.addf %add3A_1756, %get3A_1827 : vector<16xf32>
        %get3A_1829 = arith.constant 1 : i32
        %get3A_1830 = arith.constant 23 : i32
        %get3A_1831 = arith.index_cast %get3A_1829 : i32 to index
        %get3A_1832 = arith.index_cast %scan3A_163 : i32 to index
        %get3A_1833 = arith.index_cast %get3A_1830 : i32 to index
        %get3A_1834 = arith.constant 32 : index
        %get3A_1835 = tpu.vector_load %arg4[%get3A_1831, %get3A_1832, %get3A_1833, %get3A_1834] {strides = array<i32>} : memref<2x8x32x128xf32, #tpu.memory_space<vmem>>, vector<1x1x1x16xf32>,
        %get3A_1836 = vector.shape_cast %get3A_1835 : vector<1x1x1x16xf32> to vector<16xf32>
        %add3A_1837 = arith.addf %add3A_1765, %get3A_1836 : vector<16xf32>
        %get3A_1838 = arith.constant 1 : i32
        %get3A_1839 = arith.constant 23 : i32
        %get3A_1840 = arith.index_cast %get3A_1838 : i32 to index
        %get3A_1841 = arith.index_cast %scan3A_163 : i32 to index
        %get3A_1842 = arith.index_cast %get3A_1839 : i32 to index
        %get3A_1843 = arith.constant 48 : index
        %get3A_1844 = tpu.vector_load %arg4[%get3A_1840, %get3A_1841, %get3A_1842, %get3A_1843] {strides = array<i32>} : memref<2x8x32x128xf32, #tpu.memory_space<vmem>>, vector<1x1x1x16xf32>,
        %get3A_1845 = vector.shape_cast %get3A_1844 : vector<1x1x1x16xf32> to vector<16xf32>
        %add3A_1846 = arith.addf %add3A_1774, %get3A_1845 : vector<16xf32>
        %get3A_1847 = arith.constant 1 : i32
        %get3A_1848 = arith.constant 23 : i32
        %get3A_1849 = arith.index_cast %get3A_1847 : i32 to index
        %get3A_1850 = arith.index_cast %scan3A_163 : i32 to index
        %get3A_1851 = arith.index_cast %get3A_1848 : i32 to index
        %get3A_1852 = arith.constant 64 : index
        %get3A_1853 = tpu.vector_load %arg4[%get3A_1849, %get3A_1850, %get3A_1851, %get3A_1852] {strides = array<i32>} : memref<2x8x32x128xf32, #tpu.memory_space<vmem>>, vector<1x1x1x16xf32>,
        %get3A_1854 = vector.shape_cast %get3A_1853 : vector<1x1x1x16xf32> to vector<16xf32>
        %add3A_1855 = arith.addf %add3A_1783, %get3A_1854 : vector<16xf32>
        %get3A_1856 = arith.constant 1 : i32
        %get3A_1857 = arith.constant 23 : i32
        %get3A_1858 = arith.index_cast %get3A_1856 : i32 to index
        %get3A_1859 = arith.index_cast %scan3A_163 : i32 to index
        %get3A_1860 = arith.index_cast %get3A_1857 : i32 to index
        %get3A_1861 = arith.constant 80 : index
        %get3A_1862 = tpu.vector_load %arg4[%get3A_1858, %get3A_1859, %get3A_1860, %get3A_1861] {strides = array<i32>} : memref<2x8x32x128xf32, #tpu.memory_space<vmem>>, vector<1x1x1x16xf32>,
        %get3A_1863 = vector.shape_cast %get3A_1862 : vector<1x1x1x16xf32> to vector<16xf32>
        %add3A_1864 = arith.addf %add3A_1792, %get3A_1863 : vector<16xf32>
        %get3A_1865 = arith.constant 1 : i32
        %get3A_1866 = arith.constant 23 : i32
        %get3A_1867 = arith.index_cast %get3A_1865 : i32 to index
        %get3A_1868 = arith.index_cast %scan3A_163 : i32 to index
        %get3A_1869 = arith.index_cast %get3A_1866 : i32 to index
        %get3A_1870 = arith.constant 96 : index
        %get3A_1871 = tpu.vector_load %arg4[%get3A_1867, %get3A_1868, %get3A_1869, %get3A_1870] {strides = array<i32>} : memref<2x8x32x128xf32, #tpu.memory_space<vmem>>, vector<1x1x1x16xf32>,
        %get3A_1872 = vector.shape_cast %get3A_1871 : vector<1x1x1x16xf32> to vector<16xf32>
        %add3A_1873 = arith.addf %add3A_1801, %get3A_1872 : vector<16xf32>
        %get3A_1874 = arith.constant 1 : i32
        %get3A_1875 = arith.constant 23 : i32
        %get3A_1876 = arith.index_cast %get3A_1874 : i32 to index
        %get3A_1877 = arith.index_cast %scan3A_163 : i32 to index
        %get3A_1878 = arith.index_cast %get3A_1875 : i32 to index
        %get3A_1879 = arith.constant 112 : index
        %get3A_1880 = tpu.vector_load %arg4[%get3A_1876, %get3A_1877, %get3A_1878, %get3A_1879] {strides = array<i32>} : memref<2x8x32x128xf32, #tpu.memory_space<vmem>>, vector<1x1x1x16xf32>,
        %get3A_1881 = vector.shape_cast %get3A_1880 : vector<1x1x1x16xf32> to vector<16xf32>
        %add3A_1882 = arith.addf %add3A_1810, %get3A_1881 : vector<16xf32>
        %get3A_1883 = arith.constant 1 : i32
        %get3A_1884 = arith.constant 24 : i32
        %get3A_1885 = arith.index_cast %get3A_1883 : i32 to index
        %get3A_1886 = arith.index_cast %scan3A_163 : i32 to index
        %get3A_1887 = arith.index_cast %get3A_1884 : i32 to index
        %get3A_1888 = arith.constant 0 : index
        %get3A_1889 = tpu.vector_load %arg4[%get3A_1885, %get3A_1886, %get3A_1887, %get3A_1888] {strides = array<i32>} : memref<2x8x32x128xf32, #tpu.memory_space<vmem>>, vector<1x1x1x16xf32>,
        %get3A_1890 = vector.shape_cast %get3A_1889 : vector<1x1x1x16xf32> to vector<16xf32>
        %add3A_1891 = arith.addf %add3A_1819, %get3A_1890 : vector<16xf32>
        %get3A_1892 = arith.constant 1 : i32
        %get3A_1893 = arith.constant 24 : i32
        %get3A_1894 = arith.index_cast %get3A_1892 : i32 to index
        %get3A_1895 = arith.index_cast %scan3A_163 : i32 to index
        %get3A_1896 = arith.index_cast %get3A_1893 : i32 to index
        %get3A_1897 = arith.constant 16 : index
        %get3A_1898 = tpu.vector_load %arg4[%get3A_1894, %get3A_1895, %get3A_1896, %get3A_1897] {strides = array<i32>} : memref<2x8x32x128xf32, #tpu.memory_space<vmem>>, vector<1x1x1x16xf32>,
        %get3A_1899 = vector.shape_cast %get3A_1898 : vector<1x1x1x16xf32> to vector<16xf32>
        %add3A_1900 = arith.addf %add3A_1828, %get3A_1899 : vector<16xf32>
        %get3A_1901 = arith.constant 1 : i32
        %get3A_1902 = arith.constant 24 : i32
        %get3A_1903 = arith.index_cast %get3A_1901 : i32 to index
        %get3A_1904 = arith.index_cast %scan3A_163 : i32 to index
        %get3A_1905 = arith.index_cast %get3A_1902 : i32 to index
        %get3A_1906 = arith.constant 32 : index
        %get3A_1907 = tpu.vector_load %arg4[%get3A_1903, %get3A_1904, %get3A_1905, %get3A_1906] {strides = array<i32>} : memref<2x8x32x128xf32, #tpu.memory_space<vmem>>, vector<1x1x1x16xf32>,
        %get3A_1908 = vector.shape_cast %get3A_1907 : vector<1x1x1x16xf32> to vector<16xf32>
        %add3A_1909 = arith.addf %add3A_1837, %get3A_1908 : vector<16xf32>
        %get3A_1910 = arith.constant 1 : i32
        %get3A_1911 = arith.constant 24 : i32
        %get3A_1912 = arith.index_cast %get3A_1910 : i32 to index
        %get3A_1913 = arith.index_cast %scan3A_163 : i32 to index
        %get3A_1914 = arith.index_cast %get3A_1911 : i32 to index
        %get3A_1915 = arith.constant 48 : index
        %get3A_1916 = tpu.vector_load %arg4[%get3A_1912, %get3A_1913, %get3A_1914, %get3A_1915] {strides = array<i32>} : memref<2x8x32x128xf32, #tpu.memory_space<vmem>>, vector<1x1x1x16xf32>,
        %get3A_1917 = vector.shape_cast %get3A_1916 : vector<1x1x1x16xf32> to vector<16xf32>
        %add3A_1918 = arith.addf %add3A_1846, %get3A_1917 : vector<16xf32>
        %get3A_1919 = arith.constant 1 : i32
        %get3A_1920 = arith.constant 24 : i32
        %get3A_1921 = arith.index_cast %get3A_1919 : i32 to index
        %get3A_1922 = arith.index_cast %scan3A_163 : i32 to index
        %get3A_1923 = arith.index_cast %get3A_1920 : i32 to index
        %get3A_1924 = arith.constant 64 : index
        %get3A_1925 = tpu.vector_load %arg4[%get3A_1921, %get3A_1922, %get3A_1923, %get3A_1924] {strides = array<i32>} : memref<2x8x32x128xf32, #tpu.memory_space<vmem>>, vector<1x1x1x16xf32>,
        %get3A_1926 = vector.shape_cast %get3A_1925 : vector<1x1x1x16xf32> to vector<16xf32>
        %add3A_1927 = arith.addf %add3A_1855, %get3A_1926 : vector<16xf32>
        %get3A_1928 = arith.constant 1 : i32
        %get3A_1929 = arith.constant 24 : i32
        %get3A_1930 = arith.index_cast %get3A_1928 : i32 to index
        %get3A_1931 = arith.index_cast %scan3A_163 : i32 to index
        %get3A_1932 = arith.index_cast %get3A_1929 : i32 to index
        %get3A_1933 = arith.constant 80 : index
        %get3A_1934 = tpu.vector_load %arg4[%get3A_1930, %get3A_1931, %get3A_1932, %get3A_1933] {strides = array<i32>} : memref<2x8x32x128xf32, #tpu.memory_space<vmem>>, vector<1x1x1x16xf32>,
        %get3A_1935 = vector.shape_cast %get3A_1934 : vector<1x1x1x16xf32> to vector<16xf32>
        %add3A_1936 = arith.addf %add3A_1864, %get3A_1935 : vector<16xf32>
        %get3A_1937 = arith.constant 1 : i32
        %get3A_1938 = arith.constant 24 : i32
        %get3A_1939 = arith.index_cast %get3A_1937 : i32 to index
        %get3A_1940 = arith.index_cast %scan3A_163 : i32 to index
        %get3A_1941 = arith.index_cast %get3A_1938 : i32 to index
        %get3A_1942 = arith.constant 96 : index
        %get3A_1943 = tpu.vector_load %arg4[%get3A_1939, %get3A_1940, %get3A_1941, %get3A_1942] {strides = array<i32>} : memref<2x8x32x128xf32, #tpu.memory_space<vmem>>, vector<1x1x1x16xf32>,
        %get3A_1944 = vector.shape_cast %get3A_1943 : vector<1x1x1x16xf32> to vector<16xf32>
        %add3A_1945 = arith.addf %add3A_1873, %get3A_1944 : vector<16xf32>
        %get3A_1946 = arith.constant 1 : i32
        %get3A_1947 = arith.constant 24 : i32
        %get3A_1948 = arith.index_cast %get3A_1946 : i32 to index
        %get3A_1949 = arith.index_cast %scan3A_163 : i32 to index
        %get3A_1950 = arith.index_cast %get3A_1947 : i32 to index
        %get3A_1951 = arith.constant 112 : index
        %get3A_1952 = tpu.vector_load %arg4[%get3A_1948, %get3A_1949, %get3A_1950, %get3A_1951] {strides = array<i32>} : memref<2x8x32x128xf32, #tpu.memory_space<vmem>>, vector<1x1x1x16xf32>,
        %get3A_1953 = vector.shape_cast %get3A_1952 : vector<1x1x1x16xf32> to vector<16xf32>
        %add3A_1954 = arith.addf %add3A_1882, %get3A_1953 : vector<16xf32>
        %get3A_1955 = arith.constant 1 : i32
        %get3A_1956 = arith.constant 25 : i32
        %get3A_1957 = arith.index_cast %get3A_1955 : i32 to index
        %get3A_1958 = arith.index_cast %scan3A_163 : i32 to index
        %get3A_1959 = arith.index_cast %get3A_1956 : i32 to index
        %get3A_1960 = arith.constant 0 : index
        %get3A_1961 = tpu.vector_load %arg4[%get3A_1957, %get3A_1958, %get3A_1959, %get3A_1960] {strides = array<i32>} : memref<2x8x32x128xf32, #tpu.memory_space<vmem>>, vector<1x1x1x16xf32>,
        %get3A_1962 = vector.shape_cast %get3A_1961 : vector<1x1x1x16xf32> to vector<16xf32>
        %add3A_1963 = arith.addf %add3A_1891, %get3A_1962 : vector<16xf32>
        %get3A_1964 = arith.constant 1 : i32
        %get3A_1965 = arith.constant 25 : i32
        %get3A_1966 = arith.index_cast %get3A_1964 : i32 to index
        %get3A_1967 = arith.index_cast %scan3A_163 : i32 to index
        %get3A_1968 = arith.index_cast %get3A_1965 : i32 to index
        %get3A_1969 = arith.constant 16 : index
        %get3A_1970 = tpu.vector_load %arg4[%get3A_1966, %get3A_1967, %get3A_1968, %get3A_1969] {strides = array<i32>} : memref<2x8x32x128xf32, #tpu.memory_space<vmem>>, vector<1x1x1x16xf32>,
        %get3A_1971 = vector.shape_cast %get3A_1970 : vector<1x1x1x16xf32> to vector<16xf32>
        %add3A_1972 = arith.addf %add3A_1900, %get3A_1971 : vector<16xf32>
        %get3A_1973 = arith.constant 1 : i32
        %get3A_1974 = arith.constant 25 : i32
        %get3A_1975 = arith.index_cast %get3A_1973 : i32 to index
        %get3A_1976 = arith.index_cast %scan3A_163 : i32 to index
        %get3A_1977 = arith.index_cast %get3A_1974 : i32 to index
        %get3A_1978 = arith.constant 32 : index
        %get3A_1979 = tpu.vector_load %arg4[%get3A_1975, %get3A_1976, %get3A_1977, %get3A_1978] {strides = array<i32>} : memref<2x8x32x128xf32, #tpu.memory_space<vmem>>, vector<1x1x1x16xf32>,
        %get3A_1980 = vector.shape_cast %get3A_1979 : vector<1x1x1x16xf32> to vector<16xf32>
        %add3A_1981 = arith.addf %add3A_1909, %get3A_1980 : vector<16xf32>
        %get3A_1982 = arith.constant 1 : i32
        %get3A_1983 = arith.constant 25 : i32
        %get3A_1984 = arith.index_cast %get3A_1982 : i32 to index
        %get3A_1985 = arith.index_cast %scan3A_163 : i32 to index
        %get3A_1986 = arith.index_cast %get3A_1983 : i32 to index
        %get3A_1987 = arith.constant 48 : index
        %get3A_1988 = tpu.vector_load %arg4[%get3A_1984, %get3A_1985, %get3A_1986, %get3A_1987] {strides = array<i32>} : memref<2x8x32x128xf32, #tpu.memory_space<vmem>>, vector<1x1x1x16xf32>,
        %get3A_1989 = vector.shape_cast %get3A_1988 : vector<1x1x1x16xf32> to vector<16xf32>
        %add3A_1990 = arith.addf %add3A_1918, %get3A_1989 : vector<16xf32>
        %get3A_1991 = arith.constant 1 : i32
        %get3A_1992 = arith.constant 25 : i32
        %get3A_1993 = arith.index_cast %get3A_1991 : i32 to index
        %get3A_1994 = arith.index_cast %scan3A_163 : i32 to index
        %get3A_1995 = arith.index_cast %get3A_1992 : i32 to index
        %get3A_1996 = arith.constant 64 : index
        %get3A_1997 = tpu.vector_load %arg4[%get3A_1993, %get3A_1994, %get3A_1995, %get3A_1996] {strides = array<i32>} : memref<2x8x32x128xf32, #tpu.memory_space<vmem>>, vector<1x1x1x16xf32>,
        %get3A_1998 = vector.shape_cast %get3A_1997 : vector<1x1x1x16xf32> to vector<16xf32>
        %add3A_1999 = arith.addf %add3A_1927, %get3A_1998 : vector<16xf32>
        %get3A_2000 = arith.constant 1 : i32
        %get3A_2001 = arith.constant 25 : i32
        %get3A_2002 = arith.index_cast %get3A_2000 : i32 to index
        %get3A_2003 = arith.index_cast %scan3A_163 : i32 to index
        %get3A_2004 = arith.index_cast %get3A_2001 : i32 to index
        %get3A_2005 = arith.constant 80 : index
        %get3A_2006 = tpu.vector_load %arg4[%get3A_2002, %get3A_2003, %get3A_2004, %get3A_2005] {strides = array<i32>} : memref<2x8x32x128xf32, #tpu.memory_space<vmem>>, vector<1x1x1x16xf32>,
        %get3A_2007 = vector.shape_cast %get3A_2006 : vector<1x1x1x16xf32> to vector<16xf32>
        %add3A_2008 = arith.addf %add3A_1936, %get3A_2007 : vector<16xf32>
        %get3A_2009 = arith.constant 1 : i32
        %get3A_2010 = arith.constant 25 : i32
        %get3A_2011 = arith.index_cast %get3A_2009 : i32 to index
        %get3A_2012 = arith.index_cast %scan3A_163 : i32 to index
        %get3A_2013 = arith.index_cast %get3A_2010 : i32 to index
        %get3A_2014 = arith.constant 96 : index
        %get3A_2015 = tpu.vector_load %arg4[%get3A_2011, %get3A_2012, %get3A_2013, %get3A_2014] {strides = array<i32>} : memref<2x8x32x128xf32, #tpu.memory_space<vmem>>, vector<1x1x1x16xf32>,
        %get3A_2016 = vector.shape_cast %get3A_2015 : vector<1x1x1x16xf32> to vector<16xf32>
        %add3A_2017 = arith.addf %add3A_1945, %get3A_2016 : vector<16xf32>
        %get3A_2018 = arith.constant 1 : i32
        %get3A_2019 = arith.constant 25 : i32
        %get3A_2020 = arith.index_cast %get3A_2018 : i32 to index
        %get3A_2021 = arith.index_cast %scan3A_163 : i32 to index
        %get3A_2022 = arith.index_cast %get3A_2019 : i32 to index
        %get3A_2023 = arith.constant 112 : index
        %get3A_2024 = tpu.vector_load %arg4[%get3A_2020, %get3A_2021, %get3A_2022, %get3A_2023] {strides = array<i32>} : memref<2x8x32x128xf32, #tpu.memory_space<vmem>>, vector<1x1x1x16xf32>,
        %get3A_2025 = vector.shape_cast %get3A_2024 : vector<1x1x1x16xf32> to vector<16xf32>
        %add3A_2026 = arith.addf %add3A_1954, %get3A_2025 : vector<16xf32>
        %get3A_2027 = arith.constant 1 : i32
        %get3A_2028 = arith.constant 26 : i32
        %get3A_2029 = arith.index_cast %get3A_2027 : i32 to index
        %get3A_2030 = arith.index_cast %scan3A_163 : i32 to index
        %get3A_2031 = arith.index_cast %get3A_2028 : i32 to index
        %get3A_2032 = arith.constant 0 : index
        %get3A_2033 = tpu.vector_load %arg4[%get3A_2029, %get3A_2030, %get3A_2031, %get3A_2032] {strides = array<i32>} : memref<2x8x32x128xf32, #tpu.memory_space<vmem>>, vector<1x1x1x16xf32>,
        %get3A_2034 = vector.shape_cast %get3A_2033 : vector<1x1x1x16xf32> to vector<16xf32>
        %add3A_2035 = arith.addf %add3A_1963, %get3A_2034 : vector<16xf32>
        %get3A_2036 = arith.constant 1 : i32
        %get3A_2037 = arith.constant 26 : i32
        %get3A_2038 = arith.index_cast %get3A_2036 : i32 to index
        %get3A_2039 = arith.index_cast %scan3A_163 : i32 to index
        %get3A_2040 = arith.index_cast %get3A_2037 : i32 to index
        %get3A_2041 = arith.constant 16 : index
        %get3A_2042 = tpu.vector_load %arg4[%get3A_2038, %get3A_2039, %get3A_2040, %get3A_2041] {strides = array<i32>} : memref<2x8x32x128xf32, #tpu.memory_space<vmem>>, vector<1x1x1x16xf32>,
        %get3A_2043 = vector.shape_cast %get3A_2042 : vector<1x1x1x16xf32> to vector<16xf32>
        %add3A_2044 = arith.addf %add3A_1972, %get3A_2043 : vector<16xf32>
        %get3A_2045 = arith.constant 1 : i32
        %get3A_2046 = arith.constant 26 : i32
        %get3A_2047 = arith.index_cast %get3A_2045 : i32 to index
        %get3A_2048 = arith.index_cast %scan3A_163 : i32 to index
        %get3A_2049 = arith.index_cast %get3A_2046 : i32 to index
        %get3A_2050 = arith.constant 32 : index
        %get3A_2051 = tpu.vector_load %arg4[%get3A_2047, %get3A_2048, %get3A_2049, %get3A_2050] {strides = array<i32>} : memref<2x8x32x128xf32, #tpu.memory_space<vmem>>, vector<1x1x1x16xf32>,
        %get3A_2052 = vector.shape_cast %get3A_2051 : vector<1x1x1x16xf32> to vector<16xf32>
        %add3A_2053 = arith.addf %add3A_1981, %get3A_2052 : vector<16xf32>
        %get3A_2054 = arith.constant 1 : i32
        %get3A_2055 = arith.constant 26 : i32
        %get3A_2056 = arith.index_cast %get3A_2054 : i32 to index
        %get3A_2057 = arith.index_cast %scan3A_163 : i32 to index
        %get3A_2058 = arith.index_cast %get3A_2055 : i32 to index
        %get3A_2059 = arith.constant 48 : index
        %get3A_2060 = tpu.vector_load %arg4[%get3A_2056, %get3A_2057, %get3A_2058, %get3A_2059] {strides = array<i32>} : memref<2x8x32x128xf32, #tpu.memory_space<vmem>>, vector<1x1x1x16xf32>,
        %get3A_2061 = vector.shape_cast %get3A_2060 : vector<1x1x1x16xf32> to vector<16xf32>
        %add3A_2062 = arith.addf %add3A_1990, %get3A_2061 : vector<16xf32>
        %get3A_2063 = arith.constant 1 : i32
        %get3A_2064 = arith.constant 26 : i32
        %get3A_2065 = arith.index_cast %get3A_2063 : i32 to index
        %get3A_2066 = arith.index_cast %scan3A_163 : i32 to index
        %get3A_2067 = arith.index_cast %get3A_2064 : i32 to index
        %get3A_2068 = arith.constant 64 : index
        %get3A_2069 = tpu.vector_load %arg4[%get3A_2065, %get3A_2066, %get3A_2067, %get3A_2068] {strides = array<i32>} : memref<2x8x32x128xf32, #tpu.memory_space<vmem>>, vector<1x1x1x16xf32>,
        %get3A_2070 = vector.shape_cast %get3A_2069 : vector<1x1x1x16xf32> to vector<16xf32>
        %add3A_2071 = arith.addf %add3A_1999, %get3A_2070 : vector<16xf32>
        %get3A_2072 = arith.constant 1 : i32
        %get3A_2073 = arith.constant 26 : i32
        %get3A_2074 = arith.index_cast %get3A_2072 : i32 to index
        %get3A_2075 = arith.index_cast %scan3A_163 : i32 to index
        %get3A_2076 = arith.index_cast %get3A_2073 : i32 to index
        %get3A_2077 = arith.constant 80 : index
        %get3A_2078 = tpu.vector_load %arg4[%get3A_2074, %get3A_2075, %get3A_2076, %get3A_2077] {strides = array<i32>} : memref<2x8x32x128xf32, #tpu.memory_space<vmem>>, vector<1x1x1x16xf32>,
        %get3A_2079 = vector.shape_cast %get3A_2078 : vector<1x1x1x16xf32> to vector<16xf32>
        %add3A_2080 = arith.addf %add3A_2008, %get3A_2079 : vector<16xf32>
        %get3A_2081 = arith.constant 1 : i32
        %get3A_2082 = arith.constant 26 : i32
        %get3A_2083 = arith.index_cast %get3A_2081 : i32 to index
        %get3A_2084 = arith.index_cast %scan3A_163 : i32 to index
        %get3A_2085 = arith.index_cast %get3A_2082 : i32 to index
        %get3A_2086 = arith.constant 96 : index
        %get3A_2087 = tpu.vector_load %arg4[%get3A_2083, %get3A_2084, %get3A_2085, %get3A_2086] {strides = array<i32>} : memref<2x8x32x128xf32, #tpu.memory_space<vmem>>, vector<1x1x1x16xf32>,
        %get3A_2088 = vector.shape_cast %get3A_2087 : vector<1x1x1x16xf32> to vector<16xf32>
        %add3A_2089 = arith.addf %add3A_2017, %get3A_2088 : vector<16xf32>
        %get3A_2090 = arith.constant 1 : i32
        %get3A_2091 = arith.constant 26 : i32
        %get3A_2092 = arith.index_cast %get3A_2090 : i32 to index
        %get3A_2093 = arith.index_cast %scan3A_163 : i32 to index
        %get3A_2094 = arith.index_cast %get3A_2091 : i32 to index
        %get3A_2095 = arith.constant 112 : index
        %get3A_2096 = tpu.vector_load %arg4[%get3A_2092, %get3A_2093, %get3A_2094, %get3A_2095] {strides = array<i32>} : memref<2x8x32x128xf32, #tpu.memory_space<vmem>>, vector<1x1x1x16xf32>,
        %get3A_2097 = vector.shape_cast %get3A_2096 : vector<1x1x1x16xf32> to vector<16xf32>
        %add3A_2098 = arith.addf %add3A_2026, %get3A_2097 : vector<16xf32>
        %get3A_2099 = arith.constant 1 : i32
        %get3A_2100 = arith.constant 27 : i32
        %get3A_2101 = arith.index_cast %get3A_2099 : i32 to index
        %get3A_2102 = arith.index_cast %scan3A_163 : i32 to index
        %get3A_2103 = arith.index_cast %get3A_2100 : i32 to index
        %get3A_2104 = arith.constant 0 : index
        %get3A_2105 = tpu.vector_load %arg4[%get3A_2101, %get3A_2102, %get3A_2103, %get3A_2104] {strides = array<i32>} : memref<2x8x32x128xf32, #tpu.memory_space<vmem>>, vector<1x1x1x16xf32>,
        %get3A_2106 = vector.shape_cast %get3A_2105 : vector<1x1x1x16xf32> to vector<16xf32>
        %add3A_2107 = arith.addf %add3A_2035, %get3A_2106 : vector<16xf32>
        %get3A_2108 = arith.constant 1 : i32
        %get3A_2109 = arith.constant 27 : i32
        %get3A_2110 = arith.index_cast %get3A_2108 : i32 to index
        %get3A_2111 = arith.index_cast %scan3A_163 : i32 to index
        %get3A_2112 = arith.index_cast %get3A_2109 : i32 to index
        %get3A_2113 = arith.constant 16 : index
        %get3A_2114 = tpu.vector_load %arg4[%get3A_2110, %get3A_2111, %get3A_2112, %get3A_2113] {strides = array<i32>} : memref<2x8x32x128xf32, #tpu.memory_space<vmem>>, vector<1x1x1x16xf32>,
        %get3A_2115 = vector.shape_cast %get3A_2114 : vector<1x1x1x16xf32> to vector<16xf32>
        %add3A_2116 = arith.addf %add3A_2044, %get3A_2115 : vector<16xf32>
        %get3A_2117 = arith.constant 1 : i32
        %get3A_2118 = arith.constant 27 : i32
        %get3A_2119 = arith.index_cast %get3A_2117 : i32 to index
        %get3A_2120 = arith.index_cast %scan3A_163 : i32 to index
        %get3A_2121 = arith.index_cast %get3A_2118 : i32 to index
        %get3A_2122 = arith.constant 32 : index
        %get3A_2123 = tpu.vector_load %arg4[%get3A_2119, %get3A_2120, %get3A_2121, %get3A_2122] {strides = array<i32>} : memref<2x8x32x128xf32, #tpu.memory_space<vmem>>, vector<1x1x1x16xf32>,
        %get3A_2124 = vector.shape_cast %get3A_2123 : vector<1x1x1x16xf32> to vector<16xf32>
        %add3A_2125 = arith.addf %add3A_2053, %get3A_2124 : vector<16xf32>
        %get3A_2126 = arith.constant 1 : i32
        %get3A_2127 = arith.constant 27 : i32
        %get3A_2128 = arith.index_cast %get3A_2126 : i32 to index
        %get3A_2129 = arith.index_cast %scan3A_163 : i32 to index
        %get3A_2130 = arith.index_cast %get3A_2127 : i32 to index
        %get3A_2131 = arith.constant 48 : index
        %get3A_2132 = tpu.vector_load %arg4[%get3A_2128, %get3A_2129, %get3A_2130, %get3A_2131] {strides = array<i32>} : memref<2x8x32x128xf32, #tpu.memory_space<vmem>>, vector<1x1x1x16xf32>,
        %get3A_2133 = vector.shape_cast %get3A_2132 : vector<1x1x1x16xf32> to vector<16xf32>
        %add3A_2134 = arith.addf %add3A_2062, %get3A_2133 : vector<16xf32>
        %get3A_2135 = arith.constant 1 : i32
        %get3A_2136 = arith.constant 27 : i32
        %get3A_2137 = arith.index_cast %get3A_2135 : i32 to index
        %get3A_2138 = arith.index_cast %scan3A_163 : i32 to index
        %get3A_2139 = arith.index_cast %get3A_2136 : i32 to index
        %get3A_2140 = arith.constant 64 : index
        %get3A_2141 = tpu.vector_load %arg4[%get3A_2137, %get3A_2138, %get3A_2139, %get3A_2140] {strides = array<i32>} : memref<2x8x32x128xf32, #tpu.memory_space<vmem>>, vector<1x1x1x16xf32>,
        %get3A_2142 = vector.shape_cast %get3A_2141 : vector<1x1x1x16xf32> to vector<16xf32>
        %add3A_2143 = arith.addf %add3A_2071, %get3A_2142 : vector<16xf32>
        %get3A_2144 = arith.constant 1 : i32
        %get3A_2145 = arith.constant 27 : i32
        %get3A_2146 = arith.index_cast %get3A_2144 : i32 to index
        %get3A_2147 = arith.index_cast %scan3A_163 : i32 to index
        %get3A_2148 = arith.index_cast %get3A_2145 : i32 to index
        %get3A_2149 = arith.constant 80 : index
        %get3A_2150 = tpu.vector_load %arg4[%get3A_2146, %get3A_2147, %get3A_2148, %get3A_2149] {strides = array<i32>} : memref<2x8x32x128xf32, #tpu.memory_space<vmem>>, vector<1x1x1x16xf32>,
        %get3A_2151 = vector.shape_cast %get3A_2150 : vector<1x1x1x16xf32> to vector<16xf32>
        %add3A_2152 = arith.addf %add3A_2080, %get3A_2151 : vector<16xf32>
        %get3A_2153 = arith.constant 1 : i32
        %get3A_2154 = arith.constant 27 : i32
        %get3A_2155 = arith.index_cast %get3A_2153 : i32 to index
        %get3A_2156 = arith.index_cast %scan3A_163 : i32 to index
        %get3A_2157 = arith.index_cast %get3A_2154 : i32 to index
        %get3A_2158 = arith.constant 96 : index
        %get3A_2159 = tpu.vector_load %arg4[%get3A_2155, %get3A_2156, %get3A_2157, %get3A_2158] {strides = array<i32>} : memref<2x8x32x128xf32, #tpu.memory_space<vmem>>, vector<1x1x1x16xf32>,
        %get3A_2160 = vector.shape_cast %get3A_2159 : vector<1x1x1x16xf32> to vector<16xf32>
        %add3A_2161 = arith.addf %add3A_2089, %get3A_2160 : vector<16xf32>
        %get3A_2162 = arith.constant 1 : i32
        %get3A_2163 = arith.constant 27 : i32
        %get3A_2164 = arith.index_cast %get3A_2162 : i32 to index
        %get3A_2165 = arith.index_cast %scan3A_163 : i32 to index
        %get3A_2166 = arith.index_cast %get3A_2163 : i32 to index
        %get3A_2167 = arith.constant 112 : index
        %get3A_2168 = tpu.vector_load %arg4[%get3A_2164, %get3A_2165, %get3A_2166, %get3A_2167] {strides = array<i32>} : memref<2x8x32x128xf32, #tpu.memory_space<vmem>>, vector<1x1x1x16xf32>,
        %get3A_2169 = vector.shape_cast %get3A_2168 : vector<1x1x1x16xf32> to vector<16xf32>
        %add3A_2170 = arith.addf %add3A_2098, %get3A_2169 : vector<16xf32>
        %get3A_2171 = arith.constant 1 : i32
        %get3A_2172 = arith.constant 28 : i32
        %get3A_2173 = arith.index_cast %get3A_2171 : i32 to index
        %get3A_2174 = arith.index_cast %scan3A_163 : i32 to index
        %get3A_2175 = arith.index_cast %get3A_2172 : i32 to index
        %get3A_2176 = arith.constant 0 : index
        %get3A_2177 = tpu.vector_load %arg4[%get3A_2173, %get3A_2174, %get3A_2175, %get3A_2176] {strides = array<i32>} : memref<2x8x32x128xf32, #tpu.memory_space<vmem>>, vector<1x1x1x16xf32>,
        %get3A_2178 = vector.shape_cast %get3A_2177 : vector<1x1x1x16xf32> to vector<16xf32>
        %add3A_2179 = arith.addf %add3A_2107, %get3A_2178 : vector<16xf32>
        %get3A_2180 = arith.constant 1 : i32
        %get3A_2181 = arith.constant 28 : i32
        %get3A_2182 = arith.index_cast %get3A_2180 : i32 to index
        %get3A_2183 = arith.index_cast %scan3A_163 : i32 to index
        %get3A_2184 = arith.index_cast %get3A_2181 : i32 to index
        %get3A_2185 = arith.constant 16 : index
        %get3A_2186 = tpu.vector_load %arg4[%get3A_2182, %get3A_2183, %get3A_2184, %get3A_2185] {strides = array<i32>} : memref<2x8x32x128xf32, #tpu.memory_space<vmem>>, vector<1x1x1x16xf32>,
        %get3A_2187 = vector.shape_cast %get3A_2186 : vector<1x1x1x16xf32> to vector<16xf32>
        %add3A_2188 = arith.addf %add3A_2116, %get3A_2187 : vector<16xf32>
        %get3A_2189 = arith.constant 1 : i32
        %get3A_2190 = arith.constant 28 : i32
        %get3A_2191 = arith.index_cast %get3A_2189 : i32 to index
        %get3A_2192 = arith.index_cast %scan3A_163 : i32 to index
        %get3A_2193 = arith.index_cast %get3A_2190 : i32 to index
        %get3A_2194 = arith.constant 32 : index
        %get3A_2195 = tpu.vector_load %arg4[%get3A_2191, %get3A_2192, %get3A_2193, %get3A_2194] {strides = array<i32>} : memref<2x8x32x128xf32, #tpu.memory_space<vmem>>, vector<1x1x1x16xf32>,
        %get3A_2196 = vector.shape_cast %get3A_2195 : vector<1x1x1x16xf32> to vector<16xf32>
        %add3A_2197 = arith.addf %add3A_2125, %get3A_2196 : vector<16xf32>
        %get3A_2198 = arith.constant 1 : i32
        %get3A_2199 = arith.constant 28 : i32
        %get3A_2200 = arith.index_cast %get3A_2198 : i32 to index
        %get3A_2201 = arith.index_cast %scan3A_163 : i32 to index
        %get3A_2202 = arith.index_cast %get3A_2199 : i32 to index
        %get3A_2203 = arith.constant 48 : index
        %get3A_2204 = tpu.vector_load %arg4[%get3A_2200, %get3A_2201, %get3A_2202, %get3A_2203] {strides = array<i32>} : memref<2x8x32x128xf32, #tpu.memory_space<vmem>>, vector<1x1x1x16xf32>,
        %get3A_2205 = vector.shape_cast %get3A_2204 : vector<1x1x1x16xf32> to vector<16xf32>
        %add3A_2206 = arith.addf %add3A_2134, %get3A_2205 : vector<16xf32>
        %get3A_2207 = arith.constant 1 : i32
        %get3A_2208 = arith.constant 28 : i32
        %get3A_2209 = arith.index_cast %get3A_2207 : i32 to index
        %get3A_2210 = arith.index_cast %scan3A_163 : i32 to index
        %get3A_2211 = arith.index_cast %get3A_2208 : i32 to index
        %get3A_2212 = arith.constant 64 : index
        %get3A_2213 = tpu.vector_load %arg4[%get3A_2209, %get3A_2210, %get3A_2211, %get3A_2212] {strides = array<i32>} : memref<2x8x32x128xf32, #tpu.memory_space<vmem>>, vector<1x1x1x16xf32>,
        %get3A_2214 = vector.shape_cast %get3A_2213 : vector<1x1x1x16xf32> to vector<16xf32>
        %add3A_2215 = arith.addf %add3A_2143, %get3A_2214 : vector<16xf32>
        %get3A_2216 = arith.constant 1 : i32
        %get3A_2217 = arith.constant 28 : i32
        %get3A_2218 = arith.index_cast %get3A_2216 : i32 to index
        %get3A_2219 = arith.index_cast %scan3A_163 : i32 to index
        %get3A_2220 = arith.index_cast %get3A_2217 : i32 to index
        %get3A_2221 = arith.constant 80 : index
        %get3A_2222 = tpu.vector_load %arg4[%get3A_2218, %get3A_2219, %get3A_2220, %get3A_2221] {strides = array<i32>} : memref<2x8x32x128xf32, #tpu.memory_space<vmem>>, vector<1x1x1x16xf32>,
        %get3A_2223 = vector.shape_cast %get3A_2222 : vector<1x1x1x16xf32> to vector<16xf32>
        %add3A_2224 = arith.addf %add3A_2152, %get3A_2223 : vector<16xf32>
        %get3A_2225 = arith.constant 1 : i32
        %get3A_2226 = arith.constant 28 : i32
        %get3A_2227 = arith.index_cast %get3A_2225 : i32 to index
        %get3A_2228 = arith.index_cast %scan3A_163 : i32 to index
        %get3A_2229 = arith.index_cast %get3A_2226 : i32 to index
        %get3A_2230 = arith.constant 96 : index
        %get3A_2231 = tpu.vector_load %arg4[%get3A_2227, %get3A_2228, %get3A_2229, %get3A_2230] {strides = array<i32>} : memref<2x8x32x128xf32, #tpu.memory_space<vmem>>, vector<1x1x1x16xf32>,
        %get3A_2232 = vector.shape_cast %get3A_2231 : vector<1x1x1x16xf32> to vector<16xf32>
        %add3A_2233 = arith.addf %add3A_2161, %get3A_2232 : vector<16xf32>
        %get3A_2234 = arith.constant 1 : i32
        %get3A_2235 = arith.constant 28 : i32
        %get3A_2236 = arith.index_cast %get3A_2234 : i32 to index
        %get3A_2237 = arith.index_cast %scan3A_163 : i32 to index
        %get3A_2238 = arith.index_cast %get3A_2235 : i32 to index
        %get3A_2239 = arith.constant 112 : index
        %get3A_2240 = tpu.vector_load %arg4[%get3A_2236, %get3A_2237, %get3A_2238, %get3A_2239] {strides = array<i32>} : memref<2x8x32x128xf32, #tpu.memory_space<vmem>>, vector<1x1x1x16xf32>,
        %get3A_2241 = vector.shape_cast %get3A_2240 : vector<1x1x1x16xf32> to vector<16xf32>
        %add3A_2242 = arith.addf %add3A_2170, %get3A_2241 : vector<16xf32>
        %get3A_2243 = arith.constant 1 : i32
        %get3A_2244 = arith.constant 29 : i32
        %get3A_2245 = arith.index_cast %get3A_2243 : i32 to index
        %get3A_2246 = arith.index_cast %scan3A_163 : i32 to index
        %get3A_2247 = arith.index_cast %get3A_2244 : i32 to index
        %get3A_2248 = arith.constant 0 : index
        %get3A_2249 = tpu.vector_load %arg4[%get3A_2245, %get3A_2246, %get3A_2247, %get3A_2248] {strides = array<i32>} : memref<2x8x32x128xf32, #tpu.memory_space<vmem>>, vector<1x1x1x16xf32>,
        %get3A_2250 = vector.shape_cast %get3A_2249 : vector<1x1x1x16xf32> to vector<16xf32>
        %add3A_2251 = arith.addf %add3A_2179, %get3A_2250 : vector<16xf32>
        %get3A_2252 = arith.constant 1 : i32
        %get3A_2253 = arith.constant 29 : i32
        %get3A_2254 = arith.index_cast %get3A_2252 : i32 to index
        %get3A_2255 = arith.index_cast %scan3A_163 : i32 to index
        %get3A_2256 = arith.index_cast %get3A_2253 : i32 to index
        %get3A_2257 = arith.constant 16 : index
        %get3A_2258 = tpu.vector_load %arg4[%get3A_2254, %get3A_2255, %get3A_2256, %get3A_2257] {strides = array<i32>} : memref<2x8x32x128xf32, #tpu.memory_space<vmem>>, vector<1x1x1x16xf32>,
        %get3A_2259 = vector.shape_cast %get3A_2258 : vector<1x1x1x16xf32> to vector<16xf32>
        %add3A_2260 = arith.addf %add3A_2188, %get3A_2259 : vector<16xf32>
        %get3A_2261 = arith.constant 1 : i32
        %get3A_2262 = arith.constant 29 : i32
        %get3A_2263 = arith.index_cast %get3A_2261 : i32 to index
        %get3A_2264 = arith.index_cast %scan3A_163 : i32 to index
        %get3A_2265 = arith.index_cast %get3A_2262 : i32 to index
        %get3A_2266 = arith.constant 32 : index
        %get3A_2267 = tpu.vector_load %arg4[%get3A_2263, %get3A_2264, %get3A_2265, %get3A_2266] {strides = array<i32>} : memref<2x8x32x128xf32, #tpu.memory_space<vmem>>, vector<1x1x1x16xf32>,
        %get3A_2268 = vector.shape_cast %get3A_2267 : vector<1x1x1x16xf32> to vector<16xf32>
        %add3A_2269 = arith.addf %add3A_2197, %get3A_2268 : vector<16xf32>
        %get3A_2270 = arith.constant 1 : i32
        %get3A_2271 = arith.constant 29 : i32
        %get3A_2272 = arith.index_cast %get3A_2270 : i32 to index
        %get3A_2273 = arith.index_cast %scan3A_163 : i32 to index
        %get3A_2274 = arith.index_cast %get3A_2271 : i32 to index
        %get3A_2275 = arith.constant 48 : index
        %get3A_2276 = tpu.vector_load %arg4[%get3A_2272, %get3A_2273, %get3A_2274, %get3A_2275] {strides = array<i32>} : memref<2x8x32x128xf32, #tpu.memory_space<vmem>>, vector<1x1x1x16xf32>,
        %get3A_2277 = vector.shape_cast %get3A_2276 : vector<1x1x1x16xf32> to vector<16xf32>
        %add3A_2278 = arith.addf %add3A_2206, %get3A_2277 : vector<16xf32>
        %get3A_2279 = arith.constant 1 : i32
        %get3A_2280 = arith.constant 29 : i32
        %get3A_2281 = arith.index_cast %get3A_2279 : i32 to index
        %get3A_2282 = arith.index_cast %scan3A_163 : i32 to index
        %get3A_2283 = arith.index_cast %get3A_2280 : i32 to index
        %get3A_2284 = arith.constant 64 : index
        %get3A_2285 = tpu.vector_load %arg4[%get3A_2281, %get3A_2282, %get3A_2283, %get3A_2284] {strides = array<i32>} : memref<2x8x32x128xf32, #tpu.memory_space<vmem>>, vector<1x1x1x16xf32>,
        %get3A_2286 = vector.shape_cast %get3A_2285 : vector<1x1x1x16xf32> to vector<16xf32>
        %add3A_2287 = arith.addf %add3A_2215, %get3A_2286 : vector<16xf32>
        %get3A_2288 = arith.constant 1 : i32
        %get3A_2289 = arith.constant 29 : i32
        %get3A_2290 = arith.index_cast %get3A_2288 : i32 to index
        %get3A_2291 = arith.index_cast %scan3A_163 : i32 to index
        %get3A_2292 = arith.index_cast %get3A_2289 : i32 to index
        %get3A_2293 = arith.constant 80 : index
        %get3A_2294 = tpu.vector_load %arg4[%get3A_2290, %get3A_2291, %get3A_2292, %get3A_2293] {strides = array<i32>} : memref<2x8x32x128xf32, #tpu.memory_space<vmem>>, vector<1x1x1x16xf32>,
        %get3A_2295 = vector.shape_cast %get3A_2294 : vector<1x1x1x16xf32> to vector<16xf32>
        %add3A_2296 = arith.addf %add3A_2224, %get3A_2295 : vector<16xf32>
        %get3A_2297 = arith.constant 1 : i32
        %get3A_2298 = arith.constant 29 : i32
        %get3A_2299 = arith.index_cast %get3A_2297 : i32 to index
        %get3A_2300 = arith.index_cast %scan3A_163 : i32 to index
        %get3A_2301 = arith.index_cast %get3A_2298 : i32 to index
        %get3A_2302 = arith.constant 96 : index
        %get3A_2303 = tpu.vector_load %arg4[%get3A_2299, %get3A_2300, %get3A_2301, %get3A_2302] {strides = array<i32>} : memref<2x8x32x128xf32, #tpu.memory_space<vmem>>, vector<1x1x1x16xf32>,
        %get3A_2304 = vector.shape_cast %get3A_2303 : vector<1x1x1x16xf32> to vector<16xf32>
        %add3A_2305 = arith.addf %add3A_2233, %get3A_2304 : vector<16xf32>
        %get3A_2306 = arith.constant 1 : i32
        %get3A_2307 = arith.constant 29 : i32
        %get3A_2308 = arith.index_cast %get3A_2306 : i32 to index
        %get3A_2309 = arith.index_cast %scan3A_163 : i32 to index
        %get3A_2310 = arith.index_cast %get3A_2307 : i32 to index
        %get3A_2311 = arith.constant 112 : index
        %get3A_2312 = tpu.vector_load %arg4[%get3A_2308, %get3A_2309, %get3A_2310, %get3A_2311] {strides = array<i32>} : memref<2x8x32x128xf32, #tpu.memory_space<vmem>>, vector<1x1x1x16xf32>,
        %get3A_2313 = vector.shape_cast %get3A_2312 : vector<1x1x1x16xf32> to vector<16xf32>
        %add3A_2314 = arith.addf %add3A_2242, %get3A_2313 : vector<16xf32>
        %get3A_2315 = arith.constant 1 : i32
        %get3A_2316 = arith.constant 30 : i32
        %get3A_2317 = arith.index_cast %get3A_2315 : i32 to index
        %get3A_2318 = arith.index_cast %scan3A_163 : i32 to index
        %get3A_2319 = arith.index_cast %get3A_2316 : i32 to index
        %get3A_2320 = arith.constant 0 : index
        %get3A_2321 = tpu.vector_load %arg4[%get3A_2317, %get3A_2318, %get3A_2319, %get3A_2320] {strides = array<i32>} : memref<2x8x32x128xf32, #tpu.memory_space<vmem>>, vector<1x1x1x16xf32>,
        %get3A_2322 = vector.shape_cast %get3A_2321 : vector<1x1x1x16xf32> to vector<16xf32>
        %add3A_2323 = arith.addf %add3A_2251, %get3A_2322 : vector<16xf32>
        %get3A_2324 = arith.constant 1 : i32
        %get3A_2325 = arith.constant 30 : i32
        %get3A_2326 = arith.index_cast %get3A_2324 : i32 to index
        %get3A_2327 = arith.index_cast %scan3A_163 : i32 to index
        %get3A_2328 = arith.index_cast %get3A_2325 : i32 to index
        %get3A_2329 = arith.constant 16 : index
        %get3A_2330 = tpu.vector_load %arg4[%get3A_2326, %get3A_2327, %get3A_2328, %get3A_2329] {strides = array<i32>} : memref<2x8x32x128xf32, #tpu.memory_space<vmem>>, vector<1x1x1x16xf32>,
        %get3A_2331 = vector.shape_cast %get3A_2330 : vector<1x1x1x16xf32> to vector<16xf32>
        %add3A_2332 = arith.addf %add3A_2260, %get3A_2331 : vector<16xf32>
        %get3A_2333 = arith.constant 1 : i32
        %get3A_2334 = arith.constant 30 : i32
        %get3A_2335 = arith.index_cast %get3A_2333 : i32 to index
        %get3A_2336 = arith.index_cast %scan3A_163 : i32 to index
        %get3A_2337 = arith.index_cast %get3A_2334 : i32 to index
        %get3A_2338 = arith.constant 32 : index
        %get3A_2339 = tpu.vector_load %arg4[%get3A_2335, %get3A_2336, %get3A_2337, %get3A_2338] {strides = array<i32>} : memref<2x8x32x128xf32, #tpu.memory_space<vmem>>, vector<1x1x1x16xf32>,
        %get3A_2340 = vector.shape_cast %get3A_2339 : vector<1x1x1x16xf32> to vector<16xf32>
        %add3A_2341 = arith.addf %add3A_2269, %get3A_2340 : vector<16xf32>
        %get3A_2342 = arith.constant 1 : i32
        %get3A_2343 = arith.constant 30 : i32
        %get3A_2344 = arith.index_cast %get3A_2342 : i32 to index
        %get3A_2345 = arith.index_cast %scan3A_163 : i32 to index
        %get3A_2346 = arith.index_cast %get3A_2343 : i32 to index
        %get3A_2347 = arith.constant 48 : index
        %get3A_2348 = tpu.vector_load %arg4[%get3A_2344, %get3A_2345, %get3A_2346, %get3A_2347] {strides = array<i32>} : memref<2x8x32x128xf32, #tpu.memory_space<vmem>>, vector<1x1x1x16xf32>,
        %get3A_2349 = vector.shape_cast %get3A_2348 : vector<1x1x1x16xf32> to vector<16xf32>
        %add3A_2350 = arith.addf %add3A_2278, %get3A_2349 : vector<16xf32>
        %get3A_2351 = arith.constant 1 : i32
        %get3A_2352 = arith.constant 30 : i32
        %get3A_2353 = arith.index_cast %get3A_2351 : i32 to index
        %get3A_2354 = arith.index_cast %scan3A_163 : i32 to index
        %get3A_2355 = arith.index_cast %get3A_2352 : i32 to index
        %get3A_2356 = arith.constant 64 : index
        %get3A_2357 = tpu.vector_load %arg4[%get3A_2353, %get3A_2354, %get3A_2355, %get3A_2356] {strides = array<i32>} : memref<2x8x32x128xf32, #tpu.memory_space<vmem>>, vector<1x1x1x16xf32>,
        %get3A_2358 = vector.shape_cast %get3A_2357 : vector<1x1x1x16xf32> to vector<16xf32>
        %add3A_2359 = arith.addf %add3A_2287, %get3A_2358 : vector<16xf32>
        %get3A_2360 = arith.constant 1 : i32
        %get3A_2361 = arith.constant 30 : i32
        %get3A_2362 = arith.index_cast %get3A_2360 : i32 to index
        %get3A_2363 = arith.index_cast %scan3A_163 : i32 to index
        %get3A_2364 = arith.index_cast %get3A_2361 : i32 to index
        %get3A_2365 = arith.constant 80 : index
        %get3A_2366 = tpu.vector_load %arg4[%get3A_2362, %get3A_2363, %get3A_2364, %get3A_2365] {strides = array<i32>} : memref<2x8x32x128xf32, #tpu.memory_space<vmem>>, vector<1x1x1x16xf32>,
        %get3A_2367 = vector.shape_cast %get3A_2366 : vector<1x1x1x16xf32> to vector<16xf32>
        %add3A_2368 = arith.addf %add3A_2296, %get3A_2367 : vector<16xf32>
        %get3A_2369 = arith.constant 1 : i32
        %get3A_2370 = arith.constant 30 : i32
        %get3A_2371 = arith.index_cast %get3A_2369 : i32 to index
        %get3A_2372 = arith.index_cast %scan3A_163 : i32 to index
        %get3A_2373 = arith.index_cast %get3A_2370 : i32 to index
        %get3A_2374 = arith.constant 96 : index
        %get3A_2375 = tpu.vector_load %arg4[%get3A_2371, %get3A_2372, %get3A_2373, %get3A_2374] {strides = array<i32>} : memref<2x8x32x128xf32, #tpu.memory_space<vmem>>, vector<1x1x1x16xf32>,
        %get3A_2376 = vector.shape_cast %get3A_2375 : vector<1x1x1x16xf32> to vector<16xf32>
        %add3A_2377 = arith.addf %add3A_2305, %get3A_2376 : vector<16xf32>
        %get3A_2378 = arith.constant 1 : i32
        %get3A_2379 = arith.constant 30 : i32
        %get3A_2380 = arith.index_cast %get3A_2378 : i32 to index
        %get3A_2381 = arith.index_cast %scan3A_163 : i32 to index
        %get3A_2382 = arith.index_cast %get3A_2379 : i32 to index
        %get3A_2383 = arith.constant 112 : index
        %get3A_2384 = tpu.vector_load %arg4[%get3A_2380, %get3A_2381, %get3A_2382, %get3A_2383] {strides = array<i32>} : memref<2x8x32x128xf32, #tpu.memory_space<vmem>>, vector<1x1x1x16xf32>,
        %get3A_2385 = vector.shape_cast %get3A_2384 : vector<1x1x1x16xf32> to vector<16xf32>
        %add3A_2386 = arith.addf %add3A_2314, %get3A_2385 : vector<16xf32>
        %get3A_2387 = arith.constant 1 : i32
        %get3A_2388 = arith.constant 31 : i32
        %get3A_2389 = arith.index_cast %get3A_2387 : i32 to index
        %get3A_2390 = arith.index_cast %scan3A_163 : i32 to index
        %get3A_2391 = arith.index_cast %get3A_2388 : i32 to index
        %get3A_2392 = arith.constant 0 : index
        %get3A_2393 = tpu.vector_load %arg4[%get3A_2389, %get3A_2390, %get3A_2391, %get3A_2392] {strides = array<i32>} : memref<2x8x32x128xf32, #tpu.memory_space<vmem>>, vector<1x1x1x16xf32>,
        %get3A_2394 = vector.shape_cast %get3A_2393 : vector<1x1x1x16xf32> to vector<16xf32>
        %add3A_2395 = arith.addf %add3A_2323, %get3A_2394 : vector<16xf32>
        %get3A_2396 = arith.constant 1 : i32
        %get3A_2397 = arith.constant 31 : i32
        %get3A_2398 = arith.index_cast %get3A_2396 : i32 to index
        %get3A_2399 = arith.index_cast %scan3A_163 : i32 to index
        %get3A_2400 = arith.index_cast %get3A_2397 : i32 to index
        %get3A_2401 = arith.constant 16 : index
        %get3A_2402 = tpu.vector_load %arg4[%get3A_2398, %get3A_2399, %get3A_2400, %get3A_2401] {strides = array<i32>} : memref<2x8x32x128xf32, #tpu.memory_space<vmem>>, vector<1x1x1x16xf32>,
        %get3A_2403 = vector.shape_cast %get3A_2402 : vector<1x1x1x16xf32> to vector<16xf32>
        %add3A_2404 = arith.addf %add3A_2332, %get3A_2403 : vector<16xf32>
        %get3A_2405 = arith.constant 1 : i32
        %get3A_2406 = arith.constant 31 : i32
        %get3A_2407 = arith.index_cast %get3A_2405 : i32 to index
        %get3A_2408 = arith.index_cast %scan3A_163 : i32 to index
        %get3A_2409 = arith.index_cast %get3A_2406 : i32 to index
        %get3A_2410 = arith.constant 32 : index
        %get3A_2411 = tpu.vector_load %arg4[%get3A_2407, %get3A_2408, %get3A_2409, %get3A_2410] {strides = array<i32>} : memref<2x8x32x128xf32, #tpu.memory_space<vmem>>, vector<1x1x1x16xf32>,
        %get3A_2412 = vector.shape_cast %get3A_2411 : vector<1x1x1x16xf32> to vector<16xf32>
        %add3A_2413 = arith.addf %add3A_2341, %get3A_2412 : vector<16xf32>
        %get3A_2414 = arith.constant 1 : i32
        %get3A_2415 = arith.constant 31 : i32
        %get3A_2416 = arith.index_cast %get3A_2414 : i32 to index
        %get3A_2417 = arith.index_cast %scan3A_163 : i32 to index
        %get3A_2418 = arith.index_cast %get3A_2415 : i32 to index
        %get3A_2419 = arith.constant 48 : index
        %get3A_2420 = tpu.vector_load %arg4[%get3A_2416, %get3A_2417, %get3A_2418, %get3A_2419] {strides = array<i32>} : memref<2x8x32x128xf32, #tpu.memory_space<vmem>>, vector<1x1x1x16xf32>,
        %get3A_2421 = vector.shape_cast %get3A_2420 : vector<1x1x1x16xf32> to vector<16xf32>
        %add3A_2422 = arith.addf %add3A_2350, %get3A_2421 : vector<16xf32>
        %get3A_2423 = arith.constant 1 : i32
        %get3A_2424 = arith.constant 31 : i32
        %get3A_2425 = arith.index_cast %get3A_2423 : i32 to index
        %get3A_2426 = arith.index_cast %scan3A_163 : i32 to index
        %get3A_2427 = arith.index_cast %get3A_2424 : i32 to index
        %get3A_2428 = arith.constant 64 : index
        %get3A_2429 = tpu.vector_load %arg4[%get3A_2425, %get3A_2426, %get3A_2427, %get3A_2428] {strides = array<i32>} : memref<2x8x32x128xf32, #tpu.memory_space<vmem>>, vector<1x1x1x16xf32>,
        %get3A_2430 = vector.shape_cast %get3A_2429 : vector<1x1x1x16xf32> to vector<16xf32>
        %add3A_2431 = arith.addf %add3A_2359, %get3A_2430 : vector<16xf32>
        %get3A_2432 = arith.constant 1 : i32
        %get3A_2433 = arith.constant 31 : i32
        %get3A_2434 = arith.index_cast %get3A_2432 : i32 to index
        %get3A_2435 = arith.index_cast %scan3A_163 : i32 to index
        %get3A_2436 = arith.index_cast %get3A_2433 : i32 to index
        %get3A_2437 = arith.constant 80 : index
        %get3A_2438 = tpu.vector_load %arg4[%get3A_2434, %get3A_2435, %get3A_2436, %get3A_2437] {strides = array<i32>} : memref<2x8x32x128xf32, #tpu.memory_space<vmem>>, vector<1x1x1x16xf32>,
        %get3A_2439 = vector.shape_cast %get3A_2438 : vector<1x1x1x16xf32> to vector<16xf32>
        %add3A_2440 = arith.addf %add3A_2368, %get3A_2439 : vector<16xf32>
        %get3A_2441 = arith.constant 1 : i32
        %get3A_2442 = arith.constant 31 : i32
        %get3A_2443 = arith.index_cast %get3A_2441 : i32 to index
        %get3A_2444 = arith.index_cast %scan3A_163 : i32 to index
        %get3A_2445 = arith.index_cast %get3A_2442 : i32 to index
        %get3A_2446 = arith.constant 96 : index
        %get3A_2447 = tpu.vector_load %arg4[%get3A_2443, %get3A_2444, %get3A_2445, %get3A_2446] {strides = array<i32>} : memref<2x8x32x128xf32, #tpu.memory_space<vmem>>, vector<1x1x1x16xf32>,
        %get3A_2448 = vector.shape_cast %get3A_2447 : vector<1x1x1x16xf32> to vector<16xf32>
        %add3A_2449 = arith.addf %add3A_2377, %get3A_2448 : vector<16xf32>
        %get3A_2450 = arith.constant 1 : i32
        %get3A_2451 = arith.constant 31 : i32
        %get3A_2452 = arith.index_cast %get3A_2450 : i32 to index
        %get3A_2453 = arith.index_cast %scan3A_163 : i32 to index
        %get3A_2454 = arith.index_cast %get3A_2451 : i32 to index
        %get3A_2455 = arith.constant 112 : index
        %get3A_2456 = tpu.vector_load %arg4[%get3A_2452, %get3A_2453, %get3A_2454, %get3A_2455] {strides = array<i32>} : memref<2x8x32x128xf32, #tpu.memory_space<vmem>>, vector<1x1x1x16xf32>,
        %get3A_2457 = vector.shape_cast %get3A_2456 : vector<1x1x1x16xf32> to vector<16xf32>
        %add3A_2458 = arith.addf %add3A_2386, %get3A_2457 : vector<16xf32>
        %swap3A = arith.index_cast %add3A_113 : i32 to index
        %swap3A_2459 = arith.index_cast %scan3A_163 : i32 to index
        %swap3A_2460 = arith.constant 0 : index
        %swap3A_2461 = tpu.vector_load %arg5[%swap3A, %swap3A_2459, %swap3A_2460] {strides = array<i32>} : memref<8x8x128xf32, #tpu.memory_space<vmem>>, vector<1x1x16xf32>,
        %swap3A_2462 = vector.shape_cast %swap3A_2461 : vector<1x1x16xf32> to vector<16xf32>
        %swap3A_2463 = vector.shape_cast %add3A_2395 : vector<16xf32> to vector<1x1x16xf32>
        tpu.vector_store %arg5[%swap3A, %swap3A_2459, %swap3A_2460], %swap3A_2463 {strides = array<i32>} : memref<8x8x128xf32, #tpu.memory_space<vmem>>, vector<1x1x16xf32>,
        %swap3A_2464 = arith.index_cast %add3A_113 : i32 to index
        %swap3A_2465 = arith.index_cast %scan3A_163 : i32 to index
        %swap3A_2466 = arith.constant 16 : index
        %swap3A_2467 = tpu.vector_load %arg5[%swap3A_2464, %swap3A_2465, %swap3A_2466] {strides = array<i32>} : memref<8x8x128xf32, #tpu.memory_space<vmem>>, vector<1x1x16xf32>,
        %swap3A_2468 = vector.shape_cast %swap3A_2467 : vector<1x1x16xf32> to vector<16xf32>
        %swap3A_2469 = vector.shape_cast %add3A_2404 : vector<16xf32> to vector<1x1x16xf32>
        tpu.vector_store %arg5[%swap3A_2464, %swap3A_2465, %swap3A_2466], %swap3A_2469 {strides = array<i32>} : memref<8x8x128xf32, #tpu.memory_space<vmem>>, vector<1x1x16xf32>,
        %swap3A_2470 = arith.index_cast %add3A_113 : i32 to index
        %swap3A_2471 = arith.index_cast %scan3A_163 : i32 to index
        %swap3A_2472 = arith.constant 32 : index
        %swap3A_2473 = tpu.vector_load %arg5[%swap3A_2470, %swap3A_2471, %swap3A_2472] {strides = array<i32>} : memref<8x8x128xf32, #tpu.memory_space<vmem>>, vector<1x1x16xf32>,
        %swap3A_2474 = vector.shape_cast %swap3A_2473 : vector<1x1x16xf32> to vector<16xf32>
        %swap3A_2475 = vector.shape_cast %add3A_2413 : vector<16xf32> to vector<1x1x16xf32>
        tpu.vector_store %arg5[%swap3A_2470, %swap3A_2471, %swap3A_2472], %swap3A_2475 {strides = array<i32>} : memref<8x8x128xf32, #tpu.memory_space<vmem>>, vector<1x1x16xf32>,
        %swap3A_2476 = arith.index_cast %add3A_113 : i32 to index
        %swap3A_2477 = arith.index_cast %scan3A_163 : i32 to index
        %swap3A_2478 = arith.constant 48 : index
        %swap3A_2479 = tpu.vector_load %arg5[%swap3A_2476, %swap3A_2477, %swap3A_2478] {strides = array<i32>} : memref<8x8x128xf32, #tpu.memory_space<vmem>>, vector<1x1x16xf32>,
        %swap3A_2480 = vector.shape_cast %swap3A_2479 : vector<1x1x16xf32> to vector<16xf32>
        %swap3A_2481 = vector.shape_cast %add3A_2422 : vector<16xf32> to vector<1x1x16xf32>
        tpu.vector_store %arg5[%swap3A_2476, %swap3A_2477, %swap3A_2478], %swap3A_2481 {strides = array<i32>} : memref<8x8x128xf32, #tpu.memory_space<vmem>>, vector<1x1x16xf32>,
        %swap3A_2482 = arith.index_cast %add3A_113 : i32 to index
        %swap3A_2483 = arith.index_cast %scan3A_163 : i32 to index
        %swap3A_2484 = arith.constant 64 : index
        %swap3A_2485 = tpu.vector_load %arg5[%swap3A_2482, %swap3A_2483, %swap3A_2484] {strides = array<i32>} : memref<8x8x128xf32, #tpu.memory_space<vmem>>, vector<1x1x16xf32>,
        %swap3A_2486 = vector.shape_cast %swap3A_2485 : vector<1x1x16xf32> to vector<16xf32>
        %swap3A_2487 = vector.shape_cast %add3A_2431 : vector<16xf32> to vector<1x1x16xf32>
        tpu.vector_store %arg5[%swap3A_2482, %swap3A_2483, %swap3A_2484], %swap3A_2487 {strides = array<i32>} : memref<8x8x128xf32, #tpu.memory_space<vmem>>, vector<1x1x16xf32>,
        %swap3A_2488 = arith.index_cast %add3A_113 : i32 to index
        %swap3A_2489 = arith.index_cast %scan3A_163 : i32 to index
        %swap3A_2490 = arith.constant 80 : index
        %swap3A_2491 = tpu.vector_load %arg5[%swap3A_2488, %swap3A_2489, %swap3A_2490] {strides = array<i32>} : memref<8x8x128xf32, #tpu.memory_space<vmem>>, vector<1x1x16xf32>,
        %swap3A_2492 = vector.shape_cast %swap3A_2491 : vector<1x1x16xf32> to vector<16xf32>
        %swap3A_2493 = vector.shape_cast %add3A_2440 : vector<16xf32> to vector<1x1x16xf32>
        tpu.vector_store %arg5[%swap3A_2488, %swap3A_2489, %swap3A_2490], %swap3A_2493 {strides = array<i32>} : memref<8x8x128xf32, #tpu.memory_space<vmem>>, vector<1x1x16xf32>,
        %swap3A_2494 = arith.index_cast %add3A_113 : i32 to index
        %swap3A_2495 = arith.index_cast %scan3A_163 : i32 to index
        %swap3A_2496 = arith.constant 96 : index
        %swap3A_2497 = tpu.vector_load %arg5[%swap3A_2494, %swap3A_2495, %swap3A_2496] {strides = array<i32>} : memref<8x8x128xf32, #tpu.memory_space<vmem>>, vector<1x1x16xf32>,
        %swap3A_2498 = vector.shape_cast %swap3A_2497 : vector<1x1x16xf32> to vector<16xf32>
        %swap3A_2499 = vector.shape_cast %add3A_2449 : vector<16xf32> to vector<1x1x16xf32>
        tpu.vector_store %arg5[%swap3A_2494, %swap3A_2495, %swap3A_2496], %swap3A_2499 {strides = array<i32>} : memref<8x8x128xf32, #tpu.memory_space<vmem>>, vector<1x1x16xf32>,
        %swap3A_2500 = arith.index_cast %add3A_113 : i32 to index
        %swap3A_2501 = arith.index_cast %scan3A_163 : i32 to index
        %swap3A_2502 = arith.constant 112 : index
        %swap3A_2503 = tpu.vector_load %arg5[%swap3A_2500, %swap3A_2501, %swap3A_2502] {strides = array<i32>} : memref<8x8x128xf32, #tpu.memory_space<vmem>>, vector<1x1x16xf32>,
        %swap3A_2504 = vector.shape_cast %swap3A_2503 : vector<1x1x16xf32> to vector<16xf32>
        %swap3A_2505 = vector.shape_cast %add3A_2458 : vector<16xf32> to vector<1x1x16xf32>
        tpu.vector_store %arg5[%swap3A_2500, %swap3A_2501, %swap3A_2502], %swap3A_2505 {strides = array<i32>} : memref<8x8x128xf32, #tpu.memory_space<vmem>>, vector<1x1x16xf32>,
      }
      %scan3A_138 = arith.constant 8 : i32
      %mul3A_139 = arith.constant 32 : i32
      %mul3A_140 = arith.muli %add3A_113, %mul3A_139 : i32
      %add3A_141 = arith.addi %add3A, %mul3A_140 : i32
      %min3A_142 = arith.constant 199 : i32
      %min3A_143 = arith.minsi %add3A_141, %min3A_142 : i32
      %mul3A_144 = arith.constant 8 : i32
      %mul3A_145 = arith.muli %min3A_143, %mul3A_144 : i32
      %dma_start3A_146 = arith.constant 0 : i32
      %dma_start3A_147 = arith.constant 0 : i32
      %dma_start3A_148 = tpu.memref_slice %arg5[%add3A_113, %dma_start3A_146, %dma_start3A_147] : memref<8x8x128xf32, #tpu.memory_space<vmem>> -> memref<1x8x128xf32, #tpu.memory_space<vmem>>
      %dma_start3A_149 = tpu.memref_squeeze %dma_start3A_148 : memref<1x8x128xf32, #tpu.memory_space<vmem>> -> memref<8x128xf32, #tpu.memory_space<vmem>>
      %dma_start3A_150 = arith.constant 0 : i32
      %dma_start3A_151 = tpu.memref_slice %arg3[%mul3A_145, %dma_start3A_150] : memref<1600x128xf32, #tpu.memory_space<hbm>> -> memref<8x128xf32, #tpu.memory_space<hbm>>
      %dma_start3A_152 = arith.constant 0 : i32
      %dma_start3A_153 = tpu.memref_slice %arg3[%mul3A_145, %dma_start3A_152] : memref<1600x128xf32, #tpu.memory_space<hbm>> -> memref<8x128xf32, #tpu.memory_space<hbm>>
      %dma_start3A_154 = arith.constant 0 : i32
      %dma_start3A_155 = arith.constant 0 : i32
      %dma_start3A_156 = tpu.memref_slice %arg5[%add3A_113, %dma_start3A_154, %dma_start3A_155] : memref<8x8x128xf32, #tpu.memory_space<vmem>> -> memref<1x8x128xf32, #tpu.memory_space<vmem>>
      %dma_start3A_157 = tpu.memref_squeeze %dma_start3A_156 : memref<1x8x128xf32, #tpu.memory_space<vmem>> -> memref<8x128xf32, #tpu.memory_space<vmem>>
      tpu.enqueue_dma source(%dma_start3A_157 : memref<8x128xf32, #tpu.memory_space<vmem>>) target(%dma_start3A_153 : memref<8x128xf32, #tpu.memory_space<hbm>>) target_semaphore(%arg8 : memref<!tpu.dma_semaphore, #tpu.memory_space<semaphore_mem>>)
      %lt3A_158 = arith.constant 3 : i32
      %lt3A_159 = arith.cmpi slt, %scan3A_60, %lt3A_158 : i32
      %convert_element_type3A_160 = arith.extui %lt3A_159 : i1 to i32
      %cond3A_161 = arith.constant 0 : i32
      %cond3A_162 = arith.cmpi ne, %convert_element_type3A_160, %cond3A_161 : i32
      scf.if %cond3A_162 {
        %add3A_163 = arith.constant 2 : i32
        %add3A_164 = arith.addi %add3A_113, %add3A_163 : i32
        %mul3A_165 = arith.constant 32 : i32
        %mul3A_166 = arith.muli %add3A_164, %mul3A_165 : i32
        %add3A_167 = arith.addi %add3A, %mul3A_166 : i32
        %min3A_168 = arith.constant 199 : i32
        %min3A_169 = arith.minsi %add3A_167, %min3A_168 : i32
        %mul3A_170 = arith.constant 8 : i32
        %mul3A_171 = arith.muli %min3A_169, %mul3A_170 : i32
        %add3A_172 = arith.constant 8400 : i32
        %add3A_173 = arith.addi %add3A_172, %mul3A_171 : i32
        %dma_start3A_174 = arith.constant 1 : i32
        %dma_start3A_175 = arith.constant 0 : i32
        %dma_start3A_176 = arith.constant 0 : i32
        %dma_start3A_177 = arith.constant 0 : i32
        %dma_start3A_178 = tpu.memref_slice %arg4[%dma_start3A_174, %dma_start3A_175, %dma_start3A_176, %dma_start3A_177] : memref<2x8x32x128xf32, #tpu.memory_space<vmem>> -> memref<1x8x32x128xf32, #tpu.memory_space<vmem>>
        %dma_start3A_179 = tpu.memref_squeeze %dma_start3A_178 : memref<1x8x32x128xf32, #tpu.memory_space<vmem>> -> memref<8x32x128xf32, #tpu.memory_space<vmem>>
        %dma_start3A_180 = arith.constant 0 : i32
        %dma_start3A_181 = arith.constant 0 : i32
        %dma_start3A_182 = tpu.memref_slice %arg2[%add3A_173, %dma_start3A_180, %dma_start3A_181] : memref<10000x32x128xf32, #tpu.memory_space<hbm>> -> memref<8x32x128xf32, #tpu.memory_space<hbm>>
        %dma_start3A_183 = arith.constant 0 : i32
        %dma_start3A_184 = arith.constant 0 : i32
        %dma_start3A_185 = arith.constant 0 : i32
        %dma_start3A_186 = tpu.memref_slice %arg4[%dma_start3A_174, %dma_start3A_183, %dma_start3A_184, %dma_start3A_185] : memref<2x8x32x128xf32, #tpu.memory_space<vmem>> -> memref<1x8x32x128xf32, #tpu.memory_space<vmem>>
        %dma_start3A_187 = tpu.memref_squeeze %dma_start3A_186 : memref<1x8x32x128xf32, #tpu.memory_space<vmem>> -> memref<8x32x128xf32, #tpu.memory_space<vmem>>
        %dma_start3A_188 = arith.constant 0 : i32
        %dma_start3A_189 = arith.constant 0 : i32
        %dma_start3A_190 = tpu.memref_slice %arg2[%add3A_173, %dma_start3A_188, %dma_start3A_189] : memref<10000x32x128xf32, #tpu.memory_space<hbm>> -> memref<8x32x128xf32, #tpu.memory_space<hbm>>
        tpu.enqueue_dma source(%dma_start3A_190 : memref<8x32x128xf32, #tpu.memory_space<hbm>>) target(%dma_start3A_187 : memref<8x32x128xf32, #tpu.memory_space<vmem>>) target_semaphore(%arg7 : memref<!tpu.dma_semaphore, #tpu.memory_space<semaphore_mem>>)
      } else {
      }
    }
    %scan3A_53 = arith.constant 4 : i32
    %scan3A_54 = arith.constant 0 : i32
    %scan3A_55 = arith.constant 0 : i32
    %scan3A_56 = arith.constant 8 : i32
    %scan3A_57 = arith.addi %scan3A_55, %scan3A_56 : i32
    %scan3A_58 = arith.constant 1 : i32
    scf.for %scan3A_60 = %scan3A_55 to %scan3A_57 step %scan3A_58  : i32 {
      %dma_wait3A = arith.constant 0 : i32
      %dma_wait3A_61 = arith.constant 0 : i32
      %dma_wait3A_62 = arith.constant 0 : i32
      %dma_wait3A_63 = tpu.memref_slice %arg5[%dma_wait3A, %dma_wait3A_61, %dma_wait3A_62] : memref<8x8x128xf32, #tpu.memory_space<vmem>> -> memref<1x8x128xf32, #tpu.memory_space<vmem>>
      %dma_wait3A_64 = tpu.memref_squeeze %dma_wait3A_63 : memref<1x8x128xf32, #tpu.memory_space<vmem>> -> memref<8x128xf32, #tpu.memory_space<vmem>>
      %dma_wait3A_65 = arith.constant 0 : i32
      %dma_wait3A_66 = arith.constant 0 : i32
      %dma_wait3A_67 = tpu.memref_slice %arg3[%dma_wait3A_65, %dma_wait3A_66] : memref<1600x128xf32, #tpu.memory_space<hbm>> -> memref<8x128xf32, #tpu.memory_space<hbm>>
      %dma_wait3A_68 = arith.constant 0 : i32
      %dma_wait3A_69 = arith.constant 0 : i32
      %dma_wait3A_70 = tpu.memref_slice %arg3[%dma_wait3A_68, %dma_wait3A_69] : memref<1600x128xf32, #tpu.memory_space<hbm>> -> memref<8x128xf32, #tpu.memory_space<hbm>>
      %dma_wait3A_71 = arith.constant 0 : i32
      %dma_wait3A_72 = arith.constant 0 : i32
      %dma_wait3A_73 = tpu.memref_slice %arg5[%dma_wait3A, %dma_wait3A_71, %dma_wait3A_72] : memref<8x8x128xf32, #tpu.memory_space<vmem>> -> memref<1x8x128xf32, #tpu.memory_space<vmem>>
      %dma_wait3A_74 = tpu.memref_squeeze %dma_wait3A_73 : memref<1x8x128xf32, #tpu.memory_space<vmem>> -> memref<8x128xf32, #tpu.memory_space<vmem>>
      tpu.wait_dma2 semaphore(%arg8 : memref<!tpu.dma_semaphore, #tpu.memory_space<semaphore_mem>>) src(%dma_wait3A_74 : memref<8x128xf32, #tpu.memory_space<vmem>>) dst(%dma_wait3A_70 : memref<8x128xf32, #tpu.memory_space<hbm>>)
    }
    %scan3A_59 = arith.constant 8 : i32
    return
  }
}

module attributes {stable_mosaic.version = 14 : i64} {
  func.func @_head_body(%arg0: i32, %arg1: memref<400x128xf32, #tpu.memory_space<vmem>>, %arg2: memref<400x32x128xf32, #tpu.memory_space<vmem>>, %arg3: memref<128x128xf32, #tpu.memory_space<vmem>>, %arg4: memref<128x128xf32, #tpu.memory_space<vmem>>, %arg5: memref<1x128xf32, #tpu.memory_space<vmem>>, %arg6: memref<400x128xf32, #tpu.memory_space<vmem>>) attributes {dimension_semantics = [#tpu.dimension_semantics<arbitrary>], iteration_bounds = array<i64: 21>, scalar_prefetch = 0 : i64, scratch_operands = 0 : i64, tpu.core_type = #tpu.core_type<tc>, window_params = [{transform_indices = @transform_0, window_bounds = array<i64: 400, 128>}, {transform_indices = @transform_1, window_bounds = array<i64: 400, 32, 128>}, {pipeline_mode = #tpu.pipeline_mode<synchronous>, transform_indices = @transform_2, window_bounds = array<i64: 128, 128>}, {pipeline_mode = #tpu.pipeline_mode<synchronous>, transform_indices = @transform_3, window_bounds = array<i64: 128, 128>}, {pipeline_mode = #tpu.pipeline_mode<synchronous>, transform_indices = @transform_4, window_bounds = array<i64: 1, 128>}, {transform_indices = @transform_5, window_bounds = array<i64: 400, 128>}]} {
    %get3A = arith.constant 0 : index
    %get3A_0 = arith.constant 0 : index
    %get3A_1 = arith.constant 0 : index
    %get3A_2 = vector.load %arg2[%get3A, %get3A_0, %get3A_1] : memref<400x32x128xf32, #tpu.memory_space<vmem>>, vector<400x32x128xf32>
    %reduce_sum3A = arith.constant dense<0.000000e+00> : vector<400x128xf32>
    %reduce_sum3A_3 = vector.multi_reduction <add>, %get3A_2, %reduce_sum3A [1] : vector<400x32x128xf32> to vector<400x128xf32>
    %mul3A = arith.constant 3.125000e-02 : f32
    %mul3A_4 = vector.broadcast %mul3A : f32 to vector<400x128xf32>
    %mul3A_5 = arith.mulf %reduce_sum3A_3, %mul3A_4 : vector<400x128xf32>
    %get3A_6 = arith.constant 0 : index
    %get3A_7 = arith.constant 0 : index
    %get3A_8 = vector.load %arg1[%get3A_6, %get3A_7] : memref<400x128xf32, #tpu.memory_space<vmem>>, vector<400x128xf32>
    %get3A_9 = arith.constant 0 : index
    %get3A_10 = arith.constant 0 : index
    %get3A_11 = vector.load %arg3[%get3A_9, %get3A_10] : memref<128x128xf32, #tpu.memory_space<vmem>>, vector<128x128xf32>
    %dot_general3A = arith.constant dense<0.000000e+00> : vector<400x128xf32>
    %dot_general3A_12 = tpu.matmul %get3A_8, %get3A_11, %dot_general3A {dimension_numbers = #tpu.dot_dimension_numbers<[1], [0], [0], [1], [0, 0, 1, 1], [], []>, transpose_lhs_hint = false} : vector<400x128xf32>, vector<128x128xf32>, vector<400x128xf32> -> vector<400x128xf32>
    %get3A_13 = arith.constant 0 : index
    %get3A_14 = arith.constant 0 : index
    %get3A_15 = vector.load %arg4[%get3A_13, %get3A_14] : memref<128x128xf32, #tpu.memory_space<vmem>>, vector<128x128xf32>
    %dot_general3A_16 = arith.constant dense<0.000000e+00> : vector<400x128xf32>
    %dot_general3A_17 = tpu.matmul %mul3A_5, %get3A_15, %dot_general3A_16 {dimension_numbers = #tpu.dot_dimension_numbers<[1], [0], [0], [1], [0, 0, 1, 1], [], []>, transpose_lhs_hint = false} : vector<400x128xf32>, vector<128x128xf32>, vector<400x128xf32> -> vector<400x128xf32>
    %add3A = arith.addf %dot_general3A_12, %dot_general3A_17 : vector<400x128xf32>
    %get3A_18 = arith.constant 0 : index
    %get3A_19 = arith.constant 0 : index
    %get3A_20 = vector.load %arg5[%get3A_18, %get3A_19] : memref<1x128xf32, #tpu.memory_space<vmem>>, vector<1x128xf32>
    %add3A_21 = vector.broadcast %get3A_20 : vector<1x128xf32> to vector<400x128xf32>
    %add3A_22 = arith.addf %add3A, %add3A_21 : vector<400x128xf32>
    %max3A = arith.constant 0.000000e+00 : f32
    %max3A_23 = vector.broadcast %max3A : f32 to vector<400x128xf32>
    %max3A_24 = arith.maximumf %add3A_22, %max3A_23 : vector<400x128xf32>
    %mul3A_25 = arith.mulf %max3A_24, %max3A_24 : vector<400x128xf32>
    %reduce_sum3A_26 = arith.constant dense<0.000000e+00> : vector<400xf32>
    %reduce_sum3A_27 = vector.multi_reduction <add>, %mul3A_25, %reduce_sum3A_26 [1] : vector<400x128xf32> to vector<400xf32>
    %broadcast_in_dim3A = vector.shape_cast %reduce_sum3A_27 : vector<400xf32> to vector<400x1xf32>
    %max3A_28 = arith.constant 1.000000e-24 : f32
    %max3A_29 = vector.broadcast %max3A_28 : f32 to vector<400x1xf32>
    %max3A_30 = arith.maximumf %broadcast_in_dim3A, %max3A_29 : vector<400x1xf32>
    %rsqrt3A = math.rsqrt %max3A_30 : vector<400x1xf32>
    %mul3A_31 = vector.broadcast %rsqrt3A : vector<400x1xf32> to vector<400x128xf32>
    %mul3A_32 = arith.mulf %max3A_24, %mul3A_31 : vector<400x128xf32>
    %swap3A = arith.constant 0 : index
    %swap3A_33 = arith.constant 0 : index
    %swap3A_34 = vector.load %arg6[%swap3A, %swap3A_33] : memref<400x128xf32, #tpu.memory_space<vmem>>, vector<400x128xf32>
    tpu.vector_store %arg6[%swap3A, %swap3A_33], %mul3A_32 {strides = array<i32>} : memref<400x128xf32, #tpu.memory_space<vmem>>, vector<400x128xf32>,
    return
  }
  func.func @transform_0(%arg0: i32) -> (i32, i32) {
    %c0_i32 = arith.constant 0 : i32
    %c0_i32_0 = arith.constant 0 : i32
    return %arg0, %c0_i32 : i32, i32
  }
  func.func @transform_1(%arg0: i32) -> (i32, i32, i32) {
    %c0_i32 = arith.constant 0 : i32
    %c0_i32_0 = arith.constant 0 : i32
    %c0_i32_1 = arith.constant 0 : i32
    return %arg0, %c0_i32, %c0_i32_0 : i32, i32, i32
  }
  func.func @transform_2(%arg0: i32) -> (i32, i32) {
    %c0_i32 = arith.constant 0 : i32
    %c0_i32_0 = arith.constant 0 : i32
    %c0_i32_1 = arith.constant 0 : i32
    return %c0_i32, %c0_i32_0 : i32, i32
  }
  func.func @transform_3(%arg0: i32) -> (i32, i32) {
    %c0_i32 = arith.constant 0 : i32
    %c0_i32_0 = arith.constant 0 : i32
    %c0_i32_1 = arith.constant 0 : i32
    return %c0_i32, %c0_i32_0 : i32, i32
  }
  func.func @transform_4(%arg0: i32) -> (i32, i32) {
    %c0_i32 = arith.constant 0 : i32
    %c0_i32_0 = arith.constant 0 : i32
    %c0_i32_1 = arith.constant 0 : i32
    return %c0_i32, %c0_i32_0 : i32, i32
  }
  func.func @transform_5(%arg0: i32) -> (i32, i32) {
    %c0_i32 = arith.constant 0 : i32
    %c0_i32_0 = arith.constant 0 : i32
    return %arg0, %c0_i32 : i32, i32
  }
}

module attributes {stable_mosaic.version = 14 : i64} {
  func.func @_tail_body(%arg0: i32, %arg1: memref<400x128xf32, #tpu.memory_space<vmem>>, %arg2: memref<400x128xf32, #tpu.memory_space<vmem>>, %arg3: memref<128x128xf32, #tpu.memory_space<vmem>>, %arg4: memref<128x128xf32, #tpu.memory_space<vmem>>, %arg5: memref<1x128xf32, #tpu.memory_space<vmem>>, %arg6: memref<400x128xf32, #tpu.memory_space<vmem>>) attributes {dimension_semantics = [#tpu.dimension_semantics<arbitrary>], iteration_bounds = array<i64: 4>, scalar_prefetch = 0 : i64, scratch_operands = 0 : i64, tpu.core_type = #tpu.core_type<tc>, window_params = [{transform_indices = @transform_0, window_bounds = array<i64: 400, 128>}, {transform_indices = @transform_1, window_bounds = array<i64: 400, 128>}, {pipeline_mode = #tpu.pipeline_mode<synchronous>, transform_indices = @transform_2, window_bounds = array<i64: 128, 128>}, {pipeline_mode = #tpu.pipeline_mode<synchronous>, transform_indices = @transform_3, window_bounds = array<i64: 128, 128>}, {pipeline_mode = #tpu.pipeline_mode<synchronous>, transform_indices = @transform_4, window_bounds = array<i64: 1, 128>}, {transform_indices = @transform_5, window_bounds = array<i64: 400, 128>}]} {
    %get3A = arith.constant 0 : index
    %get3A_0 = arith.constant 0 : index
    %get3A_1 = vector.load %arg2[%get3A, %get3A_0] : memref<400x128xf32, #tpu.memory_space<vmem>>, vector<400x128xf32>
    %mul3A = arith.constant 3.125000e-02 : f32
    %mul3A_2 = vector.broadcast %mul3A : f32 to vector<400x128xf32>
    %mul3A_3 = arith.mulf %get3A_1, %mul3A_2 : vector<400x128xf32>
    %get3A_4 = arith.constant 0 : index
    %get3A_5 = arith.constant 0 : index
    %get3A_6 = vector.load %arg1[%get3A_4, %get3A_5] : memref<400x128xf32, #tpu.memory_space<vmem>>, vector<400x128xf32>
    %get3A_7 = arith.constant 0 : index
    %get3A_8 = arith.constant 0 : index
    %get3A_9 = vector.load %arg3[%get3A_7, %get3A_8] : memref<128x128xf32, #tpu.memory_space<vmem>>, vector<128x128xf32>
    %dot_general3A = arith.constant dense<0.000000e+00> : vector<400x128xf32>
    %dot_general3A_10 = tpu.matmul %get3A_6, %get3A_9, %dot_general3A {dimension_numbers = #tpu.dot_dimension_numbers<[1], [0], [0], [1], [0, 0, 1, 1], [], []>, transpose_lhs_hint = false} : vector<400x128xf32>, vector<128x128xf32>, vector<400x128xf32> -> vector<400x128xf32>
    %get3A_11 = arith.constant 0 : index
    %get3A_12 = arith.constant 0 : index
    %get3A_13 = vector.load %arg4[%get3A_11, %get3A_12] : memref<128x128xf32, #tpu.memory_space<vmem>>, vector<128x128xf32>
    %dot_general3A_14 = arith.constant dense<0.000000e+00> : vector<400x128xf32>
    %dot_general3A_15 = tpu.matmul %mul3A_3, %get3A_13, %dot_general3A_14 {dimension_numbers = #tpu.dot_dimension_numbers<[1], [0], [0], [1], [0, 0, 1, 1], [], []>, transpose_lhs_hint = false} : vector<400x128xf32>, vector<128x128xf32>, vector<400x128xf32> -> vector<400x128xf32>
    %add3A = arith.addf %dot_general3A_10, %dot_general3A_15 : vector<400x128xf32>
    %get3A_16 = arith.constant 0 : index
    %get3A_17 = arith.constant 0 : index
    %get3A_18 = vector.load %arg5[%get3A_16, %get3A_17] : memref<1x128xf32, #tpu.memory_space<vmem>>, vector<1x128xf32>
    %add3A_19 = vector.broadcast %get3A_18 : vector<1x128xf32> to vector<400x128xf32>
    %add3A_20 = arith.addf %add3A, %add3A_19 : vector<400x128xf32>
    %max3A = arith.constant 0.000000e+00 : f32
    %max3A_21 = vector.broadcast %max3A : f32 to vector<400x128xf32>
    %max3A_22 = arith.maximumf %add3A_20, %max3A_21 : vector<400x128xf32>
    %mul3A_23 = arith.mulf %max3A_22, %max3A_22 : vector<400x128xf32>
    %reduce_sum3A = arith.constant dense<0.000000e+00> : vector<400xf32>
    %reduce_sum3A_24 = vector.multi_reduction <add>, %mul3A_23, %reduce_sum3A [1] : vector<400x128xf32> to vector<400xf32>
    %broadcast_in_dim3A = vector.shape_cast %reduce_sum3A_24 : vector<400xf32> to vector<400x1xf32>
    %max3A_25 = arith.constant 1.000000e-24 : f32
    %max3A_26 = vector.broadcast %max3A_25 : f32 to vector<400x1xf32>
    %max3A_27 = arith.maximumf %broadcast_in_dim3A, %max3A_26 : vector<400x1xf32>
    %rsqrt3A = math.rsqrt %max3A_27 : vector<400x1xf32>
    %mul3A_28 = vector.broadcast %rsqrt3A : vector<400x1xf32> to vector<400x128xf32>
    %mul3A_29 = arith.mulf %max3A_22, %mul3A_28 : vector<400x128xf32>
    %swap3A = arith.constant 0 : index
    %swap3A_30 = arith.constant 0 : index
    %swap3A_31 = vector.load %arg6[%swap3A, %swap3A_30] : memref<400x128xf32, #tpu.memory_space<vmem>>, vector<400x128xf32>
    tpu.vector_store %arg6[%swap3A, %swap3A_30], %mul3A_29 {strides = array<i32>} : memref<400x128xf32, #tpu.memory_space<vmem>>, vector<400x128xf32>,
    return
  }
  func.func @transform_0(%arg0: i32) -> (i32, i32) {
    %add3A = arith.constant 21 : i32
    %add3A_0 = arith.addi %arg0, %add3A : i32
    %c0_i32 = arith.constant 0 : i32
    %c0_i32_1 = arith.constant 0 : i32
    return %add3A_0, %c0_i32 : i32, i32
  }
  func.func @transform_1(%arg0: i32) -> (i32, i32) {
    %c0_i32 = arith.constant 0 : i32
    %c0_i32_0 = arith.constant 0 : i32
    return %arg0, %c0_i32 : i32, i32
  }
  func.func @transform_2(%arg0: i32) -> (i32, i32) {
    %c0_i32 = arith.constant 0 : i32
    %c0_i32_0 = arith.constant 0 : i32
    %c0_i32_1 = arith.constant 0 : i32
    return %c0_i32, %c0_i32_0 : i32, i32
  }
  func.func @transform_3(%arg0: i32) -> (i32, i32) {
    %c0_i32 = arith.constant 0 : i32
    %c0_i32_0 = arith.constant 0 : i32
    %c0_i32_1 = arith.constant 0 : i32
    return %c0_i32, %c0_i32_0 : i32, i32
  }
  func.func @transform_4(%arg0: i32) -> (i32, i32) {
    %c0_i32 = arith.constant 0 : i32
    %c0_i32_0 = arith.constant 0 : i32
    %c0_i32_1 = arith.constant 0 : i32
    return %c0_i32, %c0_i32_0 : i32, i32
  }
  func.func @transform_5(%arg0: i32) -> (i32, i32) {
    %c0_i32 = arith.constant 0 : i32
    %c0_i32_0 = arith.constant 0 : i32
    return %arg0, %c0_i32 : i32, i32
  }
}

</mosaic_0001>

<sc_bundles>
// kernel: kernel.5.cloned.1.call-start
scs
__scs_entry_jumppad:
0x0: {  	(pc) =	sbr.rel $0x88, $3  }
0x1: {  	(tag) =	ssettag $0x0;
	lr =	simm.s32 $0x1  }
0x2: {  	[smem:$0x3F9B] =	sst lr;
	_ =	strace $0xD0000000  }
0x3: {  	_ = 	snop  }
0x4: {  	_ = 	snop  }
0x5: {  	_ = 	snop  }
0x6: {  	_ = 	snop  }
0x7: {  	_ = 	snop  }
__scs_overlays_trampoline_lowered:
0x8: {  	[smem:$0x3FAA] =	sst s0  }
0x9: {  	[smem:$0x3FAB] =	sst s1  }
0xa: {  	[smem:$0x3FAC] =	sst s2  }
0xb: {  	[smem:$0x3FAD] =	sst s3  }
0xc: {  	[smem:$0x3FAE] =	sst s4  }
0xd: {  	[smem:$0x3FAF] =	sst s5  }
0xe: {  	[smem:$0x3FB0] =	sst s6  }
0xf: {  	[smem:$0x3FB1] =	sst s7  }
0x10: {  	[smem:$0x3FB2] =	sst s8  }
0x11: {  	[smem:$0x3FB3] =	sst s9;
	s0 =	simm.s32 @!p0 $0x0  }
0x12: {  	s1 =	sld [smem:$0x3F99];
	s0 =	simm.s32 @p0 $0x1  }
0x13: {  	[smem:$0x3FB4] =	sst s0;
	s0 =	simm.s32 @!p1 $0x0  }
0x14: {  	s2 =	sld [smem:$0x3F98];
	s0 =	simm.s32 @p1 $0x1  }
0x15: {  	[smem:$0x3FB5] =	sst s0;
	s0 =	simm.s32 @!p2 $0x0  }
0x16: {  	s3 =	sld [smem:$0x3FDB];
	s0 =	simm.s32 @p2 $0x1  }
0x17: {  	s4 =	simm.s32 $0x1BF5;
	[smem:$0x3FB7] =	sst s0  }
0x18: {  	s0 =	sld [smem:$0x3F9A];
	_ =	swait.ge [sflag:s4], $0x0  }
0x19: {  	s7 =	sld [smem:$0x3F9B]  }
0x1a: {  	s8 =	sadd.s32 $0xFFFFE003, lr  }
0x1b: {  	s9 =	sadd.s32 $0xFFFFFEF7, lr;
	s5 =	simm.s32 $0xFFFFFFFF;
	p2 =	slt.u32 s8, $0xFFFFF086  }
0x1c: {  	p1 =	slt.u32 s9, $0xF7A;
	s5 =	simm.s32 @!p2 $0x0  }
0x1d: {  	s5 =	simm.s32 @p1 $0x1;
	p0 =	seq.s32 s7, s2  }
0x1e: {  	s7 =	smul.u32 @!p0 $0xF7A, s2;
	p2 =	seq.s32 @!p0 s5, $0x0  }
0x1f: {  	s9 =	smul.u32 $0xF7A, s1;
	s8 =	simm.s32 @!p0 $0x1BF5;
	p2 =	por !p2, p0  }
0x20: {  	[sflag:s8] =	ssyncset.s32 @!p0 $0xFFFFF086;
	s6 =	sadd.s32 @!p0 s3, s7;
	s7 =	simm.s32 @!p0 $0x108  }
0x21: {  	s3 =	sadd.s32 s3, s9;
	s6 =	sadd.s32 @!p0 $0x88, s6;
	s7 =	simm.s32 @p2 $0x1082  }
0x22: {  	[simem:s7], [sflag:s8] =	dma.local @!p0 [hbm:s6], $0xF7A  }
0x23: {  	s9 =	sor.u32 $0xD0000000, s2;
	s6 =	simm.s32 $0x108;
	_ =	swait.ge @!p0 [sflag:s8], $0x0  }
0x24: {  	s3 =	sadd.s32 $0x88, s3;
	s6 =	simm.s32 @!p1 $0x1082;
	[sflag:s4] =	ssyncset.s32 $0xFFFFF086  }
0x25: {  	[simem:s6], [sflag:s4] =	dma.local [hbm:s3], $0xF7A  }
0x26: {  	[smem:$0x3F9B] =	sst s1;
	(tag) =	ssettag s2;
	_ =	strace s9  }
0x27: {  	s1 =	sld [smem:$0x3FAB]  }
0x28: {  	s2 =	sld [smem:$0x3FAC]  }
0x29: {  	s4 =	sld [smem:$0x3FAE]  }
0x2a: {  	p0 =	seq.s32 s5, $0x0;
	s5 =	sld [smem:$0x3FAF]  }
0x2b: {  	s6 =	sld [smem:$0x3FB0]  }
0x2c: {  	s7 =	sld [smem:$0x3FB1]  }
0x2d: {  	s3 =	simm.s32 $0x108;
	s8 =	sld [smem:$0x3FB2]  }
0x2e: {  	s3 =	simm.s32 @!p0 $0x1082;
	s9 =	sld [smem:$0x3FB3]  }
0x2f: {  	lr =	sadd.s32 s0, s3;
	s0 =	sld [smem:$0x3FAA]  }
0x30: {  	s3 =	sld [smem:$0x3FAD]  }
0x31: {  	[smem:$0x3FB6] =	sst s10  }
0x32: {  	s10 =	sld [smem:$0x3FB4];
	_ =	sdelay $0x3  }
0x33: {  	p0 =	seq.s32 s10, $0x1;
	s10 =	sld [smem:$0x3FB6];
	_ =	sdelay $0x3  }
0x34: {  	[smem:$0x3FB6] =	sst s10  }
0x35: {  	s10 =	sld [smem:$0x3FB5];
	_ =	sdelay $0x3  }
0x36: {  	p1 =	seq.s32 s10, $0x1;
	s10 =	sld [smem:$0x3FB6];
	_ =	sdelay $0x3  }
0x37: {  	[smem:$0x3FB6] =	sst s10  }
0x38: {  	s10 =	sld [smem:$0x3FB7]  }
0x39: {  	_ = 	snop;
	(pc) =	sbr.ind lr, $3  }
0x3a: {  	_ = 	snop  }
0x3b: {  	_ = 	snop  }
0x3c: {  	p2 =	seq.s32 s10, $0x1;
	s10 =	sld [smem:$0x3FB6]  }
0x3d: {  	_ =	shalt  }
0x3e: {  	_ =	shalt  }
0x3f: {  	_ =	shalt  }
0x40: {  	_ =	shalt  }
0x41: {  	_ =	shalt  }
0x42: {  	_ =	shalt  }
0x43: {  	_ =	shalt  }
0x44: {  	_ =	shalt  }
0x45: {  	_ =	shalt  }
0x46: {  	_ =	shalt  }
0x47: {  	_ =	shalt  }
0x48: {  	_ =	shalt  }
0x49: {  	_ =	shalt  }
0x4a: {  	_ =	shalt  }
0x4b: {  	_ =	shalt  }
0x4c: {  	_ =	shalt  }
0x4d: {  	_ =	shalt  }
0x4e: {  	_ =	shalt  }
0x4f: {  	_ =	shalt  }
0x50: {  	_ =	shalt  }
0x51: {  	_ =	shalt  }
0x52: {  	_ =	shalt  }
0x53: {  	_ =	shalt  }
0x54: {  	_ =	shalt  }
0x55: {  	_ =	shalt  }
0x56: {  	_ =	shalt  }
0x57: {  	_ =	shalt  }
0x58: {  	_ =	shalt  }
0x59: {  	_ =	shalt  }
0x5a: {  	_ =	shalt  }
0x5b: {  	_ =	shalt  }
0x5c: {  	_ =	shalt  }
0x5d: {  	_ =	shalt  }
0x5e: {  	_ =	shalt  }
0x5f: {  	_ =	shalt  }
0x60: {  	_ =	shalt  }
0x61: {  	_ =	shalt  }
0x62: {  	_ =	shalt  }
0x63: {  	_ =	shalt  }
0x64: {  	_ =	shalt  }
0x65: {  	_ =	shalt  }
0x66: {  	_ =	shalt  }
0x67: {  	_ =	shalt  }
0x68: {  	_ =	shalt  }
0x69: {  	_ =	shalt  }
0x6a: {  	_ =	shalt  }
0x6b: {  	_ =	shalt  }
0x6c: {  	_ =	shalt  }
0x6d: {  	_ =	shalt  }
0x6e: {  	_ =	shalt  }
0x6f: {  	_ =	shalt  }
0x70: {  	_ =	shalt  }
0x71: {  	_ =	shalt  }
0x72: {  	_ =	shalt  }
0x73: {  	_ =	shalt  }
0x74: {  	_ =	shalt  }
0x75: {  	_ =	shalt  }
0x76: {  	_ =	shalt  }
0x77: {  	_ =	shalt  }
0x78: {  	_ =	shalt  }
0x79: {  	_ =	shalt  }
0x7a: {  	_ =	shalt  }
0x7b: {  	_ =	shalt  }
0x7c: {  	_ =	shalt  }
0x7d: {  	_ =	shalt  }
0x7e: {  	_ =	shalt  }
0x7f: {  	_ =	shalt  }
0x80: {  	_ =	shalt  }
0x81: {  	_ =	shalt  }
0x82: {  	_ =	shalt  }
0x83: {  	_ =	shalt  }
0x84: {  	_ =	shalt  }
0x85: {  	_ =	shalt  }
0x86: {  	_ =	shalt  }
0x87: {  	_ =	shalt  }
.Lfunc_end0:
.L_simem_size_0:
called_computation_lowered:
.L_overlay_start_0:
0x88: {  	s2 =	sld [smem:$0x3FD9]  }
0x89: {  	s3 =	sld [smem:$0x3FFE];
	_ =	sdelay $0x1  }
0x8a: {  	s1 =	srdreg.scid  }
0x8b: {  	s0 =	sand.u32 $0x1, s1  }
0x8c: {  	s18 =	sshll.u32 s0, $0xA;
	s2 =	sadd.s32 s3, s2  }
0x8d: {  	s2 =	sadd.s32 s2, s18  }
0x8e: {  	[smem:$0x3FC2] =	sst s2  }
0x8f: {  	_ = 	snop  }
0x90: {  	s2 =	sld [smem:$0x3FC8]  }
0x91: {  	s19 =	sld [smem:$0x3FD0];
	(tm) =	ssettm $0x1  }
0x92: {  	s4 =	sld [smem:$0x3FFB];
	_ =	sdelay $0x3  }
0x93: {  	_ =	strace s4  }
0x94: {  	s4 =	sld [smem:$0x3FFC];
	_ =	sdelay $0x3  }
0x95: {  	_ =	strace s4  }
0x96: {  	s4 =	sld [smem:$0x3FFD];
	_ =	sdelay $0x3  }
0x97: {  	_ =	strace s4  }
0x98: {  	_ =	strace $0x8FFFFFFF  }
0x99: {  	s20 =	sld [smem:$0x3FDB];
	_ =	sdelay $0x1  }
0x9a: {  	s5 =	simm.s32 $_scs_section_size  }
0x9b: {  	s6 =	simm.s32 $_size__tile_overlayer_lowered;
	s7 =	simm.s32 $_tile_overlayer_lowered  }
0x9c: {  	s23 =	simm.s32 $0x1BFF;
	s22 =	sshll.u32 s7, $0x1;
	s4 =	sadd.s32 s5, s20  }
0x9d: {  	s8 =	simm.s32 $0x0;
	s21 =	sshll.u32 s6, $0x1;
	s6 =	sadd.s32 s22, s4  }
0x9e: {  	[timem:s8], [sflag:s23] =	dma.local [hbm:s6], s21  }
0x9f: {  	_ =	swait.ge [sflag:s23], s21  }
0xa0: {  	s5 =	ssub.s32 $0x0, s21;
	[sflag:s23] =	ssyncset.done $0x0  }
0xa1: {  	[sflag:s23] =	ssyncadd.s32 s5;
	_ =	sdelay $0x1  }
0xa2: {  	s24 =	simm.s32 $0x1B8B  }
0xa3: {  	_ =	swait.ge [sflag:s24], $0x1  }
0xa4: {  	[sflag:s24] =	ssyncset.done $0x0  }
0xa5: {  	s25 =	simm.s32 $0x1B8E;
	[sflag:s24] =	ssyncadd.s32 $0xFFFFFFFF  }
0xa6: {  	s26 =	simm.s32 $execute0_lowered;
	[smem:$0x3FD2] =	sst s25  }
0xa7: {  	s5 =	sshll.u32 s26, $0x1;
	_ =	strace $0x80000046;
	[dreg:$0x1] =	wrdreg $0xFFFFFFFF  }
0xa8: {  	s28 =	simm.s32 $_size_execute0_lowered;
	s4 =	sadd.s32 s4, s5;
	[dreg:$0x0] =	wrdreg $0x0  }
0xa9: {  	s5 =	sshll.u32 s28, $0x1;
	[dreg:$0x2] =	wrdreg s4  }
0xaa: {  	[dreg:$0x3] =	wrdreg s5  }
0xab: {  	[dreg:$0x4] =	wrdreg $0xC0  }
0xac: {  	_ =	task [dreg:s8], $0x5FFFF  }
0xad: {  	[dreg:$0x1] =	wrdreg $0xFFFFFFFF  }
0xae: {  	[dreg:$0x0] =	wrdreg $0x60  }
0xaf: {  	[dreg:$0x2] =	wrdreg s2  }
0xb0: {  	[dreg:$0x3] =	wrdreg s19  }
0xb1: {  	[dreg:$0x4] =	wrdreg $0x9  }
0xb2: {  	_ =	task.clear_ibuf [dreg:s8], $0x5FFFF;
	_ =	strace $0x90000046  }
0xb3: {  	s29 =	simm.s32 $0x9;
	_ =	strace $0x80000048  }
0xb4: {  	_ =	swait.ge [sflag:s29], $0x1  }
0xb5: {  	[sflag:s29] =	ssyncadd.s32 $0xFFFFFFFF  }
0xb6: {  	_ =	strace $0x90000048  }
0xb7: {  	_ =	sfence  }
0xb8: {  	s30 =	sld [smem:$0x0];
	_ =	sdelay $0x2  }
0xb9: {  	s31 =	sshll.u32 s1, $0xD;
	s1 =	sshrl.u32 s1, $0x2  }
0xba: {  	s3 =	sand.u32 $0x4000, s31;
	s1 =	sadd.s32 s1, s30  }
0xbb: {  	s0 =	sor.u32 s3, s0;
	s1 =	sshll.u32 s1, $0x11  }
0xbc: {  	s0 =	sor.u32 s1, s0  }
0xbd: {  	s0 =	sadd.s32 $0x8F2B, s0  }
0xbe: {  	[sflag:s0] =	ssyncadd.remote.s32 $0x1  }
0xbf: {  	_ =	sfence.sel $0xFFFF  }
0xc0: {  	[dreg:$0x0] =	wrdreg $0xFFFFFFFF;
	(pc) =	sbr.abs _section_cstart, $3  }
0xc1: {  	[dreg:$0x1] =	wrdreg $0xFFFFFFFF  }
0xc2: {  	_ =	task.clear_ibuf [dreg:s8], $0x2FFFF;
	_ =	strace $0x9FFFFFFF  }
0xc3: {  	(tm) =	ssettm $0x7FFFFFFF  }
tec
execute0_lowered:
.L_overlay_start_1:
0x0: {  	(tag) =	ssettag $0x1  }
0x1: {  	s7 =	rddreg [dreg:$0x0]  }
0x2: {  	s2 =	rddreg [dreg:$0x1]  }
0x3: {  	s0 =	rddreg [dreg:$0x2];
	s3 =	simm.s32 $0x0  }
0x4: {  	s4 =	srdreg.scid;
	s1 =	stileid.u32;
	s11 =	simm.s32 $0x8000  }
0x5: {  	s12 =	simm.s32 $0x1;
	s13 =	simm.s32 $0x2;
	s14 =	simm.s32 $0x3  }
0x6: {  	s15 =	simm.s32 $0x0;
	[smem:$0x7FF] =	sst s3;
	s4 =	sand.u32 $0x1, s4  }
.Ltmp0:
0x7: {  	s5 =	sshll.u32 s1, $0x1;
	s6 =	ssub.s32 $0x2, s4;
	(pc) =	sbr.rel .LBB2_1-.Ltmp0, $4  }
0x8: {  	_ =	strace $0x80000047;
	s4 =	sor.u32 s4, s5;
	s8 =	sshrl.u32 s6, $0x1  }
0x9: {  	s5 =	sadd.s32 $0x41A000, s7;
	s9 =	sshll.u32 s4, $0xC;
	s10 =	ssub.s32 s6, s8  }
0xa: {  	s6 =	sadd.s32 s9, s5;
	s7 =	sadd.s32 s9, s7;
	s8 =	sor.u32 $0x40, s4  }
0xb: {  	s9 =	sor.u32 $0x60, s4;
	s7 =	sadd.s32 $0x43A000, s7;
	s10 =	smax.u32 s10, $0x1  }
.LBB2_8:
0xc: {  	_ =	swait.ge [sflag:s14], $0x400  }
0xd: {  	[sflag:s14] =	ssyncset.done $0x0  }
0xe: {  	[sflag:s14] =	ssyncadd.s32 $0xFFFFFC00  }
0xf: {  	_ =	swait.ge [sflag:s14], $0x400  }
0x10: {  	[sflag:s14] =	ssyncset.done $0x0  }
0x11: {  	[sflag:s14] =	ssyncadd.s32 $0xFFFFFC00  }
0x12: {  	_ =	swait.ge [sflag:s14], $0x400  }
0x13: {  	[sflag:s14] =	ssyncset.done $0x0  }
0x14: {  	[sflag:s14] =	ssyncadd.s32 $0xFFFFFC00  }
0x15: {  	_ =	swait.ge [sflag:s14], $0x400  }
0x16: {  	[sflag:s14] =	ssyncset.done $0x0  }
0x17: {  	[sflag:s14] =	ssyncadd.s32 $0xFFFFFC00  }
0x18: {  	_ =	swait.ge [sflag:s14], $0x400  }
0x19: {  	[sflag:s14] =	ssyncset.done $0x0  }
0x1a: {  	[sflag:s14] =	ssyncadd.s32 $0xFFFFFC00  }
0x1b: {  	_ =	swait.ge [sflag:s14], $0x400  }
0x1c: {  	[sflag:s14] =	ssyncset.done $0x0  }
0x1d: {  	s15 =	sadd.s32 $0x1, s15;
	[sflag:s14] =	ssyncadd.s32 $0xFFFFFC00  }
0x1e: {  	p0 =	sne.s32 s15, s10;
	_ =	swait.ge [sflag:s14], $0x400  }
.Ltmp1:
0x1f: {  	[sflag:s14] =	ssyncset.done $0x0;
	(pc) =	sbr.rel @!p0 .LBB2_9-.Ltmp1, $4  }
0x20: {  	[sflag:s14] =	ssyncadd.s32 $0xFFFFFC00  }
0x21: {  	_ =	swait.ge [sflag:s14], $0x400  }
0x22: {  	[sflag:s14] =	ssyncset.done $0x0  }
0x23: {  	[sflag:s14] =	ssyncadd.s32 $0xFFFFFC00  }
.LBB2_1:
0x24: {  	[tilespmem:s3], [sflag:$0x1] =	stream.linear.gather [hbm4b:s6+s3], $0x8000, $0x38;
	[tilespmem:$0x12000] =	vst v63  }
0x25: {  	s16 =	simm.s32 $0x0  }
0x26: {  	[tilespmem:s11], [sflag:$0x2] =	stream.linear.gather [hbm4b:s7+s3], $0x8000, $0x38;
	[tilespmem:$0x12000] =	vst v63  }
.LBB2_2:
0x27: {  	s17 =	sshll.u32 s16, $0xB  }
0x28: {  	_ =	swait.ge [sflag:s12], $0x8000;
	s17 =	sand.u32 $0x3FFFF800, s17  }
0x29: {  	[sflag:s12] =	ssyncset.done $0x0;
	s18 =	sadd.s32 $0x10000, s17  }
0x2a: {  	[sflag:s12] =	ssyncadd.s32 $0xFFFF8000;
	s17 =	simm.s32 $0x0;
	v33 =	vmov s18  }
.LBB2_3:
0x2b: {  	s19 =	sshll.u32 s17, $0xC  }
0x2c: {  	s19 =	sand.u32 $0x3FFFF000, s19  }
0x2d: {  	v63 =	vld [tilespmem:s19+$0x3E0];
	_ =	sdelay $0x4  }
0x2e: {  	[tilespmem:$0x1FA50] =	vst v63;
	v63 =	vld [tilespmem:s19+$0x3F0];
	_ =	sdelay $0x4  }
0x2f: {  	[tilespmem:$0x1FA60] =	vst v63;
	v63 =	vld [tilespmem:s19+$0x400];
	_ =	sdelay $0x4  }
0x30: {  	[tilespmem:$0x1FA70] =	vst v63;
	v63 =	vld [tilespmem:s19+$0x410];
	_ =	sdelay $0x4  }
0x31: {  	[tilespmem:$0x1FA80] =	vst v63;
	v63 =	vld [tilespmem:s19+$0x420];
	_ =	sdelay $0x4  }
0x32: {  	[tilespmem:$0x1FA90] =	vst v63;
	v63 =	vld [tilespmem:s19+$0x430];
	_ =	sdelay $0x4  }
0x33: {  	[tilespmem:$0x1FAA0] =	vst v63;
	v63 =	vld [tilespmem:s19+$0x440];
	_ =	sdelay $0x4  }
0x34: {  	[tilespmem:$0x1FAB0] =	vst v63;
	v63 =	vld [tilespmem:s19+$0x450];
	_ =	sdelay $0x4  }
0x35: {  	[tilespmem:$0x1FAC0] =	vst v63;
	v63 =	vld [tilespmem:s19+$0x460];
	_ =	sdelay $0x4  }
0x36: {  	[tilespmem:$0x1FAD0] =	vst v63;
	v63 =	vld [tilespmem:s19+$0x470];
	_ =	sdelay $0x4  }
0x37: {  	[tilespmem:$0x1FAE0] =	vst v63;
	v63 =	vld [tilespmem:s19+$0x480];
	_ =	sdelay $0x4  }
0x38: {  	[tilespmem:$0x1FAF0] =	vst v63;
	v63 =	vld [tilespmem:s19+$0x490];
	_ =	sdelay $0x4  }
0x39: {  	[tilespmem:$0x1FB00] =	vst v63;
	v63 =	vld [tilespmem:s19+$0x4A0];
	_ =	sdelay $0x4  }
0x3a: {  	[tilespmem:$0x1FB10] =	vst v63;
	v63 =	vld [tilespmem:s19+$0x4B0];
	_ =	sdelay $0x4  }
0x3b: {  	[tilespmem:$0x1FB20] =	vst v63;
	v63 =	vld [tilespmem:s19+$0x4C0];
	_ =	sdelay $0x4  }
0x3c: {  	[tilespmem:$0x1FB30] =	vst v63;
	v63 =	vld [tilespmem:s19+$0x4D0];
	_ =	sdelay $0x4  }
0x3d: {  	[tilespmem:$0x1FB40] =	vst v63;
	v63 =	vld [tilespmem:s19+$0x4E0];
	_ =	sdelay $0x4  }
0x3e: {  	[tilespmem:$0x1FB50] =	vst v63;
	v63 =	vld [tilespmem:s19+$0x4F0];
	_ =	sdelay $0x4  }
0x3f: {  	[tilespmem:$0x1FB60] =	vst v63;
	v63 =	vld [tilespmem:s19+$0x500];
	_ =	sdelay $0x4  }
0x40: {  	[tilespmem:$0x1FB70] =	vst v63;
	v63 =	vld [tilespmem:s19+$0x510];
	_ =	sdelay $0x4  }
0x41: {  	[tilespmem:$0x1FB80] =	vst v63;
	v63 =	vld [tilespmem:s19+$0x520];
	_ =	sdelay $0x4  }
0x42: {  	[tilespmem:$0x1FB90] =	vst v63;
	v63 =	vld [tilespmem:s19+$0x530];
	_ =	sdelay $0x4  }
0x43: {  	[tilespmem:$0x1FBA0] =	vst v63;
	v63 =	vld [tilespmem:s19+$0x540];
	_ =	sdelay $0x3  }
0x44: {  	v17 =	vld [tilespmem:s19+$0x0]  }
0x45: {  	[tilespmem:$0x1FBB0] =	vst v63;
	v63 =	vld [tilespmem:s19+$0x550]  }
0x46: {  	v18 =	vld [tilespmem:s19+$0x10]  }
0x47: {  	v21 =	vld [tilespmem:s19+$0x20]  }
0x48: {  	v22 =	vld [tilespmem:s19+$0x30]  }
0x49: {  	v25 =	vld [tilespmem:s19+$0x40]  }
0x4a: {  	[tilespmem:$0x1FBC0] =	vst v63;
	v63 =	vld [tilespmem:s19+$0x560]  }
0x4b: {  	v26 =	vld [tilespmem:s19+$0x50]  }
0x4c: {  	v29 =	vld [tilespmem:s19+$0x60]  }
0x4d: {  	v30 =	vld [tilespmem:s19+$0x70]  }
0x4e: {  	v1 =	vld [tilespmem:s19+$0x80]  }
0x4f: {  	[tilespmem:$0x1FBD0] =	vst v63;
	v63 =	vld [tilespmem:s19+$0x570]  }
0x50: {  	v2 =	vld [tilespmem:s19+$0x90]  }
0x51: {  	v3 =	vld [tilespmem:s19+$0xA0]  }
0x52: {  	v4 =	vld [tilespmem:s19+$0xB0]  }
0x53: {  	v5 =	vld [tilespmem:s19+$0xC0]  }
0x54: {  	[tilespmem:$0x1FBE0] =	vst v63;
	v63 =	vld [tilespmem:s19+$0x580]  }
0x55: {  	v6 =	vld [tilespmem:s19+$0xD0]  }
0x56: {  	v7 =	vld [tilespmem:s19+$0xE0]  }
0x57: {  	v8 =	vld [tilespmem:s19+$0xF0]  }
0x58: {  	v9 =	vld [tilespmem:s19+$0x100]  }
0x59: {  	[tilespmem:$0x1FBF0] =	vst v63;
	v63 =	vld [tilespmem:s19+$0x590]  }
0x5a: {  	v10 =	vld [tilespmem:s19+$0x110]  }
0x5b: {  	v11 =	vld [tilespmem:s19+$0x120]  }
0x5c: {  	v12 =	vld [tilespmem:s19+$0x130]  }
0x5d: {  	v13 =	vld [tilespmem:s19+$0x140]  }
0x5e: {  	[tilespmem:$0x1FC00] =	vst v63;
	v63 =	vld [tilespmem:s19+$0x5A0]  }
0x5f: {  	v14 =	vld [tilespmem:s19+$0x150]  }
0x60: {  	v15 =	vld [tilespmem:s19+$0x160]  }
0x61: {  	v16 =	vld [tilespmem:s19+$0x170]  }
0x62: {  	v19 =	vld [tilespmem:s19+$0x180]  }
0x63: {  	[tilespmem:$0x1FC10] =	vst v63;
	v63 =	vld [tilespmem:s19+$0x5B0]  }
0x64: {  	v20 =	vld [tilespmem:s19+$0x190]  }
0x65: {  	v23 =	vld [tilespmem:s19+$0x1A0]  }
0x66: {  	v24 =	vld [tilespmem:s19+$0x1B0]  }
0x67: {  	v27 =	vld [tilespmem:s19+$0x1C0]  }
0x68: {  	[tilespmem:$0x1FC20] =	vst v63;
	v63 =	vld [tilespmem:s19+$0x5C0]  }
0x69: {  	v28 =	vld [tilespmem:s19+$0x1D0]  }
0x6a: {  	v31 =	vld [tilespmem:s19+$0x1E0]  }
0x6b: {  	v32 =	vld [tilespmem:s19+$0x1F0]  }
0x6c: {  	v54 =	vld [tilespmem:s19+$0x200]  }
0x6d: {  	[tilespmem:$0x1FC30] =	vst v63;
	v63 =	vld [tilespmem:s19+$0x5D0]  }
0x6e: {  	v57 =	vld [tilespmem:s19+$0x210]  }
0x6f: {  	v62 =	vld [tilespmem:s19+$0x220]  }
0x70: {  	v34 =	vld [tilespmem:s19+$0x230]  }
0x71: {  	v50 =	vld [tilespmem:s19+$0x240]  }
0x72: {  	[tilespmem:$0x1FC40] =	vst v63;
	v63 =	vld [tilespmem:s19+$0x5E0]  }
0x73: {  	v35 =	vld [tilespmem:s19+$0x250]  }
0x74: {  	v45 =	vld [tilespmem:s19+$0x260]  }
0x75: {  	v36 =	vld [tilespmem:s19+$0x270]  }
0x76: {  	v39 =	vld [tilespmem:s19+$0x280]  }
0x77: {  	[tilespmem:$0x1FC50] =	vst v63;
	v63 =	vld [tilespmem:s19+$0x5F0]  }
0x78: {  	v37 =	vld [tilespmem:s19+$0x290]  }
0x79: {  	v0 =	vld [tilespmem:s19+$0x2A0]  }
0x7a: {  	v38 =	vld [tilespmem:s19+$0x2B0]  }
0x7b: {  	v40 =	vld [tilespmem:s19+$0x2C0]  }
0x7c: {  	[tilespmem:$0x1FC60] =	vst v63;
	v63 =	vld [tilespmem:s19+$0x600]  }
0x7d: {  	v41 =	vld [tilespmem:s19+$0x2D0]  }
0x7e: {  	v42 =	vld [tilespmem:s19+$0x2E0]  }
0x7f: {  	v43 =	vld [tilespmem:s19+$0x2F0]  }
0x80: {  	v46 =	vld [tilespmem:s19+$0x300]  }
0x81: {  	[tilespmem:$0x1FC70] =	vst v63;
	v63 =	vld [tilespmem:s19+$0x610]  }
0x82: {  	v44 =	vld [tilespmem:s19+$0x310]  }
0x83: {  	v48 =	vld [tilespmem:s19+$0x320]  }
0x84: {  	v47 =	vld [tilespmem:s19+$0x330]  }
0x85: {  	v49 =	vld [tilespmem:s19+$0x340]  }
0x86: {  	[tilespmem:$0x1FC80] =	vst v63;
	v63 =	vld [tilespmem:s19+$0x620]  }
0x87: {  	v51 =	vld [tilespmem:s19+$0x350]  }
0x88: {  	v53 =	vld [tilespmem:s19+$0x360]  }
0x89: {  	v52 =	vld [tilespmem:s19+$0x370]  }
0x8a: {  	v55 =	vld [tilespmem:s19+$0x380]  }
0x8b: {  	[tilespmem:$0x1FC90] =	vst v63;
	v63 =	vld [tilespmem:s19+$0x630]  }
0x8c: {  	v56 =	vld [tilespmem:s19+$0x390]  }
0x8d: {  	v59 =	vld [tilespmem:s19+$0x3A0]  }
0x8e: {  	v58 =	vld [tilespmem:s19+$0x3B0]  }
0x8f: {  	v61 =	vld [tilespmem:s19+$0x3C0]  }
0x90: {  	[tilespmem:$0x1FCA0] =	vst v63;
	v63 =	vld [tilespmem:s19+$0x640]  }
0x91: {  	v60 =	vld [tilespmem:s19+$0x3D0]  }
0x92: {  	v4 =	vadd.f32 v4, v22;
	v22 =	vld [tilespmem:s19+$0x8A0]  }
0x93: {  	v6 =	vadd.f32 v6, v26;
	v26 =	vld [tilespmem:s19+$0x8B0]  }
0x94: {  	v8 =	vadd.f32 v8, v30;
	v30 =	vld [tilespmem:s19+$0x8C0]  }
0x95: {  	[tilespmem:$0x1FCB0] =	vst v63;
	v63 =	vld [tilespmem:s19+$0x650]  }
0x96: {  	v3 =	vadd.f32 v3, v21;
	v21 =	vld [tilespmem:s19+$0x8D0]  }
0x97: {  	v5 =	vadd.f32 v5, v25;
	v25 =	vld [tilespmem:s19+$0x8F0]  }
0x98: {  	v7 =	vadd.f32 v7, v29;
	v29 =	vld [tilespmem:s19+$0x910]  }
0x99: {  	v1 =	vadd.f32 v1, v17;
	v17 =	vld [tilespmem:s19+$0x9A0]  }
0x9a: {  	[tilespmem:$0x1FCC0] =	vst v63;
	v63 =	vld [tilespmem:s19+$0x660]  }
0x9b: {  	v2 =	vadd.f32 v2, v18;
	v18 =	vld [tilespmem:s19+$0x9B0]  }
0x9c: {  	v4 =	vadd.f32 v12, v4;
	v12 =	vld [tilespmem:s19+$0x930]  }
0x9d: {  	v5 =	vadd.f32 v13, v5;
	v13 =	vld [tilespmem:s19+$0x940]  }
0x9e: {  	v6 =	vadd.f32 v14, v6;
	v14 =	vld [tilespmem:s19+$0x970]  }
0x9f: {  	[tilespmem:$0x1FCD0] =	vst v63;
	v63 =	vld [tilespmem:s19+$0x670]  }
0xa0: {  	v7 =	vadd.f32 v15, v7;
	v15 =	vld [tilespmem:s19+$0x980]  }
0xa1: {  	v8 =	vadd.f32 v16, v8;
	v16 =	vld [tilespmem:s19+$0x990]  }
0xa2: {  	v1 =	vadd.f32 v9, v1;
	v9 =	vld [tilespmem:s19+$0xA00]  }
0xa3: {  	v4 =	vadd.f32 v24, v4;
	v24 =	vld [tilespmem:s19+$0x9D0]  }
0xa4: {  	[tilespmem:$0x1FCE0] =	vst v63;
	v63 =	vld [tilespmem:s19+$0x680]  }
0xa5: {  	v6 =	vadd.f32 v28, v6;
	v28 =	vld [tilespmem:$0x1FA50]  }
0xa6: {  	[tilespmem:$0x1FF00] =	vst v22;
	v22 =	vld [tilespmem:s19+$0x8E0]  }
0xa7: {  	v2 =	vadd.f32 v10, v2;
	[tilespmem:$0x1FF10] =	vst v26;
	v26 =	vld [tilespmem:s19+$0x900]  }
0xa8: {  	v3 =	vadd.f32 v11, v3;
	[tilespmem:$0x1FF20] =	vst v30;
	v30 =	vld [tilespmem:s19+$0x920]  }
0xa9: {  	v2 =	vadd.f32 v20, v2;
	[tilespmem:$0x1FCF0] =	vst v63;
	v63 =	vld [tilespmem:s19+$0x690]  }
0xaa: {  	v3 =	vadd.f32 v23, v3;
	[tilespmem:$0x1FF30] =	vst v21;
	v21 =	vld [tilespmem:s19+$0x9E0]  }
0xab: {  	v2 =	vadd.f32 v57, v2;
	v57 =	vld [tilespmem:s19+$0x950]  }
0xac: {  	v1 =	vadd.f32 v19, v1;
	v3 =	vadd.f32 v62, v3;
	v62 =	vld [tilespmem:s19+$0x960]  }
0xad: {  	v5 =	vadd.f32 v27, v5;
	v7 =	vadd.f32 v31, v7;
	v31 =	vld [tilespmem:$0x1FA60]  }
0xae: {  	v8 =	vadd.f32 v32, v8;
	v1 =	vadd.f32 v54, v1;
	[tilespmem:$0x1FD00] =	vst v63;
	v63 =	vld [tilespmem:s19+$0x6A0]  }
0xaf: {  	v4 =	vadd.f32 v34, v4;
	v5 =	vadd.f32 v50, v5;
	[tilespmem:$0x1FFC0] =	vst v15;
	v15 =	vld [tilespmem:s19+$0x9F0]  }
0xb0: {  	v6 =	vadd.f32 v35, v6;
	v3 =	vadd.f32 v0, v3;
	v0 =	vld [tilespmem:s19+$0xCC0]  }
0xb1: {  	v7 =	vadd.f32 v45, v7;
	v1 =	vadd.f32 v39, v1;
	[tilespmem:$0x1FF80] =	vst v30;
	v30 =	vld [tilespmem:s19+$0x9C0]  }
0xb2: {  	v2 =	vadd.f32 v37, v2;
	v19 =	vadd.f32 v48, v3;
	v3 =	vld [tilespmem:s19+$0xA10]  }
0xb3: {  	v4 =	vadd.f32 v38, v4;
	v1 =	vadd.f32 v46, v1;
	[tilespmem:$0x1FD10] =	vst v63;
	v63 =	vld [tilespmem:s19+$0x6B0]  }
0xb4: {  	v5 =	vadd.f32 v40, v5;
	v2 =	vadd.f32 v44, v2;
	v32 =	vld [tilespmem:$0x1FA70]  }
0xb5: {  	[tilespmem:$0x1FF40] =	vst v22;
	v4 =	vadd.f32 v47, v4;
	v22 =	vadd.f32 v55, v1;
	v1 =	vld [tilespmem:s19+$0xA20]  }
0xb6: {  	v6 =	vadd.f32 v41, v6;
	v23 =	vadd.f32 v56, v2;
	v2 =	vld [tilespmem:s19+$0xA30]  }
0xb7: {  	[tilespmem:$0x1FF50] =	vst v25;
	v5 =	vadd.f32 v49, v5;
	v25 =	vadd.f32 v58, v4;
	v4 =	vld [tilespmem:s19+$0xA40]  }
0xb8: {  	v7 =	vadd.f32 v42, v7;
	v6 =	vadd.f32 v51, v6;
	[tilespmem:$0x1FD20] =	vst v63;
	v63 =	vld [tilespmem:s19+$0x6C0]  }
0xb9: {  	[tilespmem:$0x1FF60] =	vst v26;
	v26 =	vadd.f32 v61, v5;
	v5 =	vld [tilespmem:s19+$0xA50]  }
0xba: {  	v7 =	vadd.f32 v53, v7;
	v27 =	vadd.f32 v60, v6;
	v6 =	vld [tilespmem:s19+$0xA60]  }
0xbb: {  	v35 =	vld [tilespmem:$0x1FA90]  }
0xbc: {  	[tilespmem:$0x1FF70] =	vst v29;
	v29 =	vadd.f32 v28, v7;
	v7 =	vld [tilespmem:s19+$0xA70]  }
0xbd: {  	[tilespmem:$0x1FD30] =	vst v63;
	v63 =	vld [tilespmem:s19+$0x6D0]  }
0xbe: {  	v10 =	vadd.f32 v59, v19;
	v34 =	vld [tilespmem:$0x1FA80]  }
0xbf: {  	v37 =	vld [tilespmem:$0x1FAA0]  }
0xc0: {  	v8 =	vadd.f32 v36, v8;
	v36 =	vadd.f32 v35, v10;
	v10 =	vld [tilespmem:s19+$0xA90]  }
0xc1: {  	v38 =	vld [tilespmem:$0x1FAB0]  }
0xc2: {  	v8 =	vadd.f32 v43, v8;
	[tilespmem:$0x1FD40] =	vst v63;
	v63 =	vld [tilespmem:s19+$0x6E0]  }
0xc3: {  	v41 =	vld [tilespmem:$0x1FAE0]  }
0xc4: {  	v8 =	vadd.f32 v52, v8;
	v39 =	vld [tilespmem:$0x1FAC0]  }
0xc5: {  	v43 =	vld [tilespmem:$0x1FAF0]  }
0xc6: {  	v8 =	vadd.f32 v31, v8;
	v40 =	vld [tilespmem:$0x1FAD0]  }
0xc7: {  	[tilespmem:$0x1FD50] =	vst v63;
	v63 =	vld [tilespmem:s19+$0x6F0]  }
0xc8: {  	v11 =	vadd.f32 v32, v22;
	v42 =	vadd.f32 v41, v8;
	v8 =	vld [tilespmem:s19+$0xA80]  }
0xc9: {  	v45 =	vld [tilespmem:$0x1FB00]  }
0xca: {  	v44 =	vadd.f32 v43, v11;
	v11 =	vld [tilespmem:s19+$0xAA0]  }
0xcb: {  	[tilespmem:$0x1FF90] =	vst v12;
	v47 =	vld [tilespmem:$0x1FB10]  }
0xcc: {  	v12 =	vadd.f32 v34, v23;
	[tilespmem:$0x1FD60] =	vst v63;
	v63 =	vld [tilespmem:s19+$0x700]  }
0xcd: {  	v48 =	vld [tilespmem:$0x1FB20]  }
0xce: {  	v46 =	vadd.f32 v45, v12;
	v12 =	vld [tilespmem:s19+$0xAB0]  }
0xcf: {  	v50 =	vld [tilespmem:$0x1FB30]  }
0xd0: {  	[tilespmem:$0x1FFA0] =	vst v13;
	v13 =	vadd.f32 v37, v25;
	v52 =	vld [tilespmem:$0x1FB40]  }
0xd1: {  	[tilespmem:$0x1FD70] =	vst v63;
	v63 =	vld [tilespmem:s19+$0x710]  }
0xd2: {  	[tilespmem:$0x1FFB0] =	vst v14;
	v14 =	vadd.f32 v38, v26;
	v49 =	vadd.f32 v48, v13;
	v13 =	vld [tilespmem:s19+$0xAC0]  }
0xd3: {  	[tilespmem:$0x1FFD0] =	vst v16;
	v16 =	vadd.f32 v39, v27;
	v54 =	vld [tilespmem:$0x1FB50]  }
0xd4: {  	v51 =	vadd.f32 v50, v14;
	v14 =	vld [tilespmem:s19+$0xAD0]  }
0xd5: {  	[tilespmem:$0x1FFE0] =	vst v17;
	v53 =	vadd.f32 v52, v16;
	v16 =	vld [tilespmem:s19+$0xAE0]  }
0xd6: {  	v17 =	vadd.f32 v40, v29;
	[tilespmem:$0x1FD80] =	vst v63;
	v63 =	vld [tilespmem:s19+$0x720]  }
0xd7: {  	v56 =	vld [tilespmem:$0x1FB60]  }
0xd8: {  	v55 =	vadd.f32 v54, v17;
	v17 =	vld [tilespmem:s19+$0xAF0]  }
0xd9: {  	v58 =	vld [tilespmem:$0x1FB70]  }
0xda: {  	v60 =	vld [tilespmem:$0x1FB90]  }
0xdb: {  	[tilespmem:$0x1FD90] =	vst v63;
	v63 =	vld [tilespmem:s19+$0x730]  }
0xdc: {  	v59 =	vld [tilespmem:$0x1FB80]  }
0xdd: {  	[tilespmem:$0x1FFF0] =	vst v18;
	v18 =	vadd.f32 v47, v36;
	v31 =	vld [tilespmem:$0x1FBA0]  }
0xde: {  	v32 =	vld [tilespmem:$0x1FBB0]  }
0xdf: {  	v61 =	vadd.f32 v60, v18;
	v18 =	vld [tilespmem:s19+$0xB00]  }
0xe0: {  	[tilespmem:$0x1FDA0] =	vst v63;
	v63 =	vld [tilespmem:s19+$0x740]  }
0xe1: {  	v34 =	vld [tilespmem:$0x1FBC0]  }
0xe2: {  	v35 =	vld [tilespmem:$0x1FBD0]  }
0xe3: {  	v25 =	vadd.f32 v32, v51;
	v32 =	vld [tilespmem:s19+$0xB30]  }
0xe4: {  	v36 =	vld [tilespmem:$0x1FBE0]  }
0xe5: {  	[tilespmem:$0x1FDB0] =	vst v63;
	v63 =	vld [tilespmem:s19+$0x750]  }
0xe6: {  	v26 =	vadd.f32 v34, v53;
	v34 =	vld [tilespmem:s19+$0xB40]  }
0xe7: {  	v19 =	vadd.f32 v56, v42;
	v27 =	vadd.f32 v35, v55;
	v35 =	vld [tilespmem:s19+$0xB50]  }
0xe8: {  	v38 =	vld [tilespmem:$0x1FBF0]  }
0xe9: {  	v37 =	vadd.f32 v36, v19;
	v19 =	vld [tilespmem:s19+$0xB10]  }
0xea: {  	[tilespmem:$0x1FDC0] =	vst v63;
	v63 =	vld [tilespmem:s19+$0x760]  }
0xeb: {  	v20 =	vadd.f32 v58, v44;
	v36 =	vld [tilespmem:s19+$0xB60]  }
0xec: {  	v40 =	vld [tilespmem:$0x1FC00]  }
0xed: {  	v39 =	vadd.f32 v38, v20;
	v20 =	vld [tilespmem:s19+$0xB20]  }
0xee: {  	v41 =	vld [tilespmem:$0x1FC10]  }
0xef: {  	[tilespmem:$0x1FDD0] =	vst v63;
	v63 =	vld [tilespmem:s19+$0x770]  }
0xf0: {  	v22 =	vadd.f32 v59, v46;
	v38 =	vld [tilespmem:s19+$0xB80]  }
0xf1: {  	v42 =	vld [tilespmem:$0x1FC20]  }
0xf2: {  	v22 =	vadd.f32 v40, v22;
	v40 =	vld [tilespmem:s19+$0xB90]  }
0xf3: {  	v28 =	vadd.f32 v41, v61;
	v41 =	vld [tilespmem:s19+$0xBA0]  }
0xf4: {  	v23 =	vadd.f32 v31, v49;
	[tilespmem:$0x1FDE0] =	vst v63;
	v63 =	vld [tilespmem:s19+$0x780]  }
0xf5: {  	v43 =	vld [tilespmem:$0x1FC30]  }
0xf6: {  	v23 =	vadd.f32 v42, v23;
	v42 =	vld [tilespmem:s19+$0xBB0]  }
0xf7: {  	v46 =	vld [tilespmem:$0x1FC60]  }
0xf8: {  	v44 =	vld [tilespmem:$0x1FC40]  }
0xf9: {  	[tilespmem:$0x1FDF0] =	vst v63;
	v63 =	vld [tilespmem:s19+$0x790]  }
0xfa: {  	v45 =	vld [tilespmem:$0x1FC50]  }
0xfb: {  	v47 =	vld [tilespmem:$0x1FC70]  }
0xfc: {  	v29 =	vadd.f32 v46, v37;
	v37 =	vld [tilespmem:s19+$0xB70]  }
0xfd: {  	v48 =	vld [tilespmem:$0x1FC80]  }
0xfe: {  	[tilespmem:$0x1FE00] =	vst v63;
	v63 =	vld [tilespmem:s19+$0x7A0]  }
0xff: {  	v49 =	vld [tilespmem:$0x1FC90]  }
0x100: {  	v50 =	vld [tilespmem:$0x1FCA0]  }
0x101: {  	v51 =	vld [tilespmem:$0x1FCB0]  }
0x102: {  	v52 =	vld [tilespmem:$0x1FCC0]  }
0x103: {  	[tilespmem:$0x1FE10] =	vst v63;
	v63 =	vld [tilespmem:s19+$0x7B0]  }
0x104: {  	v53 =	vld [tilespmem:$0x1FCD0]  }
0x105: {  	v54 =	vld [tilespmem:$0x1FCE0]  }
0x106: {  	v55 =	vld [tilespmem:$0x1FCF0]  }
0x107: {  	v56 =	vld [tilespmem:$0x1FD00]  }
0x108: {  	[tilespmem:$0x1FE20] =	vst v63;
	v63 =	vld [tilespmem:s19+$0x7C0]  }
0x109: {  	v58 =	vld [tilespmem:$0x1FD10]  }
0x10a: {  	v59 =	vld [tilespmem:$0x1FD20]  }
0x10b: {  	v25 =	vadd.f32 v43, v25;
	v43 =	vld [tilespmem:$0x1FD60]  }
0x10c: {  	v60 =	vld [tilespmem:$0x1FD30]  }
0x10d: {  	[tilespmem:$0x1FE30] =	vst v63;
	v63 =	vld [tilespmem:s19+$0x7D0]  }
0x10e: {  	v29 =	vadd.f32 v54, v29;
	v61 =	vld [tilespmem:$0x1FD40]  }
0x10f: {  	v31 =	vadd.f32 v47, v39;
	v39 =	vld [tilespmem:$0x1FD50]  }
0x110: {  	v29 =	vadd.f32 v43, v29;
	v43 =	vld [tilespmem:s19+$0xBC0]  }
0x111: {  	v26 =	vadd.f32 v44, v26;
	v44 =	vld [tilespmem:$0x1FD70]  }
0x112: {  	[tilespmem:$0x1FE40] =	vst v63;
	v63 =	vld [tilespmem:s19+$0x7E0]  }
0x113: {  	v27 =	vadd.f32 v45, v27;
	v45 =	vld [tilespmem:$0x1FD80]  }
0x114: {  	v31 =	vadd.f32 v55, v31;
	v46 =	vld [tilespmem:$0x1FD90]  }
0x115: {  	v28 =	vadd.f32 v49, v28;
	v47 =	vld [tilespmem:$0x1FDA0]  }
0x116: {  	v23 =	vadd.f32 v50, v23;
	v31 =	vadd.f32 v44, v31;
	v44 =	vld [tilespmem:s19+$0xBD0]  }
0x117: {  	v28 =	vadd.f32 v58, v28;
	[tilespmem:$0x1FE50] =	vst v63;
	v63 =	vld [tilespmem:s19+$0x7F0]  }
0x118: {  	v22 =	vadd.f32 v48, v22;
	v23 =	vadd.f32 v59, v23;
	v48 =	vld [tilespmem:$0x1FDB0]  }
0x119: {  	v25 =	vadd.f32 v51, v25;
	v28 =	vadd.f32 v46, v28;
	v46 =	vld [tilespmem:s19+$0xBE0]  }
0x11a: {  	v23 =	vadd.f32 v47, v23;
	v47 =	vld [tilespmem:s19+$0xBF0]  }
0x11b: {  	v25 =	vadd.f32 v60, v25;
	v49 =	vld [tilespmem:$0x1FDC0]  }
0x11c: {  	[tilespmem:$0x1FE60] =	vst v63;
	v63 =	vld [tilespmem:s19+$0x800]  }
0x11d: {  	v25 =	vadd.f32 v48, v25;
	v48 =	vld [tilespmem:s19+$0xC00]  }
0x11e: {  	v26 =	vadd.f32 v52, v26;
	v51 =	vld [tilespmem:$0x1FDE0]  }
0x11f: {  	v50 =	vld [tilespmem:$0x1FDD0]  }
0x120: {  	v26 =	vadd.f32 v61, v26;
	v52 =	vld [tilespmem:$0x1FDF0]  }
0x121: {  	[tilespmem:$0x1FE70] =	vst v63;
	v63 =	vld [tilespmem:s19+$0x810]  }
0x122: {  	v26 =	vadd.f32 v49, v26;
	v49 =	vld [tilespmem:s19+$0xC10]  }
0x123: {  	v29 =	vadd.f32 v51, v29;
	v51 =	vld [tilespmem:s19+$0xC20]  }
0x124: {  	v27 =	vadd.f32 v53, v27;
	v53 =	vld [tilespmem:$0x1FE00]  }
0x125: {  	v31 =	vadd.f32 v52, v31;
	v52 =	vld [tilespmem:s19+$0xC30]  }
0x126: {  	v22 =	vadd.f32 v56, v22;
	[tilespmem:$0x1FE80] =	vst v63;
	v63 =	vld [tilespmem:s19+$0x820]  }
0x127: {  	v55 =	vld [tilespmem:$0x1FE20]  }
0x128: {  	v22 =	vadd.f32 v45, v22;
	v54 =	vld [tilespmem:$0x1FE10]  }
0x129: {  	v56 =	vld [tilespmem:$0x1FE30]  }
0x12a: {  	v22 =	vadd.f32 v53, v22;
	v53 =	vld [tilespmem:s19+$0xC40]  }
0x12b: {  	[tilespmem:$0x1FE90] =	vst v63;
	v63 =	vld [tilespmem:s19+$0x830]  }
0x12c: {  	v23 =	vadd.f32 v55, v23;
	v55 =	vld [tilespmem:s19+$0xC50]  }
0x12d: {  	v58 =	vld [tilespmem:$0x1FE40]  }
0x12e: {  	v25 =	vadd.f32 v56, v25;
	v56 =	vld [tilespmem:s19+$0xC60]  }
0x12f: {  	v59 =	vld [tilespmem:$0x1FE50]  }
0x130: {  	[tilespmem:$0x1FEA0] =	vst v63;
	v63 =	vld [tilespmem:s19+$0x840]  }
0x131: {  	v60 =	vld [tilespmem:$0x1FE60]  }
0x132: {  	v27 =	vadd.f32 v39, v27;
	v39 =	vld [tilespmem:$0x1FE80]  }
0x133: {  	v45 =	vld [tilespmem:$0x1FE90]  }
0x134: {  	v61 =	vld [tilespmem:$0x1FE70]  }
0x135: {  	[tilespmem:$0x1FEB0] =	vst v63;
	v63 =	vld [tilespmem:s19+$0x850]  }
0x136: {  	v27 =	vadd.f32 v50, v27;
	v28 =	vadd.f32 v54, v28;
	v50 =	vld [tilespmem:$0x1FEA0]  }
0x137: {  	v22 =	vadd.f32 v39, v22;
	v39 =	vld [tilespmem:$0x1FF10]  }
0x138: {  	v28 =	vadd.f32 v45, v28;
	v45 =	vld [tilespmem:$0x1FF20]  }
0x139: {  	v54 =	vld [tilespmem:$0x1FEB0]  }
0x13a: {  	[tilespmem:$0x1FEC0] =	vst v63;
	v63 =	vld [tilespmem:s19+$0x860]  }
0x13b: {  	v23 =	vadd.f32 v50, v23;
	v50 =	vld [tilespmem:$0x1FF30]  }
0x13c: {  	v26 =	vadd.f32 v58, v26;
	v58 =	vld [tilespmem:$0x1FEC0]  }
0x13d: {  	v23 =	vadd.f32 v39, v23;
	v39 =	vld [tilespmem:$0x1FF50]  }
0x13e: {  	v25 =	vadd.f32 v54, v25;
	v54 =	vld [tilespmem:$0x1FF40]  }
0x13f: {  	[tilespmem:$0x1FED0] =	vst v63;
	v63 =	vld [tilespmem:s19+$0x870]  }
0x140: {  	v25 =	vadd.f32 v45, v25;
	v45 =	vld [tilespmem:$0x1FF60]  }
0x141: {  	v26 =	vadd.f32 v58, v26;
	v58 =	vld [tilespmem:s19+$0xC70]  }
0x142: {  	v27 =	vadd.f32 v59, v27;
	v59 =	vld [tilespmem:$0x1FED0]  }
0x143: {  	v26 =	vadd.f32 v50, v26;
	v50 =	vld [tilespmem:$0x1FF70]  }
0x144: {  	[tilespmem:$0x1FEE0] =	vst v63;
	v63 =	vld [tilespmem:s19+$0x880]  }
0x145: {  	v26 =	vadd.f32 v57, v26;
	v57 =	vld [tilespmem:s19+$0xD10]  }
0x146: {  	v29 =	vadd.f32 v60, v29;
	v60 =	vld [tilespmem:$0x1FEE0]  }
0x147: {  	v27 =	vadd.f32 v59, v27;
	v59 =	vld [tilespmem:s19+$0xC80]  }
0x148: {  	v24 =	vadd.f32 v24, v26;
	v26 =	vld [tilespmem:s19+$0xD30]  }
0x149: {  	v27 =	vadd.f32 v54, v27;
	v54 =	vld [tilespmem:$0x1FF80]  }
0x14a: {  	v5 =	vadd.f32 v5, v24;
	v24 =	vld [tilespmem:s19+$0xD70]  }
0x14b: {  	[tilespmem:$0x1FEF0] =	vst v63;
	v63 =	vld [tilespmem:s19+$0x890]  }
0x14c: {  	v27 =	vadd.f32 v62, v27;
	v62 =	vld [tilespmem:$0x1FFB0]  }
0x14d: {  	v31 =	vadd.f32 v61, v31;
	v61 =	vld [tilespmem:$0x1FEF0]  }
0x14e: {  	v29 =	vadd.f32 v60, v29;
	v60 =	vld [tilespmem:s19+$0xC90]  }
0x14f: {  	v5 =	vadd.f32 v14, v5;
	v14 =	vld [tilespmem:s19+$0xDE0]  }
0x150: {  	v22 =	vadd.f32 v63, v22;
	v63 =	vld [tilespmem:$0x1FF00]  }
0x151: {  	v21 =	vadd.f32 v21, v27;
	v27 =	vld [tilespmem:s19+$0xD40]  }
0x152: {  	v29 =	vadd.f32 v39, v29;
	v39 =	vld [tilespmem:s19+$0xCD0]  }
0x153: {  	v5 =	vadd.f32 v35, v5;
	v6 =	vadd.f32 v6, v21;
	v21 =	vld [tilespmem:s19+$0xE40]  }
0x154: {  	v29 =	vadd.f32 v62, v29;
	v62 =	vld [tilespmem:s19+$0xD00]  }
0x155: {  	v5 =	vadd.f32 v44, v5;
	v44 =	vld [tilespmem:s19+$0xF00];
	v28 =	vadd.f32 v63, v28  }
0x156: {  	v31 =	vadd.f32 v61, v31;
	v61 =	vld [tilespmem:s19+$0xCA0];
	v15 =	vadd.f32 v15, v29  }
0x157: {  	v28 =	vadd.f32 v54, v28;
	v54 =	vld [tilespmem:$0x1FFA0]  }
0x158: {  	v22 =	vadd.f32 v50, v22;
	v50 =	vld [tilespmem:$0x1FF90];
	v7 =	vadd.f32 v7, v15  }
0x159: {  	v6 =	vadd.f32 v16, v6;
	v16 =	vld [tilespmem:s19+$0xDF0]  }
0x15a: {  	v5 =	vadd.f32 v55, v5;
	v55 =	vld [tilespmem:s19+$0xE70];
	v7 =	vadd.f32 v17, v7  }
0x15b: {  	v31 =	vadd.f32 v45, v31;
	v45 =	vld [tilespmem:s19+$0xCE0]  }
0x15c: {  	v7 =	vadd.f32 v37, v7;
	v25 =	vadd.f32 v54, v25;
	v54 =	vld [tilespmem:$0x1FFC0]  }
0x15d: {  	v23 =	vadd.f32 v50, v23;
	v50 =	vld [tilespmem:s19+$0xCF0]  }
0x15e: {  	v6 =	vadd.f32 v36, v6;
	v36 =	vld [tilespmem:s19+$0xE90];
	v7 =	vadd.f32 v47, v7  }
0x15f: {  	v15 =	vld [tilespmem:s19+$0xD80];
	v25 =	vadd.f32 v30, v25  }
0x160: {  	v63 =	vld [tilespmem:s19+$0xCB0];
	v6 =	vadd.f32 v46, v6;
	v7 =	vadd.f32 v58, v7  }
0x161: {  	v4 =	vadd.f32 v4, v25;
	v31 =	vadd.f32 v54, v31;
	v54 =	vld [tilespmem:$0x1FFD0]  }
0x162: {  	v46 =	vld [tilespmem:s19+$0xF20];
	v6 =	vadd.f32 v56, v6;
	v7 =	vadd.f32 v50, v7  }
0x163: {  	v17 =	vld [tilespmem:s19+$0xE00];
	v4 =	vadd.f32 v13, v4;
	v9 =	vadd.f32 v9, v31  }
0x164: {  	v56 =	vld [tilespmem:s19+$0xFC0];
	v6 =	vadd.f32 v45, v6;
	v7 =	vadd.f32 v24, v7  }
0x165: {  	v37 =	vld [tilespmem:s19+$0xEA0];
	v4 =	vadd.f32 v34, v4;
	v8 =	vadd.f32 v8, v9  }
0x166: {  	v7 =	vadd.f32 v16, v7;
	v22 =	vadd.f32 v54, v22;
	v54 =	vld [tilespmem:$0x1FFE0]  }
0x167: {  	v4 =	vadd.f32 v43, v4;
	v43 =	vld [tilespmem:s19+$0xEF0];
	v8 =	vadd.f32 v18, v8  }
0x168: {  	v45 =	vld [tilespmem:s19+$0xF10];
	v7 =	vadd.f32 v55, v7;
	v3 =	vadd.f32 v3, v22  }
0x169: {  	v47 =	vld [tilespmem:s19+$0xF30];
	v4 =	vadd.f32 v53, v4;
	v8 =	vadd.f32 v38, v8  }
0x16a: {  	v22 =	vld [tilespmem:s19+$0xD50];
	v38 =	vadd.f32 v39, v5;
	v3 =	vadd.f32 v10, v3  }
0x16b: {  	v0 =	vadd.f32 v0, v4;
	v28 =	vadd.f32 v54, v28;
	v54 =	vld [tilespmem:$0x1FFF0]  }
0x16c: {  	v13 =	vld [tilespmem:s19+$0xDD0];
	v8 =	vadd.f32 v48, v8;
	v7 =	vadd.f32 v43, v7  }
0x16d: {  	v58 =	vld [tilespmem:s19+$0xE80];
	v3 =	vadd.f32 v19, v3;
	v0 =	vadd.f32 v27, v0  }
0x16e: {  	v50 =	vld [tilespmem:s19+$0xF60];
	v1 =	vadd.f32 v1, v28;
	v8 =	vadd.f32 v59, v8  }
0x16f: {  	v25 =	vld [tilespmem:s19+$0xE50];
	v4 =	vadd.f32 v22, v38;
	v3 =	vadd.f32 v40, v3  }
0x170: {  	v55 =	vld [tilespmem:s19+$0xFB0];
	v1 =	vadd.f32 v11, v1;
	v23 =	vadd.f32 v54, v23  }
0x171: {  	v9 =	vld [tilespmem:s19+$0xD90];
	v8 =	vadd.f32 v62, v8;
	v4 =	vadd.f32 v13, v4  }
0x172: {  	v18 =	vld [tilespmem:s19+$0xE10];
	v3 =	vadd.f32 v49, v3;
	v2 =	vadd.f32 v2, v23  }
0x173: {  	v53 =	vld [tilespmem:s19+$0xF90];
	v1 =	vadd.f32 v20, v1;
	v8 =	vadd.f32 v15, v8  }
0x174: {  	v39 =	vld [tilespmem:s19+$0xEB0];
	v4 =	vadd.f32 v25, v4;
	v2 =	vadd.f32 v12, v2  }
0x175: {  	v23 =	vld [tilespmem:s19+$0xD60];
	v3 =	vadd.f32 v60, v3;
	v1 =	vadd.f32 v41, v1  }
0x176: {  	v54 =	vld [tilespmem:s19+$0xD20];
	v8 =	vadd.f32 v17, v8;
	v2 =	vadd.f32 v32, v2  }
0x177: {  	v41 =	vld [tilespmem:s19+$0xED0];
	v3 =	vadd.f32 v57, v3;
	v1 =	vadd.f32 v51, v1  }
0x178: {  	v12 =	vld [tilespmem:s19+$0xDC0];
	v8 =	vadd.f32 v58, v8;
	v2 =	vadd.f32 v42, v2  }
0x179: {  	v10 =	vld [tilespmem:s19+$0xDA0];
	v3 =	vadd.f32 v9, v3;
	v1 =	vadd.f32 v61, v1  }
0x17a: {  	v11 =	vld [tilespmem:s19+$0xDB0];
	v6 =	vadd.f32 v23, v6;
	v2 =	vadd.f32 v52, v2  }
0x17b: {  	v8 =	vadd.f32 v44, v8;
	v3 =	vadd.f32 v18, v3;
	v52 =	vld [tilespmem:s19+$0xE60]  }
0x17c: {  	v19 =	vld [tilespmem:s19+$0xE20];
	v4 =	vadd.f32 v41, v4;
	v2 =	vadd.f32 v63, v2  }
0x17d: {  	v20 =	vld [tilespmem:s19+$0xE30];
	v1 =	vadd.f32 v54, v1;
	v0 =	vadd.f32 v12, v0  }
0x17e: {  	v40 =	vld [tilespmem:s19+$0xEC0];
	v6 =	vadd.f32 v14, v6;
	v2 =	vadd.f32 v26, v2  }
0x17f: {  	v48 =	vld [tilespmem:s19+$0xF40];
	v3 =	vadd.f32 v36, v3;
	v1 =	vadd.f32 v10, v1  }
0x180: {  	v6 =	vadd.f32 v52, v6;
	v52 =	vld [tilespmem:s19+$0xF80];
	v2 =	vadd.f32 v11, v2  }
0x181: {  	v42 =	vld [tilespmem:s19+$0xEE0];
	v0 =	vadd.f32 v21, v0;
	v1 =	vadd.f32 v19, v1  }
0x182: {  	v54 =	vld [tilespmem:s19+$0xFA0];
	v3 =	vadd.f32 v45, v3;
	v2 =	vadd.f32 v20, v2  }
0x183: {  	v49 =	vld [tilespmem:s19+$0xF50];
	v0 =	vadd.f32 v40, v0;
	v1 =	vadd.f32 v37, v1  }
0x184: {  	v57 =	vld [tilespmem:s19+$0xFD0];
	v3 =	vadd.f32 v53, v3;
	v2 =	vadd.f32 v39, v2  }
0x185: {  	s20 =	sshll.u32 s17, $0x7;
	v51 =	vld [tilespmem:s19+$0xF70];
	v1 =	vadd.f32 v46, v1;
	v8 =	vadd.f32 v52, v8  }
0x186: {  	s31 =	sand.u32 $0x3FFFFF80, s20;
	v58 =	vld [tilespmem:s19+$0xFE0];
	v0 =	vadd.f32 v48, v0;
	v2 =	vadd.f32 v47, v2  }
0x187: {  	v59 =	vld [tilespmem:s19+$0xFF0];
	v6 =	vadd.f32 v42, v6;
	v1 =	vadd.f32 v54, v1;
	[tilespmem:v33+s31+$0x0 ss:$0x1] =	vst.idx.msk $0xffff, v8  }
0x188: {  	v4 =	vadd.f32 v49, v4;
	[tilespmem:v33+s31+$0x10 ss:$0x1] =	vst.idx.msk $0xffff, v3;
	v2 =	vadd.f32 v55, v2  }
0x189: {  	p0 =	sne.s32 s17, $0x7;
	v0 =	vadd.f32 v56, v0;
	v60 =	vadd.f32 v50, v6;
	[tilespmem:v33+s31+$0x20 ss:$0x1] =	vst.idx.msk $0xffff, v1  }
.Ltmp2:
0x18a: {  	v61 =	vadd.f32 v51, v7;
	v4 =	vadd.f32 v57, v4;
	[tilespmem:v33+s31+$0x30 ss:$0x1] =	vst.idx.msk $0xffff, v2;
	(pc) =	sbr.rel @p0 .LBB2_3-.Ltmp2, $4  }
0x18b: {  	v62 =	vadd.f32 v58, v60;
	[tilespmem:v33+s31+$0x40 ss:$0x1] =	vst.idx.msk $0xffff, v0  }
0x18c: {  	v63 =	vadd.f32 v59, v61;
	[tilespmem:v33+s31+$0x50 ss:$0x1] =	vst.idx.msk $0xffff, v4  }
0x18d: {  	[tilespmem:v33+s31+$0x60 ss:$0x1] =	vst.idx.msk $0xffff, v62  }
0x18e: {  	s17 =	sadd.s32 $0x1, s17;
	[tilespmem:v33+s31+$0x70 ss:$0x1] =	vst.idx.msk $0xffff, v63  }
0x18f: {  	s17 =	sshll.u32 s16, $0x6  }
0x190: {  	s19 =	sor.u32 s4, s17  }
0x191: {  	s19 =	smin.u32 s19, $0xC7  }
0x192: {  	s19 =	sshll.u32 s19, $0x7  }
0x193: {  	p0 =	seq.s32 s16, $0x3;
	s19 =	sadd.s32 s2, s19  }
0x194: {  	[hbm4b:s19+s3] =	stream.linear.scatter [tilespmem:s18], [sflag:$0x3], $0x400, $0x38;
	[tilespmem:$0x12000] =	vst v63  }
0x195: {  	s18 =	sadd.s32 @!p0 s8, s17  }
0x196: {  	s18 =	smin.u32 @!p0 s18, $0xC7  }
0x197: {  	s18 =	sshll.u32 @!p0 s18, $0xC  }
0x198: {  	s31 =	sshll.u32 s16, $0x1;
	s20 =	simm.s32 @!p0 $0x0;
	s18 =	sadd.s32 @!p0 s18, s5  }
0x199: {  	[tilespmem:s20], [sflag:$0x1] =	stream.linear.gather @!p0 [hbm4b:s18+s20], $0x8000, $0x38;
	[tilespmem:$0x12000] =	vst v63  }
0x19a: {  	s18 =	sor.u32 $0x1, s31  }
0x19b: {  	s19 =	sshll.u32 s18, $0xA  }
0x19c: {  	_ =	swait.ge [sflag:s13], $0x8000;
	s19 =	sand.u32 $0x3FFFFC00, s19  }
0x19d: {  	[sflag:s13] =	ssyncset.done $0x0;
	s19 =	sadd.s32 $0x10000, s19  }
0x19e: {  	s20 =	simm.s32 $0x0;
	[sflag:s13] =	ssyncadd.s32 $0xFFFF8000;
	v33 =	vmov s19  }
.LBB2_5:
0x19f: {  	s21 =	sshll.u32 s20, $0xC  }
0x1a0: {  	s21 =	sand.u32 $0x3FFFF000, s21  }
0x1a1: {  	v63 =	vld [tilespmem:s21+$0x83E0];
	_ =	sdelay $0x4  }
0x1a2: {  	[tilespmem:$0x1F4A0] =	vst v63;
	v63 =	vld [tilespmem:s21+$0x83F0];
	_ =	sdelay $0x4  }
0x1a3: {  	[tilespmem:$0x1F4B0] =	vst v63;
	v63 =	vld [tilespmem:s21+$0x8400];
	_ =	sdelay $0x4  }
0x1a4: {  	[tilespmem:$0x1F4C0] =	vst v63;
	v63 =	vld [tilespmem:s21+$0x8410];
	_ =	sdelay $0x4  }
0x1a5: {  	[tilespmem:$0x1F4D0] =	vst v63;
	v63 =	vld [tilespmem:s21+$0x8420];
	_ =	sdelay $0x4  }
0x1a6: {  	[tilespmem:$0x1F4E0] =	vst v63;
	v63 =	vld [tilespmem:s21+$0x8430];
	_ =	sdelay $0x4  }
0x1a7: {  	[tilespmem:$0x1F4F0] =	vst v63;
	v63 =	vld [tilespmem:s21+$0x8440];
	_ =	sdelay $0x4  }
0x1a8: {  	[tilespmem:$0x1F500] =	vst v63;
	v63 =	vld [tilespmem:s21+$0x8450];
	_ =	sdelay $0x4  }
0x1a9: {  	[tilespmem:$0x1F510] =	vst v63;
	v63 =	vld [tilespmem:s21+$0x8460];
	_ =	sdelay $0x4  }
0x1aa: {  	[tilespmem:$0x1F520] =	vst v63;
	v63 =	vld [tilespmem:s21+$0x8470];
	_ =	sdelay $0x4  }
0x1ab: {  	[tilespmem:$0x1F530] =	vst v63;
	v63 =	vld [tilespmem:s21+$0x8480];
	_ =	sdelay $0x4  }
0x1ac: {  	[tilespmem:$0x1F540] =	vst v63;
	v63 =	vld [tilespmem:s21+$0x8490];
	_ =	sdelay $0x4  }
0x1ad: {  	[tilespmem:$0x1F550] =	vst v63;
	v63 =	vld [tilespmem:s21+$0x84A0];
	_ =	sdelay $0x4  }
0x1ae: {  	[tilespmem:$0x1F560] =	vst v63;
	v63 =	vld [tilespmem:s21+$0x84B0];
	_ =	sdelay $0x4  }
0x1af: {  	[tilespmem:$0x1F570] =	vst v63;
	v63 =	vld [tilespmem:s21+$0x84C0];
	_ =	sdelay $0x4  }
0x1b0: {  	[tilespmem:$0x1F580] =	vst v63;
	v63 =	vld [tilespmem:s21+$0x84D0];
	_ =	sdelay $0x4  }
0x1b1: {  	[tilespmem:$0x1F590] =	vst v63;
	v63 =	vld [tilespmem:s21+$0x84E0];
	_ =	sdelay $0x4  }
0x1b2: {  	[tilespmem:$0x1F5A0] =	vst v63;
	v63 =	vld [tilespmem:s21+$0x84F0];
	_ =	sdelay $0x4  }
0x1b3: {  	[tilespmem:$0x1F5B0] =	vst v63;
	v63 =	vld [tilespmem:s21+$0x8500];
	_ =	sdelay $0x4  }
0x1b4: {  	[tilespmem:$0x1F5C0] =	vst v63;
	v63 =	vld [tilespmem:s21+$0x8510];
	_ =	sdelay $0x4  }
0x1b5: {  	[tilespmem:$0x1F5D0] =	vst v63;
	v63 =	vld [tilespmem:s21+$0x8520];
	_ =	sdelay $0x4  }
0x1b6: {  	[tilespmem:$0x1F5E0] =	vst v63;
	v63 =	vld [tilespmem:s21+$0x8530];
	_ =	sdelay $0x4  }
0x1b7: {  	[tilespmem:$0x1F5F0] =	vst v63;
	v63 =	vld [tilespmem:s21+$0x8540];
	_ =	sdelay $0x3  }
0x1b8: {  	v17 =	vld [tilespmem:s21+$0x8000]  }
0x1b9: {  	[tilespmem:$0x1F600] =	vst v63;
	v63 =	vld [tilespmem:s21+$0x8550]  }
0x1ba: {  	v18 =	vld [tilespmem:s21+$0x8010]  }
0x1bb: {  	v21 =	vld [tilespmem:s21+$0x8020]  }
0x1bc: {  	v22 =	vld [tilespmem:s21+$0x8030]  }
0x1bd: {  	v25 =	vld [tilespmem:s21+$0x8040]  }
0x1be: {  	[tilespmem:$0x1F610] =	vst v63;
	v63 =	vld [tilespmem:s21+$0x8560]  }
0x1bf: {  	v26 =	vld [tilespmem:s21+$0x8050]  }
0x1c0: {  	v29 =	vld [tilespmem:s21+$0x8060]  }
0x1c1: {  	v30 =	vld [tilespmem:s21+$0x8070]  }
0x1c2: {  	v1 =	vld [tilespmem:s21+$0x8080]  }
0x1c3: {  	[tilespmem:$0x1F620] =	vst v63;
	v63 =	vld [tilespmem:s21+$0x8570]  }
0x1c4: {  	v2 =	vld [tilespmem:s21+$0x8090]  }
0x1c5: {  	v3 =	vld [tilespmem:s21+$0x80A0]  }
0x1c6: {  	v4 =	vld [tilespmem:s21+$0x80B0]  }
0x1c7: {  	v5 =	vld [tilespmem:s21+$0x80C0]  }
0x1c8: {  	[tilespmem:$0x1F630] =	vst v63;
	v63 =	vld [tilespmem:s21+$0x8580]  }
0x1c9: {  	v6 =	vld [tilespmem:s21+$0x80D0]  }
0x1ca: {  	v7 =	vld [tilespmem:s21+$0x80E0]  }
0x1cb: {  	v8 =	vld [tilespmem:s21+$0x80F0]  }
0x1cc: {  	v9 =	vld [tilespmem:s21+$0x8100]  }
0x1cd: {  	[tilespmem:$0x1F640] =	vst v63;
	v63 =	vld [tilespmem:s21+$0x8590]  }
0x1ce: {  	v10 =	vld [tilespmem:s21+$0x8110]  }
0x1cf: {  	v11 =	vld [tilespmem:s21+$0x8120]  }
0x1d0: {  	v12 =	vld [tilespmem:s21+$0x8130]  }
0x1d1: {  	v13 =	vld [tilespmem:s21+$0x8140]  }
0x1d2: {  	[tilespmem:$0x1F650] =	vst v63;
	v63 =	vld [tilespmem:s21+$0x85A0]  }
0x1d3: {  	v14 =	vld [tilespmem:s21+$0x8150]  }
0x1d4: {  	v15 =	vld [tilespmem:s21+$0x8160]  }
0x1d5: {  	v16 =	vld [tilespmem:s21+$0x8170]  }
0x1d6: {  	v19 =	vld [tilespmem:s21+$0x8180]  }
0x1d7: {  	[tilespmem:$0x1F660] =	vst v63;
	v63 =	vld [tilespmem:s21+$0x85B0]  }
0x1d8: {  	v20 =	vld [tilespmem:s21+$0x8190]  }
0x1d9: {  	v23 =	vld [tilespmem:s21+$0x81A0]  }
0x1da: {  	v24 =	vld [tilespmem:s21+$0x81B0]  }
0x1db: {  	v27 =	vld [tilespmem:s21+$0x81C0]  }
0x1dc: {  	[tilespmem:$0x1F670] =	vst v63;
	v63 =	vld [tilespmem:s21+$0x85C0]  }
0x1dd: {  	v28 =	vld [tilespmem:s21+$0x81D0]  }
0x1de: {  	v31 =	vld [tilespmem:s21+$0x81E0]  }
0x1df: {  	v32 =	vld [tilespmem:s21+$0x81F0]  }
0x1e0: {  	v54 =	vld [tilespmem:s21+$0x8200]  }
0x1e1: {  	[tilespmem:$0x1F680] =	vst v63;
	v63 =	vld [tilespmem:s21+$0x85D0]  }
0x1e2: {  	v57 =	vld [tilespmem:s21+$0x8210]  }
0x1e3: {  	v62 =	vld [tilespmem:s21+$0x8220]  }
0x1e4: {  	v34 =	vld [tilespmem:s21+$0x8230]  }
0x1e5: {  	v50 =	vld [tilespmem:s21+$0x8240]  }
0x1e6: {  	[tilespmem:$0x1F690] =	vst v63;
	v63 =	vld [tilespmem:s21+$0x85E0]  }
0x1e7: {  	v35 =	vld [tilespmem:s21+$0x8250]  }
0x1e8: {  	v45 =	vld [tilespmem:s21+$0x8260]  }
0x1e9: {  	v36 =	vld [tilespmem:s21+$0x8270]  }
0x1ea: {  	v39 =	vld [tilespmem:s21+$0x8280]  }
0x1eb: {  	[tilespmem:$0x1F6A0] =	vst v63;
	v63 =	vld [tilespmem:s21+$0x85F0]  }
0x1ec: {  	v37 =	vld [tilespmem:s21+$0x8290]  }
0x1ed: {  	v0 =	vld [tilespmem:s21+$0x82A0]  }
0x1ee: {  	v38 =	vld [tilespmem:s21+$0x82B0]  }
0x1ef: {  	v40 =	vld [tilespmem:s21+$0x82C0]  }
0x1f0: {  	[tilespmem:$0x1F6B0] =	vst v63;
	v63 =	vld [tilespmem:s21+$0x8600]  }
0x1f1: {  	v41 =	vld [tilespmem:s21+$0x82D0]  }
0x1f2: {  	v42 =	vld [tilespmem:s21+$0x82E0]  }
0x1f3: {  	v43 =	vld [tilespmem:s21+$0x82F0]  }
0x1f4: {  	v46 =	vld [tilespmem:s21+$0x8300]  }
0x1f5: {  	[tilespmem:$0x1F6C0] =	vst v63;
	v63 =	vld [tilespmem:s21+$0x8610]  }
0x1f6: {  	v44 =	vld [tilespmem:s21+$0x8310]  }
0x1f7: {  	v48 =	vld [tilespmem:s21+$0x8320]  }
0x1f8: {  	v47 =	vld [tilespmem:s21+$0x8330]  }
0x1f9: {  	v49 =	vld [tilespmem:s21+$0x8340]  }
0x1fa: {  	[tilespmem:$0x1F6D0] =	vst v63;
	v63 =	vld [tilespmem:s21+$0x8620]  }
0x1fb: {  	v51 =	vld [tilespmem:s21+$0x8350]  }
0x1fc: {  	v53 =	vld [tilespmem:s21+$0x8360]  }
0x1fd: {  	v52 =	vld [tilespmem:s21+$0x8370]  }
0x1fe: {  	v55 =	vld [tilespmem:s21+$0x8380]  }
0x1ff: {  	[tilespmem:$0x1F6E0] =	vst v63;
	v63 =	vld [tilespmem:s21+$0x8630]  }
0x200: {  	v56 =	vld [tilespmem:s21+$0x8390]  }
0x201: {  	v59 =	vld [tilespmem:s21+$0x83A0]  }
0x202: {  	v58 =	vld [tilespmem:s21+$0x83B0]  }
0x203: {  	v61 =	vld [tilespmem:s21+$0x83C0]  }
0x204: {  	[tilespmem:$0x1F6F0] =	vst v63;
	v63 =	vld [tilespmem:s21+$0x8640]  }
0x205: {  	v60 =	vld [tilespmem:s21+$0x83D0]  }
0x206: {  	v4 =	vadd.f32 v4, v22;
	v22 =	vld [tilespmem:s21+$0x88A0]  }
0x207: {  	v6 =	vadd.f32 v6, v26;
	v26 =	vld [tilespmem:s21+$0x88B0]  }
0x208: {  	v8 =	vadd.f32 v8, v30;
	v30 =	vld [tilespmem:s21+$0x88C0]  }
0x209: {  	[tilespmem:$0x1F700] =	vst v63;
	v63 =	vld [tilespmem:s21+$0x8650]  }
0x20a: {  	v3 =	vadd.f32 v3, v21;
	v21 =	vld [tilespmem:s21+$0x88D0]  }
0x20b: {  	v5 =	vadd.f32 v5, v25;
	v25 =	vld [tilespmem:s21+$0x88F0]  }
0x20c: {  	v7 =	vadd.f32 v7, v29;
	v29 =	vld [tilespmem:s21+$0x8910]  }
0x20d: {  	v1 =	vadd.f32 v1, v17;
	v17 =	vld [tilespmem:s21+$0x89A0]  }
0x20e: {  	[tilespmem:$0x1F710] =	vst v63;
	v63 =	vld [tilespmem:s21+$0x8660]  }
0x20f: {  	v2 =	vadd.f32 v2, v18;
	v18 =	vld [tilespmem:s21+$0x89B0]  }
0x210: {  	v4 =	vadd.f32 v12, v4;
	v12 =	vld [tilespmem:s21+$0x8930]  }
0x211: {  	v5 =	vadd.f32 v13, v5;
	v13 =	vld [tilespmem:s21+$0x8940]  }
0x212: {  	v6 =	vadd.f32 v14, v6;
	v14 =	vld [tilespmem:s21+$0x8970]  }
0x213: {  	[tilespmem:$0x1F720] =	vst v63;
	v63 =	vld [tilespmem:s21+$0x8670]  }
0x214: {  	v7 =	vadd.f32 v15, v7;
	v15 =	vld [tilespmem:s21+$0x8980]  }
0x215: {  	v8 =	vadd.f32 v16, v8;
	v16 =	vld [tilespmem:s21+$0x8990]  }
0x216: {  	v1 =	vadd.f32 v9, v1;
	v9 =	vld [tilespmem:s21+$0x8A00]  }
0x217: {  	v4 =	vadd.f32 v24, v4;
	v24 =	vld [tilespmem:s21+$0x89D0]  }
0x218: {  	[tilespmem:$0x1F730] =	vst v63;
	v63 =	vld [tilespmem:s21+$0x8680]  }
0x219: {  	v6 =	vadd.f32 v28, v6;
	v28 =	vld [tilespmem:$0x1F4A0]  }
0x21a: {  	[tilespmem:$0x1F950] =	vst v22;
	v22 =	vld [tilespmem:s21+$0x88E0]  }
0x21b: {  	v2 =	vadd.f32 v10, v2;
	[tilespmem:$0x1F960] =	vst v26;
	v26 =	vld [tilespmem:s21+$0x8900]  }
0x21c: {  	v3 =	vadd.f32 v11, v3;
	[tilespmem:$0x1F970] =	vst v30;
	v30 =	vld [tilespmem:s21+$0x8920]  }
0x21d: {  	v2 =	vadd.f32 v20, v2;
	[tilespmem:$0x1F740] =	vst v63;
	v63 =	vld [tilespmem:s21+$0x8690]  }
0x21e: {  	v3 =	vadd.f32 v23, v3;
	[tilespmem:$0x1F980] =	vst v21;
	v21 =	vld [tilespmem:s21+$0x89E0]  }
0x21f: {  	v2 =	vadd.f32 v57, v2;
	v57 =	vld [tilespmem:s21+$0x8950]  }
0x220: {  	v1 =	vadd.f32 v19, v1;
	v3 =	vadd.f32 v62, v3;
	v62 =	vld [tilespmem:s21+$0x8960]  }
0x221: {  	v5 =	vadd.f32 v27, v5;
	v7 =	vadd.f32 v31, v7;
	v31 =	vld [tilespmem:$0x1F4B0]  }
0x222: {  	v8 =	vadd.f32 v32, v8;
	v1 =	vadd.f32 v54, v1;
	[tilespmem:$0x1F750] =	vst v63;
	v63 =	vld [tilespmem:s21+$0x86A0]  }
0x223: {  	v4 =	vadd.f32 v34, v4;
	v5 =	vadd.f32 v50, v5;
	[tilespmem:$0x1FA10] =	vst v15;
	v15 =	vld [tilespmem:s21+$0x89F0]  }
0x224: {  	v6 =	vadd.f32 v35, v6;
	v3 =	vadd.f32 v0, v3;
	v0 =	vld [tilespmem:s21+$0x8CC0]  }
0x225: {  	v7 =	vadd.f32 v45, v7;
	v1 =	vadd.f32 v39, v1;
	[tilespmem:$0x1F9D0] =	vst v30;
	v30 =	vld [tilespmem:s21+$0x89C0]  }
0x226: {  	v2 =	vadd.f32 v37, v2;
	v19 =	vadd.f32 v48, v3;
	v3 =	vld [tilespmem:s21+$0x8A10]  }
0x227: {  	v4 =	vadd.f32 v38, v4;
	v1 =	vadd.f32 v46, v1;
	[tilespmem:$0x1F760] =	vst v63;
	v63 =	vld [tilespmem:s21+$0x86B0]  }
0x228: {  	v5 =	vadd.f32 v40, v5;
	v2 =	vadd.f32 v44, v2;
	v32 =	vld [tilespmem:$0x1F4C0]  }
0x229: {  	[tilespmem:$0x1F990] =	vst v22;
	v4 =	vadd.f32 v47, v4;
	v22 =	vadd.f32 v55, v1;
	v1 =	vld [tilespmem:s21+$0x8A20]  }
0x22a: {  	v6 =	vadd.f32 v41, v6;
	v23 =	vadd.f32 v56, v2;
	v2 =	vld [tilespmem:s21+$0x8A30]  }
0x22b: {  	[tilespmem:$0x1F9A0] =	vst v25;
	v5 =	vadd.f32 v49, v5;
	v25 =	vadd.f32 v58, v4;
	v4 =	vld [tilespmem:s21+$0x8A40]  }
0x22c: {  	v7 =	vadd.f32 v42, v7;
	v6 =	vadd.f32 v51, v6;
	[tilespmem:$0x1F770] =	vst v63;
	v63 =	vld [tilespmem:s21+$0x86C0]  }
0x22d: {  	[tilespmem:$0x1F9B0] =	vst v26;
	v26 =	vadd.f32 v61, v5;
	v5 =	vld [tilespmem:s21+$0x8A50]  }
0x22e: {  	v7 =	vadd.f32 v53, v7;
	v27 =	vadd.f32 v60, v6;
	v6 =	vld [tilespmem:s21+$0x8A60]  }
0x22f: {  	v35 =	vld [tilespmem:$0x1F4E0]  }
0x230: {  	[tilespmem:$0x1F9C0] =	vst v29;
	v29 =	vadd.f32 v28, v7;
	v7 =	vld [tilespmem:s21+$0x8A70]  }
0x231: {  	[tilespmem:$0x1F780] =	vst v63;
	v63 =	vld [tilespmem:s21+$0x86D0]  }
0x232: {  	v10 =	vadd.f32 v59, v19;
	v34 =	vld [tilespmem:$0x1F4D0]  }
0x233: {  	v37 =	vld [tilespmem:$0x1F4F0]  }
0x234: {  	v8 =	vadd.f32 v36, v8;
	v36 =	vadd.f32 v35, v10;
	v10 =	vld [tilespmem:s21+$0x8A90]  }
0x235: {  	v38 =	vld [tilespmem:$0x1F500]  }
0x236: {  	v8 =	vadd.f32 v43, v8;
	[tilespmem:$0x1F790] =	vst v63;
	v63 =	vld [tilespmem:s21+$0x86E0]  }
0x237: {  	v41 =	vld [tilespmem:$0x1F530]  }
0x238: {  	v8 =	vadd.f32 v52, v8;
	v39 =	vld [tilespmem:$0x1F510]  }
0x239: {  	v43 =	vld [tilespmem:$0x1F540]  }
0x23a: {  	v8 =	vadd.f32 v31, v8;
	v40 =	vld [tilespmem:$0x1F520]  }
0x23b: {  	[tilespmem:$0x1F7A0] =	vst v63;
	v63 =	vld [tilespmem:s21+$0x86F0]  }
0x23c: {  	v11 =	vadd.f32 v32, v22;
	v42 =	vadd.f32 v41, v8;
	v8 =	vld [tilespmem:s21+$0x8A80]  }
0x23d: {  	v45 =	vld [tilespmem:$0x1F550]  }
0x23e: {  	v44 =	vadd.f32 v43, v11;
	v11 =	vld [tilespmem:s21+$0x8AA0]  }
0x23f: {  	[tilespmem:$0x1F9E0] =	vst v12;
	v47 =	vld [tilespmem:$0x1F560]  }
0x240: {  	v12 =	vadd.f32 v34, v23;
	[tilespmem:$0x1F7B0] =	vst v63;
	v63 =	vld [tilespmem:s21+$0x8700]  }
0x241: {  	v48 =	vld [tilespmem:$0x1F570]  }
0x242: {  	v46 =	vadd.f32 v45, v12;
	v12 =	vld [tilespmem:s21+$0x8AB0]  }
0x243: {  	v50 =	vld [tilespmem:$0x1F580]  }
0x244: {  	[tilespmem:$0x1F9F0] =	vst v13;
	v13 =	vadd.f32 v37, v25;
	v52 =	vld [tilespmem:$0x1F590]  }
0x245: {  	[tilespmem:$0x1F7C0] =	vst v63;
	v63 =	vld [tilespmem:s21+$0x8710]  }
0x246: {  	[tilespmem:$0x1FA00] =	vst v14;
	v14 =	vadd.f32 v38, v26;
	v49 =	vadd.f32 v48, v13;
	v13 =	vld [tilespmem:s21+$0x8AC0]  }
0x247: {  	[tilespmem:$0x1FA20] =	vst v16;
	v16 =	vadd.f32 v39, v27;
	v54 =	vld [tilespmem:$0x1F5A0]  }
0x248: {  	v51 =	vadd.f32 v50, v14;
	v14 =	vld [tilespmem:s21+$0x8AD0]  }
0x249: {  	[tilespmem:$0x1FA30] =	vst v17;
	v53 =	vadd.f32 v52, v16;
	v16 =	vld [tilespmem:s21+$0x8AE0]  }
0x24a: {  	v17 =	vadd.f32 v40, v29;
	[tilespmem:$0x1F7D0] =	vst v63;
	v63 =	vld [tilespmem:s21+$0x8720]  }
0x24b: {  	v56 =	vld [tilespmem:$0x1F5B0]  }
0x24c: {  	v55 =	vadd.f32 v54, v17;
	v17 =	vld [tilespmem:s21+$0x8AF0]  }
0x24d: {  	v58 =	vld [tilespmem:$0x1F5C0]  }
0x24e: {  	v60 =	vld [tilespmem:$0x1F5E0]  }
0x24f: {  	[tilespmem:$0x1F7E0] =	vst v63;
	v63 =	vld [tilespmem:s21+$0x8730]  }
0x250: {  	v59 =	vld [tilespmem:$0x1F5D0]  }
0x251: {  	[tilespmem:$0x1FA40] =	vst v18;
	v18 =	vadd.f32 v47, v36;
	v31 =	vld [tilespmem:$0x1F5F0]  }
0x252: {  	v32 =	vld [tilespmem:$0x1F600]  }
0x253: {  	v61 =	vadd.f32 v60, v18;
	v18 =	vld [tilespmem:s21+$0x8B00]  }
0x254: {  	[tilespmem:$0x1F7F0] =	vst v63;
	v63 =	vld [tilespmem:s21+$0x8740]  }
0x255: {  	v34 =	vld [tilespmem:$0x1F610]  }
0x256: {  	v35 =	vld [tilespmem:$0x1F620]  }
0x257: {  	v25 =	vadd.f32 v32, v51;
	v32 =	vld [tilespmem:s21+$0x8B30]  }
0x258: {  	v36 =	vld [tilespmem:$0x1F630]  }
0x259: {  	[tilespmem:$0x1F800] =	vst v63;
	v63 =	vld [tilespmem:s21+$0x8750]  }
0x25a: {  	v26 =	vadd.f32 v34, v53;
	v34 =	vld [tilespmem:s21+$0x8B40]  }
0x25b: {  	v19 =	vadd.f32 v56, v42;
	v27 =	vadd.f32 v35, v55;
	v35 =	vld [tilespmem:s21+$0x8B50]  }
0x25c: {  	v38 =	vld [tilespmem:$0x1F640]  }
0x25d: {  	v37 =	vadd.f32 v36, v19;
	v19 =	vld [tilespmem:s21+$0x8B10]  }
0x25e: {  	[tilespmem:$0x1F810] =	vst v63;
	v63 =	vld [tilespmem:s21+$0x8760]  }
0x25f: {  	v20 =	vadd.f32 v58, v44;
	v36 =	vld [tilespmem:s21+$0x8B60]  }
0x260: {  	v40 =	vld [tilespmem:$0x1F650]  }
0x261: {  	v39 =	vadd.f32 v38, v20;
	v20 =	vld [tilespmem:s21+$0x8B20]  }
0x262: {  	v41 =	vld [tilespmem:$0x1F660]  }
0x263: {  	[tilespmem:$0x1F820] =	vst v63;
	v63 =	vld [tilespmem:s21+$0x8770]  }
0x264: {  	v22 =	vadd.f32 v59, v46;
	v38 =	vld [tilespmem:s21+$0x8B80]  }
0x265: {  	v42 =	vld [tilespmem:$0x1F670]  }
0x266: {  	v22 =	vadd.f32 v40, v22;
	v40 =	vld [tilespmem:s21+$0x8B90]  }
0x267: {  	v28 =	vadd.f32 v41, v61;
	v41 =	vld [tilespmem:s21+$0x8BA0]  }
0x268: {  	v23 =	vadd.f32 v31, v49;
	[tilespmem:$0x1F830] =	vst v63;
	v63 =	vld [tilespmem:s21+$0x8780]  }
0x269: {  	v43 =	vld [tilespmem:$0x1F680]  }
0x26a: {  	v23 =	vadd.f32 v42, v23;
	v42 =	vld [tilespmem:s21+$0x8BB0]  }
0x26b: {  	v46 =	vld [tilespmem:$0x1F6B0]  }
0x26c: {  	v44 =	vld [tilespmem:$0x1F690]  }
0x26d: {  	[tilespmem:$0x1F840] =	vst v63;
	v63 =	vld [tilespmem:s21+$0x8790]  }
0x26e: {  	v45 =	vld [tilespmem:$0x1F6A0]  }
0x26f: {  	v47 =	vld [tilespmem:$0x1F6C0]  }
0x270: {  	v29 =	vadd.f32 v46, v37;
	v37 =	vld [tilespmem:s21+$0x8B70]  }
0x271: {  	v48 =	vld [tilespmem:$0x1F6D0]  }
0x272: {  	[tilespmem:$0x1F850] =	vst v63;
	v63 =	vld [tilespmem:s21+$0x87A0]  }
0x273: {  	v49 =	vld [tilespmem:$0x1F6E0]  }
0x274: {  	v50 =	vld [tilespmem:$0x1F6F0]  }
0x275: {  	v51 =	vld [tilespmem:$0x1F700]  }
0x276: {  	v52 =	vld [tilespmem:$0x1F710]  }
0x277: {  	[tilespmem:$0x1F860] =	vst v63;
	v63 =	vld [tilespmem:s21+$0x87B0]  }
0x278: {  	v53 =	vld [tilespmem:$0x1F720]  }
0x279: {  	v54 =	vld [tilespmem:$0x1F730]  }
0x27a: {  	v55 =	vld [tilespmem:$0x1F740]  }
0x27b: {  	v56 =	vld [tilespmem:$0x1F750]  }
0x27c: {  	[tilespmem:$0x1F870] =	vst v63;
	v63 =	vld [tilespmem:s21+$0x87C0]  }
0x27d: {  	v58 =	vld [tilespmem:$0x1F760]  }
0x27e: {  	v59 =	vld [tilespmem:$0x1F770]  }
0x27f: {  	v25 =	vadd.f32 v43, v25;
	v43 =	vld [tilespmem:$0x1F7B0]  }
0x280: {  	v60 =	vld [tilespmem:$0x1F780]  }
0x281: {  	[tilespmem:$0x1F880] =	vst v63;
	v63 =	vld [tilespmem:s21+$0x87D0]  }
0x282: {  	v29 =	vadd.f32 v54, v29;
	v61 =	vld [tilespmem:$0x1F790]  }
0x283: {  	v31 =	vadd.f32 v47, v39;
	v39 =	vld [tilespmem:$0x1F7A0]  }
0x284: {  	v29 =	vadd.f32 v43, v29;
	v43 =	vld [tilespmem:s21+$0x8BC0]  }
0x285: {  	v26 =	vadd.f32 v44, v26;
	v44 =	vld [tilespmem:$0x1F7C0]  }
0x286: {  	[tilespmem:$0x1F890] =	vst v63;
	v63 =	vld [tilespmem:s21+$0x87E0]  }
0x287: {  	v27 =	vadd.f32 v45, v27;
	v45 =	vld [tilespmem:$0x1F7D0]  }
0x288: {  	v31 =	vadd.f32 v55, v31;
	v46 =	vld [tilespmem:$0x1F7E0]  }
0x289: {  	v28 =	vadd.f32 v49, v28;
	v47 =	vld [tilespmem:$0x1F7F0]  }
0x28a: {  	v23 =	vadd.f32 v50, v23;
	v31 =	vadd.f32 v44, v31;
	v44 =	vld [tilespmem:s21+$0x8BD0]  }
0x28b: {  	v28 =	vadd.f32 v58, v28;
	[tilespmem:$0x1F8A0] =	vst v63;
	v63 =	vld [tilespmem:s21+$0x87F0]  }
0x28c: {  	v22 =	vadd.f32 v48, v22;
	v23 =	vadd.f32 v59, v23;
	v48 =	vld [tilespmem:$0x1F800]  }
0x28d: {  	v25 =	vadd.f32 v51, v25;
	v28 =	vadd.f32 v46, v28;
	v46 =	vld [tilespmem:s21+$0x8BE0]  }
0x28e: {  	v23 =	vadd.f32 v47, v23;
	v47 =	vld [tilespmem:s21+$0x8BF0]  }
0x28f: {  	v25 =	vadd.f32 v60, v25;
	v49 =	vld [tilespmem:$0x1F810]  }
0x290: {  	[tilespmem:$0x1F8B0] =	vst v63;
	v63 =	vld [tilespmem:s21+$0x8800]  }
0x291: {  	v25 =	vadd.f32 v48, v25;
	v48 =	vld [tilespmem:s21+$0x8C00]  }
0x292: {  	v26 =	vadd.f32 v52, v26;
	v51 =	vld [tilespmem:$0x1F830]  }
0x293: {  	v50 =	vld [tilespmem:$0x1F820]  }
0x294: {  	v26 =	vadd.f32 v61, v26;
	v52 =	vld [tilespmem:$0x1F840]  }
0x295: {  	[tilespmem:$0x1F8C0] =	vst v63;
	v63 =	vld [tilespmem:s21+$0x8810]  }
0x296: {  	v26 =	vadd.f32 v49, v26;
	v49 =	vld [tilespmem:s21+$0x8C10]  }
0x297: {  	v29 =	vadd.f32 v51, v29;
	v51 =	vld [tilespmem:s21+$0x8C20]  }
0x298: {  	v27 =	vadd.f32 v53, v27;
	v53 =	vld [tilespmem:$0x1F850]  }
0x299: {  	v31 =	vadd.f32 v52, v31;
	v52 =	vld [tilespmem:s21+$0x8C30]  }
0x29a: {  	v22 =	vadd.f32 v56, v22;
	[tilespmem:$0x1F8D0] =	vst v63;
	v63 =	vld [tilespmem:s21+$0x8820]  }
0x29b: {  	v55 =	vld [tilespmem:$0x1F870]  }
0x29c: {  	v22 =	vadd.f32 v45, v22;
	v54 =	vld [tilespmem:$0x1F860]  }
0x29d: {  	v56 =	vld [tilespmem:$0x1F880]  }
0x29e: {  	v22 =	vadd.f32 v53, v22;
	v53 =	vld [tilespmem:s21+$0x8C40]  }
0x29f: {  	[tilespmem:$0x1F8E0] =	vst v63;
	v63 =	vld [tilespmem:s21+$0x8830]  }
0x2a0: {  	v23 =	vadd.f32 v55, v23;
	v55 =	vld [tilespmem:s21+$0x8C50]  }
0x2a1: {  	v58 =	vld [tilespmem:$0x1F890]  }
0x2a2: {  	v25 =	vadd.f32 v56, v25;
	v56 =	vld [tilespmem:s21+$0x8C60]  }
0x2a3: {  	v59 =	vld [tilespmem:$0x1F8A0]  }
0x2a4: {  	[tilespmem:$0x1F8F0] =	vst v63;
	v63 =	vld [tilespmem:s21+$0x8840]  }
0x2a5: {  	v60 =	vld [tilespmem:$0x1F8B0]  }
0x2a6: {  	v27 =	vadd.f32 v39, v27;
	v39 =	vld [tilespmem:$0x1F8D0]  }
0x2a7: {  	v45 =	vld [tilespmem:$0x1F8E0]  }
0x2a8: {  	v61 =	vld [tilespmem:$0x1F8C0]  }
0x2a9: {  	[tilespmem:$0x1F900] =	vst v63;
	v63 =	vld [tilespmem:s21+$0x8850]  }
0x2aa: {  	v27 =	vadd.f32 v50, v27;
	v28 =	vadd.f32 v54, v28;
	v50 =	vld [tilespmem:$0x1F8F0]  }
0x2ab: {  	v22 =	vadd.f32 v39, v22;
	v39 =	vld [tilespmem:$0x1F960]  }
0x2ac: {  	v28 =	vadd.f32 v45, v28;
	v45 =	vld [tilespmem:$0x1F970]  }
0x2ad: {  	v54 =	vld [tilespmem:$0x1F900]  }
0x2ae: {  	[tilespmem:$0x1F910] =	vst v63;
	v63 =	vld [tilespmem:s21+$0x8860]  }
0x2af: {  	v23 =	vadd.f32 v50, v23;
	v50 =	vld [tilespmem:$0x1F980]  }
0x2b0: {  	v26 =	vadd.f32 v58, v26;
	v58 =	vld [tilespmem:$0x1F910]  }
0x2b1: {  	v23 =	vadd.f32 v39, v23;
	v39 =	vld [tilespmem:$0x1F9A0]  }
0x2b2: {  	v25 =	vadd.f32 v54, v25;
	v54 =	vld [tilespmem:$0x1F990]  }
0x2b3: {  	[tilespmem:$0x1F920] =	vst v63;
	v63 =	vld [tilespmem:s21+$0x8870]  }
0x2b4: {  	v25 =	vadd.f32 v45, v25;
	v45 =	vld [tilespmem:$0x1F9B0]  }
0x2b5: {  	v26 =	vadd.f32 v58, v26;
	v58 =	vld [tilespmem:s21+$0x8C70]  }
0x2b6: {  	v27 =	vadd.f32 v59, v27;
	v59 =	vld [tilespmem:$0x1F920]  }
0x2b7: {  	v26 =	vadd.f32 v50, v26;
	v50 =	vld [tilespmem:$0x1F9C0]  }
0x2b8: {  	[tilespmem:$0x1F930] =	vst v63;
	v63 =	vld [tilespmem:s21+$0x8880]  }
0x2b9: {  	v26 =	vadd.f32 v57, v26;
	v57 =	vld [tilespmem:s21+$0x8D10]  }
0x2ba: {  	v29 =	vadd.f32 v60, v29;
	v60 =	vld [tilespmem:$0x1F930]  }
0x2bb: {  	v27 =	vadd.f32 v59, v27;
	v59 =	vld [tilespmem:s21+$0x8C80]  }
0x2bc: {  	v24 =	vadd.f32 v24, v26;
	v26 =	vld [tilespmem:s21+$0x8D30]  }
0x2bd: {  	v27 =	vadd.f32 v54, v27;
	v54 =	vld [tilespmem:$0x1F9D0]  }
0x2be: {  	v5 =	vadd.f32 v5, v24;
	v24 =	vld [tilespmem:s21+$0x8D70]  }
0x2bf: {  	[tilespmem:$0x1F940] =	vst v63;
	v63 =	vld [tilespmem:s21+$0x8890]  }
0x2c0: {  	v27 =	vadd.f32 v62, v27;
	v62 =	vld [tilespmem:$0x1FA00]  }
0x2c1: {  	v31 =	vadd.f32 v61, v31;
	v61 =	vld [tilespmem:$0x1F940]  }
0x2c2: {  	v29 =	vadd.f32 v60, v29;
	v60 =	vld [tilespmem:s21+$0x8C90]  }
0x2c3: {  	v5 =	vadd.f32 v14, v5;
	v14 =	vld [tilespmem:s21+$0x8DE0]  }
0x2c4: {  	v22 =	vadd.f32 v63, v22;
	v63 =	vld [tilespmem:$0x1F950]  }
0x2c5: {  	v21 =	vadd.f32 v21, v27;
	v27 =	vld [tilespmem:s21+$0x8D40]  }
0x2c6: {  	v29 =	vadd.f32 v39, v29;
	v39 =	vld [tilespmem:s21+$0x8CD0]  }
0x2c7: {  	v5 =	vadd.f32 v35, v5;
	v6 =	vadd.f32 v6, v21;
	v21 =	vld [tilespmem:s21+$0x8E40]  }
0x2c8: {  	v29 =	vadd.f32 v62, v29;
	v62 =	vld [tilespmem:s21+$0x8D00]  }
0x2c9: {  	v5 =	vadd.f32 v44, v5;
	v44 =	vld [tilespmem:s21+$0x8F00];
	v28 =	vadd.f32 v63, v28  }
0x2ca: {  	v31 =	vadd.f32 v61, v31;
	v61 =	vld [tilespmem:s21+$0x8CA0];
	v15 =	vadd.f32 v15, v29  }
0x2cb: {  	v28 =	vadd.f32 v54, v28;
	v54 =	vld [tilespmem:$0x1F9F0]  }
0x2cc: {  	v22 =	vadd.f32 v50, v22;
	v50 =	vld [tilespmem:$0x1F9E0];
	v7 =	vadd.f32 v7, v15  }
0x2cd: {  	v6 =	vadd.f32 v16, v6;
	v16 =	vld [tilespmem:s21+$0x8DF0]  }
0x2ce: {  	v5 =	vadd.f32 v55, v5;
	v55 =	vld [tilespmem:s21+$0x8E70];
	v7 =	vadd.f32 v17, v7  }
0x2cf: {  	v31 =	vadd.f32 v45, v31;
	v45 =	vld [tilespmem:s21+$0x8CE0]  }
0x2d0: {  	v7 =	vadd.f32 v37, v7;
	v25 =	vadd.f32 v54, v25;
	v54 =	vld [tilespmem:$0x1FA10]  }
0x2d1: {  	v23 =	vadd.f32 v50, v23;
	v50 =	vld [tilespmem:s21+$0x8CF0]  }
0x2d2: {  	v6 =	vadd.f32 v36, v6;
	v36 =	vld [tilespmem:s21+$0x8E90];
	v7 =	vadd.f32 v47, v7  }
0x2d3: {  	v15 =	vld [tilespmem:s21+$0x8D80];
	v25 =	vadd.f32 v30, v25  }
0x2d4: {  	v63 =	vld [tilespmem:s21+$0x8CB0];
	v6 =	vadd.f32 v46, v6;
	v7 =	vadd.f32 v58, v7  }
0x2d5: {  	v4 =	vadd.f32 v4, v25;
	v31 =	vadd.f32 v54, v31;
	v54 =	vld [tilespmem:$0x1FA20]  }
0x2d6: {  	v46 =	vld [tilespmem:s21+$0x8F20];
	v6 =	vadd.f32 v56, v6;
	v7 =	vadd.f32 v50, v7  }
0x2d7: {  	v17 =	vld [tilespmem:s21+$0x8E00];
	v4 =	vadd.f32 v13, v4;
	v9 =	vadd.f32 v9, v31  }
0x2d8: {  	v56 =	vld [tilespmem:s21+$0x8FC0];
	v6 =	vadd.f32 v45, v6;
	v7 =	vadd.f32 v24, v7  }
0x2d9: {  	v37 =	vld [tilespmem:s21+$0x8EA0];
	v4 =	vadd.f32 v34, v4;
	v8 =	vadd.f32 v8, v9  }
0x2da: {  	v7 =	vadd.f32 v16, v7;
	v22 =	vadd.f32 v54, v22;
	v54 =	vld [tilespmem:$0x1FA30]  }
0x2db: {  	v4 =	vadd.f32 v43, v4;
	v43 =	vld [tilespmem:s21+$0x8EF0];
	v8 =	vadd.f32 v18, v8  }
0x2dc: {  	v45 =	vld [tilespmem:s21+$0x8F10];
	v7 =	vadd.f32 v55, v7;
	v3 =	vadd.f32 v3, v22  }
0x2dd: {  	v47 =	vld [tilespmem:s21+$0x8F30];
	v4 =	vadd.f32 v53, v4;
	v8 =	vadd.f32 v38, v8  }
0x2de: {  	v22 =	vld [tilespmem:s21+$0x8D50];
	v38 =	vadd.f32 v39, v5;
	v3 =	vadd.f32 v10, v3  }
0x2df: {  	v0 =	vadd.f32 v0, v4;
	v28 =	vadd.f32 v54, v28;
	v54 =	vld [tilespmem:$0x1FA40]  }
0x2e0: {  	v13 =	vld [tilespmem:s21+$0x8DD0];
	v8 =	vadd.f32 v48, v8;
	v7 =	vadd.f32 v43, v7  }
0x2e1: {  	v58 =	vld [tilespmem:s21+$0x8E80];
	v3 =	vadd.f32 v19, v3;
	v0 =	vadd.f32 v27, v0  }
0x2e2: {  	v50 =	vld [tilespmem:s21+$0x8F60];
	v1 =	vadd.f32 v1, v28;
	v8 =	vadd.f32 v59, v8  }
0x2e3: {  	v25 =	vld [tilespmem:s21+$0x8E50];
	v4 =	vadd.f32 v22, v38;
	v3 =	vadd.f32 v40, v3  }
0x2e4: {  	v55 =	vld [tilespmem:s21+$0x8FB0];
	v1 =	vadd.f32 v11, v1;
	v23 =	vadd.f32 v54, v23  }
0x2e5: {  	v9 =	vld [tilespmem:s21+$0x8D90];
	v8 =	vadd.f32 v62, v8;
	v4 =	vadd.f32 v13, v4  }
0x2e6: {  	v18 =	vld [tilespmem:s21+$0x8E10];
	v3 =	vadd.f32 v49, v3;
	v2 =	vadd.f32 v2, v23  }
0x2e7: {  	v53 =	vld [tilespmem:s21+$0x8F90];
	v1 =	vadd.f32 v20, v1;
	v8 =	vadd.f32 v15, v8  }
0x2e8: {  	v39 =	vld [tilespmem:s21+$0x8EB0];
	v4 =	vadd.f32 v25, v4;
	v2 =	vadd.f32 v12, v2  }
0x2e9: {  	v23 =	vld [tilespmem:s21+$0x8D60];
	v3 =	vadd.f32 v60, v3;
	v1 =	vadd.f32 v41, v1  }
0x2ea: {  	v54 =	vld [tilespmem:s21+$0x8D20];
	v8 =	vadd.f32 v17, v8;
	v2 =	vadd.f32 v32, v2  }
0x2eb: {  	v41 =	vld [tilespmem:s21+$0x8ED0];
	v3 =	vadd.f32 v57, v3;
	v1 =	vadd.f32 v51, v1  }
0x2ec: {  	v12 =	vld [tilespmem:s21+$0x8DC0];
	v8 =	vadd.f32 v58, v8;
	v2 =	vadd.f32 v42, v2  }
0x2ed: {  	v10 =	vld [tilespmem:s21+$0x8DA0];
	v3 =	vadd.f32 v9, v3;
	v1 =	vadd.f32 v61, v1  }
0x2ee: {  	v11 =	vld [tilespmem:s21+$0x8DB0];
	v6 =	vadd.f32 v23, v6;
	v2 =	vadd.f32 v52, v2  }
0x2ef: {  	v8 =	vadd.f32 v44, v8;
	v3 =	vadd.f32 v18, v3;
	v52 =	vld [tilespmem:s21+$0x8E60]  }
0x2f0: {  	v19 =	vld [tilespmem:s21+$0x8E20];
	v4 =	vadd.f32 v41, v4;
	v2 =	vadd.f32 v63, v2  }
0x2f1: {  	v20 =	vld [tilespmem:s21+$0x8E30];
	v1 =	vadd.f32 v54, v1;
	v0 =	vadd.f32 v12, v0  }
0x2f2: {  	v40 =	vld [tilespmem:s21+$0x8EC0];
	v6 =	vadd.f32 v14, v6;
	v2 =	vadd.f32 v26, v2  }
0x2f3: {  	v48 =	vld [tilespmem:s21+$0x8F40];
	v3 =	vadd.f32 v36, v3;
	v1 =	vadd.f32 v10, v1  }
0x2f4: {  	v6 =	vadd.f32 v52, v6;
	v52 =	vld [tilespmem:s21+$0x8F80];
	v2 =	vadd.f32 v11, v2  }
0x2f5: {  	v42 =	vld [tilespmem:s21+$0x8EE0];
	v0 =	vadd.f32 v21, v0;
	v1 =	vadd.f32 v19, v1  }
0x2f6: {  	v54 =	vld [tilespmem:s21+$0x8FA0];
	v3 =	vadd.f32 v45, v3;
	v2 =	vadd.f32 v20, v2  }
0x2f7: {  	v49 =	vld [tilespmem:s21+$0x8F50];
	v0 =	vadd.f32 v40, v0;
	v1 =	vadd.f32 v37, v1  }
0x2f8: {  	v57 =	vld [tilespmem:s21+$0x8FD0];
	v3 =	vadd.f32 v53, v3;
	v2 =	vadd.f32 v39, v2  }
0x2f9: {  	s22 =	sshll.u32 s20, $0x7;
	v51 =	vld [tilespmem:s21+$0x8F70];
	v1 =	vadd.f32 v46, v1;
	v8 =	vadd.f32 v52, v8  }
0x2fa: {  	s31 =	sand.u32 $0x3FFFFF80, s22;
	v58 =	vld [tilespmem:s21+$0x8FE0];
	v0 =	vadd.f32 v48, v0;
	v2 =	vadd.f32 v47, v2  }
0x2fb: {  	v59 =	vld [tilespmem:s21+$0x8FF0];
	v6 =	vadd.f32 v42, v6;
	v1 =	vadd.f32 v54, v1;
	[tilespmem:v33+s31+$0x0 ss:$0x1] =	vst.idx.msk $0xffff, v8  }
0x2fc: {  	v4 =	vadd.f32 v49, v4;
	[tilespmem:v33+s31+$0x10 ss:$0x1] =	vst.idx.msk $0xffff, v3;
	v2 =	vadd.f32 v55, v2  }
0x2fd: {  	p1 =	sne.s32 s20, $0x7;
	v0 =	vadd.f32 v56, v0;
	v60 =	vadd.f32 v50, v6;
	[tilespmem:v33+s31+$0x20 ss:$0x1] =	vst.idx.msk $0xffff, v1  }
.Ltmp3:
0x2fe: {  	v61 =	vadd.f32 v51, v7;
	v4 =	vadd.f32 v57, v4;
	[tilespmem:v33+s31+$0x30 ss:$0x1] =	vst.idx.msk $0xffff, v2;
	(pc) =	sbr.rel @p1 .LBB2_5-.Ltmp3, $4  }
0x2ff: {  	v62 =	vadd.f32 v58, v60;
	[tilespmem:v33+s31+$0x40 ss:$0x1] =	vst.idx.msk $0xffff, v0  }
0x300: {  	v63 =	vadd.f32 v59, v61;
	[tilespmem:v33+s31+$0x50 ss:$0x1] =	vst.idx.msk $0xffff, v4  }
0x301: {  	[tilespmem:v33+s31+$0x60 ss:$0x1] =	vst.idx.msk $0xffff, v62  }
0x302: {  	s20 =	sadd.s32 $0x1, s20;
	[tilespmem:v33+s31+$0x70 ss:$0x1] =	vst.idx.msk $0xffff, v63  }
0x303: {  	s18 =	sshll.u32 s18, $0x5  }
.Ltmp4:
0x304: {  	s18 =	sor.u32 s4, s18;
	(pc) =	sbr.rel @p0 .LBB2_8-.Ltmp4, $4  }
0x305: {  	s18 =	smin.u32 s18, $0xC7  }
0x306: {  	s18 =	sshll.u32 s18, $0x7  }
0x307: {  	s18 =	sadd.s32 s2, s18  }
0x308: {  	[hbm4b:s18+s3] =	stream.linear.scatter [tilespmem:s19], [sflag:$0x3], $0x400, $0x38;
	[tilespmem:$0x12000] =	vst v63  }
.Ltmp5:
0x309: {  	s17 =	sadd.s32 s9, s17;
	(pc) =	sbr.rel .LBB2_2-.Ltmp5, $4  }
0x30a: {  	s17 =	smin.u32 s17, $0xC7  }
0x30b: {  	s17 =	sshll.u32 s17, $0xC  }
0x30c: {  	s16 =	sadd.s32 $0x1, s16;
	s17 =	sadd.s32 s17, s5  }
0x30d: {  	[tilespmem:s11], [sflag:$0x2] =	stream.linear.gather [hbm4b:s17+s3], $0x8000, $0x38;
	[tilespmem:$0x12000] =	vst v63  }
.LBB2_9:
0x30e: {  	_ =	sfence.sel $0x180000  }
0x30f: {  	[bflag:$0x0] =	sbarrier.arrive $0xFFFF  }
0x310: {  	p0 =	sne.s32 s1, $0x0;
	_ =	strace $0x90000047  }
0x311: {  	s0 =	sadd.s32 @!p0 $0x100000, s0;
	[bflag:$0x2] =	sbarrier.arrive $0xFFFF  }
0x312: {  	[sflag:s0] =	ssyncadd.tile.s32 @!p0 $0x1;
	_ =	shalt  }
.Lfunc_end2:
_tile_overlayer_lowered:
.L_overlay_start_2:
0x313: {  	(tag) =	ssettag $0x2  }
0x314: {  	s0 =	rddreg [dreg:$0x0];
	s2 =	stileid.u32  }
0x315: {  	s1 =	rddreg [dreg:$0x1];
	p0 =	sne.s32 s2, $0x0  }
0x316: {  	s3 =	rddreg [dreg:$0x2];
	[bflag:$0x3] =	sbarrier.arrive $0xFFFF;
	s2 =	simm.s32 @!p0 $0x1C04  }
0x317: {  	[timem:s3], [sflag:s2] =	dma.local @!p0 [hbm:s0], s1  }
0x318: {  	s0 =	simm.s32 @!p0 $0x4  }
0x319: {  	_ =	swait.ge @!p0 [sflag:s0], s1  }
0x31a: {  	s1 =	ssub.s32 @!p0 $0x0, s1;
	[sflag:s0] =	ssyncset.done @!p0 $0x0  }
0x31b: {  	[sflag:s0] =	ssyncadd.s32 @!p0 s1  }
0x31c: {  	[bflag:$0x3] =	sbarrier.arrive $0xFFFF  }
0x31d: {  	_ =	shalt  }

</sc_bundles>
